<compile_context>
chip_gen: v7x
topology: tpu7x:2x2x1
jax: 0.10.2.dev20260603
libtpu: 0.0.44.dev20260713+nightly
codegen_flags: <defaults>
</compile_context>

<pallas_src>
import functools

import jax
import jax.numpy as jnp
from jax import lax
from jax.experimental import pallas as pl
from jax.experimental.pallas import tpu as pltpu
from jax.experimental.pallas import tpu_sc as plsc

_NC = 2
_NS = 16
_NW = _NC * _NS
_L = 16

_B = 16384
_N = 50
_D = 64
_BPW = _B // _NW
_CHUNK = 8
_NCHUNK = _BPW // _CHUNK
_SROWS = _CHUNK * _N
_GSEG = 80
_NGATH = _SROWS // _GSEG
_NPAD = 64


def _sc_body(emb_hbm, items_hbm, samples_hbm, out_hbm,
             sidx_v, iidx_v, rows_s, rows_i, out_v, sem):
    wid = lax.axis_index("s") * _NC + lax.axis_index("c")
    base_b = wid * _BPW

    pltpu.sync_copy(samples_hbm.at[pl.ds(base_b, _BPW)], sidx_v)
    pltpu.sync_copy(items_hbm.at[pl.ds(base_b, _BPW)], iidx_v)

    lane = lax.iota(jnp.int32, _L)

    def issue(c, buf):
        for r in range(_CHUNK):
            pltpu.async_copy(
                emb_hbm.at[sidx_v.at[c * _CHUNK + r]],
                rows_s.at[buf, pl.ds(r * _N, _N)], sem)
        pltpu.async_copy(
            emb_hbm.at[iidx_v.at[pl.ds(c * _CHUNK, _CHUNK)]],
            rows_i.at[buf], sem)

    def drain(buf):
        for r in range(_CHUNK):
            pltpu.make_async_copy(
                emb_hbm.at[pl.ds(0, _N)],
                rows_s.at[buf, pl.ds(r * _N, _N)], sem).wait()
        pltpu.make_async_copy(
            emb_hbm.at[pl.ds(0, _CHUNK)], rows_i.at[buf], sem).wait()

    issue(0, 0)

    def chunk_body(c, carry):
        buf = lax.rem(c, 2)
        drain(buf)

        @pl.when(c + 1 < _NCHUNK)
        def _():
            issue(c + 1, 1 - buf)

        @plsc.parallel_loop(0, _CHUNK)
        def row_body(b):
            i0 = rows_i[buf, b, 0:_L]
            i1 = rows_i[buf, b, _L:2 * _L]
            i2 = rows_i[buf, b, 2 * _L:3 * _L]
            i3 = rows_i[buf, b, 3 * _L:4 * _L]
            rbase = b * _N
            wb = c * _CHUNK + b
            for g in range(_NPAD // _L):
                nj = min(_L, _N - g * _L)
                acc = jnp.zeros((_L,), jnp.float32)
                for j in range(nj):
                    r = rbase + g * _L + j
                    p = (i0 * rows_s[buf, r, 0:_L]
                         + i1 * rows_s[buf, r, _L:2 * _L]
                         + i2 * rows_s[buf, r, 2 * _L:3 * _L]
                         + i3 * rows_s[buf, r, 3 * _L:4 * _L])
                    acc = jnp.where(lane == j, jnp.sum(p), acc)
                out_v[pl.ds(wb * _NPAD + g * _L, _L)] = acc

        return carry

    lax.fori_loop(0, _NCHUNK, chunk_body, 0)
    pltpu.sync_copy(out_v, out_hbm.at[pl.ds(base_b * _NPAD, _BPW * _NPAD)])


@jax.jit
def _scores_padded(emb, items_flat, samples_flat):
    mesh = plsc.VectorSubcoreMesh(core_axis_name="c", subcore_axis_name="s")
    f = functools.partial(
        pl.kernel,
        mesh=mesh,
        compiler_params=pltpu.CompilerParams(
            needs_layout_passes=False, use_tc_tiling_on_sc=False),
        out_type=jax.ShapeDtypeStruct((_B * _NPAD,), jnp.float32),
        scratch_types=[
            pltpu.VMEM((_BPW, _N), jnp.int32),
            pltpu.VMEM((_BPW,), jnp.int32),
            pltpu.VMEM((2, _SROWS, _D), jnp.float32),
            pltpu.VMEM((2, _CHUNK, _D), jnp.float32),
            pltpu.VMEM((_BPW * _NPAD,), jnp.float32),
            pltpu.SemaphoreType.DMA,
        ],
    )(_sc_body)
    return f(emb, items_flat, samples_flat)


_PACK_BLK = 2048


def _pack_body(x_ref, o_ref):
    x = x_ref[...].reshape(_PACK_BLK // 2, 128)
    a = x[:, :_N]
    b = x[:, _NPAD:_NPAD + _N]
    y = jnp.concatenate(
        [a[:, None, :], b[:, None, :]], axis=1)
    o_ref[...] = y.reshape(_PACK_BLK, _N)


def _pack50(x):
    return pl.pallas_call(
        _pack_body,
        grid=(_B // _PACK_BLK,),
        in_specs=[pl.BlockSpec((_PACK_BLK * _NPAD,), lambda i: (i,))],
        out_specs=pl.BlockSpec((_PACK_BLK, _N), lambda i: (i, 0)),
        out_shape=jax.ShapeDtypeStruct((_B, _N), jnp.float32),
    )(x)


def kernel(items, samples, emb):
    items_flat = items.reshape(_B).astype(jnp.int32)
    out = _scores_padded(emb, items_flat, samples.astype(jnp.int32))
    return _pack50(out)

# --- scband reference (transcript-rebuilt; emitter-appended) ---
"""Pipeline reference for scband-item2-vec-1735166787759 (READ-ONLY COPY).

The authoritative reference and input builder live on the scoring server;
editing this copy changes nothing except your own understanding.
"""

import jax, jax.numpy as jnp
import numpy as np

VOCAB = 1000000
DIM = 64
BATCH = 16384
NSAMPLES = 50

def setup_inputs(seed: int = 0) -> dict:
    key = jax.random.key(seed)
    k1, k2, k3 = jax.random.split(key, 3)
    items = jax.random.randint(k1, (BATCH, 1), 0, VOCAB, dtype=jnp.int64 if jax.config.jax_enable_x64 else jnp.int32)
    samples = jax.random.randint(k2, (BATCH, NSAMPLES), 0, VOCAB, dtype=jnp.int64 if jax.config.jax_enable_x64 else jnp.int32)
    # xavier_uniform init for embedding table [VOCAB, DIM]
    bound = float(np.sqrt(6.0 / (VOCAB + DIM)))
    emb = jax.random.uniform(k3, (VOCAB, DIM), dtype=jnp.float32, minval=-bound, maxval=bound)
    return {"items": items, "samples": samples, "emb": emb}

def reference(items, samples, emb):
    # item_embeddings: [B, 1, D]
    item_embeddings = jnp.take(emb, items, axis=0)
    # sample_embeddings: [B, N, D]
    sample_embeddings = jnp.take(emb, samples, axis=0)
    # transpose(1,2) -> [B, D, N]; bmm([B,1,D],[B,D,N]) -> [B,1,N]
    scores = jnp.matmul(item_embeddings, jnp.transpose(sample_embeddings, (0, 2, 1)))
    # squeeze(1) -> [B, N]
    scores = jnp.squeeze(scores, axis=1)
    return scores

if __name__ == "__main__":
    import jax
    _d = setup_inputs()
    print(jax.jit(kernel)(*tuple(_d.values())))

</pallas_src>

<mosaic_0001>
#map = affine_map<(d0, d1) -> (0, 0)>
#map1 = affine_map<(d0, d1) -> (0)>
module attributes {stable_mosaic.version = 14 : i64} {
  func.func @_sc_body(%arg0: i32, %arg1: i32, %arg2: memref<1000000x64xf32, #tpu.memory_space<hbm>>, %arg3: memref<16384xi32, #tpu.memory_space<hbm>>, %arg4: memref<16384x50xi32, #tpu.memory_space<hbm>>, %arg5: memref<1048576xf32, #tpu.memory_space<hbm>>, %arg6: memref<512x50xi32, #tpu.memory_space<vmem>>, %arg7: memref<512xi32, #tpu.memory_space<vmem>>, %arg8: memref<2x400x64xf32, #tpu.memory_space<vmem>>, %arg9: memref<2x8x64xf32, #tpu.memory_space<vmem>>, %arg10: memref<32768xf32, #tpu.memory_space<vmem>>, %arg11: memref<!tpu.dma_semaphore, #tpu.memory_space<semaphore_mem>>) attributes {dimension_semantics = [#tpu.dimension_semantics<core_parallel>, #tpu.dimension_semantics<subcore_parallel>], iteration_bounds = array<i64: 2, 16>, scalar_prefetch = 0 : i64, scratch_operands = 6 : i64, tpu.core_type = #tpu.core_type<sc_vector_subcore>, window_params = [{transform_indices = #map}, {transform_indices = #map1}, {transform_indices = #map}, {transform_indices = #map1}]} {
    %mul3A = arith.constant 2 : i32
    %mul3A_0 = arith.muli %arg1, %mul3A : i32
    %add3A = arith.addi %mul3A_0, %arg0 : i32
    %mul3A_1 = arith.constant 512 : i32
    %mul3A_2 = arith.muli %add3A, %mul3A_1 : i32
    "tpu.region"() ({
      %run_scoped3A = tpu.sem_alloc : memref<!tpu.dma_semaphore, #tpu.memory_space<semaphore_mem>>
      %dma_start3A_115 = arith.constant 0 : i32
      %dma_start3A_116 = tpu.memref_slice %arg4[%mul3A_2, %dma_start3A_115] : memref<16384x50xi32, #tpu.memory_space<hbm>> -> memref<512x50xi32, #tpu.memory_space<hbm>>
      %dma_start3A_117 = arith.constant 0 : i32
      %dma_start3A_118 = tpu.memref_slice %arg4[%mul3A_2, %dma_start3A_117] : memref<16384x50xi32, #tpu.memory_space<hbm>> -> memref<512x50xi32, #tpu.memory_space<hbm>>
      tpu.enqueue_dma source(%dma_start3A_118 : memref<512x50xi32, #tpu.memory_space<hbm>>) target(%arg6 : memref<512x50xi32, #tpu.memory_space<vmem>>) target_semaphore(%run_scoped3A : memref<!tpu.dma_semaphore, #tpu.memory_space<semaphore_mem>>)
      %dma_wait3A = arith.constant 0 : i32
      %dma_wait3A_119 = tpu.memref_slice %arg4[%mul3A_2, %dma_wait3A] : memref<16384x50xi32, #tpu.memory_space<hbm>> -> memref<512x50xi32, #tpu.memory_space<hbm>>
      %dma_wait3A_120 = arith.constant 0 : i32
      %dma_wait3A_121 = tpu.memref_slice %arg4[%mul3A_2, %dma_wait3A_120] : memref<16384x50xi32, #tpu.memory_space<hbm>> -> memref<512x50xi32, #tpu.memory_space<hbm>>
      tpu.wait_dma2 semaphore(%run_scoped3A : memref<!tpu.dma_semaphore, #tpu.memory_space<semaphore_mem>>) src(%dma_wait3A_121 : memref<512x50xi32, #tpu.memory_space<hbm>>) dst(%arg6 : memref<512x50xi32, #tpu.memory_space<vmem>>)
      tpu.yield
    }) : () -> ()
    "tpu.region"() ({
      %run_scoped3A = tpu.sem_alloc : memref<!tpu.dma_semaphore, #tpu.memory_space<semaphore_mem>>
      %dma_start3A_115 = tpu.memref_slice %arg3[%mul3A_2] : memref<16384xi32, #tpu.memory_space<hbm>> -> memref<512xi32, #tpu.memory_space<hbm>>
      %dma_start3A_116 = tpu.memref_slice %arg3[%mul3A_2] : memref<16384xi32, #tpu.memory_space<hbm>> -> memref<512xi32, #tpu.memory_space<hbm>>
      tpu.enqueue_dma source(%dma_start3A_116 : memref<512xi32, #tpu.memory_space<hbm>>) target(%arg7 : memref<512xi32, #tpu.memory_space<vmem>>) target_semaphore(%run_scoped3A : memref<!tpu.dma_semaphore, #tpu.memory_space<semaphore_mem>>)
      %dma_wait3A = tpu.memref_slice %arg3[%mul3A_2] : memref<16384xi32, #tpu.memory_space<hbm>> -> memref<512xi32, #tpu.memory_space<hbm>>
      %dma_wait3A_117 = tpu.memref_slice %arg3[%mul3A_2] : memref<16384xi32, #tpu.memory_space<hbm>> -> memref<512xi32, #tpu.memory_space<hbm>>
      tpu.wait_dma2 semaphore(%run_scoped3A : memref<!tpu.dma_semaphore, #tpu.memory_space<semaphore_mem>>) src(%dma_wait3A_117 : memref<512xi32, #tpu.memory_space<hbm>>) dst(%arg7 : memref<512xi32, #tpu.memory_space<vmem>>)
      tpu.yield
    }) : () -> ()
    %iota3A = tpu.iota {dimensions = array<i32: 0>} : vector<16xi32>
    %dma_start3A = arith.constant 0 : i32
    %dma_start3A_3 = arith.constant 0 : i32
    %dma_start3A_4 = arith.constant 0 : i32
    %dma_start3A_5 = arith.constant 0 : i32
    %dma_start3A_6 = tpu.memref_slice %arg8[%dma_start3A_3, %dma_start3A_4, %dma_start3A_5] : memref<2x400x64xf32, #tpu.memory_space<vmem>> -> memref<1x50x64xf32, #tpu.memory_space<vmem>>
    %dma_start3A_7 = tpu.memref_squeeze %dma_start3A_6 : memref<1x50x64xf32, #tpu.memory_space<vmem>> -> memref<50x64xf32, #tpu.memory_space<vmem>>
    %dma_start3A_8 = arith.constant 0 : i32
    %dma_start3A_9 = tpu.memref_slice %arg6[%dma_start3A, %dma_start3A_8] : memref<512x50xi32, #tpu.memory_space<vmem>> -> memref<1x50xi32, #tpu.memory_space<vmem>>
    %dma_start3A_10 = tpu.memref_squeeze %dma_start3A_9 : memref<1x50xi32, #tpu.memory_space<vmem>> -> memref<50xi32, #tpu.memory_space<vmem>>
    %dma_start3A_11 = arith.constant 0 : i32
    %dma_start3A_12 = arith.constant 0 : i32
    %dma_start3A_13 = tpu.memref_slice %arg2[%dma_start3A_11, %dma_start3A_12] : memref<1000000x64xf32, #tpu.memory_space<hbm>> -> memref<1000000x64xf32, #tpu.memory_space<hbm>>
    tpu.enqueue_indirect_dma source(%dma_start3A_13 : memref<1000000x64xf32, #tpu.memory_space<hbm>>) target(%dma_start3A_7 : memref<50x64xf32, #tpu.memory_space<vmem>>) offsets(%dma_start3A_10 : memref<50xi32, #tpu.memory_space<vmem>>) semaphore(%arg11 : memref<!tpu.dma_semaphore, #tpu.memory_space<semaphore_mem>>)
    %dma_start3A_14 = arith.constant 1 : i32
    %dma_start3A_15 = arith.constant 0 : i32
    %dma_start3A_16 = arith.constant 50 : i32
    %dma_start3A_17 = arith.constant 0 : i32
    %dma_start3A_18 = tpu.memref_slice %arg8[%dma_start3A_15, %dma_start3A_16, %dma_start3A_17] : memref<2x400x64xf32, #tpu.memory_space<vmem>> -> memref<1x50x64xf32, #tpu.memory_space<vmem>>
    %dma_start3A_19 = tpu.memref_squeeze %dma_start3A_18 : memref<1x50x64xf32, #tpu.memory_space<vmem>> -> memref<50x64xf32, #tpu.memory_space<vmem>>
    %dma_start3A_20 = arith.constant 0 : i32
    %dma_start3A_21 = tpu.memref_slice %arg6[%dma_start3A_14, %dma_start3A_20] : memref<512x50xi32, #tpu.memory_space<vmem>> -> memref<1x50xi32, #tpu.memory_space<vmem>>
    %dma_start3A_22 = tpu.memref_squeeze %dma_start3A_21 : memref<1x50xi32, #tpu.memory_space<vmem>> -> memref<50xi32, #tpu.memory_space<vmem>>
    %dma_start3A_23 = arith.constant 0 : i32
    %dma_start3A_24 = arith.constant 0 : i32
    %dma_start3A_25 = tpu.memref_slice %arg2[%dma_start3A_23, %dma_start3A_24] : memref<1000000x64xf32, #tpu.memory_space<hbm>> -> memref<1000000x64xf32, #tpu.memory_space<hbm>>
    tpu.enqueue_indirect_dma source(%dma_start3A_25 : memref<1000000x64xf32, #tpu.memory_space<hbm>>) target(%dma_start3A_19 : memref<50x64xf32, #tpu.memory_space<vmem>>) offsets(%dma_start3A_22 : memref<50xi32, #tpu.memory_space<vmem>>) semaphore(%arg11 : memref<!tpu.dma_semaphore, #tpu.memory_space<semaphore_mem>>)
    %dma_start3A_26 = arith.constant 2 : i32
    %dma_start3A_27 = arith.constant 0 : i32
    %dma_start3A_28 = arith.constant 100 : i32
    %dma_start3A_29 = arith.constant 0 : i32
    %dma_start3A_30 = tpu.memref_slice %arg8[%dma_start3A_27, %dma_start3A_28, %dma_start3A_29] : memref<2x400x64xf32, #tpu.memory_space<vmem>> -> memref<1x50x64xf32, #tpu.memory_space<vmem>>
    %dma_start3A_31 = tpu.memref_squeeze %dma_start3A_30 : memref<1x50x64xf32, #tpu.memory_space<vmem>> -> memref<50x64xf32, #tpu.memory_space<vmem>>
    %dma_start3A_32 = arith.constant 0 : i32
    %dma_start3A_33 = tpu.memref_slice %arg6[%dma_start3A_26, %dma_start3A_32] : memref<512x50xi32, #tpu.memory_space<vmem>> -> memref<1x50xi32, #tpu.memory_space<vmem>>
    %dma_start3A_34 = tpu.memref_squeeze %dma_start3A_33 : memref<1x50xi32, #tpu.memory_space<vmem>> -> memref<50xi32, #tpu.memory_space<vmem>>
    %dma_start3A_35 = arith.constant 0 : i32
    %dma_start3A_36 = arith.constant 0 : i32
    %dma_start3A_37 = tpu.memref_slice %arg2[%dma_start3A_35, %dma_start3A_36] : memref<1000000x64xf32, #tpu.memory_space<hbm>> -> memref<1000000x64xf32, #tpu.memory_space<hbm>>
    tpu.enqueue_indirect_dma source(%dma_start3A_37 : memref<1000000x64xf32, #tpu.memory_space<hbm>>) target(%dma_start3A_31 : memref<50x64xf32, #tpu.memory_space<vmem>>) offsets(%dma_start3A_34 : memref<50xi32, #tpu.memory_space<vmem>>) semaphore(%arg11 : memref<!tpu.dma_semaphore, #tpu.memory_space<semaphore_mem>>)
    %dma_start3A_38 = arith.constant 3 : i32
    %dma_start3A_39 = arith.constant 0 : i32
    %dma_start3A_40 = arith.constant 150 : i32
    %dma_start3A_41 = arith.constant 0 : i32
    %dma_start3A_42 = tpu.memref_slice %arg8[%dma_start3A_39, %dma_start3A_40, %dma_start3A_41] : memref<2x400x64xf32, #tpu.memory_space<vmem>> -> memref<1x50x64xf32, #tpu.memory_space<vmem>>
    %dma_start3A_43 = tpu.memref_squeeze %dma_start3A_42 : memref<1x50x64xf32, #tpu.memory_space<vmem>> -> memref<50x64xf32, #tpu.memory_space<vmem>>
    %dma_start3A_44 = arith.constant 0 : i32
    %dma_start3A_45 = tpu.memref_slice %arg6[%dma_start3A_38, %dma_start3A_44] : memref<512x50xi32, #tpu.memory_space<vmem>> -> memref<1x50xi32, #tpu.memory_space<vmem>>
    %dma_start3A_46 = tpu.memref_squeeze %dma_start3A_45 : memref<1x50xi32, #tpu.memory_space<vmem>> -> memref<50xi32, #tpu.memory_space<vmem>>
    %dma_start3A_47 = arith.constant 0 : i32
    %dma_start3A_48 = arith.constant 0 : i32
    %dma_start3A_49 = tpu.memref_slice %arg2[%dma_start3A_47, %dma_start3A_48] : memref<1000000x64xf32, #tpu.memory_space<hbm>> -> memref<1000000x64xf32, #tpu.memory_space<hbm>>
    tpu.enqueue_indirect_dma source(%dma_start3A_49 : memref<1000000x64xf32, #tpu.memory_space<hbm>>) target(%dma_start3A_43 : memref<50x64xf32, #tpu.memory_space<vmem>>) offsets(%dma_start3A_46 : memref<50xi32, #tpu.memory_space<vmem>>) semaphore(%arg11 : memref<!tpu.dma_semaphore, #tpu.memory_space<semaphore_mem>>)
    %dma_start3A_50 = arith.constant 4 : i32
    %dma_start3A_51 = arith.constant 0 : i32
    %dma_start3A_52 = arith.constant 200 : i32
    %dma_start3A_53 = arith.constant 0 : i32
    %dma_start3A_54 = tpu.memref_slice %arg8[%dma_start3A_51, %dma_start3A_52, %dma_start3A_53] : memref<2x400x64xf32, #tpu.memory_space<vmem>> -> memref<1x50x64xf32, #tpu.memory_space<vmem>>
    %dma_start3A_55 = tpu.memref_squeeze %dma_start3A_54 : memref<1x50x64xf32, #tpu.memory_space<vmem>> -> memref<50x64xf32, #tpu.memory_space<vmem>>
    %dma_start3A_56 = arith.constant 0 : i32
    %dma_start3A_57 = tpu.memref_slice %arg6[%dma_start3A_50, %dma_start3A_56] : memref<512x50xi32, #tpu.memory_space<vmem>> -> memref<1x50xi32, #tpu.memory_space<vmem>>
    %dma_start3A_58 = tpu.memref_squeeze %dma_start3A_57 : memref<1x50xi32, #tpu.memory_space<vmem>> -> memref<50xi32, #tpu.memory_space<vmem>>
    %dma_start3A_59 = arith.constant 0 : i32
    %dma_start3A_60 = arith.constant 0 : i32
    %dma_start3A_61 = tpu.memref_slice %arg2[%dma_start3A_59, %dma_start3A_60] : memref<1000000x64xf32, #tpu.memory_space<hbm>> -> memref<1000000x64xf32, #tpu.memory_space<hbm>>
    tpu.enqueue_indirect_dma source(%dma_start3A_61 : memref<1000000x64xf32, #tpu.memory_space<hbm>>) target(%dma_start3A_55 : memref<50x64xf32, #tpu.memory_space<vmem>>) offsets(%dma_start3A_58 : memref<50xi32, #tpu.memory_space<vmem>>) semaphore(%arg11 : memref<!tpu.dma_semaphore, #tpu.memory_space<semaphore_mem>>)
    %dma_start3A_62 = arith.constant 5 : i32
    %dma_start3A_63 = arith.constant 0 : i32
    %dma_start3A_64 = arith.constant 250 : i32
    %dma_start3A_65 = arith.constant 0 : i32
    %dma_start3A_66 = tpu.memref_slice %arg8[%dma_start3A_63, %dma_start3A_64, %dma_start3A_65] : memref<2x400x64xf32, #tpu.memory_space<vmem>> -> memref<1x50x64xf32, #tpu.memory_space<vmem>>
    %dma_start3A_67 = tpu.memref_squeeze %dma_start3A_66 : memref<1x50x64xf32, #tpu.memory_space<vmem>> -> memref<50x64xf32, #tpu.memory_space<vmem>>
    %dma_start3A_68 = arith.constant 0 : i32
    %dma_start3A_69 = tpu.memref_slice %arg6[%dma_start3A_62, %dma_start3A_68] : memref<512x50xi32, #tpu.memory_space<vmem>> -> memref<1x50xi32, #tpu.memory_space<vmem>>
    %dma_start3A_70 = tpu.memref_squeeze %dma_start3A_69 : memref<1x50xi32, #tpu.memory_space<vmem>> -> memref<50xi32, #tpu.memory_space<vmem>>
    %dma_start3A_71 = arith.constant 0 : i32
    %dma_start3A_72 = arith.constant 0 : i32
    %dma_start3A_73 = tpu.memref_slice %arg2[%dma_start3A_71, %dma_start3A_72] : memref<1000000x64xf32, #tpu.memory_space<hbm>> -> memref<1000000x64xf32, #tpu.memory_space<hbm>>
    tpu.enqueue_indirect_dma source(%dma_start3A_73 : memref<1000000x64xf32, #tpu.memory_space<hbm>>) target(%dma_start3A_67 : memref<50x64xf32, #tpu.memory_space<vmem>>) offsets(%dma_start3A_70 : memref<50xi32, #tpu.memory_space<vmem>>) semaphore(%arg11 : memref<!tpu.dma_semaphore, #tpu.memory_space<semaphore_mem>>)
    %dma_start3A_74 = arith.constant 6 : i32
    %dma_start3A_75 = arith.constant 0 : i32
    %dma_start3A_76 = arith.constant 300 : i32
    %dma_start3A_77 = arith.constant 0 : i32
    %dma_start3A_78 = tpu.memref_slice %arg8[%dma_start3A_75, %dma_start3A_76, %dma_start3A_77] : memref<2x400x64xf32, #tpu.memory_space<vmem>> -> memref<1x50x64xf32, #tpu.memory_space<vmem>>
    %dma_start3A_79 = tpu.memref_squeeze %dma_start3A_78 : memref<1x50x64xf32, #tpu.memory_space<vmem>> -> memref<50x64xf32, #tpu.memory_space<vmem>>
    %dma_start3A_80 = arith.constant 0 : i32
    %dma_start3A_81 = tpu.memref_slice %arg6[%dma_start3A_74, %dma_start3A_80] : memref<512x50xi32, #tpu.memory_space<vmem>> -> memref<1x50xi32, #tpu.memory_space<vmem>>
    %dma_start3A_82 = tpu.memref_squeeze %dma_start3A_81 : memref<1x50xi32, #tpu.memory_space<vmem>> -> memref<50xi32, #tpu.memory_space<vmem>>
    %dma_start3A_83 = arith.constant 0 : i32
    %dma_start3A_84 = arith.constant 0 : i32
    %dma_start3A_85 = tpu.memref_slice %arg2[%dma_start3A_83, %dma_start3A_84] : memref<1000000x64xf32, #tpu.memory_space<hbm>> -> memref<1000000x64xf32, #tpu.memory_space<hbm>>
    tpu.enqueue_indirect_dma source(%dma_start3A_85 : memref<1000000x64xf32, #tpu.memory_space<hbm>>) target(%dma_start3A_79 : memref<50x64xf32, #tpu.memory_space<vmem>>) offsets(%dma_start3A_82 : memref<50xi32, #tpu.memory_space<vmem>>) semaphore(%arg11 : memref<!tpu.dma_semaphore, #tpu.memory_space<semaphore_mem>>)
    %dma_start3A_86 = arith.constant 7 : i32
    %dma_start3A_87 = arith.constant 0 : i32
    %dma_start3A_88 = arith.constant 350 : i32
    %dma_start3A_89 = arith.constant 0 : i32
    %dma_start3A_90 = tpu.memref_slice %arg8[%dma_start3A_87, %dma_start3A_88, %dma_start3A_89] : memref<2x400x64xf32, #tpu.memory_space<vmem>> -> memref<1x50x64xf32, #tpu.memory_space<vmem>>
    %dma_start3A_91 = tpu.memref_squeeze %dma_start3A_90 : memref<1x50x64xf32, #tpu.memory_space<vmem>> -> memref<50x64xf32, #tpu.memory_space<vmem>>
    %dma_start3A_92 = arith.constant 0 : i32
    %dma_start3A_93 = tpu.memref_slice %arg6[%dma_start3A_86, %dma_start3A_92] : memref<512x50xi32, #tpu.memory_space<vmem>> -> memref<1x50xi32, #tpu.memory_space<vmem>>
    %dma_start3A_94 = tpu.memref_squeeze %dma_start3A_93 : memref<1x50xi32, #tpu.memory_space<vmem>> -> memref<50xi32, #tpu.memory_space<vmem>>
    %dma_start3A_95 = arith.constant 0 : i32
    %dma_start3A_96 = arith.constant 0 : i32
    %dma_start3A_97 = tpu.memref_slice %arg2[%dma_start3A_95, %dma_start3A_96] : memref<1000000x64xf32, #tpu.memory_space<hbm>> -> memref<1000000x64xf32, #tpu.memory_space<hbm>>
    tpu.enqueue_indirect_dma source(%dma_start3A_97 : memref<1000000x64xf32, #tpu.memory_space<hbm>>) target(%dma_start3A_91 : memref<50x64xf32, #tpu.memory_space<vmem>>) offsets(%dma_start3A_94 : memref<50xi32, #tpu.memory_space<vmem>>) semaphore(%arg11 : memref<!tpu.dma_semaphore, #tpu.memory_space<semaphore_mem>>)
    %dma_start3A_98 = arith.constant 0 : i32
    %dma_start3A_99 = arith.constant 0 : i32
    %dma_start3A_100 = arith.constant 0 : i32
    %dma_start3A_101 = tpu.memref_slice %arg9[%dma_start3A_98, %dma_start3A_99, %dma_start3A_100] : memref<2x8x64xf32, #tpu.memory_space<vmem>> -> memref<1x8x64xf32, #tpu.memory_space<vmem>>
    %dma_start3A_102 = tpu.memref_squeeze %dma_start3A_101 : memref<1x8x64xf32, #tpu.memory_space<vmem>> -> memref<8x64xf32, #tpu.memory_space<vmem>>
    %dma_start3A_103 = arith.constant 0 : i32
    %dma_start3A_104 = tpu.memref_slice %arg7[%dma_start3A_103] : memref<512xi32, #tpu.memory_space<vmem>> -> memref<8xi32, #tpu.memory_space<vmem>>
    %dma_start3A_105 = arith.constant 0 : i32
    %dma_start3A_106 = arith.constant 0 : i32
    %dma_start3A_107 = tpu.memref_slice %arg2[%dma_start3A_105, %dma_start3A_106] : memref<1000000x64xf32, #tpu.memory_space<hbm>> -> memref<1000000x64xf32, #tpu.memory_space<hbm>>
    tpu.enqueue_indirect_dma source(%dma_start3A_107 : memref<1000000x64xf32, #tpu.memory_space<hbm>>) target(%dma_start3A_102 : memref<8x64xf32, #tpu.memory_space<vmem>>) offsets(%dma_start3A_104 : memref<8xi32, #tpu.memory_space<vmem>>) semaphore(%arg11 : memref<!tpu.dma_semaphore, #tpu.memory_space<semaphore_mem>>)
    %scan3A = arith.constant 0 : i32
    %scan3A_108 = arith.constant 0 : i32
    %scan3A_109 = arith.constant 64 : i32
    %scan3A_110 = arith.addi %scan3A_108, %scan3A_109 : i32
    %scan3A_111 = arith.constant 1 : i32
    scf.for %scan3A_115 = %scan3A_108 to %scan3A_110 step %scan3A_111  : i32 {
      %rem3A = arith.constant 2 : i32
      %rem3A_116 = arith.remsi %scan3A_115, %rem3A : i32
      %dma_wait3A = arith.constant 0 : i32
      %dma_wait3A_117 = arith.constant 0 : i32
      %dma_wait3A_118 = tpu.memref_slice %arg8[%rem3A_116, %dma_wait3A, %dma_wait3A_117] : memref<2x400x64xf32, #tpu.memory_space<vmem>> -> memref<1x50x64xf32, #tpu.memory_space<vmem>>
      %dma_wait3A_119 = tpu.memref_squeeze %dma_wait3A_118 : memref<1x50x64xf32, #tpu.memory_space<vmem>> -> memref<50x64xf32, #tpu.memory_space<vmem>>
      %dma_wait3A_120 = arith.constant 0 : i32
      %dma_wait3A_121 = arith.constant 0 : i32
      %dma_wait3A_122 = tpu.memref_slice %arg2[%dma_wait3A_120, %dma_wait3A_121] : memref<1000000x64xf32, #tpu.memory_space<hbm>> -> memref<50x64xf32, #tpu.memory_space<hbm>>
      %dma_wait3A_123 = arith.constant 0 : i32
      %dma_wait3A_124 = arith.constant 0 : i32
      %dma_wait3A_125 = tpu.memref_slice %arg8[%rem3A_116, %dma_wait3A_123, %dma_wait3A_124] : memref<2x400x64xf32, #tpu.memory_space<vmem>> -> memref<1x50x64xf32, #tpu.memory_space<vmem>>
      %dma_wait3A_126 = tpu.memref_squeeze %dma_wait3A_125 : memref<1x50x64xf32, #tpu.memory_space<vmem>> -> memref<50x64xf32, #tpu.memory_space<vmem>>
      %dma_wait3A_127 = arith.constant 0 : i32
      %dma_wait3A_128 = arith.constant 0 : i32
      %dma_wait3A_129 = tpu.memref_slice %arg2[%dma_wait3A_127, %dma_wait3A_128] : memref<1000000x64xf32, #tpu.memory_space<hbm>> -> memref<50x64xf32, #tpu.memory_space<hbm>>
      tpu.wait_dma2 semaphore(%arg11 : memref<!tpu.dma_semaphore, #tpu.memory_space<semaphore_mem>>) src(%dma_wait3A_129 : memref<50x64xf32, #tpu.memory_space<hbm>>) dst(%dma_wait3A_126 : memref<50x64xf32, #tpu.memory_space<vmem>>)
      %dma_wait3A_130 = arith.constant 50 : i32
      %dma_wait3A_131 = arith.constant 0 : i32
      %dma_wait3A_132 = tpu.memref_slice %arg8[%rem3A_116, %dma_wait3A_130, %dma_wait3A_131] : memref<2x400x64xf32, #tpu.memory_space<vmem>> -> memref<1x50x64xf32, #tpu.memory_space<vmem>>
      %dma_wait3A_133 = tpu.memref_squeeze %dma_wait3A_132 : memref<1x50x64xf32, #tpu.memory_space<vmem>> -> memref<50x64xf32, #tpu.memory_space<vmem>>
      %dma_wait3A_134 = arith.constant 0 : i32
      %dma_wait3A_135 = arith.constant 0 : i32
      %dma_wait3A_136 = tpu.memref_slice %arg2[%dma_wait3A_134, %dma_wait3A_135] : memref<1000000x64xf32, #tpu.memory_space<hbm>> -> memref<50x64xf32, #tpu.memory_space<hbm>>
      %dma_wait3A_137 = arith.constant 50 : i32
      %dma_wait3A_138 = arith.constant 0 : i32
      %dma_wait3A_139 = tpu.memref_slice %arg8[%rem3A_116, %dma_wait3A_137, %dma_wait3A_138] : memref<2x400x64xf32, #tpu.memory_space<vmem>> -> memref<1x50x64xf32, #tpu.memory_space<vmem>>
      %dma_wait3A_140 = tpu.memref_squeeze %dma_wait3A_139 : memref<1x50x64xf32, #tpu.memory_space<vmem>> -> memref<50x64xf32, #tpu.memory_space<vmem>>
      %dma_wait3A_141 = arith.constant 0 : i32
      %dma_wait3A_142 = arith.constant 0 : i32
      %dma_wait3A_143 = tpu.memref_slice %arg2[%dma_wait3A_141, %dma_wait3A_142] : memref<1000000x64xf32, #tpu.memory_space<hbm>> -> memref<50x64xf32, #tpu.memory_space<hbm>>
      tpu.wait_dma2 semaphore(%arg11 : memref<!tpu.dma_semaphore, #tpu.memory_space<semaphore_mem>>) src(%dma_wait3A_143 : memref<50x64xf32, #tpu.memory_space<hbm>>) dst(%dma_wait3A_140 : memref<50x64xf32, #tpu.memory_space<vmem>>)
      %dma_wait3A_144 = arith.constant 100 : i32
      %dma_wait3A_145 = arith.constant 0 : i32
      %dma_wait3A_146 = tpu.memref_slice %arg8[%rem3A_116, %dma_wait3A_144, %dma_wait3A_145] : memref<2x400x64xf32, #tpu.memory_space<vmem>> -> memref<1x50x64xf32, #tpu.memory_space<vmem>>
      %dma_wait3A_147 = tpu.memref_squeeze %dma_wait3A_146 : memref<1x50x64xf32, #tpu.memory_space<vmem>> -> memref<50x64xf32, #tpu.memory_space<vmem>>
      %dma_wait3A_148 = arith.constant 0 : i32
      %dma_wait3A_149 = arith.constant 0 : i32
      %dma_wait3A_150 = tpu.memref_slice %arg2[%dma_wait3A_148, %dma_wait3A_149] : memref<1000000x64xf32, #tpu.memory_space<hbm>> -> memref<50x64xf32, #tpu.memory_space<hbm>>
      %dma_wait3A_151 = arith.constant 100 : i32
      %dma_wait3A_152 = arith.constant 0 : i32
      %dma_wait3A_153 = tpu.memref_slice %arg8[%rem3A_116, %dma_wait3A_151, %dma_wait3A_152] : memref<2x400x64xf32, #tpu.memory_space<vmem>> -> memref<1x50x64xf32, #tpu.memory_space<vmem>>
      %dma_wait3A_154 = tpu.memref_squeeze %dma_wait3A_153 : memref<1x50x64xf32, #tpu.memory_space<vmem>> -> memref<50x64xf32, #tpu.memory_space<vmem>>
      %dma_wait3A_155 = arith.constant 0 : i32
      %dma_wait3A_156 = arith.constant 0 : i32
      %dma_wait3A_157 = tpu.memref_slice %arg2[%dma_wait3A_155, %dma_wait3A_156] : memref<1000000x64xf32, #tpu.memory_space<hbm>> -> memref<50x64xf32, #tpu.memory_space<hbm>>
      tpu.wait_dma2 semaphore(%arg11 : memref<!tpu.dma_semaphore, #tpu.memory_space<semaphore_mem>>) src(%dma_wait3A_157 : memref<50x64xf32, #tpu.memory_space<hbm>>) dst(%dma_wait3A_154 : memref<50x64xf32, #tpu.memory_space<vmem>>)
      %dma_wait3A_158 = arith.constant 150 : i32
      %dma_wait3A_159 = arith.constant 0 : i32
      %dma_wait3A_160 = tpu.memref_slice %arg8[%rem3A_116, %dma_wait3A_158, %dma_wait3A_159] : memref<2x400x64xf32, #tpu.memory_space<vmem>> -> memref<1x50x64xf32, #tpu.memory_space<vmem>>
      %dma_wait3A_161 = tpu.memref_squeeze %dma_wait3A_160 : memref<1x50x64xf32, #tpu.memory_space<vmem>> -> memref<50x64xf32, #tpu.memory_space<vmem>>
      %dma_wait3A_162 = arith.constant 0 : i32
      %dma_wait3A_163 = arith.constant 0 : i32
      %dma_wait3A_164 = tpu.memref_slice %arg2[%dma_wait3A_162, %dma_wait3A_163] : memref<1000000x64xf32, #tpu.memory_space<hbm>> -> memref<50x64xf32, #tpu.memory_space<hbm>>
      %dma_wait3A_165 = arith.constant 150 : i32
      %dma_wait3A_166 = arith.constant 0 : i32
      %dma_wait3A_167 = tpu.memref_slice %arg8[%rem3A_116, %dma_wait3A_165, %dma_wait3A_166] : memref<2x400x64xf32, #tpu.memory_space<vmem>> -> memref<1x50x64xf32, #tpu.memory_space<vmem>>
      %dma_wait3A_168 = tpu.memref_squeeze %dma_wait3A_167 : memref<1x50x64xf32, #tpu.memory_space<vmem>> -> memref<50x64xf32, #tpu.memory_space<vmem>>
      %dma_wait3A_169 = arith.constant 0 : i32
      %dma_wait3A_170 = arith.constant 0 : i32
      %dma_wait3A_171 = tpu.memref_slice %arg2[%dma_wait3A_169, %dma_wait3A_170] : memref<1000000x64xf32, #tpu.memory_space<hbm>> -> memref<50x64xf32, #tpu.memory_space<hbm>>
      tpu.wait_dma2 semaphore(%arg11 : memref<!tpu.dma_semaphore, #tpu.memory_space<semaphore_mem>>) src(%dma_wait3A_171 : memref<50x64xf32, #tpu.memory_space<hbm>>) dst(%dma_wait3A_168 : memref<50x64xf32, #tpu.memory_space<vmem>>)
      %dma_wait3A_172 = arith.constant 200 : i32
      %dma_wait3A_173 = arith.constant 0 : i32
      %dma_wait3A_174 = tpu.memref_slice %arg8[%rem3A_116, %dma_wait3A_172, %dma_wait3A_173] : memref<2x400x64xf32, #tpu.memory_space<vmem>> -> memref<1x50x64xf32, #tpu.memory_space<vmem>>
      %dma_wait3A_175 = tpu.memref_squeeze %dma_wait3A_174 : memref<1x50x64xf32, #tpu.memory_space<vmem>> -> memref<50x64xf32, #tpu.memory_space<vmem>>
      %dma_wait3A_176 = arith.constant 0 : i32
      %dma_wait3A_177 = arith.constant 0 : i32
      %dma_wait3A_178 = tpu.memref_slice %arg2[%dma_wait3A_176, %dma_wait3A_177] : memref<1000000x64xf32, #tpu.memory_space<hbm>> -> memref<50x64xf32, #tpu.memory_space<hbm>>
      %dma_wait3A_179 = arith.constant 200 : i32
      %dma_wait3A_180 = arith.constant 0 : i32
      %dma_wait3A_181 = tpu.memref_slice %arg8[%rem3A_116, %dma_wait3A_179, %dma_wait3A_180] : memref<2x400x64xf32, #tpu.memory_space<vmem>> -> memref<1x50x64xf32, #tpu.memory_space<vmem>>
      %dma_wait3A_182 = tpu.memref_squeeze %dma_wait3A_181 : memref<1x50x64xf32, #tpu.memory_space<vmem>> -> memref<50x64xf32, #tpu.memory_space<vmem>>
      %dma_wait3A_183 = arith.constant 0 : i32
      %dma_wait3A_184 = arith.constant 0 : i32
      %dma_wait3A_185 = tpu.memref_slice %arg2[%dma_wait3A_183, %dma_wait3A_184] : memref<1000000x64xf32, #tpu.memory_space<hbm>> -> memref<50x64xf32, #tpu.memory_space<hbm>>
      tpu.wait_dma2 semaphore(%arg11 : memref<!tpu.dma_semaphore, #tpu.memory_space<semaphore_mem>>) src(%dma_wait3A_185 : memref<50x64xf32, #tpu.memory_space<hbm>>) dst(%dma_wait3A_182 : memref<50x64xf32, #tpu.memory_space<vmem>>)
      %dma_wait3A_186 = arith.constant 250 : i32
      %dma_wait3A_187 = arith.constant 0 : i32
      %dma_wait3A_188 = tpu.memref_slice %arg8[%rem3A_116, %dma_wait3A_186, %dma_wait3A_187] : memref<2x400x64xf32, #tpu.memory_space<vmem>> -> memref<1x50x64xf32, #tpu.memory_space<vmem>>
      %dma_wait3A_189 = tpu.memref_squeeze %dma_wait3A_188 : memref<1x50x64xf32, #tpu.memory_space<vmem>> -> memref<50x64xf32, #tpu.memory_space<vmem>>
      %dma_wait3A_190 = arith.constant 0 : i32
      %dma_wait3A_191 = arith.constant 0 : i32
      %dma_wait3A_192 = tpu.memref_slice %arg2[%dma_wait3A_190, %dma_wait3A_191] : memref<1000000x64xf32, #tpu.memory_space<hbm>> -> memref<50x64xf32, #tpu.memory_space<hbm>>
      %dma_wait3A_193 = arith.constant 250 : i32
      %dma_wait3A_194 = arith.constant 0 : i32
      %dma_wait3A_195 = tpu.memref_slice %arg8[%rem3A_116, %dma_wait3A_193, %dma_wait3A_194] : memref<2x400x64xf32, #tpu.memory_space<vmem>> -> memref<1x50x64xf32, #tpu.memory_space<vmem>>
      %dma_wait3A_196 = tpu.memref_squeeze %dma_wait3A_195 : memref<1x50x64xf32, #tpu.memory_space<vmem>> -> memref<50x64xf32, #tpu.memory_space<vmem>>
      %dma_wait3A_197 = arith.constant 0 : i32
      %dma_wait3A_198 = arith.constant 0 : i32
      %dma_wait3A_199 = tpu.memref_slice %arg2[%dma_wait3A_197, %dma_wait3A_198] : memref<1000000x64xf32, #tpu.memory_space<hbm>> -> memref<50x64xf32, #tpu.memory_space<hbm>>
      tpu.wait_dma2 semaphore(%arg11 : memref<!tpu.dma_semaphore, #tpu.memory_space<semaphore_mem>>) src(%dma_wait3A_199 : memref<50x64xf32, #tpu.memory_space<hbm>>) dst(%dma_wait3A_196 : memref<50x64xf32, #tpu.memory_space<vmem>>)
      %dma_wait3A_200 = arith.constant 300 : i32
      %dma_wait3A_201 = arith.constant 0 : i32
      %dma_wait3A_202 = tpu.memref_slice %arg8[%rem3A_116, %dma_wait3A_200, %dma_wait3A_201] : memref<2x400x64xf32, #tpu.memory_space<vmem>> -> memref<1x50x64xf32, #tpu.memory_space<vmem>>
      %dma_wait3A_203 = tpu.memref_squeeze %dma_wait3A_202 : memref<1x50x64xf32, #tpu.memory_space<vmem>> -> memref<50x64xf32, #tpu.memory_space<vmem>>
      %dma_wait3A_204 = arith.constant 0 : i32
      %dma_wait3A_205 = arith.constant 0 : i32
      %dma_wait3A_206 = tpu.memref_slice %arg2[%dma_wait3A_204, %dma_wait3A_205] : memref<1000000x64xf32, #tpu.memory_space<hbm>> -> memref<50x64xf32, #tpu.memory_space<hbm>>
      %dma_wait3A_207 = arith.constant 300 : i32
      %dma_wait3A_208 = arith.constant 0 : i32
      %dma_wait3A_209 = tpu.memref_slice %arg8[%rem3A_116, %dma_wait3A_207, %dma_wait3A_208] : memref<2x400x64xf32, #tpu.memory_space<vmem>> -> memref<1x50x64xf32, #tpu.memory_space<vmem>>
      %dma_wait3A_210 = tpu.memref_squeeze %dma_wait3A_209 : memref<1x50x64xf32, #tpu.memory_space<vmem>> -> memref<50x64xf32, #tpu.memory_space<vmem>>
      %dma_wait3A_211 = arith.constant 0 : i32
      %dma_wait3A_212 = arith.constant 0 : i32
      %dma_wait3A_213 = tpu.memref_slice %arg2[%dma_wait3A_211, %dma_wait3A_212] : memref<1000000x64xf32, #tpu.memory_space<hbm>> -> memref<50x64xf32, #tpu.memory_space<hbm>>
      tpu.wait_dma2 semaphore(%arg11 : memref<!tpu.dma_semaphore, #tpu.memory_space<semaphore_mem>>) src(%dma_wait3A_213 : memref<50x64xf32, #tpu.memory_space<hbm>>) dst(%dma_wait3A_210 : memref<50x64xf32, #tpu.memory_space<vmem>>)
      %dma_wait3A_214 = arith.constant 350 : i32
      %dma_wait3A_215 = arith.constant 0 : i32
      %dma_wait3A_216 = tpu.memref_slice %arg8[%rem3A_116, %dma_wait3A_214, %dma_wait3A_215] : memref<2x400x64xf32, #tpu.memory_space<vmem>> -> memref<1x50x64xf32, #tpu.memory_space<vmem>>
      %dma_wait3A_217 = tpu.memref_squeeze %dma_wait3A_216 : memref<1x50x64xf32, #tpu.memory_space<vmem>> -> memref<50x64xf32, #tpu.memory_space<vmem>>
      %dma_wait3A_218 = arith.constant 0 : i32
      %dma_wait3A_219 = arith.constant 0 : i32
      %dma_wait3A_220 = tpu.memref_slice %arg2[%dma_wait3A_218, %dma_wait3A_219] : memref<1000000x64xf32, #tpu.memory_space<hbm>> -> memref<50x64xf32, #tpu.memory_space<hbm>>
      %dma_wait3A_221 = arith.constant 350 : i32
      %dma_wait3A_222 = arith.constant 0 : i32
      %dma_wait3A_223 = tpu.memref_slice %arg8[%rem3A_116, %dma_wait3A_221, %dma_wait3A_222] : memref<2x400x64xf32, #tpu.memory_space<vmem>> -> memref<1x50x64xf32, #tpu.memory_space<vmem>>
      %dma_wait3A_224 = tpu.memref_squeeze %dma_wait3A_223 : memref<1x50x64xf32, #tpu.memory_space<vmem>> -> memref<50x64xf32, #tpu.memory_space<vmem>>
      %dma_wait3A_225 = arith.constant 0 : i32
      %dma_wait3A_226 = arith.constant 0 : i32
      %dma_wait3A_227 = tpu.memref_slice %arg2[%dma_wait3A_225, %dma_wait3A_226] : memref<1000000x64xf32, #tpu.memory_space<hbm>> -> memref<50x64xf32, #tpu.memory_space<hbm>>
      tpu.wait_dma2 semaphore(%arg11 : memref<!tpu.dma_semaphore, #tpu.memory_space<semaphore_mem>>) src(%dma_wait3A_227 : memref<50x64xf32, #tpu.memory_space<hbm>>) dst(%dma_wait3A_224 : memref<50x64xf32, #tpu.memory_space<vmem>>)
      %dma_wait3A_228 = arith.constant 0 : i32
      %dma_wait3A_229 = arith.constant 0 : i32
      %dma_wait3A_230 = tpu.memref_slice %arg9[%rem3A_116, %dma_wait3A_228, %dma_wait3A_229] : memref<2x8x64xf32, #tpu.memory_space<vmem>> -> memref<1x8x64xf32, #tpu.memory_space<vmem>>
      %dma_wait3A_231 = tpu.memref_squeeze %dma_wait3A_230 : memref<1x8x64xf32, #tpu.memory_space<vmem>> -> memref<8x64xf32, #tpu.memory_space<vmem>>
      %dma_wait3A_232 = arith.constant 0 : i32
      %dma_wait3A_233 = arith.constant 0 : i32
      %dma_wait3A_234 = tpu.memref_slice %arg2[%dma_wait3A_232, %dma_wait3A_233] : memref<1000000x64xf32, #tpu.memory_space<hbm>> -> memref<8x64xf32, #tpu.memory_space<hbm>>
      %dma_wait3A_235 = arith.constant 0 : i32
      %dma_wait3A_236 = arith.constant 0 : i32
      %dma_wait3A_237 = tpu.memref_slice %arg9[%rem3A_116, %dma_wait3A_235, %dma_wait3A_236] : memref<2x8x64xf32, #tpu.memory_space<vmem>> -> memref<1x8x64xf32, #tpu.memory_space<vmem>>
      %dma_wait3A_238 = tpu.memref_squeeze %dma_wait3A_237 : memref<1x8x64xf32, #tpu.memory_space<vmem>> -> memref<8x64xf32, #tpu.memory_space<vmem>>
      %dma_wait3A_239 = arith.constant 0 : i32
      %dma_wait3A_240 = arith.constant 0 : i32
      %dma_wait3A_241 = tpu.memref_slice %arg2[%dma_wait3A_239, %dma_wait3A_240] : memref<1000000x64xf32, #tpu.memory_space<hbm>> -> memref<8x64xf32, #tpu.memory_space<hbm>>
      tpu.wait_dma2 semaphore(%arg11 : memref<!tpu.dma_semaphore, #tpu.memory_space<semaphore_mem>>) src(%dma_wait3A_241 : memref<8x64xf32, #tpu.memory_space<hbm>>) dst(%dma_wait3A_238 : memref<8x64xf32, #tpu.memory_space<vmem>>)
      %add3A_242 = arith.constant 1 : i32
      %add3A_243 = arith.addi %scan3A_115, %add3A_242 : i32
      %lt3A = arith.constant 64 : i32
      %lt3A_244 = arith.cmpi slt, %add3A_243, %lt3A : i32
      %convert_element_type3A = arith.extui %lt3A_244 : i1 to i32
      %cond3A = arith.constant 0 : i32
      %cond3A_245 = arith.cmpi ne, %convert_element_type3A, %cond3A : i32
      scf.if %cond3A_245 {
        %add3A_248 = arith.constant 1 : i32
        %add3A_249 = arith.addi %scan3A_115, %add3A_248 : i32
        %sub3A = arith.constant 1 : i32
        %sub3A_250 = arith.subi %sub3A, %rem3A_116 : i32
        %mul3A_251 = arith.constant 8 : i32
        %mul3A_252 = arith.muli %add3A_249, %mul3A_251 : i32
        %add3A_253 = arith.constant 0 : i32
        %add3A_254 = arith.addi %mul3A_252, %add3A_253 : i32
        %dma_start3A_255 = arith.constant 0 : i32
        %dma_start3A_256 = arith.constant 0 : i32
        %dma_start3A_257 = tpu.memref_slice %arg8[%sub3A_250, %dma_start3A_255, %dma_start3A_256] : memref<2x400x64xf32, #tpu.memory_space<vmem>> -> memref<1x50x64xf32, #tpu.memory_space<vmem>>
        %dma_start3A_258 = tpu.memref_squeeze %dma_start3A_257 : memref<1x50x64xf32, #tpu.memory_space<vmem>> -> memref<50x64xf32, #tpu.memory_space<vmem>>
        %dma_start3A_259 = arith.constant 0 : i32
        %dma_start3A_260 = tpu.memref_slice %arg6[%add3A_254, %dma_start3A_259] : memref<512x50xi32, #tpu.memory_space<vmem>> -> memref<1x50xi32, #tpu.memory_space<vmem>>
        %dma_start3A_261 = tpu.memref_squeeze %dma_start3A_260 : memref<1x50xi32, #tpu.memory_space<vmem>> -> memref<50xi32, #tpu.memory_space<vmem>>
        %dma_start3A_262 = arith.constant 0 : i32
        %dma_start3A_263 = arith.constant 0 : i32
        %dma_start3A_264 = tpu.memref_slice %arg2[%dma_start3A_262, %dma_start3A_263] : memref<1000000x64xf32, #tpu.memory_space<hbm>> -> memref<1000000x64xf32, #tpu.memory_space<hbm>>
        tpu.enqueue_indirect_dma source(%dma_start3A_264 : memref<1000000x64xf32, #tpu.memory_space<hbm>>) target(%dma_start3A_258 : memref<50x64xf32, #tpu.memory_space<vmem>>) offsets(%dma_start3A_261 : memref<50xi32, #tpu.memory_space<vmem>>) semaphore(%arg11 : memref<!tpu.dma_semaphore, #tpu.memory_space<semaphore_mem>>)
        %mul3A_265 = arith.constant 8 : i32
        %mul3A_266 = arith.muli %add3A_249, %mul3A_265 : i32
        %add3A_267 = arith.constant 1 : i32
        %add3A_268 = arith.addi %mul3A_266, %add3A_267 : i32
        %dma_start3A_269 = arith.constant 50 : i32
        %dma_start3A_270 = arith.constant 0 : i32
        %dma_start3A_271 = tpu.memref_slice %arg8[%sub3A_250, %dma_start3A_269, %dma_start3A_270] : memref<2x400x64xf32, #tpu.memory_space<vmem>> -> memref<1x50x64xf32, #tpu.memory_space<vmem>>
        %dma_start3A_272 = tpu.memref_squeeze %dma_start3A_271 : memref<1x50x64xf32, #tpu.memory_space<vmem>> -> memref<50x64xf32, #tpu.memory_space<vmem>>
        %dma_start3A_273 = arith.constant 0 : i32
        %dma_start3A_274 = tpu.memref_slice %arg6[%add3A_268, %dma_start3A_273] : memref<512x50xi32, #tpu.memory_space<vmem>> -> memref<1x50xi32, #tpu.memory_space<vmem>>
        %dma_start3A_275 = tpu.memref_squeeze %dma_start3A_274 : memref<1x50xi32, #tpu.memory_space<vmem>> -> memref<50xi32, #tpu.memory_space<vmem>>
        %dma_start3A_276 = arith.constant 0 : i32
        %dma_start3A_277 = arith.constant 0 : i32
        %dma_start3A_278 = tpu.memref_slice %arg2[%dma_start3A_276, %dma_start3A_277] : memref<1000000x64xf32, #tpu.memory_space<hbm>> -> memref<1000000x64xf32, #tpu.memory_space<hbm>>
        tpu.enqueue_indirect_dma source(%dma_start3A_278 : memref<1000000x64xf32, #tpu.memory_space<hbm>>) target(%dma_start3A_272 : memref<50x64xf32, #tpu.memory_space<vmem>>) offsets(%dma_start3A_275 : memref<50xi32, #tpu.memory_space<vmem>>) semaphore(%arg11 : memref<!tpu.dma_semaphore, #tpu.memory_space<semaphore_mem>>)
        %mul3A_279 = arith.constant 8 : i32
        %mul3A_280 = arith.muli %add3A_249, %mul3A_279 : i32
        %add3A_281 = arith.constant 2 : i32
        %add3A_282 = arith.addi %mul3A_280, %add3A_281 : i32
        %dma_start3A_283 = arith.constant 100 : i32
        %dma_start3A_284 = arith.constant 0 : i32
        %dma_start3A_285 = tpu.memref_slice %arg8[%sub3A_250, %dma_start3A_283, %dma_start3A_284] : memref<2x400x64xf32, #tpu.memory_space<vmem>> -> memref<1x50x64xf32, #tpu.memory_space<vmem>>
        %dma_start3A_286 = tpu.memref_squeeze %dma_start3A_285 : memref<1x50x64xf32, #tpu.memory_space<vmem>> -> memref<50x64xf32, #tpu.memory_space<vmem>>
        %dma_start3A_287 = arith.constant 0 : i32
        %dma_start3A_288 = tpu.memref_slice %arg6[%add3A_282, %dma_start3A_287] : memref<512x50xi32, #tpu.memory_space<vmem>> -> memref<1x50xi32, #tpu.memory_space<vmem>>
        %dma_start3A_289 = tpu.memref_squeeze %dma_start3A_288 : memref<1x50xi32, #tpu.memory_space<vmem>> -> memref<50xi32, #tpu.memory_space<vmem>>
        %dma_start3A_290 = arith.constant 0 : i32
        %dma_start3A_291 = arith.constant 0 : i32
        %dma_start3A_292 = tpu.memref_slice %arg2[%dma_start3A_290, %dma_start3A_291] : memref<1000000x64xf32, #tpu.memory_space<hbm>> -> memref<1000000x64xf32, #tpu.memory_space<hbm>>
        tpu.enqueue_indirect_dma source(%dma_start3A_292 : memref<1000000x64xf32, #tpu.memory_space<hbm>>) target(%dma_start3A_286 : memref<50x64xf32, #tpu.memory_space<vmem>>) offsets(%dma_start3A_289 : memref<50xi32, #tpu.memory_space<vmem>>) semaphore(%arg11 : memref<!tpu.dma_semaphore, #tpu.memory_space<semaphore_mem>>)
        %mul3A_293 = arith.constant 8 : i32
        %mul3A_294 = arith.muli %add3A_249, %mul3A_293 : i32
        %add3A_295 = arith.constant 3 : i32
        %add3A_296 = arith.addi %mul3A_294, %add3A_295 : i32
        %dma_start3A_297 = arith.constant 150 : i32
        %dma_start3A_298 = arith.constant 0 : i32
        %dma_start3A_299 = tpu.memref_slice %arg8[%sub3A_250, %dma_start3A_297, %dma_start3A_298] : memref<2x400x64xf32, #tpu.memory_space<vmem>> -> memref<1x50x64xf32, #tpu.memory_space<vmem>>
        %dma_start3A_300 = tpu.memref_squeeze %dma_start3A_299 : memref<1x50x64xf32, #tpu.memory_space<vmem>> -> memref<50x64xf32, #tpu.memory_space<vmem>>
        %dma_start3A_301 = arith.constant 0 : i32
        %dma_start3A_302 = tpu.memref_slice %arg6[%add3A_296, %dma_start3A_301] : memref<512x50xi32, #tpu.memory_space<vmem>> -> memref<1x50xi32, #tpu.memory_space<vmem>>
        %dma_start3A_303 = tpu.memref_squeeze %dma_start3A_302 : memref<1x50xi32, #tpu.memory_space<vmem>> -> memref<50xi32, #tpu.memory_space<vmem>>
        %dma_start3A_304 = arith.constant 0 : i32
        %dma_start3A_305 = arith.constant 0 : i32
        %dma_start3A_306 = tpu.memref_slice %arg2[%dma_start3A_304, %dma_start3A_305] : memref<1000000x64xf32, #tpu.memory_space<hbm>> -> memref<1000000x64xf32, #tpu.memory_space<hbm>>
        tpu.enqueue_indirect_dma source(%dma_start3A_306 : memref<1000000x64xf32, #tpu.memory_space<hbm>>) target(%dma_start3A_300 : memref<50x64xf32, #tpu.memory_space<vmem>>) offsets(%dma_start3A_303 : memref<50xi32, #tpu.memory_space<vmem>>) semaphore(%arg11 : memref<!tpu.dma_semaphore, #tpu.memory_space<semaphore_mem>>)
        %mul3A_307 = arith.constant 8 : i32
        %mul3A_308 = arith.muli %add3A_249, %mul3A_307 : i32
        %add3A_309 = arith.constant 4 : i32
        %add3A_310 = arith.addi %mul3A_308, %add3A_309 : i32
        %dma_start3A_311 = arith.constant 200 : i32
        %dma_start3A_312 = arith.constant 0 : i32
        %dma_start3A_313 = tpu.memref_slice %arg8[%sub3A_250, %dma_start3A_311, %dma_start3A_312] : memref<2x400x64xf32, #tpu.memory_space<vmem>> -> memref<1x50x64xf32, #tpu.memory_space<vmem>>
        %dma_start3A_314 = tpu.memref_squeeze %dma_start3A_313 : memref<1x50x64xf32, #tpu.memory_space<vmem>> -> memref<50x64xf32, #tpu.memory_space<vmem>>
        %dma_start3A_315 = arith.constant 0 : i32
        %dma_start3A_316 = tpu.memref_slice %arg6[%add3A_310, %dma_start3A_315] : memref<512x50xi32, #tpu.memory_space<vmem>> -> memref<1x50xi32, #tpu.memory_space<vmem>>
        %dma_start3A_317 = tpu.memref_squeeze %dma_start3A_316 : memref<1x50xi32, #tpu.memory_space<vmem>> -> memref<50xi32, #tpu.memory_space<vmem>>
        %dma_start3A_318 = arith.constant 0 : i32
        %dma_start3A_319 = arith.constant 0 : i32
        %dma_start3A_320 = tpu.memref_slice %arg2[%dma_start3A_318, %dma_start3A_319] : memref<1000000x64xf32, #tpu.memory_space<hbm>> -> memref<1000000x64xf32, #tpu.memory_space<hbm>>
        tpu.enqueue_indirect_dma source(%dma_start3A_320 : memref<1000000x64xf32, #tpu.memory_space<hbm>>) target(%dma_start3A_314 : memref<50x64xf32, #tpu.memory_space<vmem>>) offsets(%dma_start3A_317 : memref<50xi32, #tpu.memory_space<vmem>>) semaphore(%arg11 : memref<!tpu.dma_semaphore, #tpu.memory_space<semaphore_mem>>)
        %mul3A_321 = arith.constant 8 : i32
        %mul3A_322 = arith.muli %add3A_249, %mul3A_321 : i32
        %add3A_323 = arith.constant 5 : i32
        %add3A_324 = arith.addi %mul3A_322, %add3A_323 : i32
        %dma_start3A_325 = arith.constant 250 : i32
        %dma_start3A_326 = arith.constant 0 : i32
        %dma_start3A_327 = tpu.memref_slice %arg8[%sub3A_250, %dma_start3A_325, %dma_start3A_326] : memref<2x400x64xf32, #tpu.memory_space<vmem>> -> memref<1x50x64xf32, #tpu.memory_space<vmem>>
        %dma_start3A_328 = tpu.memref_squeeze %dma_start3A_327 : memref<1x50x64xf32, #tpu.memory_space<vmem>> -> memref<50x64xf32, #tpu.memory_space<vmem>>
        %dma_start3A_329 = arith.constant 0 : i32
        %dma_start3A_330 = tpu.memref_slice %arg6[%add3A_324, %dma_start3A_329] : memref<512x50xi32, #tpu.memory_space<vmem>> -> memref<1x50xi32, #tpu.memory_space<vmem>>
        %dma_start3A_331 = tpu.memref_squeeze %dma_start3A_330 : memref<1x50xi32, #tpu.memory_space<vmem>> -> memref<50xi32, #tpu.memory_space<vmem>>
        %dma_start3A_332 = arith.constant 0 : i32
        %dma_start3A_333 = arith.constant 0 : i32
        %dma_start3A_334 = tpu.memref_slice %arg2[%dma_start3A_332, %dma_start3A_333] : memref<1000000x64xf32, #tpu.memory_space<hbm>> -> memref<1000000x64xf32, #tpu.memory_space<hbm>>
        tpu.enqueue_indirect_dma source(%dma_start3A_334 : memref<1000000x64xf32, #tpu.memory_space<hbm>>) target(%dma_start3A_328 : memref<50x64xf32, #tpu.memory_space<vmem>>) offsets(%dma_start3A_331 : memref<50xi32, #tpu.memory_space<vmem>>) semaphore(%arg11 : memref<!tpu.dma_semaphore, #tpu.memory_space<semaphore_mem>>)
        %mul3A_335 = arith.constant 8 : i32
        %mul3A_336 = arith.muli %add3A_249, %mul3A_335 : i32
        %add3A_337 = arith.constant 6 : i32
        %add3A_338 = arith.addi %mul3A_336, %add3A_337 : i32
        %dma_start3A_339 = arith.constant 300 : i32
        %dma_start3A_340 = arith.constant 0 : i32
        %dma_start3A_341 = tpu.memref_slice %arg8[%sub3A_250, %dma_start3A_339, %dma_start3A_340] : memref<2x400x64xf32, #tpu.memory_space<vmem>> -> memref<1x50x64xf32, #tpu.memory_space<vmem>>
        %dma_start3A_342 = tpu.memref_squeeze %dma_start3A_341 : memref<1x50x64xf32, #tpu.memory_space<vmem>> -> memref<50x64xf32, #tpu.memory_space<vmem>>
        %dma_start3A_343 = arith.constant 0 : i32
        %dma_start3A_344 = tpu.memref_slice %arg6[%add3A_338, %dma_start3A_343] : memref<512x50xi32, #tpu.memory_space<vmem>> -> memref<1x50xi32, #tpu.memory_space<vmem>>
        %dma_start3A_345 = tpu.memref_squeeze %dma_start3A_344 : memref<1x50xi32, #tpu.memory_space<vmem>> -> memref<50xi32, #tpu.memory_space<vmem>>
        %dma_start3A_346 = arith.constant 0 : i32
        %dma_start3A_347 = arith.constant 0 : i32
        %dma_start3A_348 = tpu.memref_slice %arg2[%dma_start3A_346, %dma_start3A_347] : memref<1000000x64xf32, #tpu.memory_space<hbm>> -> memref<1000000x64xf32, #tpu.memory_space<hbm>>
        tpu.enqueue_indirect_dma source(%dma_start3A_348 : memref<1000000x64xf32, #tpu.memory_space<hbm>>) target(%dma_start3A_342 : memref<50x64xf32, #tpu.memory_space<vmem>>) offsets(%dma_start3A_345 : memref<50xi32, #tpu.memory_space<vmem>>) semaphore(%arg11 : memref<!tpu.dma_semaphore, #tpu.memory_space<semaphore_mem>>)
        %mul3A_349 = arith.constant 8 : i32
        %mul3A_350 = arith.muli %add3A_249, %mul3A_349 : i32
        %add3A_351 = arith.constant 7 : i32
        %add3A_352 = arith.addi %mul3A_350, %add3A_351 : i32
        %dma_start3A_353 = arith.constant 350 : i32
        %dma_start3A_354 = arith.constant 0 : i32
        %dma_start3A_355 = tpu.memref_slice %arg8[%sub3A_250, %dma_start3A_353, %dma_start3A_354] : memref<2x400x64xf32, #tpu.memory_space<vmem>> -> memref<1x50x64xf32, #tpu.memory_space<vmem>>
        %dma_start3A_356 = tpu.memref_squeeze %dma_start3A_355 : memref<1x50x64xf32, #tpu.memory_space<vmem>> -> memref<50x64xf32, #tpu.memory_space<vmem>>
        %dma_start3A_357 = arith.constant 0 : i32
        %dma_start3A_358 = tpu.memref_slice %arg6[%add3A_352, %dma_start3A_357] : memref<512x50xi32, #tpu.memory_space<vmem>> -> memref<1x50xi32, #tpu.memory_space<vmem>>
        %dma_start3A_359 = tpu.memref_squeeze %dma_start3A_358 : memref<1x50xi32, #tpu.memory_space<vmem>> -> memref<50xi32, #tpu.memory_space<vmem>>
        %dma_start3A_360 = arith.constant 0 : i32
        %dma_start3A_361 = arith.constant 0 : i32
        %dma_start3A_362 = tpu.memref_slice %arg2[%dma_start3A_360, %dma_start3A_361] : memref<1000000x64xf32, #tpu.memory_space<hbm>> -> memref<1000000x64xf32, #tpu.memory_space<hbm>>
        tpu.enqueue_indirect_dma source(%dma_start3A_362 : memref<1000000x64xf32, #tpu.memory_space<hbm>>) target(%dma_start3A_356 : memref<50x64xf32, #tpu.memory_space<vmem>>) offsets(%dma_start3A_359 : memref<50xi32, #tpu.memory_space<vmem>>) semaphore(%arg11 : memref<!tpu.dma_semaphore, #tpu.memory_space<semaphore_mem>>)
        %mul3A_363 = arith.constant 8 : i32
        %mul3A_364 = arith.muli %add3A_249, %mul3A_363 : i32
        %dma_start3A_365 = arith.constant 0 : i32
        %dma_start3A_366 = arith.constant 0 : i32
        %dma_start3A_367 = tpu.memref_slice %arg9[%sub3A_250, %dma_start3A_365, %dma_start3A_366] : memref<2x8x64xf32, #tpu.memory_space<vmem>> -> memref<1x8x64xf32, #tpu.memory_space<vmem>>
        %dma_start3A_368 = tpu.memref_squeeze %dma_start3A_367 : memref<1x8x64xf32, #tpu.memory_space<vmem>> -> memref<8x64xf32, #tpu.memory_space<vmem>>
        %dma_start3A_369 = tpu.memref_slice %arg7[%mul3A_364] : memref<512xi32, #tpu.memory_space<vmem>> -> memref<8xi32, #tpu.memory_space<vmem>>
        %dma_start3A_370 = arith.constant 0 : i32
        %dma_start3A_371 = arith.constant 0 : i32
        %dma_start3A_372 = tpu.memref_slice %arg2[%dma_start3A_370, %dma_start3A_371] : memref<1000000x64xf32, #tpu.memory_space<hbm>> -> memref<1000000x64xf32, #tpu.memory_space<hbm>>
        tpu.enqueue_indirect_dma source(%dma_start3A_372 : memref<1000000x64xf32, #tpu.memory_space<hbm>>) target(%dma_start3A_368 : memref<8x64xf32, #tpu.memory_space<vmem>>) offsets(%dma_start3A_369 : memref<8xi32, #tpu.memory_space<vmem>>) semaphore(%arg11 : memref<!tpu.dma_semaphore, #tpu.memory_space<semaphore_mem>>)
      } else {
      }
      %parallel_loop3A = arith.constant 0 : i32
      %parallel_loop3A_246 = arith.constant 8 : i32
      %parallel_loop3A_247 = arith.constant 1 : i32
      scf.for %parallel_loop3A_248 = %parallel_loop3A to %parallel_loop3A_246 step %parallel_loop3A_247  : i32 {
        %parallel_loop3A_249 = arith.index_cast %rem3A_116 : i32 to index
        %parallel_loop3A_250 = arith.index_cast %parallel_loop3A_248 : i32 to index
        %parallel_loop3A_251 = arith.constant 0 : index
        %parallel_loop3A_252 = tpu.vector_load %arg9[%parallel_loop3A_249, %parallel_loop3A_250, %parallel_loop3A_251] {strides = array<i32>} : memref<2x8x64xf32, #tpu.memory_space<vmem>>, vector<16xf32>,
        %parallel_loop3A_253 = arith.index_cast %rem3A_116 : i32 to index
        %parallel_loop3A_254 = arith.index_cast %parallel_loop3A_248 : i32 to index
        %parallel_loop3A_255 = arith.constant 16 : index
        %parallel_loop3A_256 = tpu.vector_load %arg9[%parallel_loop3A_253, %parallel_loop3A_254, %parallel_loop3A_255] {strides = array<i32>} : memref<2x8x64xf32, #tpu.memory_space<vmem>>, vector<16xf32>,
        %parallel_loop3A_257 = arith.index_cast %rem3A_116 : i32 to index
        %parallel_loop3A_258 = arith.index_cast %parallel_loop3A_248 : i32 to index
        %parallel_loop3A_259 = arith.constant 32 : index
        %parallel_loop3A_260 = tpu.vector_load %arg9[%parallel_loop3A_257, %parallel_loop3A_258, %parallel_loop3A_259] {strides = array<i32>} : memref<2x8x64xf32, #tpu.memory_space<vmem>>, vector<16xf32>,
        %parallel_loop3A_261 = arith.index_cast %rem3A_116 : i32 to index
        %parallel_loop3A_262 = arith.index_cast %parallel_loop3A_248 : i32 to index
        %parallel_loop3A_263 = arith.constant 48 : index
        %parallel_loop3A_264 = tpu.vector_load %arg9[%parallel_loop3A_261, %parallel_loop3A_262, %parallel_loop3A_263] {strides = array<i32>} : memref<2x8x64xf32, #tpu.memory_space<vmem>>, vector<16xf32>,
        %parallel_loop3A_265 = arith.constant 50 : i32
        %parallel_loop3A_266 = arith.muli %parallel_loop3A_248, %parallel_loop3A_265 : i32
        %parallel_loop3A_267 = arith.constant 8 : i32
        %parallel_loop3A_268 = arith.muli %scan3A_115, %parallel_loop3A_267 : i32
        %parallel_loop3A_269 = arith.addi %parallel_loop3A_268, %parallel_loop3A_248 : i32
        %parallel_loop3A_270 = arith.constant 0.000000e+00 : f32
        %parallel_loop3A_271 = vector.broadcast %parallel_loop3A_270 : f32 to vector<16xf32>
        %parallel_loop3A_272 = arith.constant 0 : i32
        %parallel_loop3A_273 = arith.addi %parallel_loop3A_266, %parallel_loop3A_272 : i32
        %parallel_loop3A_274 = arith.constant 0 : i32
        %parallel_loop3A_275 = arith.addi %parallel_loop3A_273, %parallel_loop3A_274 : i32
        %parallel_loop3A_276 = arith.index_cast %rem3A_116 : i32 to index
        %parallel_loop3A_277 = arith.index_cast %parallel_loop3A_275 : i32 to index
        %parallel_loop3A_278 = arith.constant 0 : index
        %parallel_loop3A_279 = tpu.vector_load %arg8[%parallel_loop3A_276, %parallel_loop3A_277, %parallel_loop3A_278] {strides = array<i32>} : memref<2x400x64xf32, #tpu.memory_space<vmem>>, vector<16xf32>,
        %parallel_loop3A_280 = arith.mulf %parallel_loop3A_252, %parallel_loop3A_279 : vector<16xf32>
        %parallel_loop3A_281 = arith.index_cast %rem3A_116 : i32 to index
        %parallel_loop3A_282 = arith.index_cast %parallel_loop3A_275 : i32 to index
        %parallel_loop3A_283 = arith.constant 16 : index
        %parallel_loop3A_284 = tpu.vector_load %arg8[%parallel_loop3A_281, %parallel_loop3A_282, %parallel_loop3A_283] {strides = array<i32>} : memref<2x400x64xf32, #tpu.memory_space<vmem>>, vector<16xf32>,
        %parallel_loop3A_285 = arith.mulf %parallel_loop3A_256, %parallel_loop3A_284 : vector<16xf32>
        %parallel_loop3A_286 = arith.addf %parallel_loop3A_280, %parallel_loop3A_285 : vector<16xf32>
        %parallel_loop3A_287 = arith.index_cast %rem3A_116 : i32 to index
        %parallel_loop3A_288 = arith.index_cast %parallel_loop3A_275 : i32 to index
        %parallel_loop3A_289 = arith.constant 32 : index
        %parallel_loop3A_290 = tpu.vector_load %arg8[%parallel_loop3A_287, %parallel_loop3A_288, %parallel_loop3A_289] {strides = array<i32>} : memref<2x400x64xf32, #tpu.memory_space<vmem>>, vector<16xf32>,
        %parallel_loop3A_291 = arith.mulf %parallel_loop3A_260, %parallel_loop3A_290 : vector<16xf32>
        %parallel_loop3A_292 = arith.addf %parallel_loop3A_286, %parallel_loop3A_291 : vector<16xf32>
        %parallel_loop3A_293 = arith.index_cast %rem3A_116 : i32 to index
        %parallel_loop3A_294 = arith.index_cast %parallel_loop3A_275 : i32 to index
        %parallel_loop3A_295 = arith.constant 48 : index
        %parallel_loop3A_296 = tpu.vector_load %arg8[%parallel_loop3A_293, %parallel_loop3A_294, %parallel_loop3A_295] {strides = array<i32>} : memref<2x400x64xf32, #tpu.memory_space<vmem>>, vector<16xf32>,
        %parallel_loop3A_297 = arith.mulf %parallel_loop3A_264, %parallel_loop3A_296 : vector<16xf32>
        %parallel_loop3A_298 = arith.addf %parallel_loop3A_292, %parallel_loop3A_297 : vector<16xf32>
        %parallel_loop3A_299 = arith.constant 0 : i32
        %parallel_loop3A_300 = vector.broadcast %parallel_loop3A_299 : i32 to vector<16xi32>
        %parallel_loop3A_301 = arith.cmpi eq, %iota3A, %parallel_loop3A_300 : vector<16xi32>
        %parallel_loop3A_302 = arith.constant true
        %parallel_loop3A_303 = vector.broadcast %parallel_loop3A_302 : i1 to vector<16xi1>
        %parallel_loop3A_304 = tpu.scan <sum>, %parallel_loop3A_298 masked %parallel_loop3A_303 : vector<16xf32>, vector<16xi1> -> vector<16xf32>
        %parallel_loop3A_305 = vector.extract %parallel_loop3A_304[15] : f32 from vector<16xf32>
        %parallel_loop3A_306 = vector.broadcast %parallel_loop3A_305 : f32 to vector<16xf32>
        %parallel_loop3A_307 = arith.select %parallel_loop3A_301, %parallel_loop3A_306, %parallel_loop3A_271 : vector<16xi1>, vector<16xf32>
        %parallel_loop3A_308 = arith.constant 0 : i32
        %parallel_loop3A_309 = arith.addi %parallel_loop3A_266, %parallel_loop3A_308 : i32
        %parallel_loop3A_310 = arith.constant 1 : i32
        %parallel_loop3A_311 = arith.addi %parallel_loop3A_309, %parallel_loop3A_310 : i32
        %parallel_loop3A_312 = arith.index_cast %rem3A_116 : i32 to index
        %parallel_loop3A_313 = arith.index_cast %parallel_loop3A_311 : i32 to index
        %parallel_loop3A_314 = arith.constant 0 : index
        %parallel_loop3A_315 = tpu.vector_load %arg8[%parallel_loop3A_312, %parallel_loop3A_313, %parallel_loop3A_314] {strides = array<i32>} : memref<2x400x64xf32, #tpu.memory_space<vmem>>, vector<16xf32>,
        %parallel_loop3A_316 = arith.mulf %parallel_loop3A_252, %parallel_loop3A_315 : vector<16xf32>
        %parallel_loop3A_317 = arith.index_cast %rem3A_116 : i32 to index
        %parallel_loop3A_318 = arith.index_cast %parallel_loop3A_311 : i32 to index
        %parallel_loop3A_319 = arith.constant 16 : index
        %parallel_loop3A_320 = tpu.vector_load %arg8[%parallel_loop3A_317, %parallel_loop3A_318, %parallel_loop3A_319] {strides = array<i32>} : memref<2x400x64xf32, #tpu.memory_space<vmem>>, vector<16xf32>,
        %parallel_loop3A_321 = arith.mulf %parallel_loop3A_256, %parallel_loop3A_320 : vector<16xf32>
        %parallel_loop3A_322 = arith.addf %parallel_loop3A_316, %parallel_loop3A_321 : vector<16xf32>
        %parallel_loop3A_323 = arith.index_cast %rem3A_116 : i32 to index
        %parallel_loop3A_324 = arith.index_cast %parallel_loop3A_311 : i32 to index
        %parallel_loop3A_325 = arith.constant 32 : index
        %parallel_loop3A_326 = tpu.vector_load %arg8[%parallel_loop3A_323, %parallel_loop3A_324, %parallel_loop3A_325] {strides = array<i32>} : memref<2x400x64xf32, #tpu.memory_space<vmem>>, vector<16xf32>,
        %parallel_loop3A_327 = arith.mulf %parallel_loop3A_260, %parallel_loop3A_326 : vector<16xf32>
        %parallel_loop3A_328 = arith.addf %parallel_loop3A_322, %parallel_loop3A_327 : vector<16xf32>
        %parallel_loop3A_329 = arith.index_cast %rem3A_116 : i32 to index
        %parallel_loop3A_330 = arith.index_cast %parallel_loop3A_311 : i32 to index
        %parallel_loop3A_331 = arith.constant 48 : index
        %parallel_loop3A_332 = tpu.vector_load %arg8[%parallel_loop3A_329, %parallel_loop3A_330, %parallel_loop3A_331] {strides = array<i32>} : memref<2x400x64xf32, #tpu.memory_space<vmem>>, vector<16xf32>,
        %parallel_loop3A_333 = arith.mulf %parallel_loop3A_264, %parallel_loop3A_332 : vector<16xf32>
        %parallel_loop3A_334 = arith.addf %parallel_loop3A_328, %parallel_loop3A_333 : vector<16xf32>
        %parallel_loop3A_335 = arith.constant 1 : i32
        %parallel_loop3A_336 = vector.broadcast %parallel_loop3A_335 : i32 to vector<16xi32>
        %parallel_loop3A_337 = arith.cmpi eq, %iota3A, %parallel_loop3A_336 : vector<16xi32>
        %parallel_loop3A_338 = arith.constant true
        %parallel_loop3A_339 = vector.broadcast %parallel_loop3A_338 : i1 to vector<16xi1>
        %parallel_loop3A_340 = tpu.scan <sum>, %parallel_loop3A_334 masked %parallel_loop3A_339 : vector<16xf32>, vector<16xi1> -> vector<16xf32>
        %parallel_loop3A_341 = vector.extract %parallel_loop3A_340[15] : f32 from vector<16xf32>
        %parallel_loop3A_342 = vector.broadcast %parallel_loop3A_341 : f32 to vector<16xf32>
        %parallel_loop3A_343 = arith.select %parallel_loop3A_337, %parallel_loop3A_342, %parallel_loop3A_307 : vector<16xi1>, vector<16xf32>
        %parallel_loop3A_344 = arith.constant 0 : i32
        %parallel_loop3A_345 = arith.addi %parallel_loop3A_266, %parallel_loop3A_344 : i32
        %parallel_loop3A_346 = arith.constant 2 : i32
        %parallel_loop3A_347 = arith.addi %parallel_loop3A_345, %parallel_loop3A_346 : i32
        %parallel_loop3A_348 = arith.index_cast %rem3A_116 : i32 to index
        %parallel_loop3A_349 = arith.index_cast %parallel_loop3A_347 : i32 to index
        %parallel_loop3A_350 = arith.constant 0 : index
        %parallel_loop3A_351 = tpu.vector_load %arg8[%parallel_loop3A_348, %parallel_loop3A_349, %parallel_loop3A_350] {strides = array<i32>} : memref<2x400x64xf32, #tpu.memory_space<vmem>>, vector<16xf32>,
        %parallel_loop3A_352 = arith.mulf %parallel_loop3A_252, %parallel_loop3A_351 : vector<16xf32>
        %parallel_loop3A_353 = arith.index_cast %rem3A_116 : i32 to index
        %parallel_loop3A_354 = arith.index_cast %parallel_loop3A_347 : i32 to index
        %parallel_loop3A_355 = arith.constant 16 : index
        %parallel_loop3A_356 = tpu.vector_load %arg8[%parallel_loop3A_353, %parallel_loop3A_354, %parallel_loop3A_355] {strides = array<i32>} : memref<2x400x64xf32, #tpu.memory_space<vmem>>, vector<16xf32>,
        %parallel_loop3A_357 = arith.mulf %parallel_loop3A_256, %parallel_loop3A_356 : vector<16xf32>
        %parallel_loop3A_358 = arith.addf %parallel_loop3A_352, %parallel_loop3A_357 : vector<16xf32>
        %parallel_loop3A_359 = arith.index_cast %rem3A_116 : i32 to index
        %parallel_loop3A_360 = arith.index_cast %parallel_loop3A_347 : i32 to index
        %parallel_loop3A_361 = arith.constant 32 : index
        %parallel_loop3A_362 = tpu.vector_load %arg8[%parallel_loop3A_359, %parallel_loop3A_360, %parallel_loop3A_361] {strides = array<i32>} : memref<2x400x64xf32, #tpu.memory_space<vmem>>, vector<16xf32>,
        %parallel_loop3A_363 = arith.mulf %parallel_loop3A_260, %parallel_loop3A_362 : vector<16xf32>
        %parallel_loop3A_364 = arith.addf %parallel_loop3A_358, %parallel_loop3A_363 : vector<16xf32>
        %parallel_loop3A_365 = arith.index_cast %rem3A_116 : i32 to index
        %parallel_loop3A_366 = arith.index_cast %parallel_loop3A_347 : i32 to index
        %parallel_loop3A_367 = arith.constant 48 : index
        %parallel_loop3A_368 = tpu.vector_load %arg8[%parallel_loop3A_365, %parallel_loop3A_366, %parallel_loop3A_367] {strides = array<i32>} : memref<2x400x64xf32, #tpu.memory_space<vmem>>, vector<16xf32>,
        %parallel_loop3A_369 = arith.mulf %parallel_loop3A_264, %parallel_loop3A_368 : vector<16xf32>
        %parallel_loop3A_370 = arith.addf %parallel_loop3A_364, %parallel_loop3A_369 : vector<16xf32>
        %parallel_loop3A_371 = arith.constant 2 : i32
        %parallel_loop3A_372 = vector.broadcast %parallel_loop3A_371 : i32 to vector<16xi32>
        %parallel_loop3A_373 = arith.cmpi eq, %iota3A, %parallel_loop3A_372 : vector<16xi32>
        %parallel_loop3A_374 = arith.constant true
        %parallel_loop3A_375 = vector.broadcast %parallel_loop3A_374 : i1 to vector<16xi1>
        %parallel_loop3A_376 = tpu.scan <sum>, %parallel_loop3A_370 masked %parallel_loop3A_375 : vector<16xf32>, vector<16xi1> -> vector<16xf32>
        %parallel_loop3A_377 = vector.extract %parallel_loop3A_376[15] : f32 from vector<16xf32>
        %parallel_loop3A_378 = vector.broadcast %parallel_loop3A_377 : f32 to vector<16xf32>
        %parallel_loop3A_379 = arith.select %parallel_loop3A_373, %parallel_loop3A_378, %parallel_loop3A_343 : vector<16xi1>, vector<16xf32>
        %parallel_loop3A_380 = arith.constant 0 : i32
        %parallel_loop3A_381 = arith.addi %parallel_loop3A_266, %parallel_loop3A_380 : i32
        %parallel_loop3A_382 = arith.constant 3 : i32
        %parallel_loop3A_383 = arith.addi %parallel_loop3A_381, %parallel_loop3A_382 : i32
        %parallel_loop3A_384 = arith.index_cast %rem3A_116 : i32 to index
        %parallel_loop3A_385 = arith.index_cast %parallel_loop3A_383 : i32 to index
        %parallel_loop3A_386 = arith.constant 0 : index
        %parallel_loop3A_387 = tpu.vector_load %arg8[%parallel_loop3A_384, %parallel_loop3A_385, %parallel_loop3A_386] {strides = array<i32>} : memref<2x400x64xf32, #tpu.memory_space<vmem>>, vector<16xf32>,
        %parallel_loop3A_388 = arith.mulf %parallel_loop3A_252, %parallel_loop3A_387 : vector<16xf32>
        %parallel_loop3A_389 = arith.index_cast %rem3A_116 : i32 to index
        %parallel_loop3A_390 = arith.index_cast %parallel_loop3A_383 : i32 to index
        %parallel_loop3A_391 = arith.constant 16 : index
        %parallel_loop3A_392 = tpu.vector_load %arg8[%parallel_loop3A_389, %parallel_loop3A_390, %parallel_loop3A_391] {strides = array<i32>} : memref<2x400x64xf32, #tpu.memory_space<vmem>>, vector<16xf32>,
        %parallel_loop3A_393 = arith.mulf %parallel_loop3A_256, %parallel_loop3A_392 : vector<16xf32>
        %parallel_loop3A_394 = arith.addf %parallel_loop3A_388, %parallel_loop3A_393 : vector<16xf32>
        %parallel_loop3A_395 = arith.index_cast %rem3A_116 : i32 to index
        %parallel_loop3A_396 = arith.index_cast %parallel_loop3A_383 : i32 to index
        %parallel_loop3A_397 = arith.constant 32 : index
        %parallel_loop3A_398 = tpu.vector_load %arg8[%parallel_loop3A_395, %parallel_loop3A_396, %parallel_loop3A_397] {strides = array<i32>} : memref<2x400x64xf32, #tpu.memory_space<vmem>>, vector<16xf32>,
        %parallel_loop3A_399 = arith.mulf %parallel_loop3A_260, %parallel_loop3A_398 : vector<16xf32>
        %parallel_loop3A_400 = arith.addf %parallel_loop3A_394, %parallel_loop3A_399 : vector<16xf32>
        %parallel_loop3A_401 = arith.index_cast %rem3A_116 : i32 to index
        %parallel_loop3A_402 = arith.index_cast %parallel_loop3A_383 : i32 to index
        %parallel_loop3A_403 = arith.constant 48 : index
        %parallel_loop3A_404 = tpu.vector_load %arg8[%parallel_loop3A_401, %parallel_loop3A_402, %parallel_loop3A_403] {strides = array<i32>} : memref<2x400x64xf32, #tpu.memory_space<vmem>>, vector<16xf32>,
        %parallel_loop3A_405 = arith.mulf %parallel_loop3A_264, %parallel_loop3A_404 : vector<16xf32>
        %parallel_loop3A_406 = arith.addf %parallel_loop3A_400, %parallel_loop3A_405 : vector<16xf32>
        %parallel_loop3A_407 = arith.constant 3 : i32
        %parallel_loop3A_408 = vector.broadcast %parallel_loop3A_407 : i32 to vector<16xi32>
        %parallel_loop3A_409 = arith.cmpi eq, %iota3A, %parallel_loop3A_408 : vector<16xi32>
        %parallel_loop3A_410 = arith.constant true
        %parallel_loop3A_411 = vector.broadcast %parallel_loop3A_410 : i1 to vector<16xi1>
        %parallel_loop3A_412 = tpu.scan <sum>, %parallel_loop3A_406 masked %parallel_loop3A_411 : vector<16xf32>, vector<16xi1> -> vector<16xf32>
        %parallel_loop3A_413 = vector.extract %parallel_loop3A_412[15] : f32 from vector<16xf32>
        %parallel_loop3A_414 = vector.broadcast %parallel_loop3A_413 : f32 to vector<16xf32>
        %parallel_loop3A_415 = arith.select %parallel_loop3A_409, %parallel_loop3A_414, %parallel_loop3A_379 : vector<16xi1>, vector<16xf32>
        %parallel_loop3A_416 = arith.constant 0 : i32
        %parallel_loop3A_417 = arith.addi %parallel_loop3A_266, %parallel_loop3A_416 : i32
        %parallel_loop3A_418 = arith.constant 4 : i32
        %parallel_loop3A_419 = arith.addi %parallel_loop3A_417, %parallel_loop3A_418 : i32
        %parallel_loop3A_420 = arith.index_cast %rem3A_116 : i32 to index
        %parallel_loop3A_421 = arith.index_cast %parallel_loop3A_419 : i32 to index
        %parallel_loop3A_422 = arith.constant 0 : index
        %parallel_loop3A_423 = tpu.vector_load %arg8[%parallel_loop3A_420, %parallel_loop3A_421, %parallel_loop3A_422] {strides = array<i32>} : memref<2x400x64xf32, #tpu.memory_space<vmem>>, vector<16xf32>,
        %parallel_loop3A_424 = arith.mulf %parallel_loop3A_252, %parallel_loop3A_423 : vector<16xf32>
        %parallel_loop3A_425 = arith.index_cast %rem3A_116 : i32 to index
        %parallel_loop3A_426 = arith.index_cast %parallel_loop3A_419 : i32 to index
        %parallel_loop3A_427 = arith.constant 16 : index
        %parallel_loop3A_428 = tpu.vector_load %arg8[%parallel_loop3A_425, %parallel_loop3A_426, %parallel_loop3A_427] {strides = array<i32>} : memref<2x400x64xf32, #tpu.memory_space<vmem>>, vector<16xf32>,
        %parallel_loop3A_429 = arith.mulf %parallel_loop3A_256, %parallel_loop3A_428 : vector<16xf32>
        %parallel_loop3A_430 = arith.addf %parallel_loop3A_424, %parallel_loop3A_429 : vector<16xf32>
        %parallel_loop3A_431 = arith.index_cast %rem3A_116 : i32 to index
        %parallel_loop3A_432 = arith.index_cast %parallel_loop3A_419 : i32 to index
        %parallel_loop3A_433 = arith.constant 32 : index
        %parallel_loop3A_434 = tpu.vector_load %arg8[%parallel_loop3A_431, %parallel_loop3A_432, %parallel_loop3A_433] {strides = array<i32>} : memref<2x400x64xf32, #tpu.memory_space<vmem>>, vector<16xf32>,
        %parallel_loop3A_435 = arith.mulf %parallel_loop3A_260, %parallel_loop3A_434 : vector<16xf32>
        %parallel_loop3A_436 = arith.addf %parallel_loop3A_430, %parallel_loop3A_435 : vector<16xf32>
        %parallel_loop3A_437 = arith.index_cast %rem3A_116 : i32 to index
        %parallel_loop3A_438 = arith.index_cast %parallel_loop3A_419 : i32 to index
        %parallel_loop3A_439 = arith.constant 48 : index
        %parallel_loop3A_440 = tpu.vector_load %arg8[%parallel_loop3A_437, %parallel_loop3A_438, %parallel_loop3A_439] {strides = array<i32>} : memref<2x400x64xf32, #tpu.memory_space<vmem>>, vector<16xf32>,
        %parallel_loop3A_441 = arith.mulf %parallel_loop3A_264, %parallel_loop3A_440 : vector<16xf32>
        %parallel_loop3A_442 = arith.addf %parallel_loop3A_436, %parallel_loop3A_441 : vector<16xf32>
        %parallel_loop3A_443 = arith.constant 4 : i32
        %parallel_loop3A_444 = vector.broadcast %parallel_loop3A_443 : i32 to vector<16xi32>
        %parallel_loop3A_445 = arith.cmpi eq, %iota3A, %parallel_loop3A_444 : vector<16xi32>
        %parallel_loop3A_446 = arith.constant true
        %parallel_loop3A_447 = vector.broadcast %parallel_loop3A_446 : i1 to vector<16xi1>
        %parallel_loop3A_448 = tpu.scan <sum>, %parallel_loop3A_442 masked %parallel_loop3A_447 : vector<16xf32>, vector<16xi1> -> vector<16xf32>
        %parallel_loop3A_449 = vector.extract %parallel_loop3A_448[15] : f32 from vector<16xf32>
        %parallel_loop3A_450 = vector.broadcast %parallel_loop3A_449 : f32 to vector<16xf32>
        %parallel_loop3A_451 = arith.select %parallel_loop3A_445, %parallel_loop3A_450, %parallel_loop3A_415 : vector<16xi1>, vector<16xf32>
        %parallel_loop3A_452 = arith.constant 0 : i32
        %parallel_loop3A_453 = arith.addi %parallel_loop3A_266, %parallel_loop3A_452 : i32
        %parallel_loop3A_454 = arith.constant 5 : i32
        %parallel_loop3A_455 = arith.addi %parallel_loop3A_453, %parallel_loop3A_454 : i32
        %parallel_loop3A_456 = arith.index_cast %rem3A_116 : i32 to index
        %parallel_loop3A_457 = arith.index_cast %parallel_loop3A_455 : i32 to index
        %parallel_loop3A_458 = arith.constant 0 : index
        %parallel_loop3A_459 = tpu.vector_load %arg8[%parallel_loop3A_456, %parallel_loop3A_457, %parallel_loop3A_458] {strides = array<i32>} : memref<2x400x64xf32, #tpu.memory_space<vmem>>, vector<16xf32>,
        %parallel_loop3A_460 = arith.mulf %parallel_loop3A_252, %parallel_loop3A_459 : vector<16xf32>
        %parallel_loop3A_461 = arith.index_cast %rem3A_116 : i32 to index
        %parallel_loop3A_462 = arith.index_cast %parallel_loop3A_455 : i32 to index
        %parallel_loop3A_463 = arith.constant 16 : index
        %parallel_loop3A_464 = tpu.vector_load %arg8[%parallel_loop3A_461, %parallel_loop3A_462, %parallel_loop3A_463] {strides = array<i32>} : memref<2x400x64xf32, #tpu.memory_space<vmem>>, vector<16xf32>,
        %parallel_loop3A_465 = arith.mulf %parallel_loop3A_256, %parallel_loop3A_464 : vector<16xf32>
        %parallel_loop3A_466 = arith.addf %parallel_loop3A_460, %parallel_loop3A_465 : vector<16xf32>
        %parallel_loop3A_467 = arith.index_cast %rem3A_116 : i32 to index
        %parallel_loop3A_468 = arith.index_cast %parallel_loop3A_455 : i32 to index
        %parallel_loop3A_469 = arith.constant 32 : index
        %parallel_loop3A_470 = tpu.vector_load %arg8[%parallel_loop3A_467, %parallel_loop3A_468, %parallel_loop3A_469] {strides = array<i32>} : memref<2x400x64xf32, #tpu.memory_space<vmem>>, vector<16xf32>,
        %parallel_loop3A_471 = arith.mulf %parallel_loop3A_260, %parallel_loop3A_470 : vector<16xf32>
        %parallel_loop3A_472 = arith.addf %parallel_loop3A_466, %parallel_loop3A_471 : vector<16xf32>
        %parallel_loop3A_473 = arith.index_cast %rem3A_116 : i32 to index
        %parallel_loop3A_474 = arith.index_cast %parallel_loop3A_455 : i32 to index
        %parallel_loop3A_475 = arith.constant 48 : index
        %parallel_loop3A_476 = tpu.vector_load %arg8[%parallel_loop3A_473, %parallel_loop3A_474, %parallel_loop3A_475] {strides = array<i32>} : memref<2x400x64xf32, #tpu.memory_space<vmem>>, vector<16xf32>,
        %parallel_loop3A_477 = arith.mulf %parallel_loop3A_264, %parallel_loop3A_476 : vector<16xf32>
        %parallel_loop3A_478 = arith.addf %parallel_loop3A_472, %parallel_loop3A_477 : vector<16xf32>
        %parallel_loop3A_479 = arith.constant 5 : i32
        %parallel_loop3A_480 = vector.broadcast %parallel_loop3A_479 : i32 to vector<16xi32>
        %parallel_loop3A_481 = arith.cmpi eq, %iota3A, %parallel_loop3A_480 : vector<16xi32>
        %parallel_loop3A_482 = arith.constant true
        %parallel_loop3A_483 = vector.broadcast %parallel_loop3A_482 : i1 to vector<16xi1>
        %parallel_loop3A_484 = tpu.scan <sum>, %parallel_loop3A_478 masked %parallel_loop3A_483 : vector<16xf32>, vector<16xi1> -> vector<16xf32>
        %parallel_loop3A_485 = vector.extract %parallel_loop3A_484[15] : f32 from vector<16xf32>
        %parallel_loop3A_486 = vector.broadcast %parallel_loop3A_485 : f32 to vector<16xf32>
        %parallel_loop3A_487 = arith.select %parallel_loop3A_481, %parallel_loop3A_486, %parallel_loop3A_451 : vector<16xi1>, vector<16xf32>
        %parallel_loop3A_488 = arith.constant 0 : i32
        %parallel_loop3A_489 = arith.addi %parallel_loop3A_266, %parallel_loop3A_488 : i32
        %parallel_loop3A_490 = arith.constant 6 : i32
        %parallel_loop3A_491 = arith.addi %parallel_loop3A_489, %parallel_loop3A_490 : i32
        %parallel_loop3A_492 = arith.index_cast %rem3A_116 : i32 to index
        %parallel_loop3A_493 = arith.index_cast %parallel_loop3A_491 : i32 to index
        %parallel_loop3A_494 = arith.constant 0 : index
        %parallel_loop3A_495 = tpu.vector_load %arg8[%parallel_loop3A_492, %parallel_loop3A_493, %parallel_loop3A_494] {strides = array<i32>} : memref<2x400x64xf32, #tpu.memory_space<vmem>>, vector<16xf32>,
        %parallel_loop3A_496 = arith.mulf %parallel_loop3A_252, %parallel_loop3A_495 : vector<16xf32>
        %parallel_loop3A_497 = arith.index_cast %rem3A_116 : i32 to index
        %parallel_loop3A_498 = arith.index_cast %parallel_loop3A_491 : i32 to index
        %parallel_loop3A_499 = arith.constant 16 : index
        %parallel_loop3A_500 = tpu.vector_load %arg8[%parallel_loop3A_497, %parallel_loop3A_498, %parallel_loop3A_499] {strides = array<i32>} : memref<2x400x64xf32, #tpu.memory_space<vmem>>, vector<16xf32>,
        %parallel_loop3A_501 = arith.mulf %parallel_loop3A_256, %parallel_loop3A_500 : vector<16xf32>
        %parallel_loop3A_502 = arith.addf %parallel_loop3A_496, %parallel_loop3A_501 : vector<16xf32>
        %parallel_loop3A_503 = arith.index_cast %rem3A_116 : i32 to index
        %parallel_loop3A_504 = arith.index_cast %parallel_loop3A_491 : i32 to index
        %parallel_loop3A_505 = arith.constant 32 : index
        %parallel_loop3A_506 = tpu.vector_load %arg8[%parallel_loop3A_503, %parallel_loop3A_504, %parallel_loop3A_505] {strides = array<i32>} : memref<2x400x64xf32, #tpu.memory_space<vmem>>, vector<16xf32>,
        %parallel_loop3A_507 = arith.mulf %parallel_loop3A_260, %parallel_loop3A_506 : vector<16xf32>
        %parallel_loop3A_508 = arith.addf %parallel_loop3A_502, %parallel_loop3A_507 : vector<16xf32>
        %parallel_loop3A_509 = arith.index_cast %rem3A_116 : i32 to index
        %parallel_loop3A_510 = arith.index_cast %parallel_loop3A_491 : i32 to index
        %parallel_loop3A_511 = arith.constant 48 : index
        %parallel_loop3A_512 = tpu.vector_load %arg8[%parallel_loop3A_509, %parallel_loop3A_510, %parallel_loop3A_511] {strides = array<i32>} : memref<2x400x64xf32, #tpu.memory_space<vmem>>, vector<16xf32>,
        %parallel_loop3A_513 = arith.mulf %parallel_loop3A_264, %parallel_loop3A_512 : vector<16xf32>
        %parallel_loop3A_514 = arith.addf %parallel_loop3A_508, %parallel_loop3A_513 : vector<16xf32>
        %parallel_loop3A_515 = arith.constant 6 : i32
        %parallel_loop3A_516 = vector.broadcast %parallel_loop3A_515 : i32 to vector<16xi32>
        %parallel_loop3A_517 = arith.cmpi eq, %iota3A, %parallel_loop3A_516 : vector<16xi32>
        %parallel_loop3A_518 = arith.constant true
        %parallel_loop3A_519 = vector.broadcast %parallel_loop3A_518 : i1 to vector<16xi1>
        %parallel_loop3A_520 = tpu.scan <sum>, %parallel_loop3A_514 masked %parallel_loop3A_519 : vector<16xf32>, vector<16xi1> -> vector<16xf32>
        %parallel_loop3A_521 = vector.extract %parallel_loop3A_520[15] : f32 from vector<16xf32>
        %parallel_loop3A_522 = vector.broadcast %parallel_loop3A_521 : f32 to vector<16xf32>
        %parallel_loop3A_523 = arith.select %parallel_loop3A_517, %parallel_loop3A_522, %parallel_loop3A_487 : vector<16xi1>, vector<16xf32>
        %parallel_loop3A_524 = arith.constant 0 : i32
        %parallel_loop3A_525 = arith.addi %parallel_loop3A_266, %parallel_loop3A_524 : i32
        %parallel_loop3A_526 = arith.constant 7 : i32
        %parallel_loop3A_527 = arith.addi %parallel_loop3A_525, %parallel_loop3A_526 : i32
        %parallel_loop3A_528 = arith.index_cast %rem3A_116 : i32 to index
        %parallel_loop3A_529 = arith.index_cast %parallel_loop3A_527 : i32 to index
        %parallel_loop3A_530 = arith.constant 0 : index
        %parallel_loop3A_531 = tpu.vector_load %arg8[%parallel_loop3A_528, %parallel_loop3A_529, %parallel_loop3A_530] {strides = array<i32>} : memref<2x400x64xf32, #tpu.memory_space<vmem>>, vector<16xf32>,
        %parallel_loop3A_532 = arith.mulf %parallel_loop3A_252, %parallel_loop3A_531 : vector<16xf32>
        %parallel_loop3A_533 = arith.index_cast %rem3A_116 : i32 to index
        %parallel_loop3A_534 = arith.index_cast %parallel_loop3A_527 : i32 to index
        %parallel_loop3A_535 = arith.constant 16 : index
        %parallel_loop3A_536 = tpu.vector_load %arg8[%parallel_loop3A_533, %parallel_loop3A_534, %parallel_loop3A_535] {strides = array<i32>} : memref<2x400x64xf32, #tpu.memory_space<vmem>>, vector<16xf32>,
        %parallel_loop3A_537 = arith.mulf %parallel_loop3A_256, %parallel_loop3A_536 : vector<16xf32>
        %parallel_loop3A_538 = arith.addf %parallel_loop3A_532, %parallel_loop3A_537 : vector<16xf32>
        %parallel_loop3A_539 = arith.index_cast %rem3A_116 : i32 to index
        %parallel_loop3A_540 = arith.index_cast %parallel_loop3A_527 : i32 to index
        %parallel_loop3A_541 = arith.constant 32 : index
        %parallel_loop3A_542 = tpu.vector_load %arg8[%parallel_loop3A_539, %parallel_loop3A_540, %parallel_loop3A_541] {strides = array<i32>} : memref<2x400x64xf32, #tpu.memory_space<vmem>>, vector<16xf32>,
        %parallel_loop3A_543 = arith.mulf %parallel_loop3A_260, %parallel_loop3A_542 : vector<16xf32>
        %parallel_loop3A_544 = arith.addf %parallel_loop3A_538, %parallel_loop3A_543 : vector<16xf32>
        %parallel_loop3A_545 = arith.index_cast %rem3A_116 : i32 to index
        %parallel_loop3A_546 = arith.index_cast %parallel_loop3A_527 : i32 to index
        %parallel_loop3A_547 = arith.constant 48 : index
        %parallel_loop3A_548 = tpu.vector_load %arg8[%parallel_loop3A_545, %parallel_loop3A_546, %parallel_loop3A_547] {strides = array<i32>} : memref<2x400x64xf32, #tpu.memory_space<vmem>>, vector<16xf32>,
        %parallel_loop3A_549 = arith.mulf %parallel_loop3A_264, %parallel_loop3A_548 : vector<16xf32>
        %parallel_loop3A_550 = arith.addf %parallel_loop3A_544, %parallel_loop3A_549 : vector<16xf32>
        %parallel_loop3A_551 = arith.constant 7 : i32
        %parallel_loop3A_552 = vector.broadcast %parallel_loop3A_551 : i32 to vector<16xi32>
        %parallel_loop3A_553 = arith.cmpi eq, %iota3A, %parallel_loop3A_552 : vector<16xi32>
        %parallel_loop3A_554 = arith.constant true
        %parallel_loop3A_555 = vector.broadcast %parallel_loop3A_554 : i1 to vector<16xi1>
        %parallel_loop3A_556 = tpu.scan <sum>, %parallel_loop3A_550 masked %parallel_loop3A_555 : vector<16xf32>, vector<16xi1> -> vector<16xf32>
        %parallel_loop3A_557 = vector.extract %parallel_loop3A_556[15] : f32 from vector<16xf32>
        %parallel_loop3A_558 = vector.broadcast %parallel_loop3A_557 : f32 to vector<16xf32>
        %parallel_loop3A_559 = arith.select %parallel_loop3A_553, %parallel_loop3A_558, %parallel_loop3A_523 : vector<16xi1>, vector<16xf32>
        %parallel_loop3A_560 = arith.constant 0 : i32
        %parallel_loop3A_561 = arith.addi %parallel_loop3A_266, %parallel_loop3A_560 : i32
        %parallel_loop3A_562 = arith.constant 8 : i32
        %parallel_loop3A_563 = arith.addi %parallel_loop3A_561, %parallel_loop3A_562 : i32
        %parallel_loop3A_564 = arith.index_cast %rem3A_116 : i32 to index
        %parallel_loop3A_565 = arith.index_cast %parallel_loop3A_563 : i32 to index
        %parallel_loop3A_566 = arith.constant 0 : index
        %parallel_loop3A_567 = tpu.vector_load %arg8[%parallel_loop3A_564, %parallel_loop3A_565, %parallel_loop3A_566] {strides = array<i32>} : memref<2x400x64xf32, #tpu.memory_space<vmem>>, vector<16xf32>,
        %parallel_loop3A_568 = arith.mulf %parallel_loop3A_252, %parallel_loop3A_567 : vector<16xf32>
        %parallel_loop3A_569 = arith.index_cast %rem3A_116 : i32 to index
        %parallel_loop3A_570 = arith.index_cast %parallel_loop3A_563 : i32 to index
        %parallel_loop3A_571 = arith.constant 16 : index
        %parallel_loop3A_572 = tpu.vector_load %arg8[%parallel_loop3A_569, %parallel_loop3A_570, %parallel_loop3A_571] {strides = array<i32>} : memref<2x400x64xf32, #tpu.memory_space<vmem>>, vector<16xf32>,
        %parallel_loop3A_573 = arith.mulf %parallel_loop3A_256, %parallel_loop3A_572 : vector<16xf32>
        %parallel_loop3A_574 = arith.addf %parallel_loop3A_568, %parallel_loop3A_573 : vector<16xf32>
        %parallel_loop3A_575 = arith.index_cast %rem3A_116 : i32 to index
        %parallel_loop3A_576 = arith.index_cast %parallel_loop3A_563 : i32 to index
        %parallel_loop3A_577 = arith.constant 32 : index
        %parallel_loop3A_578 = tpu.vector_load %arg8[%parallel_loop3A_575, %parallel_loop3A_576, %parallel_loop3A_577] {strides = array<i32>} : memref<2x400x64xf32, #tpu.memory_space<vmem>>, vector<16xf32>,
        %parallel_loop3A_579 = arith.mulf %parallel_loop3A_260, %parallel_loop3A_578 : vector<16xf32>
        %parallel_loop3A_580 = arith.addf %parallel_loop3A_574, %parallel_loop3A_579 : vector<16xf32>
        %parallel_loop3A_581 = arith.index_cast %rem3A_116 : i32 to index
        %parallel_loop3A_582 = arith.index_cast %parallel_loop3A_563 : i32 to index
        %parallel_loop3A_583 = arith.constant 48 : index
        %parallel_loop3A_584 = tpu.vector_load %arg8[%parallel_loop3A_581, %parallel_loop3A_582, %parallel_loop3A_583] {strides = array<i32>} : memref<2x400x64xf32, #tpu.memory_space<vmem>>, vector<16xf32>,
        %parallel_loop3A_585 = arith.mulf %parallel_loop3A_264, %parallel_loop3A_584 : vector<16xf32>
        %parallel_loop3A_586 = arith.addf %parallel_loop3A_580, %parallel_loop3A_585 : vector<16xf32>
        %parallel_loop3A_587 = arith.constant 8 : i32
        %parallel_loop3A_588 = vector.broadcast %parallel_loop3A_587 : i32 to vector<16xi32>
        %parallel_loop3A_589 = arith.cmpi eq, %iota3A, %parallel_loop3A_588 : vector<16xi32>
        %parallel_loop3A_590 = arith.constant true
        %parallel_loop3A_591 = vector.broadcast %parallel_loop3A_590 : i1 to vector<16xi1>
        %parallel_loop3A_592 = tpu.scan <sum>, %parallel_loop3A_586 masked %parallel_loop3A_591 : vector<16xf32>, vector<16xi1> -> vector<16xf32>
        %parallel_loop3A_593 = vector.extract %parallel_loop3A_592[15] : f32 from vector<16xf32>
        %parallel_loop3A_594 = vector.broadcast %parallel_loop3A_593 : f32 to vector<16xf32>
        %parallel_loop3A_595 = arith.select %parallel_loop3A_589, %parallel_loop3A_594, %parallel_loop3A_559 : vector<16xi1>, vector<16xf32>
        %parallel_loop3A_596 = arith.constant 0 : i32
        %parallel_loop3A_597 = arith.addi %parallel_loop3A_266, %parallel_loop3A_596 : i32
        %parallel_loop3A_598 = arith.constant 9 : i32
        %parallel_loop3A_599 = arith.addi %parallel_loop3A_597, %parallel_loop3A_598 : i32
        %parallel_loop3A_600 = arith.index_cast %rem3A_116 : i32 to index
        %parallel_loop3A_601 = arith.index_cast %parallel_loop3A_599 : i32 to index
        %parallel_loop3A_602 = arith.constant 0 : index
        %parallel_loop3A_603 = tpu.vector_load %arg8[%parallel_loop3A_600, %parallel_loop3A_601, %parallel_loop3A_602] {strides = array<i32>} : memref<2x400x64xf32, #tpu.memory_space<vmem>>, vector<16xf32>,
        %parallel_loop3A_604 = arith.mulf %parallel_loop3A_252, %parallel_loop3A_603 : vector<16xf32>
        %parallel_loop3A_605 = arith.index_cast %rem3A_116 : i32 to index
        %parallel_loop3A_606 = arith.index_cast %parallel_loop3A_599 : i32 to index
        %parallel_loop3A_607 = arith.constant 16 : index
        %parallel_loop3A_608 = tpu.vector_load %arg8[%parallel_loop3A_605, %parallel_loop3A_606, %parallel_loop3A_607] {strides = array<i32>} : memref<2x400x64xf32, #tpu.memory_space<vmem>>, vector<16xf32>,
        %parallel_loop3A_609 = arith.mulf %parallel_loop3A_256, %parallel_loop3A_608 : vector<16xf32>
        %parallel_loop3A_610 = arith.addf %parallel_loop3A_604, %parallel_loop3A_609 : vector<16xf32>
        %parallel_loop3A_611 = arith.index_cast %rem3A_116 : i32 to index
        %parallel_loop3A_612 = arith.index_cast %parallel_loop3A_599 : i32 to index
        %parallel_loop3A_613 = arith.constant 32 : index
        %parallel_loop3A_614 = tpu.vector_load %arg8[%parallel_loop3A_611, %parallel_loop3A_612, %parallel_loop3A_613] {strides = array<i32>} : memref<2x400x64xf32, #tpu.memory_space<vmem>>, vector<16xf32>,
        %parallel_loop3A_615 = arith.mulf %parallel_loop3A_260, %parallel_loop3A_614 : vector<16xf32>
        %parallel_loop3A_616 = arith.addf %parallel_loop3A_610, %parallel_loop3A_615 : vector<16xf32>
        %parallel_loop3A_617 = arith.index_cast %rem3A_116 : i32 to index
        %parallel_loop3A_618 = arith.index_cast %parallel_loop3A_599 : i32 to index
        %parallel_loop3A_619 = arith.constant 48 : index
        %parallel_loop3A_620 = tpu.vector_load %arg8[%parallel_loop3A_617, %parallel_loop3A_618, %parallel_loop3A_619] {strides = array<i32>} : memref<2x400x64xf32, #tpu.memory_space<vmem>>, vector<16xf32>,
        %parallel_loop3A_621 = arith.mulf %parallel_loop3A_264, %parallel_loop3A_620 : vector<16xf32>
        %parallel_loop3A_622 = arith.addf %parallel_loop3A_616, %parallel_loop3A_621 : vector<16xf32>
        %parallel_loop3A_623 = arith.constant 9 : i32
        %parallel_loop3A_624 = vector.broadcast %parallel_loop3A_623 : i32 to vector<16xi32>
        %parallel_loop3A_625 = arith.cmpi eq, %iota3A, %parallel_loop3A_624 : vector<16xi32>
        %parallel_loop3A_626 = arith.constant true
        %parallel_loop3A_627 = vector.broadcast %parallel_loop3A_626 : i1 to vector<16xi1>
        %parallel_loop3A_628 = tpu.scan <sum>, %parallel_loop3A_622 masked %parallel_loop3A_627 : vector<16xf32>, vector<16xi1> -> vector<16xf32>
        %parallel_loop3A_629 = vector.extract %parallel_loop3A_628[15] : f32 from vector<16xf32>
        %parallel_loop3A_630 = vector.broadcast %parallel_loop3A_629 : f32 to vector<16xf32>
        %parallel_loop3A_631 = arith.select %parallel_loop3A_625, %parallel_loop3A_630, %parallel_loop3A_595 : vector<16xi1>, vector<16xf32>
        %parallel_loop3A_632 = arith.constant 0 : i32
        %parallel_loop3A_633 = arith.addi %parallel_loop3A_266, %parallel_loop3A_632 : i32
        %parallel_loop3A_634 = arith.constant 10 : i32
        %parallel_loop3A_635 = arith.addi %parallel_loop3A_633, %parallel_loop3A_634 : i32
        %parallel_loop3A_636 = arith.index_cast %rem3A_116 : i32 to index
        %parallel_loop3A_637 = arith.index_cast %parallel_loop3A_635 : i32 to index
        %parallel_loop3A_638 = arith.constant 0 : index
        %parallel_loop3A_639 = tpu.vector_load %arg8[%parallel_loop3A_636, %parallel_loop3A_637, %parallel_loop3A_638] {strides = array<i32>} : memref<2x400x64xf32, #tpu.memory_space<vmem>>, vector<16xf32>,
        %parallel_loop3A_640 = arith.mulf %parallel_loop3A_252, %parallel_loop3A_639 : vector<16xf32>
        %parallel_loop3A_641 = arith.index_cast %rem3A_116 : i32 to index
        %parallel_loop3A_642 = arith.index_cast %parallel_loop3A_635 : i32 to index
        %parallel_loop3A_643 = arith.constant 16 : index
        %parallel_loop3A_644 = tpu.vector_load %arg8[%parallel_loop3A_641, %parallel_loop3A_642, %parallel_loop3A_643] {strides = array<i32>} : memref<2x400x64xf32, #tpu.memory_space<vmem>>, vector<16xf32>,
        %parallel_loop3A_645 = arith.mulf %parallel_loop3A_256, %parallel_loop3A_644 : vector<16xf32>
        %parallel_loop3A_646 = arith.addf %parallel_loop3A_640, %parallel_loop3A_645 : vector<16xf32>
        %parallel_loop3A_647 = arith.index_cast %rem3A_116 : i32 to index
        %parallel_loop3A_648 = arith.index_cast %parallel_loop3A_635 : i32 to index
        %parallel_loop3A_649 = arith.constant 32 : index
        %parallel_loop3A_650 = tpu.vector_load %arg8[%parallel_loop3A_647, %parallel_loop3A_648, %parallel_loop3A_649] {strides = array<i32>} : memref<2x400x64xf32, #tpu.memory_space<vmem>>, vector<16xf32>,
        %parallel_loop3A_651 = arith.mulf %parallel_loop3A_260, %parallel_loop3A_650 : vector<16xf32>
        %parallel_loop3A_652 = arith.addf %parallel_loop3A_646, %parallel_loop3A_651 : vector<16xf32>
        %parallel_loop3A_653 = arith.index_cast %rem3A_116 : i32 to index
        %parallel_loop3A_654 = arith.index_cast %parallel_loop3A_635 : i32 to index
        %parallel_loop3A_655 = arith.constant 48 : index
        %parallel_loop3A_656 = tpu.vector_load %arg8[%parallel_loop3A_653, %parallel_loop3A_654, %parallel_loop3A_655] {strides = array<i32>} : memref<2x400x64xf32, #tpu.memory_space<vmem>>, vector<16xf32>,
        %parallel_loop3A_657 = arith.mulf %parallel_loop3A_264, %parallel_loop3A_656 : vector<16xf32>
        %parallel_loop3A_658 = arith.addf %parallel_loop3A_652, %parallel_loop3A_657 : vector<16xf32>
        %parallel_loop3A_659 = arith.constant 10 : i32
        %parallel_loop3A_660 = vector.broadcast %parallel_loop3A_659 : i32 to vector<16xi32>
        %parallel_loop3A_661 = arith.cmpi eq, %iota3A, %parallel_loop3A_660 : vector<16xi32>
        %parallel_loop3A_662 = arith.constant true
        %parallel_loop3A_663 = vector.broadcast %parallel_loop3A_662 : i1 to vector<16xi1>
        %parallel_loop3A_664 = tpu.scan <sum>, %parallel_loop3A_658 masked %parallel_loop3A_663 : vector<16xf32>, vector<16xi1> -> vector<16xf32>
        %parallel_loop3A_665 = vector.extract %parallel_loop3A_664[15] : f32 from vector<16xf32>
        %parallel_loop3A_666 = vector.broadcast %parallel_loop3A_665 : f32 to vector<16xf32>
        %parallel_loop3A_667 = arith.select %parallel_loop3A_661, %parallel_loop3A_666, %parallel_loop3A_631 : vector<16xi1>, vector<16xf32>
        %parallel_loop3A_668 = arith.constant 0 : i32
        %parallel_loop3A_669 = arith.addi %parallel_loop3A_266, %parallel_loop3A_668 : i32
        %parallel_loop3A_670 = arith.constant 11 : i32
        %parallel_loop3A_671 = arith.addi %parallel_loop3A_669, %parallel_loop3A_670 : i32
        %parallel_loop3A_672 = arith.index_cast %rem3A_116 : i32 to index
        %parallel_loop3A_673 = arith.index_cast %parallel_loop3A_671 : i32 to index
        %parallel_loop3A_674 = arith.constant 0 : index
        %parallel_loop3A_675 = tpu.vector_load %arg8[%parallel_loop3A_672, %parallel_loop3A_673, %parallel_loop3A_674] {strides = array<i32>} : memref<2x400x64xf32, #tpu.memory_space<vmem>>, vector<16xf32>,
        %parallel_loop3A_676 = arith.mulf %parallel_loop3A_252, %parallel_loop3A_675 : vector<16xf32>
        %parallel_loop3A_677 = arith.index_cast %rem3A_116 : i32 to index
        %parallel_loop3A_678 = arith.index_cast %parallel_loop3A_671 : i32 to index
        %parallel_loop3A_679 = arith.constant 16 : index
        %parallel_loop3A_680 = tpu.vector_load %arg8[%parallel_loop3A_677, %parallel_loop3A_678, %parallel_loop3A_679] {strides = array<i32>} : memref<2x400x64xf32, #tpu.memory_space<vmem>>, vector<16xf32>,
        %parallel_loop3A_681 = arith.mulf %parallel_loop3A_256, %parallel_loop3A_680 : vector<16xf32>
        %parallel_loop3A_682 = arith.addf %parallel_loop3A_676, %parallel_loop3A_681 : vector<16xf32>
        %parallel_loop3A_683 = arith.index_cast %rem3A_116 : i32 to index
        %parallel_loop3A_684 = arith.index_cast %parallel_loop3A_671 : i32 to index
        %parallel_loop3A_685 = arith.constant 32 : index
        %parallel_loop3A_686 = tpu.vector_load %arg8[%parallel_loop3A_683, %parallel_loop3A_684, %parallel_loop3A_685] {strides = array<i32>} : memref<2x400x64xf32, #tpu.memory_space<vmem>>, vector<16xf32>,
        %parallel_loop3A_687 = arith.mulf %parallel_loop3A_260, %parallel_loop3A_686 : vector<16xf32>
        %parallel_loop3A_688 = arith.addf %parallel_loop3A_682, %parallel_loop3A_687 : vector<16xf32>
        %parallel_loop3A_689 = arith.index_cast %rem3A_116 : i32 to index
        %parallel_loop3A_690 = arith.index_cast %parallel_loop3A_671 : i32 to index
        %parallel_loop3A_691 = arith.constant 48 : index
        %parallel_loop3A_692 = tpu.vector_load %arg8[%parallel_loop3A_689, %parallel_loop3A_690, %parallel_loop3A_691] {strides = array<i32>} : memref<2x400x64xf32, #tpu.memory_space<vmem>>, vector<16xf32>,
        %parallel_loop3A_693 = arith.mulf %parallel_loop3A_264, %parallel_loop3A_692 : vector<16xf32>
        %parallel_loop3A_694 = arith.addf %parallel_loop3A_688, %parallel_loop3A_693 : vector<16xf32>
        %parallel_loop3A_695 = arith.constant 11 : i32
        %parallel_loop3A_696 = vector.broadcast %parallel_loop3A_695 : i32 to vector<16xi32>
        %parallel_loop3A_697 = arith.cmpi eq, %iota3A, %parallel_loop3A_696 : vector<16xi32>
        %parallel_loop3A_698 = arith.constant true
        %parallel_loop3A_699 = vector.broadcast %parallel_loop3A_698 : i1 to vector<16xi1>
        %parallel_loop3A_700 = tpu.scan <sum>, %parallel_loop3A_694 masked %parallel_loop3A_699 : vector<16xf32>, vector<16xi1> -> vector<16xf32>
        %parallel_loop3A_701 = vector.extract %parallel_loop3A_700[15] : f32 from vector<16xf32>
        %parallel_loop3A_702 = vector.broadcast %parallel_loop3A_701 : f32 to vector<16xf32>
        %parallel_loop3A_703 = arith.select %parallel_loop3A_697, %parallel_loop3A_702, %parallel_loop3A_667 : vector<16xi1>, vector<16xf32>
        %parallel_loop3A_704 = arith.constant 0 : i32
        %parallel_loop3A_705 = arith.addi %parallel_loop3A_266, %parallel_loop3A_704 : i32
        %parallel_loop3A_706 = arith.constant 12 : i32
        %parallel_loop3A_707 = arith.addi %parallel_loop3A_705, %parallel_loop3A_706 : i32
        %parallel_loop3A_708 = arith.index_cast %rem3A_116 : i32 to index
        %parallel_loop3A_709 = arith.index_cast %parallel_loop3A_707 : i32 to index
        %parallel_loop3A_710 = arith.constant 0 : index
        %parallel_loop3A_711 = tpu.vector_load %arg8[%parallel_loop3A_708, %parallel_loop3A_709, %parallel_loop3A_710] {strides = array<i32>} : memref<2x400x64xf32, #tpu.memory_space<vmem>>, vector<16xf32>,
        %parallel_loop3A_712 = arith.mulf %parallel_loop3A_252, %parallel_loop3A_711 : vector<16xf32>
        %parallel_loop3A_713 = arith.index_cast %rem3A_116 : i32 to index
        %parallel_loop3A_714 = arith.index_cast %parallel_loop3A_707 : i32 to index
        %parallel_loop3A_715 = arith.constant 16 : index
        %parallel_loop3A_716 = tpu.vector_load %arg8[%parallel_loop3A_713, %parallel_loop3A_714, %parallel_loop3A_715] {strides = array<i32>} : memref<2x400x64xf32, #tpu.memory_space<vmem>>, vector<16xf32>,
        %parallel_loop3A_717 = arith.mulf %parallel_loop3A_256, %parallel_loop3A_716 : vector<16xf32>
        %parallel_loop3A_718 = arith.addf %parallel_loop3A_712, %parallel_loop3A_717 : vector<16xf32>
        %parallel_loop3A_719 = arith.index_cast %rem3A_116 : i32 to index
        %parallel_loop3A_720 = arith.index_cast %parallel_loop3A_707 : i32 to index
        %parallel_loop3A_721 = arith.constant 32 : index
        %parallel_loop3A_722 = tpu.vector_load %arg8[%parallel_loop3A_719, %parallel_loop3A_720, %parallel_loop3A_721] {strides = array<i32>} : memref<2x400x64xf32, #tpu.memory_space<vmem>>, vector<16xf32>,
        %parallel_loop3A_723 = arith.mulf %parallel_loop3A_260, %parallel_loop3A_722 : vector<16xf32>
        %parallel_loop3A_724 = arith.addf %parallel_loop3A_718, %parallel_loop3A_723 : vector<16xf32>
        %parallel_loop3A_725 = arith.index_cast %rem3A_116 : i32 to index
        %parallel_loop3A_726 = arith.index_cast %parallel_loop3A_707 : i32 to index
        %parallel_loop3A_727 = arith.constant 48 : index
        %parallel_loop3A_728 = tpu.vector_load %arg8[%parallel_loop3A_725, %parallel_loop3A_726, %parallel_loop3A_727] {strides = array<i32>} : memref<2x400x64xf32, #tpu.memory_space<vmem>>, vector<16xf32>,
        %parallel_loop3A_729 = arith.mulf %parallel_loop3A_264, %parallel_loop3A_728 : vector<16xf32>
        %parallel_loop3A_730 = arith.addf %parallel_loop3A_724, %parallel_loop3A_729 : vector<16xf32>
        %parallel_loop3A_731 = arith.constant 12 : i32
        %parallel_loop3A_732 = vector.broadcast %parallel_loop3A_731 : i32 to vector<16xi32>
        %parallel_loop3A_733 = arith.cmpi eq, %iota3A, %parallel_loop3A_732 : vector<16xi32>
        %parallel_loop3A_734 = arith.constant true
        %parallel_loop3A_735 = vector.broadcast %parallel_loop3A_734 : i1 to vector<16xi1>
        %parallel_loop3A_736 = tpu.scan <sum>, %parallel_loop3A_730 masked %parallel_loop3A_735 : vector<16xf32>, vector<16xi1> -> vector<16xf32>
        %parallel_loop3A_737 = vector.extract %parallel_loop3A_736[15] : f32 from vector<16xf32>
        %parallel_loop3A_738 = vector.broadcast %parallel_loop3A_737 : f32 to vector<16xf32>
        %parallel_loop3A_739 = arith.select %parallel_loop3A_733, %parallel_loop3A_738, %parallel_loop3A_703 : vector<16xi1>, vector<16xf32>
        %parallel_loop3A_740 = arith.constant 0 : i32
        %parallel_loop3A_741 = arith.addi %parallel_loop3A_266, %parallel_loop3A_740 : i32
        %parallel_loop3A_742 = arith.constant 13 : i32
        %parallel_loop3A_743 = arith.addi %parallel_loop3A_741, %parallel_loop3A_742 : i32
        %parallel_loop3A_744 = arith.index_cast %rem3A_116 : i32 to index
        %parallel_loop3A_745 = arith.index_cast %parallel_loop3A_743 : i32 to index
        %parallel_loop3A_746 = arith.constant 0 : index
        %parallel_loop3A_747 = tpu.vector_load %arg8[%parallel_loop3A_744, %parallel_loop3A_745, %parallel_loop3A_746] {strides = array<i32>} : memref<2x400x64xf32, #tpu.memory_space<vmem>>, vector<16xf32>,
        %parallel_loop3A_748 = arith.mulf %parallel_loop3A_252, %parallel_loop3A_747 : vector<16xf32>
        %parallel_loop3A_749 = arith.index_cast %rem3A_116 : i32 to index
        %parallel_loop3A_750 = arith.index_cast %parallel_loop3A_743 : i32 to index
        %parallel_loop3A_751 = arith.constant 16 : index
        %parallel_loop3A_752 = tpu.vector_load %arg8[%parallel_loop3A_749, %parallel_loop3A_750, %parallel_loop3A_751] {strides = array<i32>} : memref<2x400x64xf32, #tpu.memory_space<vmem>>, vector<16xf32>,
        %parallel_loop3A_753 = arith.mulf %parallel_loop3A_256, %parallel_loop3A_752 : vector<16xf32>
        %parallel_loop3A_754 = arith.addf %parallel_loop3A_748, %parallel_loop3A_753 : vector<16xf32>
        %parallel_loop3A_755 = arith.index_cast %rem3A_116 : i32 to index
        %parallel_loop3A_756 = arith.index_cast %parallel_loop3A_743 : i32 to index
        %parallel_loop3A_757 = arith.constant 32 : index
        %parallel_loop3A_758 = tpu.vector_load %arg8[%parallel_loop3A_755, %parallel_loop3A_756, %parallel_loop3A_757] {strides = array<i32>} : memref<2x400x64xf32, #tpu.memory_space<vmem>>, vector<16xf32>,
        %parallel_loop3A_759 = arith.mulf %parallel_loop3A_260, %parallel_loop3A_758 : vector<16xf32>
        %parallel_loop3A_760 = arith.addf %parallel_loop3A_754, %parallel_loop3A_759 : vector<16xf32>
        %parallel_loop3A_761 = arith.index_cast %rem3A_116 : i32 to index
        %parallel_loop3A_762 = arith.index_cast %parallel_loop3A_743 : i32 to index
        %parallel_loop3A_763 = arith.constant 48 : index
        %parallel_loop3A_764 = tpu.vector_load %arg8[%parallel_loop3A_761, %parallel_loop3A_762, %parallel_loop3A_763] {strides = array<i32>} : memref<2x400x64xf32, #tpu.memory_space<vmem>>, vector<16xf32>,
        %parallel_loop3A_765 = arith.mulf %parallel_loop3A_264, %parallel_loop3A_764 : vector<16xf32>
        %parallel_loop3A_766 = arith.addf %parallel_loop3A_760, %parallel_loop3A_765 : vector<16xf32>
        %parallel_loop3A_767 = arith.constant 13 : i32
        %parallel_loop3A_768 = vector.broadcast %parallel_loop3A_767 : i32 to vector<16xi32>
        %parallel_loop3A_769 = arith.cmpi eq, %iota3A, %parallel_loop3A_768 : vector<16xi32>
        %parallel_loop3A_770 = arith.constant true
        %parallel_loop3A_771 = vector.broadcast %parallel_loop3A_770 : i1 to vector<16xi1>
        %parallel_loop3A_772 = tpu.scan <sum>, %parallel_loop3A_766 masked %parallel_loop3A_771 : vector<16xf32>, vector<16xi1> -> vector<16xf32>
        %parallel_loop3A_773 = vector.extract %parallel_loop3A_772[15] : f32 from vector<16xf32>
        %parallel_loop3A_774 = vector.broadcast %parallel_loop3A_773 : f32 to vector<16xf32>
        %parallel_loop3A_775 = arith.select %parallel_loop3A_769, %parallel_loop3A_774, %parallel_loop3A_739 : vector<16xi1>, vector<16xf32>
        %parallel_loop3A_776 = arith.constant 0 : i32
        %parallel_loop3A_777 = arith.addi %parallel_loop3A_266, %parallel_loop3A_776 : i32
        %parallel_loop3A_778 = arith.constant 14 : i32
        %parallel_loop3A_779 = arith.addi %parallel_loop3A_777, %parallel_loop3A_778 : i32
        %parallel_loop3A_780 = arith.index_cast %rem3A_116 : i32 to index
        %parallel_loop3A_781 = arith.index_cast %parallel_loop3A_779 : i32 to index
        %parallel_loop3A_782 = arith.constant 0 : index
        %parallel_loop3A_783 = tpu.vector_load %arg8[%parallel_loop3A_780, %parallel_loop3A_781, %parallel_loop3A_782] {strides = array<i32>} : memref<2x400x64xf32, #tpu.memory_space<vmem>>, vector<16xf32>,
        %parallel_loop3A_784 = arith.mulf %parallel_loop3A_252, %parallel_loop3A_783 : vector<16xf32>
        %parallel_loop3A_785 = arith.index_cast %rem3A_116 : i32 to index
        %parallel_loop3A_786 = arith.index_cast %parallel_loop3A_779 : i32 to index
        %parallel_loop3A_787 = arith.constant 16 : index
        %parallel_loop3A_788 = tpu.vector_load %arg8[%parallel_loop3A_785, %parallel_loop3A_786, %parallel_loop3A_787] {strides = array<i32>} : memref<2x400x64xf32, #tpu.memory_space<vmem>>, vector<16xf32>,
        %parallel_loop3A_789 = arith.mulf %parallel_loop3A_256, %parallel_loop3A_788 : vector<16xf32>
        %parallel_loop3A_790 = arith.addf %parallel_loop3A_784, %parallel_loop3A_789 : vector<16xf32>
        %parallel_loop3A_791 = arith.index_cast %rem3A_116 : i32 to index
        %parallel_loop3A_792 = arith.index_cast %parallel_loop3A_779 : i32 to index
        %parallel_loop3A_793 = arith.constant 32 : index
        %parallel_loop3A_794 = tpu.vector_load %arg8[%parallel_loop3A_791, %parallel_loop3A_792, %parallel_loop3A_793] {strides = array<i32>} : memref<2x400x64xf32, #tpu.memory_space<vmem>>, vector<16xf32>,
        %parallel_loop3A_795 = arith.mulf %parallel_loop3A_260, %parallel_loop3A_794 : vector<16xf32>
        %parallel_loop3A_796 = arith.addf %parallel_loop3A_790, %parallel_loop3A_795 : vector<16xf32>
        %parallel_loop3A_797 = arith.index_cast %rem3A_116 : i32 to index
        %parallel_loop3A_798 = arith.index_cast %parallel_loop3A_779 : i32 to index
        %parallel_loop3A_799 = arith.constant 48 : index
        %parallel_loop3A_800 = tpu.vector_load %arg8[%parallel_loop3A_797, %parallel_loop3A_798, %parallel_loop3A_799] {strides = array<i32>} : memref<2x400x64xf32, #tpu.memory_space<vmem>>, vector<16xf32>,
        %parallel_loop3A_801 = arith.mulf %parallel_loop3A_264, %parallel_loop3A_800 : vector<16xf32>
        %parallel_loop3A_802 = arith.addf %parallel_loop3A_796, %parallel_loop3A_801 : vector<16xf32>
        %parallel_loop3A_803 = arith.constant 14 : i32
        %parallel_loop3A_804 = vector.broadcast %parallel_loop3A_803 : i32 to vector<16xi32>
        %parallel_loop3A_805 = arith.cmpi eq, %iota3A, %parallel_loop3A_804 : vector<16xi32>
        %parallel_loop3A_806 = arith.constant true
        %parallel_loop3A_807 = vector.broadcast %parallel_loop3A_806 : i1 to vector<16xi1>
        %parallel_loop3A_808 = tpu.scan <sum>, %parallel_loop3A_802 masked %parallel_loop3A_807 : vector<16xf32>, vector<16xi1> -> vector<16xf32>
        %parallel_loop3A_809 = vector.extract %parallel_loop3A_808[15] : f32 from vector<16xf32>
        %parallel_loop3A_810 = vector.broadcast %parallel_loop3A_809 : f32 to vector<16xf32>
        %parallel_loop3A_811 = arith.select %parallel_loop3A_805, %parallel_loop3A_810, %parallel_loop3A_775 : vector<16xi1>, vector<16xf32>
        %parallel_loop3A_812 = arith.constant 0 : i32
        %parallel_loop3A_813 = arith.addi %parallel_loop3A_266, %parallel_loop3A_812 : i32
        %parallel_loop3A_814 = arith.constant 15 : i32
        %parallel_loop3A_815 = arith.addi %parallel_loop3A_813, %parallel_loop3A_814 : i32
        %parallel_loop3A_816 = arith.index_cast %rem3A_116 : i32 to index
        %parallel_loop3A_817 = arith.index_cast %parallel_loop3A_815 : i32 to index
        %parallel_loop3A_818 = arith.constant 0 : index
        %parallel_loop3A_819 = tpu.vector_load %arg8[%parallel_loop3A_816, %parallel_loop3A_817, %parallel_loop3A_818] {strides = array<i32>} : memref<2x400x64xf32, #tpu.memory_space<vmem>>, vector<16xf32>,
        %parallel_loop3A_820 = arith.mulf %parallel_loop3A_252, %parallel_loop3A_819 : vector<16xf32>
        %parallel_loop3A_821 = arith.index_cast %rem3A_116 : i32 to index
        %parallel_loop3A_822 = arith.index_cast %parallel_loop3A_815 : i32 to index
        %parallel_loop3A_823 = arith.constant 16 : index
        %parallel_loop3A_824 = tpu.vector_load %arg8[%parallel_loop3A_821, %parallel_loop3A_822, %parallel_loop3A_823] {strides = array<i32>} : memref<2x400x64xf32, #tpu.memory_space<vmem>>, vector<16xf32>,
        %parallel_loop3A_825 = arith.mulf %parallel_loop3A_256, %parallel_loop3A_824 : vector<16xf32>
        %parallel_loop3A_826 = arith.addf %parallel_loop3A_820, %parallel_loop3A_825 : vector<16xf32>
        %parallel_loop3A_827 = arith.index_cast %rem3A_116 : i32 to index
        %parallel_loop3A_828 = arith.index_cast %parallel_loop3A_815 : i32 to index
        %parallel_loop3A_829 = arith.constant 32 : index
        %parallel_loop3A_830 = tpu.vector_load %arg8[%parallel_loop3A_827, %parallel_loop3A_828, %parallel_loop3A_829] {strides = array<i32>} : memref<2x400x64xf32, #tpu.memory_space<vmem>>, vector<16xf32>,
        %parallel_loop3A_831 = arith.mulf %parallel_loop3A_260, %parallel_loop3A_830 : vector<16xf32>
        %parallel_loop3A_832 = arith.addf %parallel_loop3A_826, %parallel_loop3A_831 : vector<16xf32>
        %parallel_loop3A_833 = arith.index_cast %rem3A_116 : i32 to index
        %parallel_loop3A_834 = arith.index_cast %parallel_loop3A_815 : i32 to index
        %parallel_loop3A_835 = arith.constant 48 : index
        %parallel_loop3A_836 = tpu.vector_load %arg8[%parallel_loop3A_833, %parallel_loop3A_834, %parallel_loop3A_835] {strides = array<i32>} : memref<2x400x64xf32, #tpu.memory_space<vmem>>, vector<16xf32>,
        %parallel_loop3A_837 = arith.mulf %parallel_loop3A_264, %parallel_loop3A_836 : vector<16xf32>
        %parallel_loop3A_838 = arith.addf %parallel_loop3A_832, %parallel_loop3A_837 : vector<16xf32>
        %parallel_loop3A_839 = arith.constant 15 : i32
        %parallel_loop3A_840 = vector.broadcast %parallel_loop3A_839 : i32 to vector<16xi32>
        %parallel_loop3A_841 = arith.cmpi eq, %iota3A, %parallel_loop3A_840 : vector<16xi32>
        %parallel_loop3A_842 = arith.constant true
        %parallel_loop3A_843 = vector.broadcast %parallel_loop3A_842 : i1 to vector<16xi1>
        %parallel_loop3A_844 = tpu.scan <sum>, %parallel_loop3A_838 masked %parallel_loop3A_843 : vector<16xf32>, vector<16xi1> -> vector<16xf32>
        %parallel_loop3A_845 = vector.extract %parallel_loop3A_844[15] : f32 from vector<16xf32>
        %parallel_loop3A_846 = vector.broadcast %parallel_loop3A_845 : f32 to vector<16xf32>
        %parallel_loop3A_847 = arith.select %parallel_loop3A_841, %parallel_loop3A_846, %parallel_loop3A_811 : vector<16xi1>, vector<16xf32>
        %parallel_loop3A_848 = arith.constant 64 : i32
        %parallel_loop3A_849 = arith.muli %parallel_loop3A_269, %parallel_loop3A_848 : i32
        %parallel_loop3A_850 = arith.constant 0 : i32
        %parallel_loop3A_851 = arith.addi %parallel_loop3A_849, %parallel_loop3A_850 : i32
        %parallel_loop3A_852 = arith.index_cast %parallel_loop3A_851 : i32 to index
        %parallel_loop3A_853 = tpu.vector_load %arg10[%parallel_loop3A_852] {strides = array<i32>} : memref<32768xf32, #tpu.memory_space<vmem>>, vector<16xf32>,
        tpu.vector_store %arg10[%parallel_loop3A_852], %parallel_loop3A_847 {strides = array<i32>} : memref<32768xf32, #tpu.memory_space<vmem>>, vector<16xf32>,
        %parallel_loop3A_854 = arith.constant 0.000000e+00 : f32
        %parallel_loop3A_855 = vector.broadcast %parallel_loop3A_854 : f32 to vector<16xf32>
        %parallel_loop3A_856 = arith.constant 16 : i32
        %parallel_loop3A_857 = arith.addi %parallel_loop3A_266, %parallel_loop3A_856 : i32
        %parallel_loop3A_858 = arith.constant 0 : i32
        %parallel_loop3A_859 = arith.addi %parallel_loop3A_857, %parallel_loop3A_858 : i32
        %parallel_loop3A_860 = arith.index_cast %rem3A_116 : i32 to index
        %parallel_loop3A_861 = arith.index_cast %parallel_loop3A_859 : i32 to index
        %parallel_loop3A_862 = arith.constant 0 : index
        %parallel_loop3A_863 = tpu.vector_load %arg8[%parallel_loop3A_860, %parallel_loop3A_861, %parallel_loop3A_862] {strides = array<i32>} : memref<2x400x64xf32, #tpu.memory_space<vmem>>, vector<16xf32>,
        %parallel_loop3A_864 = arith.mulf %parallel_loop3A_252, %parallel_loop3A_863 : vector<16xf32>
        %parallel_loop3A_865 = arith.index_cast %rem3A_116 : i32 to index
        %parallel_loop3A_866 = arith.index_cast %parallel_loop3A_859 : i32 to index
        %parallel_loop3A_867 = arith.constant 16 : index
        %parallel_loop3A_868 = tpu.vector_load %arg8[%parallel_loop3A_865, %parallel_loop3A_866, %parallel_loop3A_867] {strides = array<i32>} : memref<2x400x64xf32, #tpu.memory_space<vmem>>, vector<16xf32>,
        %parallel_loop3A_869 = arith.mulf %parallel_loop3A_256, %parallel_loop3A_868 : vector<16xf32>
        %parallel_loop3A_870 = arith.addf %parallel_loop3A_864, %parallel_loop3A_869 : vector<16xf32>
        %parallel_loop3A_871 = arith.index_cast %rem3A_116 : i32 to index
        %parallel_loop3A_872 = arith.index_cast %parallel_loop3A_859 : i32 to index
        %parallel_loop3A_873 = arith.constant 32 : index
        %parallel_loop3A_874 = tpu.vector_load %arg8[%parallel_loop3A_871, %parallel_loop3A_872, %parallel_loop3A_873] {strides = array<i32>} : memref<2x400x64xf32, #tpu.memory_space<vmem>>, vector<16xf32>,
        %parallel_loop3A_875 = arith.mulf %parallel_loop3A_260, %parallel_loop3A_874 : vector<16xf32>
        %parallel_loop3A_876 = arith.addf %parallel_loop3A_870, %parallel_loop3A_875 : vector<16xf32>
        %parallel_loop3A_877 = arith.index_cast %rem3A_116 : i32 to index
        %parallel_loop3A_878 = arith.index_cast %parallel_loop3A_859 : i32 to index
        %parallel_loop3A_879 = arith.constant 48 : index
        %parallel_loop3A_880 = tpu.vector_load %arg8[%parallel_loop3A_877, %parallel_loop3A_878, %parallel_loop3A_879] {strides = array<i32>} : memref<2x400x64xf32, #tpu.memory_space<vmem>>, vector<16xf32>,
        %parallel_loop3A_881 = arith.mulf %parallel_loop3A_264, %parallel_loop3A_880 : vector<16xf32>
        %parallel_loop3A_882 = arith.addf %parallel_loop3A_876, %parallel_loop3A_881 : vector<16xf32>
        %parallel_loop3A_883 = arith.constant 0 : i32
        %parallel_loop3A_884 = vector.broadcast %parallel_loop3A_883 : i32 to vector<16xi32>
        %parallel_loop3A_885 = arith.cmpi eq, %iota3A, %parallel_loop3A_884 : vector<16xi32>
        %parallel_loop3A_886 = arith.constant true
        %parallel_loop3A_887 = vector.broadcast %parallel_loop3A_886 : i1 to vector<16xi1>
        %parallel_loop3A_888 = tpu.scan <sum>, %parallel_loop3A_882 masked %parallel_loop3A_887 : vector<16xf32>, vector<16xi1> -> vector<16xf32>
        %parallel_loop3A_889 = vector.extract %parallel_loop3A_888[15] : f32 from vector<16xf32>
        %parallel_loop3A_890 = vector.broadcast %parallel_loop3A_889 : f32 to vector<16xf32>
        %parallel_loop3A_891 = arith.select %parallel_loop3A_885, %parallel_loop3A_890, %parallel_loop3A_855 : vector<16xi1>, vector<16xf32>
        %parallel_loop3A_892 = arith.constant 16 : i32
        %parallel_loop3A_893 = arith.addi %parallel_loop3A_266, %parallel_loop3A_892 : i32
        %parallel_loop3A_894 = arith.constant 1 : i32
        %parallel_loop3A_895 = arith.addi %parallel_loop3A_893, %parallel_loop3A_894 : i32
        %parallel_loop3A_896 = arith.index_cast %rem3A_116 : i32 to index
        %parallel_loop3A_897 = arith.index_cast %parallel_loop3A_895 : i32 to index
        %parallel_loop3A_898 = arith.constant 0 : index
        %parallel_loop3A_899 = tpu.vector_load %arg8[%parallel_loop3A_896, %parallel_loop3A_897, %parallel_loop3A_898] {strides = array<i32>} : memref<2x400x64xf32, #tpu.memory_space<vmem>>, vector<16xf32>,
        %parallel_loop3A_900 = arith.mulf %parallel_loop3A_252, %parallel_loop3A_899 : vector<16xf32>
        %parallel_loop3A_901 = arith.index_cast %rem3A_116 : i32 to index
        %parallel_loop3A_902 = arith.index_cast %parallel_loop3A_895 : i32 to index
        %parallel_loop3A_903 = arith.constant 16 : index
        %parallel_loop3A_904 = tpu.vector_load %arg8[%parallel_loop3A_901, %parallel_loop3A_902, %parallel_loop3A_903] {strides = array<i32>} : memref<2x400x64xf32, #tpu.memory_space<vmem>>, vector<16xf32>,
        %parallel_loop3A_905 = arith.mulf %parallel_loop3A_256, %parallel_loop3A_904 : vector<16xf32>
        %parallel_loop3A_906 = arith.addf %parallel_loop3A_900, %parallel_loop3A_905 : vector<16xf32>
        %parallel_loop3A_907 = arith.index_cast %rem3A_116 : i32 to index
        %parallel_loop3A_908 = arith.index_cast %parallel_loop3A_895 : i32 to index
        %parallel_loop3A_909 = arith.constant 32 : index
        %parallel_loop3A_910 = tpu.vector_load %arg8[%parallel_loop3A_907, %parallel_loop3A_908, %parallel_loop3A_909] {strides = array<i32>} : memref<2x400x64xf32, #tpu.memory_space<vmem>>, vector<16xf32>,
        %parallel_loop3A_911 = arith.mulf %parallel_loop3A_260, %parallel_loop3A_910 : vector<16xf32>
        %parallel_loop3A_912 = arith.addf %parallel_loop3A_906, %parallel_loop3A_911 : vector<16xf32>
        %parallel_loop3A_913 = arith.index_cast %rem3A_116 : i32 to index
        %parallel_loop3A_914 = arith.index_cast %parallel_loop3A_895 : i32 to index
        %parallel_loop3A_915 = arith.constant 48 : index
        %parallel_loop3A_916 = tpu.vector_load %arg8[%parallel_loop3A_913, %parallel_loop3A_914, %parallel_loop3A_915] {strides = array<i32>} : memref<2x400x64xf32, #tpu.memory_space<vmem>>, vector<16xf32>,
        %parallel_loop3A_917 = arith.mulf %parallel_loop3A_264, %parallel_loop3A_916 : vector<16xf32>
        %parallel_loop3A_918 = arith.addf %parallel_loop3A_912, %parallel_loop3A_917 : vector<16xf32>
        %parallel_loop3A_919 = arith.constant 1 : i32
        %parallel_loop3A_920 = vector.broadcast %parallel_loop3A_919 : i32 to vector<16xi32>
        %parallel_loop3A_921 = arith.cmpi eq, %iota3A, %parallel_loop3A_920 : vector<16xi32>
        %parallel_loop3A_922 = arith.constant true
        %parallel_loop3A_923 = vector.broadcast %parallel_loop3A_922 : i1 to vector<16xi1>
        %parallel_loop3A_924 = tpu.scan <sum>, %parallel_loop3A_918 masked %parallel_loop3A_923 : vector<16xf32>, vector<16xi1> -> vector<16xf32>
        %parallel_loop3A_925 = vector.extract %parallel_loop3A_924[15] : f32 from vector<16xf32>
        %parallel_loop3A_926 = vector.broadcast %parallel_loop3A_925 : f32 to vector<16xf32>
        %parallel_loop3A_927 = arith.select %parallel_loop3A_921, %parallel_loop3A_926, %parallel_loop3A_891 : vector<16xi1>, vector<16xf32>
        %parallel_loop3A_928 = arith.constant 16 : i32
        %parallel_loop3A_929 = arith.addi %parallel_loop3A_266, %parallel_loop3A_928 : i32
        %parallel_loop3A_930 = arith.constant 2 : i32
        %parallel_loop3A_931 = arith.addi %parallel_loop3A_929, %parallel_loop3A_930 : i32
        %parallel_loop3A_932 = arith.index_cast %rem3A_116 : i32 to index
        %parallel_loop3A_933 = arith.index_cast %parallel_loop3A_931 : i32 to index
        %parallel_loop3A_934 = arith.constant 0 : index
        %parallel_loop3A_935 = tpu.vector_load %arg8[%parallel_loop3A_932, %parallel_loop3A_933, %parallel_loop3A_934] {strides = array<i32>} : memref<2x400x64xf32, #tpu.memory_space<vmem>>, vector<16xf32>,
        %parallel_loop3A_936 = arith.mulf %parallel_loop3A_252, %parallel_loop3A_935 : vector<16xf32>
        %parallel_loop3A_937 = arith.index_cast %rem3A_116 : i32 to index
        %parallel_loop3A_938 = arith.index_cast %parallel_loop3A_931 : i32 to index
        %parallel_loop3A_939 = arith.constant 16 : index
        %parallel_loop3A_940 = tpu.vector_load %arg8[%parallel_loop3A_937, %parallel_loop3A_938, %parallel_loop3A_939] {strides = array<i32>} : memref<2x400x64xf32, #tpu.memory_space<vmem>>, vector<16xf32>,
        %parallel_loop3A_941 = arith.mulf %parallel_loop3A_256, %parallel_loop3A_940 : vector<16xf32>
        %parallel_loop3A_942 = arith.addf %parallel_loop3A_936, %parallel_loop3A_941 : vector<16xf32>
        %parallel_loop3A_943 = arith.index_cast %rem3A_116 : i32 to index
        %parallel_loop3A_944 = arith.index_cast %parallel_loop3A_931 : i32 to index
        %parallel_loop3A_945 = arith.constant 32 : index
        %parallel_loop3A_946 = tpu.vector_load %arg8[%parallel_loop3A_943, %parallel_loop3A_944, %parallel_loop3A_945] {strides = array<i32>} : memref<2x400x64xf32, #tpu.memory_space<vmem>>, vector<16xf32>,
        %parallel_loop3A_947 = arith.mulf %parallel_loop3A_260, %parallel_loop3A_946 : vector<16xf32>
        %parallel_loop3A_948 = arith.addf %parallel_loop3A_942, %parallel_loop3A_947 : vector<16xf32>
        %parallel_loop3A_949 = arith.index_cast %rem3A_116 : i32 to index
        %parallel_loop3A_950 = arith.index_cast %parallel_loop3A_931 : i32 to index
        %parallel_loop3A_951 = arith.constant 48 : index
        %parallel_loop3A_952 = tpu.vector_load %arg8[%parallel_loop3A_949, %parallel_loop3A_950, %parallel_loop3A_951] {strides = array<i32>} : memref<2x400x64xf32, #tpu.memory_space<vmem>>, vector<16xf32>,
        %parallel_loop3A_953 = arith.mulf %parallel_loop3A_264, %parallel_loop3A_952 : vector<16xf32>
        %parallel_loop3A_954 = arith.addf %parallel_loop3A_948, %parallel_loop3A_953 : vector<16xf32>
        %parallel_loop3A_955 = arith.constant 2 : i32
        %parallel_loop3A_956 = vector.broadcast %parallel_loop3A_955 : i32 to vector<16xi32>
        %parallel_loop3A_957 = arith.cmpi eq, %iota3A, %parallel_loop3A_956 : vector<16xi32>
        %parallel_loop3A_958 = arith.constant true
        %parallel_loop3A_959 = vector.broadcast %parallel_loop3A_958 : i1 to vector<16xi1>
        %parallel_loop3A_960 = tpu.scan <sum>, %parallel_loop3A_954 masked %parallel_loop3A_959 : vector<16xf32>, vector<16xi1> -> vector<16xf32>
        %parallel_loop3A_961 = vector.extract %parallel_loop3A_960[15] : f32 from vector<16xf32>
        %parallel_loop3A_962 = vector.broadcast %parallel_loop3A_961 : f32 to vector<16xf32>
        %parallel_loop3A_963 = arith.select %parallel_loop3A_957, %parallel_loop3A_962, %parallel_loop3A_927 : vector<16xi1>, vector<16xf32>
        %parallel_loop3A_964 = arith.constant 16 : i32
        %parallel_loop3A_965 = arith.addi %parallel_loop3A_266, %parallel_loop3A_964 : i32
        %parallel_loop3A_966 = arith.constant 3 : i32
        %parallel_loop3A_967 = arith.addi %parallel_loop3A_965, %parallel_loop3A_966 : i32
        %parallel_loop3A_968 = arith.index_cast %rem3A_116 : i32 to index
        %parallel_loop3A_969 = arith.index_cast %parallel_loop3A_967 : i32 to index
        %parallel_loop3A_970 = arith.constant 0 : index
        %parallel_loop3A_971 = tpu.vector_load %arg8[%parallel_loop3A_968, %parallel_loop3A_969, %parallel_loop3A_970] {strides = array<i32>} : memref<2x400x64xf32, #tpu.memory_space<vmem>>, vector<16xf32>,
        %parallel_loop3A_972 = arith.mulf %parallel_loop3A_252, %parallel_loop3A_971 : vector<16xf32>
        %parallel_loop3A_973 = arith.index_cast %rem3A_116 : i32 to index
        %parallel_loop3A_974 = arith.index_cast %parallel_loop3A_967 : i32 to index
        %parallel_loop3A_975 = arith.constant 16 : index
        %parallel_loop3A_976 = tpu.vector_load %arg8[%parallel_loop3A_973, %parallel_loop3A_974, %parallel_loop3A_975] {strides = array<i32>} : memref<2x400x64xf32, #tpu.memory_space<vmem>>, vector<16xf32>,
        %parallel_loop3A_977 = arith.mulf %parallel_loop3A_256, %parallel_loop3A_976 : vector<16xf32>
        %parallel_loop3A_978 = arith.addf %parallel_loop3A_972, %parallel_loop3A_977 : vector<16xf32>
        %parallel_loop3A_979 = arith.index_cast %rem3A_116 : i32 to index
        %parallel_loop3A_980 = arith.index_cast %parallel_loop3A_967 : i32 to index
        %parallel_loop3A_981 = arith.constant 32 : index
        %parallel_loop3A_982 = tpu.vector_load %arg8[%parallel_loop3A_979, %parallel_loop3A_980, %parallel_loop3A_981] {strides = array<i32>} : memref<2x400x64xf32, #tpu.memory_space<vmem>>, vector<16xf32>,
        %parallel_loop3A_983 = arith.mulf %parallel_loop3A_260, %parallel_loop3A_982 : vector<16xf32>
        %parallel_loop3A_984 = arith.addf %parallel_loop3A_978, %parallel_loop3A_983 : vector<16xf32>
        %parallel_loop3A_985 = arith.index_cast %rem3A_116 : i32 to index
        %parallel_loop3A_986 = arith.index_cast %parallel_loop3A_967 : i32 to index
        %parallel_loop3A_987 = arith.constant 48 : index
        %parallel_loop3A_988 = tpu.vector_load %arg8[%parallel_loop3A_985, %parallel_loop3A_986, %parallel_loop3A_987] {strides = array<i32>} : memref<2x400x64xf32, #tpu.memory_space<vmem>>, vector<16xf32>,
        %parallel_loop3A_989 = arith.mulf %parallel_loop3A_264, %parallel_loop3A_988 : vector<16xf32>
        %parallel_loop3A_990 = arith.addf %parallel_loop3A_984, %parallel_loop3A_989 : vector<16xf32>
        %parallel_loop3A_991 = arith.constant 3 : i32
        %parallel_loop3A_992 = vector.broadcast %parallel_loop3A_991 : i32 to vector<16xi32>
        %parallel_loop3A_993 = arith.cmpi eq, %iota3A, %parallel_loop3A_992 : vector<16xi32>
        %parallel_loop3A_994 = arith.constant true
        %parallel_loop3A_995 = vector.broadcast %parallel_loop3A_994 : i1 to vector<16xi1>
        %parallel_loop3A_996 = tpu.scan <sum>, %parallel_loop3A_990 masked %parallel_loop3A_995 : vector<16xf32>, vector<16xi1> -> vector<16xf32>
        %parallel_loop3A_997 = vector.extract %parallel_loop3A_996[15] : f32 from vector<16xf32>
        %parallel_loop3A_998 = vector.broadcast %parallel_loop3A_997 : f32 to vector<16xf32>
        %parallel_loop3A_999 = arith.select %parallel_loop3A_993, %parallel_loop3A_998, %parallel_loop3A_963 : vector<16xi1>, vector<16xf32>
        %parallel_loop3A_1000 = arith.constant 16 : i32
        %parallel_loop3A_1001 = arith.addi %parallel_loop3A_266, %parallel_loop3A_1000 : i32
        %parallel_loop3A_1002 = arith.constant 4 : i32
        %parallel_loop3A_1003 = arith.addi %parallel_loop3A_1001, %parallel_loop3A_1002 : i32
        %parallel_loop3A_1004 = arith.index_cast %rem3A_116 : i32 to index
        %parallel_loop3A_1005 = arith.index_cast %parallel_loop3A_1003 : i32 to index
        %parallel_loop3A_1006 = arith.constant 0 : index
        %parallel_loop3A_1007 = tpu.vector_load %arg8[%parallel_loop3A_1004, %parallel_loop3A_1005, %parallel_loop3A_1006] {strides = array<i32>} : memref<2x400x64xf32, #tpu.memory_space<vmem>>, vector<16xf32>,
        %parallel_loop3A_1008 = arith.mulf %parallel_loop3A_252, %parallel_loop3A_1007 : vector<16xf32>
        %parallel_loop3A_1009 = arith.index_cast %rem3A_116 : i32 to index
        %parallel_loop3A_1010 = arith.index_cast %parallel_loop3A_1003 : i32 to index
        %parallel_loop3A_1011 = arith.constant 16 : index
        %parallel_loop3A_1012 = tpu.vector_load %arg8[%parallel_loop3A_1009, %parallel_loop3A_1010, %parallel_loop3A_1011] {strides = array<i32>} : memref<2x400x64xf32, #tpu.memory_space<vmem>>, vector<16xf32>,
        %parallel_loop3A_1013 = arith.mulf %parallel_loop3A_256, %parallel_loop3A_1012 : vector<16xf32>
        %parallel_loop3A_1014 = arith.addf %parallel_loop3A_1008, %parallel_loop3A_1013 : vector<16xf32>
        %parallel_loop3A_1015 = arith.index_cast %rem3A_116 : i32 to index
        %parallel_loop3A_1016 = arith.index_cast %parallel_loop3A_1003 : i32 to index
        %parallel_loop3A_1017 = arith.constant 32 : index
        %parallel_loop3A_1018 = tpu.vector_load %arg8[%parallel_loop3A_1015, %parallel_loop3A_1016, %parallel_loop3A_1017] {strides = array<i32>} : memref<2x400x64xf32, #tpu.memory_space<vmem>>, vector<16xf32>,
        %parallel_loop3A_1019 = arith.mulf %parallel_loop3A_260, %parallel_loop3A_1018 : vector<16xf32>
        %parallel_loop3A_1020 = arith.addf %parallel_loop3A_1014, %parallel_loop3A_1019 : vector<16xf32>
        %parallel_loop3A_1021 = arith.index_cast %rem3A_116 : i32 to index
        %parallel_loop3A_1022 = arith.index_cast %parallel_loop3A_1003 : i32 to index
        %parallel_loop3A_1023 = arith.constant 48 : index
        %parallel_loop3A_1024 = tpu.vector_load %arg8[%parallel_loop3A_1021, %parallel_loop3A_1022, %parallel_loop3A_1023] {strides = array<i32>} : memref<2x400x64xf32, #tpu.memory_space<vmem>>, vector<16xf32>,
        %parallel_loop3A_1025 = arith.mulf %parallel_loop3A_264, %parallel_loop3A_1024 : vector<16xf32>
        %parallel_loop3A_1026 = arith.addf %parallel_loop3A_1020, %parallel_loop3A_1025 : vector<16xf32>
        %parallel_loop3A_1027 = arith.constant 4 : i32
        %parallel_loop3A_1028 = vector.broadcast %parallel_loop3A_1027 : i32 to vector<16xi32>
        %parallel_loop3A_1029 = arith.cmpi eq, %iota3A, %parallel_loop3A_1028 : vector<16xi32>
        %parallel_loop3A_1030 = arith.constant true
        %parallel_loop3A_1031 = vector.broadcast %parallel_loop3A_1030 : i1 to vector<16xi1>
        %parallel_loop3A_1032 = tpu.scan <sum>, %parallel_loop3A_1026 masked %parallel_loop3A_1031 : vector<16xf32>, vector<16xi1> -> vector<16xf32>
        %parallel_loop3A_1033 = vector.extract %parallel_loop3A_1032[15] : f32 from vector<16xf32>
        %parallel_loop3A_1034 = vector.broadcast %parallel_loop3A_1033 : f32 to vector<16xf32>
        %parallel_loop3A_1035 = arith.select %parallel_loop3A_1029, %parallel_loop3A_1034, %parallel_loop3A_999 : vector<16xi1>, vector<16xf32>
        %parallel_loop3A_1036 = arith.constant 16 : i32
        %parallel_loop3A_1037 = arith.addi %parallel_loop3A_266, %parallel_loop3A_1036 : i32
        %parallel_loop3A_1038 = arith.constant 5 : i32
        %parallel_loop3A_1039 = arith.addi %parallel_loop3A_1037, %parallel_loop3A_1038 : i32
        %parallel_loop3A_1040 = arith.index_cast %rem3A_116 : i32 to index
        %parallel_loop3A_1041 = arith.index_cast %parallel_loop3A_1039 : i32 to index
        %parallel_loop3A_1042 = arith.constant 0 : index
        %parallel_loop3A_1043 = tpu.vector_load %arg8[%parallel_loop3A_1040, %parallel_loop3A_1041, %parallel_loop3A_1042] {strides = array<i32>} : memref<2x400x64xf32, #tpu.memory_space<vmem>>, vector<16xf32>,
        %parallel_loop3A_1044 = arith.mulf %parallel_loop3A_252, %parallel_loop3A_1043 : vector<16xf32>
        %parallel_loop3A_1045 = arith.index_cast %rem3A_116 : i32 to index
        %parallel_loop3A_1046 = arith.index_cast %parallel_loop3A_1039 : i32 to index
        %parallel_loop3A_1047 = arith.constant 16 : index
        %parallel_loop3A_1048 = tpu.vector_load %arg8[%parallel_loop3A_1045, %parallel_loop3A_1046, %parallel_loop3A_1047] {strides = array<i32>} : memref<2x400x64xf32, #tpu.memory_space<vmem>>, vector<16xf32>,
        %parallel_loop3A_1049 = arith.mulf %parallel_loop3A_256, %parallel_loop3A_1048 : vector<16xf32>
        %parallel_loop3A_1050 = arith.addf %parallel_loop3A_1044, %parallel_loop3A_1049 : vector<16xf32>
        %parallel_loop3A_1051 = arith.index_cast %rem3A_116 : i32 to index
        %parallel_loop3A_1052 = arith.index_cast %parallel_loop3A_1039 : i32 to index
        %parallel_loop3A_1053 = arith.constant 32 : index
        %parallel_loop3A_1054 = tpu.vector_load %arg8[%parallel_loop3A_1051, %parallel_loop3A_1052, %parallel_loop3A_1053] {strides = array<i32>} : memref<2x400x64xf32, #tpu.memory_space<vmem>>, vector<16xf32>,
        %parallel_loop3A_1055 = arith.mulf %parallel_loop3A_260, %parallel_loop3A_1054 : vector<16xf32>
        %parallel_loop3A_1056 = arith.addf %parallel_loop3A_1050, %parallel_loop3A_1055 : vector<16xf32>
        %parallel_loop3A_1057 = arith.index_cast %rem3A_116 : i32 to index
        %parallel_loop3A_1058 = arith.index_cast %parallel_loop3A_1039 : i32 to index
        %parallel_loop3A_1059 = arith.constant 48 : index
        %parallel_loop3A_1060 = tpu.vector_load %arg8[%parallel_loop3A_1057, %parallel_loop3A_1058, %parallel_loop3A_1059] {strides = array<i32>} : memref<2x400x64xf32, #tpu.memory_space<vmem>>, vector<16xf32>,
        %parallel_loop3A_1061 = arith.mulf %parallel_loop3A_264, %parallel_loop3A_1060 : vector<16xf32>
        %parallel_loop3A_1062 = arith.addf %parallel_loop3A_1056, %parallel_loop3A_1061 : vector<16xf32>
        %parallel_loop3A_1063 = arith.constant 5 : i32
        %parallel_loop3A_1064 = vector.broadcast %parallel_loop3A_1063 : i32 to vector<16xi32>
        %parallel_loop3A_1065 = arith.cmpi eq, %iota3A, %parallel_loop3A_1064 : vector<16xi32>
        %parallel_loop3A_1066 = arith.constant true
        %parallel_loop3A_1067 = vector.broadcast %parallel_loop3A_1066 : i1 to vector<16xi1>
        %parallel_loop3A_1068 = tpu.scan <sum>, %parallel_loop3A_1062 masked %parallel_loop3A_1067 : vector<16xf32>, vector<16xi1> -> vector<16xf32>
        %parallel_loop3A_1069 = vector.extract %parallel_loop3A_1068[15] : f32 from vector<16xf32>
        %parallel_loop3A_1070 = vector.broadcast %parallel_loop3A_1069 : f32 to vector<16xf32>
        %parallel_loop3A_1071 = arith.select %parallel_loop3A_1065, %parallel_loop3A_1070, %parallel_loop3A_1035 : vector<16xi1>, vector<16xf32>
        %parallel_loop3A_1072 = arith.constant 16 : i32
        %parallel_loop3A_1073 = arith.addi %parallel_loop3A_266, %parallel_loop3A_1072 : i32
        %parallel_loop3A_1074 = arith.constant 6 : i32
        %parallel_loop3A_1075 = arith.addi %parallel_loop3A_1073, %parallel_loop3A_1074 : i32
        %parallel_loop3A_1076 = arith.index_cast %rem3A_116 : i32 to index
        %parallel_loop3A_1077 = arith.index_cast %parallel_loop3A_1075 : i32 to index
        %parallel_loop3A_1078 = arith.constant 0 : index
        %parallel_loop3A_1079 = tpu.vector_load %arg8[%parallel_loop3A_1076, %parallel_loop3A_1077, %parallel_loop3A_1078] {strides = array<i32>} : memref<2x400x64xf32, #tpu.memory_space<vmem>>, vector<16xf32>,
        %parallel_loop3A_1080 = arith.mulf %parallel_loop3A_252, %parallel_loop3A_1079 : vector<16xf32>
        %parallel_loop3A_1081 = arith.index_cast %rem3A_116 : i32 to index
        %parallel_loop3A_1082 = arith.index_cast %parallel_loop3A_1075 : i32 to index
        %parallel_loop3A_1083 = arith.constant 16 : index
        %parallel_loop3A_1084 = tpu.vector_load %arg8[%parallel_loop3A_1081, %parallel_loop3A_1082, %parallel_loop3A_1083] {strides = array<i32>} : memref<2x400x64xf32, #tpu.memory_space<vmem>>, vector<16xf32>,
        %parallel_loop3A_1085 = arith.mulf %parallel_loop3A_256, %parallel_loop3A_1084 : vector<16xf32>
        %parallel_loop3A_1086 = arith.addf %parallel_loop3A_1080, %parallel_loop3A_1085 : vector<16xf32>
        %parallel_loop3A_1087 = arith.index_cast %rem3A_116 : i32 to index
        %parallel_loop3A_1088 = arith.index_cast %parallel_loop3A_1075 : i32 to index
        %parallel_loop3A_1089 = arith.constant 32 : index
        %parallel_loop3A_1090 = tpu.vector_load %arg8[%parallel_loop3A_1087, %parallel_loop3A_1088, %parallel_loop3A_1089] {strides = array<i32>} : memref<2x400x64xf32, #tpu.memory_space<vmem>>, vector<16xf32>,
        %parallel_loop3A_1091 = arith.mulf %parallel_loop3A_260, %parallel_loop3A_1090 : vector<16xf32>
        %parallel_loop3A_1092 = arith.addf %parallel_loop3A_1086, %parallel_loop3A_1091 : vector<16xf32>
        %parallel_loop3A_1093 = arith.index_cast %rem3A_116 : i32 to index
        %parallel_loop3A_1094 = arith.index_cast %parallel_loop3A_1075 : i32 to index
        %parallel_loop3A_1095 = arith.constant 48 : index
        %parallel_loop3A_1096 = tpu.vector_load %arg8[%parallel_loop3A_1093, %parallel_loop3A_1094, %parallel_loop3A_1095] {strides = array<i32>} : memref<2x400x64xf32, #tpu.memory_space<vmem>>, vector<16xf32>,
        %parallel_loop3A_1097 = arith.mulf %parallel_loop3A_264, %parallel_loop3A_1096 : vector<16xf32>
        %parallel_loop3A_1098 = arith.addf %parallel_loop3A_1092, %parallel_loop3A_1097 : vector<16xf32>
        %parallel_loop3A_1099 = arith.constant 6 : i32
        %parallel_loop3A_1100 = vector.broadcast %parallel_loop3A_1099 : i32 to vector<16xi32>
        %parallel_loop3A_1101 = arith.cmpi eq, %iota3A, %parallel_loop3A_1100 : vector<16xi32>
        %parallel_loop3A_1102 = arith.constant true
        %parallel_loop3A_1103 = vector.broadcast %parallel_loop3A_1102 : i1 to vector<16xi1>
        %parallel_loop3A_1104 = tpu.scan <sum>, %parallel_loop3A_1098 masked %parallel_loop3A_1103 : vector<16xf32>, vector<16xi1> -> vector<16xf32>
        %parallel_loop3A_1105 = vector.extract %parallel_loop3A_1104[15] : f32 from vector<16xf32>
        %parallel_loop3A_1106 = vector.broadcast %parallel_loop3A_1105 : f32 to vector<16xf32>
        %parallel_loop3A_1107 = arith.select %parallel_loop3A_1101, %parallel_loop3A_1106, %parallel_loop3A_1071 : vector<16xi1>, vector<16xf32>
        %parallel_loop3A_1108 = arith.constant 16 : i32
        %parallel_loop3A_1109 = arith.addi %parallel_loop3A_266, %parallel_loop3A_1108 : i32
        %parallel_loop3A_1110 = arith.constant 7 : i32
        %parallel_loop3A_1111 = arith.addi %parallel_loop3A_1109, %parallel_loop3A_1110 : i32
        %parallel_loop3A_1112 = arith.index_cast %rem3A_116 : i32 to index
        %parallel_loop3A_1113 = arith.index_cast %parallel_loop3A_1111 : i32 to index
        %parallel_loop3A_1114 = arith.constant 0 : index
        %parallel_loop3A_1115 = tpu.vector_load %arg8[%parallel_loop3A_1112, %parallel_loop3A_1113, %parallel_loop3A_1114] {strides = array<i32>} : memref<2x400x64xf32, #tpu.memory_space<vmem>>, vector<16xf32>,
        %parallel_loop3A_1116 = arith.mulf %parallel_loop3A_252, %parallel_loop3A_1115 : vector<16xf32>
        %parallel_loop3A_1117 = arith.index_cast %rem3A_116 : i32 to index
        %parallel_loop3A_1118 = arith.index_cast %parallel_loop3A_1111 : i32 to index
        %parallel_loop3A_1119 = arith.constant 16 : index
        %parallel_loop3A_1120 = tpu.vector_load %arg8[%parallel_loop3A_1117, %parallel_loop3A_1118, %parallel_loop3A_1119] {strides = array<i32>} : memref<2x400x64xf32, #tpu.memory_space<vmem>>, vector<16xf32>,
        %parallel_loop3A_1121 = arith.mulf %parallel_loop3A_256, %parallel_loop3A_1120 : vector<16xf32>
        %parallel_loop3A_1122 = arith.addf %parallel_loop3A_1116, %parallel_loop3A_1121 : vector<16xf32>
        %parallel_loop3A_1123 = arith.index_cast %rem3A_116 : i32 to index
        %parallel_loop3A_1124 = arith.index_cast %parallel_loop3A_1111 : i32 to index
        %parallel_loop3A_1125 = arith.constant 32 : index
        %parallel_loop3A_1126 = tpu.vector_load %arg8[%parallel_loop3A_1123, %parallel_loop3A_1124, %parallel_loop3A_1125] {strides = array<i32>} : memref<2x400x64xf32, #tpu.memory_space<vmem>>, vector<16xf32>,
        %parallel_loop3A_1127 = arith.mulf %parallel_loop3A_260, %parallel_loop3A_1126 : vector<16xf32>
        %parallel_loop3A_1128 = arith.addf %parallel_loop3A_1122, %parallel_loop3A_1127 : vector<16xf32>
        %parallel_loop3A_1129 = arith.index_cast %rem3A_116 : i32 to index
        %parallel_loop3A_1130 = arith.index_cast %parallel_loop3A_1111 : i32 to index
        %parallel_loop3A_1131 = arith.constant 48 : index
        %parallel_loop3A_1132 = tpu.vector_load %arg8[%parallel_loop3A_1129, %parallel_loop3A_1130, %parallel_loop3A_1131] {strides = array<i32>} : memref<2x400x64xf32, #tpu.memory_space<vmem>>, vector<16xf32>,
        %parallel_loop3A_1133 = arith.mulf %parallel_loop3A_264, %parallel_loop3A_1132 : vector<16xf32>
        %parallel_loop3A_1134 = arith.addf %parallel_loop3A_1128, %parallel_loop3A_1133 : vector<16xf32>
        %parallel_loop3A_1135 = arith.constant 7 : i32
        %parallel_loop3A_1136 = vector.broadcast %parallel_loop3A_1135 : i32 to vector<16xi32>
        %parallel_loop3A_1137 = arith.cmpi eq, %iota3A, %parallel_loop3A_1136 : vector<16xi32>
        %parallel_loop3A_1138 = arith.constant true
        %parallel_loop3A_1139 = vector.broadcast %parallel_loop3A_1138 : i1 to vector<16xi1>
        %parallel_loop3A_1140 = tpu.scan <sum>, %parallel_loop3A_1134 masked %parallel_loop3A_1139 : vector<16xf32>, vector<16xi1> -> vector<16xf32>
        %parallel_loop3A_1141 = vector.extract %parallel_loop3A_1140[15] : f32 from vector<16xf32>
        %parallel_loop3A_1142 = vector.broadcast %parallel_loop3A_1141 : f32 to vector<16xf32>
        %parallel_loop3A_1143 = arith.select %parallel_loop3A_1137, %parallel_loop3A_1142, %parallel_loop3A_1107 : vector<16xi1>, vector<16xf32>
        %parallel_loop3A_1144 = arith.constant 16 : i32
        %parallel_loop3A_1145 = arith.addi %parallel_loop3A_266, %parallel_loop3A_1144 : i32
        %parallel_loop3A_1146 = arith.constant 8 : i32
        %parallel_loop3A_1147 = arith.addi %parallel_loop3A_1145, %parallel_loop3A_1146 : i32
        %parallel_loop3A_1148 = arith.index_cast %rem3A_116 : i32 to index
        %parallel_loop3A_1149 = arith.index_cast %parallel_loop3A_1147 : i32 to index
        %parallel_loop3A_1150 = arith.constant 0 : index
        %parallel_loop3A_1151 = tpu.vector_load %arg8[%parallel_loop3A_1148, %parallel_loop3A_1149, %parallel_loop3A_1150] {strides = array<i32>} : memref<2x400x64xf32, #tpu.memory_space<vmem>>, vector<16xf32>,
        %parallel_loop3A_1152 = arith.mulf %parallel_loop3A_252, %parallel_loop3A_1151 : vector<16xf32>
        %parallel_loop3A_1153 = arith.index_cast %rem3A_116 : i32 to index
        %parallel_loop3A_1154 = arith.index_cast %parallel_loop3A_1147 : i32 to index
        %parallel_loop3A_1155 = arith.constant 16 : index
        %parallel_loop3A_1156 = tpu.vector_load %arg8[%parallel_loop3A_1153, %parallel_loop3A_1154, %parallel_loop3A_1155] {strides = array<i32>} : memref<2x400x64xf32, #tpu.memory_space<vmem>>, vector<16xf32>,
        %parallel_loop3A_1157 = arith.mulf %parallel_loop3A_256, %parallel_loop3A_1156 : vector<16xf32>
        %parallel_loop3A_1158 = arith.addf %parallel_loop3A_1152, %parallel_loop3A_1157 : vector<16xf32>
        %parallel_loop3A_1159 = arith.index_cast %rem3A_116 : i32 to index
        %parallel_loop3A_1160 = arith.index_cast %parallel_loop3A_1147 : i32 to index
        %parallel_loop3A_1161 = arith.constant 32 : index
        %parallel_loop3A_1162 = tpu.vector_load %arg8[%parallel_loop3A_1159, %parallel_loop3A_1160, %parallel_loop3A_1161] {strides = array<i32>} : memref<2x400x64xf32, #tpu.memory_space<vmem>>, vector<16xf32>,
        %parallel_loop3A_1163 = arith.mulf %parallel_loop3A_260, %parallel_loop3A_1162 : vector<16xf32>
        %parallel_loop3A_1164 = arith.addf %parallel_loop3A_1158, %parallel_loop3A_1163 : vector<16xf32>
        %parallel_loop3A_1165 = arith.index_cast %rem3A_116 : i32 to index
        %parallel_loop3A_1166 = arith.index_cast %parallel_loop3A_1147 : i32 to index
        %parallel_loop3A_1167 = arith.constant 48 : index
        %parallel_loop3A_1168 = tpu.vector_load %arg8[%parallel_loop3A_1165, %parallel_loop3A_1166, %parallel_loop3A_1167] {strides = array<i32>} : memref<2x400x64xf32, #tpu.memory_space<vmem>>, vector<16xf32>,
        %parallel_loop3A_1169 = arith.mulf %parallel_loop3A_264, %parallel_loop3A_1168 : vector<16xf32>
        %parallel_loop3A_1170 = arith.addf %parallel_loop3A_1164, %parallel_loop3A_1169 : vector<16xf32>
        %parallel_loop3A_1171 = arith.constant 8 : i32
        %parallel_loop3A_1172 = vector.broadcast %parallel_loop3A_1171 : i32 to vector<16xi32>
        %parallel_loop3A_1173 = arith.cmpi eq, %iota3A, %parallel_loop3A_1172 : vector<16xi32>
        %parallel_loop3A_1174 = arith.constant true
        %parallel_loop3A_1175 = vector.broadcast %parallel_loop3A_1174 : i1 to vector<16xi1>
        %parallel_loop3A_1176 = tpu.scan <sum>, %parallel_loop3A_1170 masked %parallel_loop3A_1175 : vector<16xf32>, vector<16xi1> -> vector<16xf32>
        %parallel_loop3A_1177 = vector.extract %parallel_loop3A_1176[15] : f32 from vector<16xf32>
        %parallel_loop3A_1178 = vector.broadcast %parallel_loop3A_1177 : f32 to vector<16xf32>
        %parallel_loop3A_1179 = arith.select %parallel_loop3A_1173, %parallel_loop3A_1178, %parallel_loop3A_1143 : vector<16xi1>, vector<16xf32>
        %parallel_loop3A_1180 = arith.constant 16 : i32
        %parallel_loop3A_1181 = arith.addi %parallel_loop3A_266, %parallel_loop3A_1180 : i32
        %parallel_loop3A_1182 = arith.constant 9 : i32
        %parallel_loop3A_1183 = arith.addi %parallel_loop3A_1181, %parallel_loop3A_1182 : i32
        %parallel_loop3A_1184 = arith.index_cast %rem3A_116 : i32 to index
        %parallel_loop3A_1185 = arith.index_cast %parallel_loop3A_1183 : i32 to index
        %parallel_loop3A_1186 = arith.constant 0 : index
        %parallel_loop3A_1187 = tpu.vector_load %arg8[%parallel_loop3A_1184, %parallel_loop3A_1185, %parallel_loop3A_1186] {strides = array<i32>} : memref<2x400x64xf32, #tpu.memory_space<vmem>>, vector<16xf32>,
        %parallel_loop3A_1188 = arith.mulf %parallel_loop3A_252, %parallel_loop3A_1187 : vector<16xf32>
        %parallel_loop3A_1189 = arith.index_cast %rem3A_116 : i32 to index
        %parallel_loop3A_1190 = arith.index_cast %parallel_loop3A_1183 : i32 to index
        %parallel_loop3A_1191 = arith.constant 16 : index
        %parallel_loop3A_1192 = tpu.vector_load %arg8[%parallel_loop3A_1189, %parallel_loop3A_1190, %parallel_loop3A_1191] {strides = array<i32>} : memref<2x400x64xf32, #tpu.memory_space<vmem>>, vector<16xf32>,
        %parallel_loop3A_1193 = arith.mulf %parallel_loop3A_256, %parallel_loop3A_1192 : vector<16xf32>
        %parallel_loop3A_1194 = arith.addf %parallel_loop3A_1188, %parallel_loop3A_1193 : vector<16xf32>
        %parallel_loop3A_1195 = arith.index_cast %rem3A_116 : i32 to index
        %parallel_loop3A_1196 = arith.index_cast %parallel_loop3A_1183 : i32 to index
        %parallel_loop3A_1197 = arith.constant 32 : index
        %parallel_loop3A_1198 = tpu.vector_load %arg8[%parallel_loop3A_1195, %parallel_loop3A_1196, %parallel_loop3A_1197] {strides = array<i32>} : memref<2x400x64xf32, #tpu.memory_space<vmem>>, vector<16xf32>,
        %parallel_loop3A_1199 = arith.mulf %parallel_loop3A_260, %parallel_loop3A_1198 : vector<16xf32>
        %parallel_loop3A_1200 = arith.addf %parallel_loop3A_1194, %parallel_loop3A_1199 : vector<16xf32>
        %parallel_loop3A_1201 = arith.index_cast %rem3A_116 : i32 to index
        %parallel_loop3A_1202 = arith.index_cast %parallel_loop3A_1183 : i32 to index
        %parallel_loop3A_1203 = arith.constant 48 : index
        %parallel_loop3A_1204 = tpu.vector_load %arg8[%parallel_loop3A_1201, %parallel_loop3A_1202, %parallel_loop3A_1203] {strides = array<i32>} : memref<2x400x64xf32, #tpu.memory_space<vmem>>, vector<16xf32>,
        %parallel_loop3A_1205 = arith.mulf %parallel_loop3A_264, %parallel_loop3A_1204 : vector<16xf32>
        %parallel_loop3A_1206 = arith.addf %parallel_loop3A_1200, %parallel_loop3A_1205 : vector<16xf32>
        %parallel_loop3A_1207 = arith.constant 9 : i32
        %parallel_loop3A_1208 = vector.broadcast %parallel_loop3A_1207 : i32 to vector<16xi32>
        %parallel_loop3A_1209 = arith.cmpi eq, %iota3A, %parallel_loop3A_1208 : vector<16xi32>
        %parallel_loop3A_1210 = arith.constant true
        %parallel_loop3A_1211 = vector.broadcast %parallel_loop3A_1210 : i1 to vector<16xi1>
        %parallel_loop3A_1212 = tpu.scan <sum>, %parallel_loop3A_1206 masked %parallel_loop3A_1211 : vector<16xf32>, vector<16xi1> -> vector<16xf32>
        %parallel_loop3A_1213 = vector.extract %parallel_loop3A_1212[15] : f32 from vector<16xf32>
        %parallel_loop3A_1214 = vector.broadcast %parallel_loop3A_1213 : f32 to vector<16xf32>
        %parallel_loop3A_1215 = arith.select %parallel_loop3A_1209, %parallel_loop3A_1214, %parallel_loop3A_1179 : vector<16xi1>, vector<16xf32>
        %parallel_loop3A_1216 = arith.constant 16 : i32
        %parallel_loop3A_1217 = arith.addi %parallel_loop3A_266, %parallel_loop3A_1216 : i32
        %parallel_loop3A_1218 = arith.constant 10 : i32
        %parallel_loop3A_1219 = arith.addi %parallel_loop3A_1217, %parallel_loop3A_1218 : i32
        %parallel_loop3A_1220 = arith.index_cast %rem3A_116 : i32 to index
        %parallel_loop3A_1221 = arith.index_cast %parallel_loop3A_1219 : i32 to index
        %parallel_loop3A_1222 = arith.constant 0 : index
        %parallel_loop3A_1223 = tpu.vector_load %arg8[%parallel_loop3A_1220, %parallel_loop3A_1221, %parallel_loop3A_1222] {strides = array<i32>} : memref<2x400x64xf32, #tpu.memory_space<vmem>>, vector<16xf32>,
        %parallel_loop3A_1224 = arith.mulf %parallel_loop3A_252, %parallel_loop3A_1223 : vector<16xf32>
        %parallel_loop3A_1225 = arith.index_cast %rem3A_116 : i32 to index
        %parallel_loop3A_1226 = arith.index_cast %parallel_loop3A_1219 : i32 to index
        %parallel_loop3A_1227 = arith.constant 16 : index
        %parallel_loop3A_1228 = tpu.vector_load %arg8[%parallel_loop3A_1225, %parallel_loop3A_1226, %parallel_loop3A_1227] {strides = array<i32>} : memref<2x400x64xf32, #tpu.memory_space<vmem>>, vector<16xf32>,
        %parallel_loop3A_1229 = arith.mulf %parallel_loop3A_256, %parallel_loop3A_1228 : vector<16xf32>
        %parallel_loop3A_1230 = arith.addf %parallel_loop3A_1224, %parallel_loop3A_1229 : vector<16xf32>
        %parallel_loop3A_1231 = arith.index_cast %rem3A_116 : i32 to index
        %parallel_loop3A_1232 = arith.index_cast %parallel_loop3A_1219 : i32 to index
        %parallel_loop3A_1233 = arith.constant 32 : index
        %parallel_loop3A_1234 = tpu.vector_load %arg8[%parallel_loop3A_1231, %parallel_loop3A_1232, %parallel_loop3A_1233] {strides = array<i32>} : memref<2x400x64xf32, #tpu.memory_space<vmem>>, vector<16xf32>,
        %parallel_loop3A_1235 = arith.mulf %parallel_loop3A_260, %parallel_loop3A_1234 : vector<16xf32>
        %parallel_loop3A_1236 = arith.addf %parallel_loop3A_1230, %parallel_loop3A_1235 : vector<16xf32>
        %parallel_loop3A_1237 = arith.index_cast %rem3A_116 : i32 to index
        %parallel_loop3A_1238 = arith.index_cast %parallel_loop3A_1219 : i32 to index
        %parallel_loop3A_1239 = arith.constant 48 : index
        %parallel_loop3A_1240 = tpu.vector_load %arg8[%parallel_loop3A_1237, %parallel_loop3A_1238, %parallel_loop3A_1239] {strides = array<i32>} : memref<2x400x64xf32, #tpu.memory_space<vmem>>, vector<16xf32>,
        %parallel_loop3A_1241 = arith.mulf %parallel_loop3A_264, %parallel_loop3A_1240 : vector<16xf32>
        %parallel_loop3A_1242 = arith.addf %parallel_loop3A_1236, %parallel_loop3A_1241 : vector<16xf32>
        %parallel_loop3A_1243 = arith.constant 10 : i32
        %parallel_loop3A_1244 = vector.broadcast %parallel_loop3A_1243 : i32 to vector<16xi32>
        %parallel_loop3A_1245 = arith.cmpi eq, %iota3A, %parallel_loop3A_1244 : vector<16xi32>
        %parallel_loop3A_1246 = arith.constant true
        %parallel_loop3A_1247 = vector.broadcast %parallel_loop3A_1246 : i1 to vector<16xi1>
        %parallel_loop3A_1248 = tpu.scan <sum>, %parallel_loop3A_1242 masked %parallel_loop3A_1247 : vector<16xf32>, vector<16xi1> -> vector<16xf32>
        %parallel_loop3A_1249 = vector.extract %parallel_loop3A_1248[15] : f32 from vector<16xf32>
        %parallel_loop3A_1250 = vector.broadcast %parallel_loop3A_1249 : f32 to vector<16xf32>
        %parallel_loop3A_1251 = arith.select %parallel_loop3A_1245, %parallel_loop3A_1250, %parallel_loop3A_1215 : vector<16xi1>, vector<16xf32>
        %parallel_loop3A_1252 = arith.constant 16 : i32
        %parallel_loop3A_1253 = arith.addi %parallel_loop3A_266, %parallel_loop3A_1252 : i32
        %parallel_loop3A_1254 = arith.constant 11 : i32
        %parallel_loop3A_1255 = arith.addi %parallel_loop3A_1253, %parallel_loop3A_1254 : i32
        %parallel_loop3A_1256 = arith.index_cast %rem3A_116 : i32 to index
        %parallel_loop3A_1257 = arith.index_cast %parallel_loop3A_1255 : i32 to index
        %parallel_loop3A_1258 = arith.constant 0 : index
        %parallel_loop3A_1259 = tpu.vector_load %arg8[%parallel_loop3A_1256, %parallel_loop3A_1257, %parallel_loop3A_1258] {strides = array<i32>} : memref<2x400x64xf32, #tpu.memory_space<vmem>>, vector<16xf32>,
        %parallel_loop3A_1260 = arith.mulf %parallel_loop3A_252, %parallel_loop3A_1259 : vector<16xf32>
        %parallel_loop3A_1261 = arith.index_cast %rem3A_116 : i32 to index
        %parallel_loop3A_1262 = arith.index_cast %parallel_loop3A_1255 : i32 to index
        %parallel_loop3A_1263 = arith.constant 16 : index
        %parallel_loop3A_1264 = tpu.vector_load %arg8[%parallel_loop3A_1261, %parallel_loop3A_1262, %parallel_loop3A_1263] {strides = array<i32>} : memref<2x400x64xf32, #tpu.memory_space<vmem>>, vector<16xf32>,
        %parallel_loop3A_1265 = arith.mulf %parallel_loop3A_256, %parallel_loop3A_1264 : vector<16xf32>
        %parallel_loop3A_1266 = arith.addf %parallel_loop3A_1260, %parallel_loop3A_1265 : vector<16xf32>
        %parallel_loop3A_1267 = arith.index_cast %rem3A_116 : i32 to index
        %parallel_loop3A_1268 = arith.index_cast %parallel_loop3A_1255 : i32 to index
        %parallel_loop3A_1269 = arith.constant 32 : index
        %parallel_loop3A_1270 = tpu.vector_load %arg8[%parallel_loop3A_1267, %parallel_loop3A_1268, %parallel_loop3A_1269] {strides = array<i32>} : memref<2x400x64xf32, #tpu.memory_space<vmem>>, vector<16xf32>,
        %parallel_loop3A_1271 = arith.mulf %parallel_loop3A_260, %parallel_loop3A_1270 : vector<16xf32>
        %parallel_loop3A_1272 = arith.addf %parallel_loop3A_1266, %parallel_loop3A_1271 : vector<16xf32>
        %parallel_loop3A_1273 = arith.index_cast %rem3A_116 : i32 to index
        %parallel_loop3A_1274 = arith.index_cast %parallel_loop3A_1255 : i32 to index
        %parallel_loop3A_1275 = arith.constant 48 : index
        %parallel_loop3A_1276 = tpu.vector_load %arg8[%parallel_loop3A_1273, %parallel_loop3A_1274, %parallel_loop3A_1275] {strides = array<i32>} : memref<2x400x64xf32, #tpu.memory_space<vmem>>, vector<16xf32>,
        %parallel_loop3A_1277 = arith.mulf %parallel_loop3A_264, %parallel_loop3A_1276 : vector<16xf32>
        %parallel_loop3A_1278 = arith.addf %parallel_loop3A_1272, %parallel_loop3A_1277 : vector<16xf32>
        %parallel_loop3A_1279 = arith.constant 11 : i32
        %parallel_loop3A_1280 = vector.broadcast %parallel_loop3A_1279 : i32 to vector<16xi32>
        %parallel_loop3A_1281 = arith.cmpi eq, %iota3A, %parallel_loop3A_1280 : vector<16xi32>
        %parallel_loop3A_1282 = arith.constant true
        %parallel_loop3A_1283 = vector.broadcast %parallel_loop3A_1282 : i1 to vector<16xi1>
        %parallel_loop3A_1284 = tpu.scan <sum>, %parallel_loop3A_1278 masked %parallel_loop3A_1283 : vector<16xf32>, vector<16xi1> -> vector<16xf32>
        %parallel_loop3A_1285 = vector.extract %parallel_loop3A_1284[15] : f32 from vector<16xf32>
        %parallel_loop3A_1286 = vector.broadcast %parallel_loop3A_1285 : f32 to vector<16xf32>
        %parallel_loop3A_1287 = arith.select %parallel_loop3A_1281, %parallel_loop3A_1286, %parallel_loop3A_1251 : vector<16xi1>, vector<16xf32>
        %parallel_loop3A_1288 = arith.constant 16 : i32
        %parallel_loop3A_1289 = arith.addi %parallel_loop3A_266, %parallel_loop3A_1288 : i32
        %parallel_loop3A_1290 = arith.constant 12 : i32
        %parallel_loop3A_1291 = arith.addi %parallel_loop3A_1289, %parallel_loop3A_1290 : i32
        %parallel_loop3A_1292 = arith.index_cast %rem3A_116 : i32 to index
        %parallel_loop3A_1293 = arith.index_cast %parallel_loop3A_1291 : i32 to index
        %parallel_loop3A_1294 = arith.constant 0 : index
        %parallel_loop3A_1295 = tpu.vector_load %arg8[%parallel_loop3A_1292, %parallel_loop3A_1293, %parallel_loop3A_1294] {strides = array<i32>} : memref<2x400x64xf32, #tpu.memory_space<vmem>>, vector<16xf32>,
        %parallel_loop3A_1296 = arith.mulf %parallel_loop3A_252, %parallel_loop3A_1295 : vector<16xf32>
        %parallel_loop3A_1297 = arith.index_cast %rem3A_116 : i32 to index
        %parallel_loop3A_1298 = arith.index_cast %parallel_loop3A_1291 : i32 to index
        %parallel_loop3A_1299 = arith.constant 16 : index
        %parallel_loop3A_1300 = tpu.vector_load %arg8[%parallel_loop3A_1297, %parallel_loop3A_1298, %parallel_loop3A_1299] {strides = array<i32>} : memref<2x400x64xf32, #tpu.memory_space<vmem>>, vector<16xf32>,
        %parallel_loop3A_1301 = arith.mulf %parallel_loop3A_256, %parallel_loop3A_1300 : vector<16xf32>
        %parallel_loop3A_1302 = arith.addf %parallel_loop3A_1296, %parallel_loop3A_1301 : vector<16xf32>
        %parallel_loop3A_1303 = arith.index_cast %rem3A_116 : i32 to index
        %parallel_loop3A_1304 = arith.index_cast %parallel_loop3A_1291 : i32 to index
        %parallel_loop3A_1305 = arith.constant 32 : index
        %parallel_loop3A_1306 = tpu.vector_load %arg8[%parallel_loop3A_1303, %parallel_loop3A_1304, %parallel_loop3A_1305] {strides = array<i32>} : memref<2x400x64xf32, #tpu.memory_space<vmem>>, vector<16xf32>,
        %parallel_loop3A_1307 = arith.mulf %parallel_loop3A_260, %parallel_loop3A_1306 : vector<16xf32>
        %parallel_loop3A_1308 = arith.addf %parallel_loop3A_1302, %parallel_loop3A_1307 : vector<16xf32>
        %parallel_loop3A_1309 = arith.index_cast %rem3A_116 : i32 to index
        %parallel_loop3A_1310 = arith.index_cast %parallel_loop3A_1291 : i32 to index
        %parallel_loop3A_1311 = arith.constant 48 : index
        %parallel_loop3A_1312 = tpu.vector_load %arg8[%parallel_loop3A_1309, %parallel_loop3A_1310, %parallel_loop3A_1311] {strides = array<i32>} : memref<2x400x64xf32, #tpu.memory_space<vmem>>, vector<16xf32>,
        %parallel_loop3A_1313 = arith.mulf %parallel_loop3A_264, %parallel_loop3A_1312 : vector<16xf32>
        %parallel_loop3A_1314 = arith.addf %parallel_loop3A_1308, %parallel_loop3A_1313 : vector<16xf32>
        %parallel_loop3A_1315 = arith.constant 12 : i32
        %parallel_loop3A_1316 = vector.broadcast %parallel_loop3A_1315 : i32 to vector<16xi32>
        %parallel_loop3A_1317 = arith.cmpi eq, %iota3A, %parallel_loop3A_1316 : vector<16xi32>
        %parallel_loop3A_1318 = arith.constant true
        %parallel_loop3A_1319 = vector.broadcast %parallel_loop3A_1318 : i1 to vector<16xi1>
        %parallel_loop3A_1320 = tpu.scan <sum>, %parallel_loop3A_1314 masked %parallel_loop3A_1319 : vector<16xf32>, vector<16xi1> -> vector<16xf32>
        %parallel_loop3A_1321 = vector.extract %parallel_loop3A_1320[15] : f32 from vector<16xf32>
        %parallel_loop3A_1322 = vector.broadcast %parallel_loop3A_1321 : f32 to vector<16xf32>
        %parallel_loop3A_1323 = arith.select %parallel_loop3A_1317, %parallel_loop3A_1322, %parallel_loop3A_1287 : vector<16xi1>, vector<16xf32>
        %parallel_loop3A_1324 = arith.constant 16 : i32
        %parallel_loop3A_1325 = arith.addi %parallel_loop3A_266, %parallel_loop3A_1324 : i32
        %parallel_loop3A_1326 = arith.constant 13 : i32
        %parallel_loop3A_1327 = arith.addi %parallel_loop3A_1325, %parallel_loop3A_1326 : i32
        %parallel_loop3A_1328 = arith.index_cast %rem3A_116 : i32 to index
        %parallel_loop3A_1329 = arith.index_cast %parallel_loop3A_1327 : i32 to index
        %parallel_loop3A_1330 = arith.constant 0 : index
        %parallel_loop3A_1331 = tpu.vector_load %arg8[%parallel_loop3A_1328, %parallel_loop3A_1329, %parallel_loop3A_1330] {strides = array<i32>} : memref<2x400x64xf32, #tpu.memory_space<vmem>>, vector<16xf32>,
        %parallel_loop3A_1332 = arith.mulf %parallel_loop3A_252, %parallel_loop3A_1331 : vector<16xf32>
        %parallel_loop3A_1333 = arith.index_cast %rem3A_116 : i32 to index
        %parallel_loop3A_1334 = arith.index_cast %parallel_loop3A_1327 : i32 to index
        %parallel_loop3A_1335 = arith.constant 16 : index
        %parallel_loop3A_1336 = tpu.vector_load %arg8[%parallel_loop3A_1333, %parallel_loop3A_1334, %parallel_loop3A_1335] {strides = array<i32>} : memref<2x400x64xf32, #tpu.memory_space<vmem>>, vector<16xf32>,
        %parallel_loop3A_1337 = arith.mulf %parallel_loop3A_256, %parallel_loop3A_1336 : vector<16xf32>
        %parallel_loop3A_1338 = arith.addf %parallel_loop3A_1332, %parallel_loop3A_1337 : vector<16xf32>
        %parallel_loop3A_1339 = arith.index_cast %rem3A_116 : i32 to index
        %parallel_loop3A_1340 = arith.index_cast %parallel_loop3A_1327 : i32 to index
        %parallel_loop3A_1341 = arith.constant 32 : index
        %parallel_loop3A_1342 = tpu.vector_load %arg8[%parallel_loop3A_1339, %parallel_loop3A_1340, %parallel_loop3A_1341] {strides = array<i32>} : memref<2x400x64xf32, #tpu.memory_space<vmem>>, vector<16xf32>,
        %parallel_loop3A_1343 = arith.mulf %parallel_loop3A_260, %parallel_loop3A_1342 : vector<16xf32>
        %parallel_loop3A_1344 = arith.addf %parallel_loop3A_1338, %parallel_loop3A_1343 : vector<16xf32>
        %parallel_loop3A_1345 = arith.index_cast %rem3A_116 : i32 to index
        %parallel_loop3A_1346 = arith.index_cast %parallel_loop3A_1327 : i32 to index
        %parallel_loop3A_1347 = arith.constant 48 : index
        %parallel_loop3A_1348 = tpu.vector_load %arg8[%parallel_loop3A_1345, %parallel_loop3A_1346, %parallel_loop3A_1347] {strides = array<i32>} : memref<2x400x64xf32, #tpu.memory_space<vmem>>, vector<16xf32>,
        %parallel_loop3A_1349 = arith.mulf %parallel_loop3A_264, %parallel_loop3A_1348 : vector<16xf32>
        %parallel_loop3A_1350 = arith.addf %parallel_loop3A_1344, %parallel_loop3A_1349 : vector<16xf32>
        %parallel_loop3A_1351 = arith.constant 13 : i32
        %parallel_loop3A_1352 = vector.broadcast %parallel_loop3A_1351 : i32 to vector<16xi32>
        %parallel_loop3A_1353 = arith.cmpi eq, %iota3A, %parallel_loop3A_1352 : vector<16xi32>
        %parallel_loop3A_1354 = arith.constant true
        %parallel_loop3A_1355 = vector.broadcast %parallel_loop3A_1354 : i1 to vector<16xi1>
        %parallel_loop3A_1356 = tpu.scan <sum>, %parallel_loop3A_1350 masked %parallel_loop3A_1355 : vector<16xf32>, vector<16xi1> -> vector<16xf32>
        %parallel_loop3A_1357 = vector.extract %parallel_loop3A_1356[15] : f32 from vector<16xf32>
        %parallel_loop3A_1358 = vector.broadcast %parallel_loop3A_1357 : f32 to vector<16xf32>
        %parallel_loop3A_1359 = arith.select %parallel_loop3A_1353, %parallel_loop3A_1358, %parallel_loop3A_1323 : vector<16xi1>, vector<16xf32>
        %parallel_loop3A_1360 = arith.constant 16 : i32
        %parallel_loop3A_1361 = arith.addi %parallel_loop3A_266, %parallel_loop3A_1360 : i32
        %parallel_loop3A_1362 = arith.constant 14 : i32
        %parallel_loop3A_1363 = arith.addi %parallel_loop3A_1361, %parallel_loop3A_1362 : i32
        %parallel_loop3A_1364 = arith.index_cast %rem3A_116 : i32 to index
        %parallel_loop3A_1365 = arith.index_cast %parallel_loop3A_1363 : i32 to index
        %parallel_loop3A_1366 = arith.constant 0 : index
        %parallel_loop3A_1367 = tpu.vector_load %arg8[%parallel_loop3A_1364, %parallel_loop3A_1365, %parallel_loop3A_1366] {strides = array<i32>} : memref<2x400x64xf32, #tpu.memory_space<vmem>>, vector<16xf32>,
        %parallel_loop3A_1368 = arith.mulf %parallel_loop3A_252, %parallel_loop3A_1367 : vector<16xf32>
        %parallel_loop3A_1369 = arith.index_cast %rem3A_116 : i32 to index
        %parallel_loop3A_1370 = arith.index_cast %parallel_loop3A_1363 : i32 to index
        %parallel_loop3A_1371 = arith.constant 16 : index
        %parallel_loop3A_1372 = tpu.vector_load %arg8[%parallel_loop3A_1369, %parallel_loop3A_1370, %parallel_loop3A_1371] {strides = array<i32>} : memref<2x400x64xf32, #tpu.memory_space<vmem>>, vector<16xf32>,
        %parallel_loop3A_1373 = arith.mulf %parallel_loop3A_256, %parallel_loop3A_1372 : vector<16xf32>
        %parallel_loop3A_1374 = arith.addf %parallel_loop3A_1368, %parallel_loop3A_1373 : vector<16xf32>
        %parallel_loop3A_1375 = arith.index_cast %rem3A_116 : i32 to index
        %parallel_loop3A_1376 = arith.index_cast %parallel_loop3A_1363 : i32 to index
        %parallel_loop3A_1377 = arith.constant 32 : index
        %parallel_loop3A_1378 = tpu.vector_load %arg8[%parallel_loop3A_1375, %parallel_loop3A_1376, %parallel_loop3A_1377] {strides = array<i32>} : memref<2x400x64xf32, #tpu.memory_space<vmem>>, vector<16xf32>,
        %parallel_loop3A_1379 = arith.mulf %parallel_loop3A_260, %parallel_loop3A_1378 : vector<16xf32>
        %parallel_loop3A_1380 = arith.addf %parallel_loop3A_1374, %parallel_loop3A_1379 : vector<16xf32>
        %parallel_loop3A_1381 = arith.index_cast %rem3A_116 : i32 to index
        %parallel_loop3A_1382 = arith.index_cast %parallel_loop3A_1363 : i32 to index
        %parallel_loop3A_1383 = arith.constant 48 : index
        %parallel_loop3A_1384 = tpu.vector_load %arg8[%parallel_loop3A_1381, %parallel_loop3A_1382, %parallel_loop3A_1383] {strides = array<i32>} : memref<2x400x64xf32, #tpu.memory_space<vmem>>, vector<16xf32>,
        %parallel_loop3A_1385 = arith.mulf %parallel_loop3A_264, %parallel_loop3A_1384 : vector<16xf32>
        %parallel_loop3A_1386 = arith.addf %parallel_loop3A_1380, %parallel_loop3A_1385 : vector<16xf32>
        %parallel_loop3A_1387 = arith.constant 14 : i32
        %parallel_loop3A_1388 = vector.broadcast %parallel_loop3A_1387 : i32 to vector<16xi32>
        %parallel_loop3A_1389 = arith.cmpi eq, %iota3A, %parallel_loop3A_1388 : vector<16xi32>
        %parallel_loop3A_1390 = arith.constant true
        %parallel_loop3A_1391 = vector.broadcast %parallel_loop3A_1390 : i1 to vector<16xi1>
        %parallel_loop3A_1392 = tpu.scan <sum>, %parallel_loop3A_1386 masked %parallel_loop3A_1391 : vector<16xf32>, vector<16xi1> -> vector<16xf32>
        %parallel_loop3A_1393 = vector.extract %parallel_loop3A_1392[15] : f32 from vector<16xf32>
        %parallel_loop3A_1394 = vector.broadcast %parallel_loop3A_1393 : f32 to vector<16xf32>
        %parallel_loop3A_1395 = arith.select %parallel_loop3A_1389, %parallel_loop3A_1394, %parallel_loop3A_1359 : vector<16xi1>, vector<16xf32>
        %parallel_loop3A_1396 = arith.constant 16 : i32
        %parallel_loop3A_1397 = arith.addi %parallel_loop3A_266, %parallel_loop3A_1396 : i32
        %parallel_loop3A_1398 = arith.constant 15 : i32
        %parallel_loop3A_1399 = arith.addi %parallel_loop3A_1397, %parallel_loop3A_1398 : i32
        %parallel_loop3A_1400 = arith.index_cast %rem3A_116 : i32 to index
        %parallel_loop3A_1401 = arith.index_cast %parallel_loop3A_1399 : i32 to index
        %parallel_loop3A_1402 = arith.constant 0 : index
        %parallel_loop3A_1403 = tpu.vector_load %arg8[%parallel_loop3A_1400, %parallel_loop3A_1401, %parallel_loop3A_1402] {strides = array<i32>} : memref<2x400x64xf32, #tpu.memory_space<vmem>>, vector<16xf32>,
        %parallel_loop3A_1404 = arith.mulf %parallel_loop3A_252, %parallel_loop3A_1403 : vector<16xf32>
        %parallel_loop3A_1405 = arith.index_cast %rem3A_116 : i32 to index
        %parallel_loop3A_1406 = arith.index_cast %parallel_loop3A_1399 : i32 to index
        %parallel_loop3A_1407 = arith.constant 16 : index
        %parallel_loop3A_1408 = tpu.vector_load %arg8[%parallel_loop3A_1405, %parallel_loop3A_1406, %parallel_loop3A_1407] {strides = array<i32>} : memref<2x400x64xf32, #tpu.memory_space<vmem>>, vector<16xf32>,
        %parallel_loop3A_1409 = arith.mulf %parallel_loop3A_256, %parallel_loop3A_1408 : vector<16xf32>
        %parallel_loop3A_1410 = arith.addf %parallel_loop3A_1404, %parallel_loop3A_1409 : vector<16xf32>
        %parallel_loop3A_1411 = arith.index_cast %rem3A_116 : i32 to index
        %parallel_loop3A_1412 = arith.index_cast %parallel_loop3A_1399 : i32 to index
        %parallel_loop3A_1413 = arith.constant 32 : index
        %parallel_loop3A_1414 = tpu.vector_load %arg8[%parallel_loop3A_1411, %parallel_loop3A_1412, %parallel_loop3A_1413] {strides = array<i32>} : memref<2x400x64xf32, #tpu.memory_space<vmem>>, vector<16xf32>,
        %parallel_loop3A_1415 = arith.mulf %parallel_loop3A_260, %parallel_loop3A_1414 : vector<16xf32>
        %parallel_loop3A_1416 = arith.addf %parallel_loop3A_1410, %parallel_loop3A_1415 : vector<16xf32>
        %parallel_loop3A_1417 = arith.index_cast %rem3A_116 : i32 to index
        %parallel_loop3A_1418 = arith.index_cast %parallel_loop3A_1399 : i32 to index
        %parallel_loop3A_1419 = arith.constant 48 : index
        %parallel_loop3A_1420 = tpu.vector_load %arg8[%parallel_loop3A_1417, %parallel_loop3A_1418, %parallel_loop3A_1419] {strides = array<i32>} : memref<2x400x64xf32, #tpu.memory_space<vmem>>, vector<16xf32>,
        %parallel_loop3A_1421 = arith.mulf %parallel_loop3A_264, %parallel_loop3A_1420 : vector<16xf32>
        %parallel_loop3A_1422 = arith.addf %parallel_loop3A_1416, %parallel_loop3A_1421 : vector<16xf32>
        %parallel_loop3A_1423 = arith.constant 15 : i32
        %parallel_loop3A_1424 = vector.broadcast %parallel_loop3A_1423 : i32 to vector<16xi32>
        %parallel_loop3A_1425 = arith.cmpi eq, %iota3A, %parallel_loop3A_1424 : vector<16xi32>
        %parallel_loop3A_1426 = arith.constant true
        %parallel_loop3A_1427 = vector.broadcast %parallel_loop3A_1426 : i1 to vector<16xi1>
        %parallel_loop3A_1428 = tpu.scan <sum>, %parallel_loop3A_1422 masked %parallel_loop3A_1427 : vector<16xf32>, vector<16xi1> -> vector<16xf32>
        %parallel_loop3A_1429 = vector.extract %parallel_loop3A_1428[15] : f32 from vector<16xf32>
        %parallel_loop3A_1430 = vector.broadcast %parallel_loop3A_1429 : f32 to vector<16xf32>
        %parallel_loop3A_1431 = arith.select %parallel_loop3A_1425, %parallel_loop3A_1430, %parallel_loop3A_1395 : vector<16xi1>, vector<16xf32>
        %parallel_loop3A_1432 = arith.constant 64 : i32
        %parallel_loop3A_1433 = arith.muli %parallel_loop3A_269, %parallel_loop3A_1432 : i32
        %parallel_loop3A_1434 = arith.constant 16 : i32
        %parallel_loop3A_1435 = arith.addi %parallel_loop3A_1433, %parallel_loop3A_1434 : i32
        %parallel_loop3A_1436 = arith.index_cast %parallel_loop3A_1435 : i32 to index
        %parallel_loop3A_1437 = tpu.vector_load %arg10[%parallel_loop3A_1436] {strides = array<i32>} : memref<32768xf32, #tpu.memory_space<vmem>>, vector<16xf32>,
        tpu.vector_store %arg10[%parallel_loop3A_1436], %parallel_loop3A_1431 {strides = array<i32>} : memref<32768xf32, #tpu.memory_space<vmem>>, vector<16xf32>,
        %parallel_loop3A_1438 = arith.constant 0.000000e+00 : f32
        %parallel_loop3A_1439 = vector.broadcast %parallel_loop3A_1438 : f32 to vector<16xf32>
        %parallel_loop3A_1440 = arith.constant 32 : i32
        %parallel_loop3A_1441 = arith.addi %parallel_loop3A_266, %parallel_loop3A_1440 : i32
        %parallel_loop3A_1442 = arith.constant 0 : i32
        %parallel_loop3A_1443 = arith.addi %parallel_loop3A_1441, %parallel_loop3A_1442 : i32
        %parallel_loop3A_1444 = arith.index_cast %rem3A_116 : i32 to index
        %parallel_loop3A_1445 = arith.index_cast %parallel_loop3A_1443 : i32 to index
        %parallel_loop3A_1446 = arith.constant 0 : index
        %parallel_loop3A_1447 = tpu.vector_load %arg8[%parallel_loop3A_1444, %parallel_loop3A_1445, %parallel_loop3A_1446] {strides = array<i32>} : memref<2x400x64xf32, #tpu.memory_space<vmem>>, vector<16xf32>,
        %parallel_loop3A_1448 = arith.mulf %parallel_loop3A_252, %parallel_loop3A_1447 : vector<16xf32>
        %parallel_loop3A_1449 = arith.index_cast %rem3A_116 : i32 to index
        %parallel_loop3A_1450 = arith.index_cast %parallel_loop3A_1443 : i32 to index
        %parallel_loop3A_1451 = arith.constant 16 : index
        %parallel_loop3A_1452 = tpu.vector_load %arg8[%parallel_loop3A_1449, %parallel_loop3A_1450, %parallel_loop3A_1451] {strides = array<i32>} : memref<2x400x64xf32, #tpu.memory_space<vmem>>, vector<16xf32>,
        %parallel_loop3A_1453 = arith.mulf %parallel_loop3A_256, %parallel_loop3A_1452 : vector<16xf32>
        %parallel_loop3A_1454 = arith.addf %parallel_loop3A_1448, %parallel_loop3A_1453 : vector<16xf32>
        %parallel_loop3A_1455 = arith.index_cast %rem3A_116 : i32 to index
        %parallel_loop3A_1456 = arith.index_cast %parallel_loop3A_1443 : i32 to index
        %parallel_loop3A_1457 = arith.constant 32 : index
        %parallel_loop3A_1458 = tpu.vector_load %arg8[%parallel_loop3A_1455, %parallel_loop3A_1456, %parallel_loop3A_1457] {strides = array<i32>} : memref<2x400x64xf32, #tpu.memory_space<vmem>>, vector<16xf32>,
        %parallel_loop3A_1459 = arith.mulf %parallel_loop3A_260, %parallel_loop3A_1458 : vector<16xf32>
        %parallel_loop3A_1460 = arith.addf %parallel_loop3A_1454, %parallel_loop3A_1459 : vector<16xf32>
        %parallel_loop3A_1461 = arith.index_cast %rem3A_116 : i32 to index
        %parallel_loop3A_1462 = arith.index_cast %parallel_loop3A_1443 : i32 to index
        %parallel_loop3A_1463 = arith.constant 48 : index
        %parallel_loop3A_1464 = tpu.vector_load %arg8[%parallel_loop3A_1461, %parallel_loop3A_1462, %parallel_loop3A_1463] {strides = array<i32>} : memref<2x400x64xf32, #tpu.memory_space<vmem>>, vector<16xf32>,
        %parallel_loop3A_1465 = arith.mulf %parallel_loop3A_264, %parallel_loop3A_1464 : vector<16xf32>
        %parallel_loop3A_1466 = arith.addf %parallel_loop3A_1460, %parallel_loop3A_1465 : vector<16xf32>
        %parallel_loop3A_1467 = arith.constant 0 : i32
        %parallel_loop3A_1468 = vector.broadcast %parallel_loop3A_1467 : i32 to vector<16xi32>
        %parallel_loop3A_1469 = arith.cmpi eq, %iota3A, %parallel_loop3A_1468 : vector<16xi32>
        %parallel_loop3A_1470 = arith.constant true
        %parallel_loop3A_1471 = vector.broadcast %parallel_loop3A_1470 : i1 to vector<16xi1>
        %parallel_loop3A_1472 = tpu.scan <sum>, %parallel_loop3A_1466 masked %parallel_loop3A_1471 : vector<16xf32>, vector<16xi1> -> vector<16xf32>
        %parallel_loop3A_1473 = vector.extract %parallel_loop3A_1472[15] : f32 from vector<16xf32>
        %parallel_loop3A_1474 = vector.broadcast %parallel_loop3A_1473 : f32 to vector<16xf32>
        %parallel_loop3A_1475 = arith.select %parallel_loop3A_1469, %parallel_loop3A_1474, %parallel_loop3A_1439 : vector<16xi1>, vector<16xf32>
        %parallel_loop3A_1476 = arith.constant 32 : i32
        %parallel_loop3A_1477 = arith.addi %parallel_loop3A_266, %parallel_loop3A_1476 : i32
        %parallel_loop3A_1478 = arith.constant 1 : i32
        %parallel_loop3A_1479 = arith.addi %parallel_loop3A_1477, %parallel_loop3A_1478 : i32
        %parallel_loop3A_1480 = arith.index_cast %rem3A_116 : i32 to index
        %parallel_loop3A_1481 = arith.index_cast %parallel_loop3A_1479 : i32 to index
        %parallel_loop3A_1482 = arith.constant 0 : index
        %parallel_loop3A_1483 = tpu.vector_load %arg8[%parallel_loop3A_1480, %parallel_loop3A_1481, %parallel_loop3A_1482] {strides = array<i32>} : memref<2x400x64xf32, #tpu.memory_space<vmem>>, vector<16xf32>,
        %parallel_loop3A_1484 = arith.mulf %parallel_loop3A_252, %parallel_loop3A_1483 : vector<16xf32>
        %parallel_loop3A_1485 = arith.index_cast %rem3A_116 : i32 to index
        %parallel_loop3A_1486 = arith.index_cast %parallel_loop3A_1479 : i32 to index
        %parallel_loop3A_1487 = arith.constant 16 : index
        %parallel_loop3A_1488 = tpu.vector_load %arg8[%parallel_loop3A_1485, %parallel_loop3A_1486, %parallel_loop3A_1487] {strides = array<i32>} : memref<2x400x64xf32, #tpu.memory_space<vmem>>, vector<16xf32>,
        %parallel_loop3A_1489 = arith.mulf %parallel_loop3A_256, %parallel_loop3A_1488 : vector<16xf32>
        %parallel_loop3A_1490 = arith.addf %parallel_loop3A_1484, %parallel_loop3A_1489 : vector<16xf32>
        %parallel_loop3A_1491 = arith.index_cast %rem3A_116 : i32 to index
        %parallel_loop3A_1492 = arith.index_cast %parallel_loop3A_1479 : i32 to index
        %parallel_loop3A_1493 = arith.constant 32 : index
        %parallel_loop3A_1494 = tpu.vector_load %arg8[%parallel_loop3A_1491, %parallel_loop3A_1492, %parallel_loop3A_1493] {strides = array<i32>} : memref<2x400x64xf32, #tpu.memory_space<vmem>>, vector<16xf32>,
        %parallel_loop3A_1495 = arith.mulf %parallel_loop3A_260, %parallel_loop3A_1494 : vector<16xf32>
        %parallel_loop3A_1496 = arith.addf %parallel_loop3A_1490, %parallel_loop3A_1495 : vector<16xf32>
        %parallel_loop3A_1497 = arith.index_cast %rem3A_116 : i32 to index
        %parallel_loop3A_1498 = arith.index_cast %parallel_loop3A_1479 : i32 to index
        %parallel_loop3A_1499 = arith.constant 48 : index
        %parallel_loop3A_1500 = tpu.vector_load %arg8[%parallel_loop3A_1497, %parallel_loop3A_1498, %parallel_loop3A_1499] {strides = array<i32>} : memref<2x400x64xf32, #tpu.memory_space<vmem>>, vector<16xf32>,
        %parallel_loop3A_1501 = arith.mulf %parallel_loop3A_264, %parallel_loop3A_1500 : vector<16xf32>
        %parallel_loop3A_1502 = arith.addf %parallel_loop3A_1496, %parallel_loop3A_1501 : vector<16xf32>
        %parallel_loop3A_1503 = arith.constant 1 : i32
        %parallel_loop3A_1504 = vector.broadcast %parallel_loop3A_1503 : i32 to vector<16xi32>
        %parallel_loop3A_1505 = arith.cmpi eq, %iota3A, %parallel_loop3A_1504 : vector<16xi32>
        %parallel_loop3A_1506 = arith.constant true
        %parallel_loop3A_1507 = vector.broadcast %parallel_loop3A_1506 : i1 to vector<16xi1>
        %parallel_loop3A_1508 = tpu.scan <sum>, %parallel_loop3A_1502 masked %parallel_loop3A_1507 : vector<16xf32>, vector<16xi1> -> vector<16xf32>
        %parallel_loop3A_1509 = vector.extract %parallel_loop3A_1508[15] : f32 from vector<16xf32>
        %parallel_loop3A_1510 = vector.broadcast %parallel_loop3A_1509 : f32 to vector<16xf32>
        %parallel_loop3A_1511 = arith.select %parallel_loop3A_1505, %parallel_loop3A_1510, %parallel_loop3A_1475 : vector<16xi1>, vector<16xf32>
        %parallel_loop3A_1512 = arith.constant 32 : i32
        %parallel_loop3A_1513 = arith.addi %parallel_loop3A_266, %parallel_loop3A_1512 : i32
        %parallel_loop3A_1514 = arith.constant 2 : i32
        %parallel_loop3A_1515 = arith.addi %parallel_loop3A_1513, %parallel_loop3A_1514 : i32
        %parallel_loop3A_1516 = arith.index_cast %rem3A_116 : i32 to index
        %parallel_loop3A_1517 = arith.index_cast %parallel_loop3A_1515 : i32 to index
        %parallel_loop3A_1518 = arith.constant 0 : index
        %parallel_loop3A_1519 = tpu.vector_load %arg8[%parallel_loop3A_1516, %parallel_loop3A_1517, %parallel_loop3A_1518] {strides = array<i32>} : memref<2x400x64xf32, #tpu.memory_space<vmem>>, vector<16xf32>,
        %parallel_loop3A_1520 = arith.mulf %parallel_loop3A_252, %parallel_loop3A_1519 : vector<16xf32>
        %parallel_loop3A_1521 = arith.index_cast %rem3A_116 : i32 to index
        %parallel_loop3A_1522 = arith.index_cast %parallel_loop3A_1515 : i32 to index
        %parallel_loop3A_1523 = arith.constant 16 : index
        %parallel_loop3A_1524 = tpu.vector_load %arg8[%parallel_loop3A_1521, %parallel_loop3A_1522, %parallel_loop3A_1523] {strides = array<i32>} : memref<2x400x64xf32, #tpu.memory_space<vmem>>, vector<16xf32>,
        %parallel_loop3A_1525 = arith.mulf %parallel_loop3A_256, %parallel_loop3A_1524 : vector<16xf32>
        %parallel_loop3A_1526 = arith.addf %parallel_loop3A_1520, %parallel_loop3A_1525 : vector<16xf32>
        %parallel_loop3A_1527 = arith.index_cast %rem3A_116 : i32 to index
        %parallel_loop3A_1528 = arith.index_cast %parallel_loop3A_1515 : i32 to index
        %parallel_loop3A_1529 = arith.constant 32 : index
        %parallel_loop3A_1530 = tpu.vector_load %arg8[%parallel_loop3A_1527, %parallel_loop3A_1528, %parallel_loop3A_1529] {strides = array<i32>} : memref<2x400x64xf32, #tpu.memory_space<vmem>>, vector<16xf32>,
        %parallel_loop3A_1531 = arith.mulf %parallel_loop3A_260, %parallel_loop3A_1530 : vector<16xf32>
        %parallel_loop3A_1532 = arith.addf %parallel_loop3A_1526, %parallel_loop3A_1531 : vector<16xf32>
        %parallel_loop3A_1533 = arith.index_cast %rem3A_116 : i32 to index
        %parallel_loop3A_1534 = arith.index_cast %parallel_loop3A_1515 : i32 to index
        %parallel_loop3A_1535 = arith.constant 48 : index
        %parallel_loop3A_1536 = tpu.vector_load %arg8[%parallel_loop3A_1533, %parallel_loop3A_1534, %parallel_loop3A_1535] {strides = array<i32>} : memref<2x400x64xf32, #tpu.memory_space<vmem>>, vector<16xf32>,
        %parallel_loop3A_1537 = arith.mulf %parallel_loop3A_264, %parallel_loop3A_1536 : vector<16xf32>
        %parallel_loop3A_1538 = arith.addf %parallel_loop3A_1532, %parallel_loop3A_1537 : vector<16xf32>
        %parallel_loop3A_1539 = arith.constant 2 : i32
        %parallel_loop3A_1540 = vector.broadcast %parallel_loop3A_1539 : i32 to vector<16xi32>
        %parallel_loop3A_1541 = arith.cmpi eq, %iota3A, %parallel_loop3A_1540 : vector<16xi32>
        %parallel_loop3A_1542 = arith.constant true
        %parallel_loop3A_1543 = vector.broadcast %parallel_loop3A_1542 : i1 to vector<16xi1>
        %parallel_loop3A_1544 = tpu.scan <sum>, %parallel_loop3A_1538 masked %parallel_loop3A_1543 : vector<16xf32>, vector<16xi1> -> vector<16xf32>
        %parallel_loop3A_1545 = vector.extract %parallel_loop3A_1544[15] : f32 from vector<16xf32>
        %parallel_loop3A_1546 = vector.broadcast %parallel_loop3A_1545 : f32 to vector<16xf32>
        %parallel_loop3A_1547 = arith.select %parallel_loop3A_1541, %parallel_loop3A_1546, %parallel_loop3A_1511 : vector<16xi1>, vector<16xf32>
        %parallel_loop3A_1548 = arith.constant 32 : i32
        %parallel_loop3A_1549 = arith.addi %parallel_loop3A_266, %parallel_loop3A_1548 : i32
        %parallel_loop3A_1550 = arith.constant 3 : i32
        %parallel_loop3A_1551 = arith.addi %parallel_loop3A_1549, %parallel_loop3A_1550 : i32
        %parallel_loop3A_1552 = arith.index_cast %rem3A_116 : i32 to index
        %parallel_loop3A_1553 = arith.index_cast %parallel_loop3A_1551 : i32 to index
        %parallel_loop3A_1554 = arith.constant 0 : index
        %parallel_loop3A_1555 = tpu.vector_load %arg8[%parallel_loop3A_1552, %parallel_loop3A_1553, %parallel_loop3A_1554] {strides = array<i32>} : memref<2x400x64xf32, #tpu.memory_space<vmem>>, vector<16xf32>,
        %parallel_loop3A_1556 = arith.mulf %parallel_loop3A_252, %parallel_loop3A_1555 : vector<16xf32>
        %parallel_loop3A_1557 = arith.index_cast %rem3A_116 : i32 to index
        %parallel_loop3A_1558 = arith.index_cast %parallel_loop3A_1551 : i32 to index
        %parallel_loop3A_1559 = arith.constant 16 : index
        %parallel_loop3A_1560 = tpu.vector_load %arg8[%parallel_loop3A_1557, %parallel_loop3A_1558, %parallel_loop3A_1559] {strides = array<i32>} : memref<2x400x64xf32, #tpu.memory_space<vmem>>, vector<16xf32>,
        %parallel_loop3A_1561 = arith.mulf %parallel_loop3A_256, %parallel_loop3A_1560 : vector<16xf32>
        %parallel_loop3A_1562 = arith.addf %parallel_loop3A_1556, %parallel_loop3A_1561 : vector<16xf32>
        %parallel_loop3A_1563 = arith.index_cast %rem3A_116 : i32 to index
        %parallel_loop3A_1564 = arith.index_cast %parallel_loop3A_1551 : i32 to index
        %parallel_loop3A_1565 = arith.constant 32 : index
        %parallel_loop3A_1566 = tpu.vector_load %arg8[%parallel_loop3A_1563, %parallel_loop3A_1564, %parallel_loop3A_1565] {strides = array<i32>} : memref<2x400x64xf32, #tpu.memory_space<vmem>>, vector<16xf32>,
        %parallel_loop3A_1567 = arith.mulf %parallel_loop3A_260, %parallel_loop3A_1566 : vector<16xf32>
        %parallel_loop3A_1568 = arith.addf %parallel_loop3A_1562, %parallel_loop3A_1567 : vector<16xf32>
        %parallel_loop3A_1569 = arith.index_cast %rem3A_116 : i32 to index
        %parallel_loop3A_1570 = arith.index_cast %parallel_loop3A_1551 : i32 to index
        %parallel_loop3A_1571 = arith.constant 48 : index
        %parallel_loop3A_1572 = tpu.vector_load %arg8[%parallel_loop3A_1569, %parallel_loop3A_1570, %parallel_loop3A_1571] {strides = array<i32>} : memref<2x400x64xf32, #tpu.memory_space<vmem>>, vector<16xf32>,
        %parallel_loop3A_1573 = arith.mulf %parallel_loop3A_264, %parallel_loop3A_1572 : vector<16xf32>
        %parallel_loop3A_1574 = arith.addf %parallel_loop3A_1568, %parallel_loop3A_1573 : vector<16xf32>
        %parallel_loop3A_1575 = arith.constant 3 : i32
        %parallel_loop3A_1576 = vector.broadcast %parallel_loop3A_1575 : i32 to vector<16xi32>
        %parallel_loop3A_1577 = arith.cmpi eq, %iota3A, %parallel_loop3A_1576 : vector<16xi32>
        %parallel_loop3A_1578 = arith.constant true
        %parallel_loop3A_1579 = vector.broadcast %parallel_loop3A_1578 : i1 to vector<16xi1>
        %parallel_loop3A_1580 = tpu.scan <sum>, %parallel_loop3A_1574 masked %parallel_loop3A_1579 : vector<16xf32>, vector<16xi1> -> vector<16xf32>
        %parallel_loop3A_1581 = vector.extract %parallel_loop3A_1580[15] : f32 from vector<16xf32>
        %parallel_loop3A_1582 = vector.broadcast %parallel_loop3A_1581 : f32 to vector<16xf32>
        %parallel_loop3A_1583 = arith.select %parallel_loop3A_1577, %parallel_loop3A_1582, %parallel_loop3A_1547 : vector<16xi1>, vector<16xf32>
        %parallel_loop3A_1584 = arith.constant 32 : i32
        %parallel_loop3A_1585 = arith.addi %parallel_loop3A_266, %parallel_loop3A_1584 : i32
        %parallel_loop3A_1586 = arith.constant 4 : i32
        %parallel_loop3A_1587 = arith.addi %parallel_loop3A_1585, %parallel_loop3A_1586 : i32
        %parallel_loop3A_1588 = arith.index_cast %rem3A_116 : i32 to index
        %parallel_loop3A_1589 = arith.index_cast %parallel_loop3A_1587 : i32 to index
        %parallel_loop3A_1590 = arith.constant 0 : index
        %parallel_loop3A_1591 = tpu.vector_load %arg8[%parallel_loop3A_1588, %parallel_loop3A_1589, %parallel_loop3A_1590] {strides = array<i32>} : memref<2x400x64xf32, #tpu.memory_space<vmem>>, vector<16xf32>,
        %parallel_loop3A_1592 = arith.mulf %parallel_loop3A_252, %parallel_loop3A_1591 : vector<16xf32>
        %parallel_loop3A_1593 = arith.index_cast %rem3A_116 : i32 to index
        %parallel_loop3A_1594 = arith.index_cast %parallel_loop3A_1587 : i32 to index
        %parallel_loop3A_1595 = arith.constant 16 : index
        %parallel_loop3A_1596 = tpu.vector_load %arg8[%parallel_loop3A_1593, %parallel_loop3A_1594, %parallel_loop3A_1595] {strides = array<i32>} : memref<2x400x64xf32, #tpu.memory_space<vmem>>, vector<16xf32>,
        %parallel_loop3A_1597 = arith.mulf %parallel_loop3A_256, %parallel_loop3A_1596 : vector<16xf32>
        %parallel_loop3A_1598 = arith.addf %parallel_loop3A_1592, %parallel_loop3A_1597 : vector<16xf32>
        %parallel_loop3A_1599 = arith.index_cast %rem3A_116 : i32 to index
        %parallel_loop3A_1600 = arith.index_cast %parallel_loop3A_1587 : i32 to index
        %parallel_loop3A_1601 = arith.constant 32 : index
        %parallel_loop3A_1602 = tpu.vector_load %arg8[%parallel_loop3A_1599, %parallel_loop3A_1600, %parallel_loop3A_1601] {strides = array<i32>} : memref<2x400x64xf32, #tpu.memory_space<vmem>>, vector<16xf32>,
        %parallel_loop3A_1603 = arith.mulf %parallel_loop3A_260, %parallel_loop3A_1602 : vector<16xf32>
        %parallel_loop3A_1604 = arith.addf %parallel_loop3A_1598, %parallel_loop3A_1603 : vector<16xf32>
        %parallel_loop3A_1605 = arith.index_cast %rem3A_116 : i32 to index
        %parallel_loop3A_1606 = arith.index_cast %parallel_loop3A_1587 : i32 to index
        %parallel_loop3A_1607 = arith.constant 48 : index
        %parallel_loop3A_1608 = tpu.vector_load %arg8[%parallel_loop3A_1605, %parallel_loop3A_1606, %parallel_loop3A_1607] {strides = array<i32>} : memref<2x400x64xf32, #tpu.memory_space<vmem>>, vector<16xf32>,
        %parallel_loop3A_1609 = arith.mulf %parallel_loop3A_264, %parallel_loop3A_1608 : vector<16xf32>
        %parallel_loop3A_1610 = arith.addf %parallel_loop3A_1604, %parallel_loop3A_1609 : vector<16xf32>
        %parallel_loop3A_1611 = arith.constant 4 : i32
        %parallel_loop3A_1612 = vector.broadcast %parallel_loop3A_1611 : i32 to vector<16xi32>
        %parallel_loop3A_1613 = arith.cmpi eq, %iota3A, %parallel_loop3A_1612 : vector<16xi32>
        %parallel_loop3A_1614 = arith.constant true
        %parallel_loop3A_1615 = vector.broadcast %parallel_loop3A_1614 : i1 to vector<16xi1>
        %parallel_loop3A_1616 = tpu.scan <sum>, %parallel_loop3A_1610 masked %parallel_loop3A_1615 : vector<16xf32>, vector<16xi1> -> vector<16xf32>
        %parallel_loop3A_1617 = vector.extract %parallel_loop3A_1616[15] : f32 from vector<16xf32>
        %parallel_loop3A_1618 = vector.broadcast %parallel_loop3A_1617 : f32 to vector<16xf32>
        %parallel_loop3A_1619 = arith.select %parallel_loop3A_1613, %parallel_loop3A_1618, %parallel_loop3A_1583 : vector<16xi1>, vector<16xf32>
        %parallel_loop3A_1620 = arith.constant 32 : i32
        %parallel_loop3A_1621 = arith.addi %parallel_loop3A_266, %parallel_loop3A_1620 : i32
        %parallel_loop3A_1622 = arith.constant 5 : i32
        %parallel_loop3A_1623 = arith.addi %parallel_loop3A_1621, %parallel_loop3A_1622 : i32
        %parallel_loop3A_1624 = arith.index_cast %rem3A_116 : i32 to index
        %parallel_loop3A_1625 = arith.index_cast %parallel_loop3A_1623 : i32 to index
        %parallel_loop3A_1626 = arith.constant 0 : index
        %parallel_loop3A_1627 = tpu.vector_load %arg8[%parallel_loop3A_1624, %parallel_loop3A_1625, %parallel_loop3A_1626] {strides = array<i32>} : memref<2x400x64xf32, #tpu.memory_space<vmem>>, vector<16xf32>,
        %parallel_loop3A_1628 = arith.mulf %parallel_loop3A_252, %parallel_loop3A_1627 : vector<16xf32>
        %parallel_loop3A_1629 = arith.index_cast %rem3A_116 : i32 to index
        %parallel_loop3A_1630 = arith.index_cast %parallel_loop3A_1623 : i32 to index
        %parallel_loop3A_1631 = arith.constant 16 : index
        %parallel_loop3A_1632 = tpu.vector_load %arg8[%parallel_loop3A_1629, %parallel_loop3A_1630, %parallel_loop3A_1631] {strides = array<i32>} : memref<2x400x64xf32, #tpu.memory_space<vmem>>, vector<16xf32>,
        %parallel_loop3A_1633 = arith.mulf %parallel_loop3A_256, %parallel_loop3A_1632 : vector<16xf32>
        %parallel_loop3A_1634 = arith.addf %parallel_loop3A_1628, %parallel_loop3A_1633 : vector<16xf32>
        %parallel_loop3A_1635 = arith.index_cast %rem3A_116 : i32 to index
        %parallel_loop3A_1636 = arith.index_cast %parallel_loop3A_1623 : i32 to index
        %parallel_loop3A_1637 = arith.constant 32 : index
        %parallel_loop3A_1638 = tpu.vector_load %arg8[%parallel_loop3A_1635, %parallel_loop3A_1636, %parallel_loop3A_1637] {strides = array<i32>} : memref<2x400x64xf32, #tpu.memory_space<vmem>>, vector<16xf32>,
        %parallel_loop3A_1639 = arith.mulf %parallel_loop3A_260, %parallel_loop3A_1638 : vector<16xf32>
        %parallel_loop3A_1640 = arith.addf %parallel_loop3A_1634, %parallel_loop3A_1639 : vector<16xf32>
        %parallel_loop3A_1641 = arith.index_cast %rem3A_116 : i32 to index
        %parallel_loop3A_1642 = arith.index_cast %parallel_loop3A_1623 : i32 to index
        %parallel_loop3A_1643 = arith.constant 48 : index
        %parallel_loop3A_1644 = tpu.vector_load %arg8[%parallel_loop3A_1641, %parallel_loop3A_1642, %parallel_loop3A_1643] {strides = array<i32>} : memref<2x400x64xf32, #tpu.memory_space<vmem>>, vector<16xf32>,
        %parallel_loop3A_1645 = arith.mulf %parallel_loop3A_264, %parallel_loop3A_1644 : vector<16xf32>
        %parallel_loop3A_1646 = arith.addf %parallel_loop3A_1640, %parallel_loop3A_1645 : vector<16xf32>
        %parallel_loop3A_1647 = arith.constant 5 : i32
        %parallel_loop3A_1648 = vector.broadcast %parallel_loop3A_1647 : i32 to vector<16xi32>
        %parallel_loop3A_1649 = arith.cmpi eq, %iota3A, %parallel_loop3A_1648 : vector<16xi32>
        %parallel_loop3A_1650 = arith.constant true
        %parallel_loop3A_1651 = vector.broadcast %parallel_loop3A_1650 : i1 to vector<16xi1>
        %parallel_loop3A_1652 = tpu.scan <sum>, %parallel_loop3A_1646 masked %parallel_loop3A_1651 : vector<16xf32>, vector<16xi1> -> vector<16xf32>
        %parallel_loop3A_1653 = vector.extract %parallel_loop3A_1652[15] : f32 from vector<16xf32>
        %parallel_loop3A_1654 = vector.broadcast %parallel_loop3A_1653 : f32 to vector<16xf32>
        %parallel_loop3A_1655 = arith.select %parallel_loop3A_1649, %parallel_loop3A_1654, %parallel_loop3A_1619 : vector<16xi1>, vector<16xf32>
        %parallel_loop3A_1656 = arith.constant 32 : i32
        %parallel_loop3A_1657 = arith.addi %parallel_loop3A_266, %parallel_loop3A_1656 : i32
        %parallel_loop3A_1658 = arith.constant 6 : i32
        %parallel_loop3A_1659 = arith.addi %parallel_loop3A_1657, %parallel_loop3A_1658 : i32
        %parallel_loop3A_1660 = arith.index_cast %rem3A_116 : i32 to index
        %parallel_loop3A_1661 = arith.index_cast %parallel_loop3A_1659 : i32 to index
        %parallel_loop3A_1662 = arith.constant 0 : index
        %parallel_loop3A_1663 = tpu.vector_load %arg8[%parallel_loop3A_1660, %parallel_loop3A_1661, %parallel_loop3A_1662] {strides = array<i32>} : memref<2x400x64xf32, #tpu.memory_space<vmem>>, vector<16xf32>,
        %parallel_loop3A_1664 = arith.mulf %parallel_loop3A_252, %parallel_loop3A_1663 : vector<16xf32>
        %parallel_loop3A_1665 = arith.index_cast %rem3A_116 : i32 to index
        %parallel_loop3A_1666 = arith.index_cast %parallel_loop3A_1659 : i32 to index
        %parallel_loop3A_1667 = arith.constant 16 : index
        %parallel_loop3A_1668 = tpu.vector_load %arg8[%parallel_loop3A_1665, %parallel_loop3A_1666, %parallel_loop3A_1667] {strides = array<i32>} : memref<2x400x64xf32, #tpu.memory_space<vmem>>, vector<16xf32>,
        %parallel_loop3A_1669 = arith.mulf %parallel_loop3A_256, %parallel_loop3A_1668 : vector<16xf32>
        %parallel_loop3A_1670 = arith.addf %parallel_loop3A_1664, %parallel_loop3A_1669 : vector<16xf32>
        %parallel_loop3A_1671 = arith.index_cast %rem3A_116 : i32 to index
        %parallel_loop3A_1672 = arith.index_cast %parallel_loop3A_1659 : i32 to index
        %parallel_loop3A_1673 = arith.constant 32 : index
        %parallel_loop3A_1674 = tpu.vector_load %arg8[%parallel_loop3A_1671, %parallel_loop3A_1672, %parallel_loop3A_1673] {strides = array<i32>} : memref<2x400x64xf32, #tpu.memory_space<vmem>>, vector<16xf32>,
        %parallel_loop3A_1675 = arith.mulf %parallel_loop3A_260, %parallel_loop3A_1674 : vector<16xf32>
        %parallel_loop3A_1676 = arith.addf %parallel_loop3A_1670, %parallel_loop3A_1675 : vector<16xf32>
        %parallel_loop3A_1677 = arith.index_cast %rem3A_116 : i32 to index
        %parallel_loop3A_1678 = arith.index_cast %parallel_loop3A_1659 : i32 to index
        %parallel_loop3A_1679 = arith.constant 48 : index
        %parallel_loop3A_1680 = tpu.vector_load %arg8[%parallel_loop3A_1677, %parallel_loop3A_1678, %parallel_loop3A_1679] {strides = array<i32>} : memref<2x400x64xf32, #tpu.memory_space<vmem>>, vector<16xf32>,
        %parallel_loop3A_1681 = arith.mulf %parallel_loop3A_264, %parallel_loop3A_1680 : vector<16xf32>
        %parallel_loop3A_1682 = arith.addf %parallel_loop3A_1676, %parallel_loop3A_1681 : vector<16xf32>
        %parallel_loop3A_1683 = arith.constant 6 : i32
        %parallel_loop3A_1684 = vector.broadcast %parallel_loop3A_1683 : i32 to vector<16xi32>
        %parallel_loop3A_1685 = arith.cmpi eq, %iota3A, %parallel_loop3A_1684 : vector<16xi32>
        %parallel_loop3A_1686 = arith.constant true
        %parallel_loop3A_1687 = vector.broadcast %parallel_loop3A_1686 : i1 to vector<16xi1>
        %parallel_loop3A_1688 = tpu.scan <sum>, %parallel_loop3A_1682 masked %parallel_loop3A_1687 : vector<16xf32>, vector<16xi1> -> vector<16xf32>
        %parallel_loop3A_1689 = vector.extract %parallel_loop3A_1688[15] : f32 from vector<16xf32>
        %parallel_loop3A_1690 = vector.broadcast %parallel_loop3A_1689 : f32 to vector<16xf32>
        %parallel_loop3A_1691 = arith.select %parallel_loop3A_1685, %parallel_loop3A_1690, %parallel_loop3A_1655 : vector<16xi1>, vector<16xf32>
        %parallel_loop3A_1692 = arith.constant 32 : i32
        %parallel_loop3A_1693 = arith.addi %parallel_loop3A_266, %parallel_loop3A_1692 : i32
        %parallel_loop3A_1694 = arith.constant 7 : i32
        %parallel_loop3A_1695 = arith.addi %parallel_loop3A_1693, %parallel_loop3A_1694 : i32
        %parallel_loop3A_1696 = arith.index_cast %rem3A_116 : i32 to index
        %parallel_loop3A_1697 = arith.index_cast %parallel_loop3A_1695 : i32 to index
        %parallel_loop3A_1698 = arith.constant 0 : index
        %parallel_loop3A_1699 = tpu.vector_load %arg8[%parallel_loop3A_1696, %parallel_loop3A_1697, %parallel_loop3A_1698] {strides = array<i32>} : memref<2x400x64xf32, #tpu.memory_space<vmem>>, vector<16xf32>,
        %parallel_loop3A_1700 = arith.mulf %parallel_loop3A_252, %parallel_loop3A_1699 : vector<16xf32>
        %parallel_loop3A_1701 = arith.index_cast %rem3A_116 : i32 to index
        %parallel_loop3A_1702 = arith.index_cast %parallel_loop3A_1695 : i32 to index
        %parallel_loop3A_1703 = arith.constant 16 : index
        %parallel_loop3A_1704 = tpu.vector_load %arg8[%parallel_loop3A_1701, %parallel_loop3A_1702, %parallel_loop3A_1703] {strides = array<i32>} : memref<2x400x64xf32, #tpu.memory_space<vmem>>, vector<16xf32>,
        %parallel_loop3A_1705 = arith.mulf %parallel_loop3A_256, %parallel_loop3A_1704 : vector<16xf32>
        %parallel_loop3A_1706 = arith.addf %parallel_loop3A_1700, %parallel_loop3A_1705 : vector<16xf32>
        %parallel_loop3A_1707 = arith.index_cast %rem3A_116 : i32 to index
        %parallel_loop3A_1708 = arith.index_cast %parallel_loop3A_1695 : i32 to index
        %parallel_loop3A_1709 = arith.constant 32 : index
        %parallel_loop3A_1710 = tpu.vector_load %arg8[%parallel_loop3A_1707, %parallel_loop3A_1708, %parallel_loop3A_1709] {strides = array<i32>} : memref<2x400x64xf32, #tpu.memory_space<vmem>>, vector<16xf32>,
        %parallel_loop3A_1711 = arith.mulf %parallel_loop3A_260, %parallel_loop3A_1710 : vector<16xf32>
        %parallel_loop3A_1712 = arith.addf %parallel_loop3A_1706, %parallel_loop3A_1711 : vector<16xf32>
        %parallel_loop3A_1713 = arith.index_cast %rem3A_116 : i32 to index
        %parallel_loop3A_1714 = arith.index_cast %parallel_loop3A_1695 : i32 to index
        %parallel_loop3A_1715 = arith.constant 48 : index
        %parallel_loop3A_1716 = tpu.vector_load %arg8[%parallel_loop3A_1713, %parallel_loop3A_1714, %parallel_loop3A_1715] {strides = array<i32>} : memref<2x400x64xf32, #tpu.memory_space<vmem>>, vector<16xf32>,
        %parallel_loop3A_1717 = arith.mulf %parallel_loop3A_264, %parallel_loop3A_1716 : vector<16xf32>
        %parallel_loop3A_1718 = arith.addf %parallel_loop3A_1712, %parallel_loop3A_1717 : vector<16xf32>
        %parallel_loop3A_1719 = arith.constant 7 : i32
        %parallel_loop3A_1720 = vector.broadcast %parallel_loop3A_1719 : i32 to vector<16xi32>
        %parallel_loop3A_1721 = arith.cmpi eq, %iota3A, %parallel_loop3A_1720 : vector<16xi32>
        %parallel_loop3A_1722 = arith.constant true
        %parallel_loop3A_1723 = vector.broadcast %parallel_loop3A_1722 : i1 to vector<16xi1>
        %parallel_loop3A_1724 = tpu.scan <sum>, %parallel_loop3A_1718 masked %parallel_loop3A_1723 : vector<16xf32>, vector<16xi1> -> vector<16xf32>
        %parallel_loop3A_1725 = vector.extract %parallel_loop3A_1724[15] : f32 from vector<16xf32>
        %parallel_loop3A_1726 = vector.broadcast %parallel_loop3A_1725 : f32 to vector<16xf32>
        %parallel_loop3A_1727 = arith.select %parallel_loop3A_1721, %parallel_loop3A_1726, %parallel_loop3A_1691 : vector<16xi1>, vector<16xf32>
        %parallel_loop3A_1728 = arith.constant 32 : i32
        %parallel_loop3A_1729 = arith.addi %parallel_loop3A_266, %parallel_loop3A_1728 : i32
        %parallel_loop3A_1730 = arith.constant 8 : i32
        %parallel_loop3A_1731 = arith.addi %parallel_loop3A_1729, %parallel_loop3A_1730 : i32
        %parallel_loop3A_1732 = arith.index_cast %rem3A_116 : i32 to index
        %parallel_loop3A_1733 = arith.index_cast %parallel_loop3A_1731 : i32 to index
        %parallel_loop3A_1734 = arith.constant 0 : index
        %parallel_loop3A_1735 = tpu.vector_load %arg8[%parallel_loop3A_1732, %parallel_loop3A_1733, %parallel_loop3A_1734] {strides = array<i32>} : memref<2x400x64xf32, #tpu.memory_space<vmem>>, vector<16xf32>,
        %parallel_loop3A_1736 = arith.mulf %parallel_loop3A_252, %parallel_loop3A_1735 : vector<16xf32>
        %parallel_loop3A_1737 = arith.index_cast %rem3A_116 : i32 to index
        %parallel_loop3A_1738 = arith.index_cast %parallel_loop3A_1731 : i32 to index
        %parallel_loop3A_1739 = arith.constant 16 : index
        %parallel_loop3A_1740 = tpu.vector_load %arg8[%parallel_loop3A_1737, %parallel_loop3A_1738, %parallel_loop3A_1739] {strides = array<i32>} : memref<2x400x64xf32, #tpu.memory_space<vmem>>, vector<16xf32>,
        %parallel_loop3A_1741 = arith.mulf %parallel_loop3A_256, %parallel_loop3A_1740 : vector<16xf32>
        %parallel_loop3A_1742 = arith.addf %parallel_loop3A_1736, %parallel_loop3A_1741 : vector<16xf32>
        %parallel_loop3A_1743 = arith.index_cast %rem3A_116 : i32 to index
        %parallel_loop3A_1744 = arith.index_cast %parallel_loop3A_1731 : i32 to index
        %parallel_loop3A_1745 = arith.constant 32 : index
        %parallel_loop3A_1746 = tpu.vector_load %arg8[%parallel_loop3A_1743, %parallel_loop3A_1744, %parallel_loop3A_1745] {strides = array<i32>} : memref<2x400x64xf32, #tpu.memory_space<vmem>>, vector<16xf32>,
        %parallel_loop3A_1747 = arith.mulf %parallel_loop3A_260, %parallel_loop3A_1746 : vector<16xf32>
        %parallel_loop3A_1748 = arith.addf %parallel_loop3A_1742, %parallel_loop3A_1747 : vector<16xf32>
        %parallel_loop3A_1749 = arith.index_cast %rem3A_116 : i32 to index
        %parallel_loop3A_1750 = arith.index_cast %parallel_loop3A_1731 : i32 to index
        %parallel_loop3A_1751 = arith.constant 48 : index
        %parallel_loop3A_1752 = tpu.vector_load %arg8[%parallel_loop3A_1749, %parallel_loop3A_1750, %parallel_loop3A_1751] {strides = array<i32>} : memref<2x400x64xf32, #tpu.memory_space<vmem>>, vector<16xf32>,
        %parallel_loop3A_1753 = arith.mulf %parallel_loop3A_264, %parallel_loop3A_1752 : vector<16xf32>
        %parallel_loop3A_1754 = arith.addf %parallel_loop3A_1748, %parallel_loop3A_1753 : vector<16xf32>
        %parallel_loop3A_1755 = arith.constant 8 : i32
        %parallel_loop3A_1756 = vector.broadcast %parallel_loop3A_1755 : i32 to vector<16xi32>
        %parallel_loop3A_1757 = arith.cmpi eq, %iota3A, %parallel_loop3A_1756 : vector<16xi32>
        %parallel_loop3A_1758 = arith.constant true
        %parallel_loop3A_1759 = vector.broadcast %parallel_loop3A_1758 : i1 to vector<16xi1>
        %parallel_loop3A_1760 = tpu.scan <sum>, %parallel_loop3A_1754 masked %parallel_loop3A_1759 : vector<16xf32>, vector<16xi1> -> vector<16xf32>
        %parallel_loop3A_1761 = vector.extract %parallel_loop3A_1760[15] : f32 from vector<16xf32>
        %parallel_loop3A_1762 = vector.broadcast %parallel_loop3A_1761 : f32 to vector<16xf32>
        %parallel_loop3A_1763 = arith.select %parallel_loop3A_1757, %parallel_loop3A_1762, %parallel_loop3A_1727 : vector<16xi1>, vector<16xf32>
        %parallel_loop3A_1764 = arith.constant 32 : i32
        %parallel_loop3A_1765 = arith.addi %parallel_loop3A_266, %parallel_loop3A_1764 : i32
        %parallel_loop3A_1766 = arith.constant 9 : i32
        %parallel_loop3A_1767 = arith.addi %parallel_loop3A_1765, %parallel_loop3A_1766 : i32
        %parallel_loop3A_1768 = arith.index_cast %rem3A_116 : i32 to index
        %parallel_loop3A_1769 = arith.index_cast %parallel_loop3A_1767 : i32 to index
        %parallel_loop3A_1770 = arith.constant 0 : index
        %parallel_loop3A_1771 = tpu.vector_load %arg8[%parallel_loop3A_1768, %parallel_loop3A_1769, %parallel_loop3A_1770] {strides = array<i32>} : memref<2x400x64xf32, #tpu.memory_space<vmem>>, vector<16xf32>,
        %parallel_loop3A_1772 = arith.mulf %parallel_loop3A_252, %parallel_loop3A_1771 : vector<16xf32>
        %parallel_loop3A_1773 = arith.index_cast %rem3A_116 : i32 to index
        %parallel_loop3A_1774 = arith.index_cast %parallel_loop3A_1767 : i32 to index
        %parallel_loop3A_1775 = arith.constant 16 : index
        %parallel_loop3A_1776 = tpu.vector_load %arg8[%parallel_loop3A_1773, %parallel_loop3A_1774, %parallel_loop3A_1775] {strides = array<i32>} : memref<2x400x64xf32, #tpu.memory_space<vmem>>, vector<16xf32>,
        %parallel_loop3A_1777 = arith.mulf %parallel_loop3A_256, %parallel_loop3A_1776 : vector<16xf32>
        %parallel_loop3A_1778 = arith.addf %parallel_loop3A_1772, %parallel_loop3A_1777 : vector<16xf32>
        %parallel_loop3A_1779 = arith.index_cast %rem3A_116 : i32 to index
        %parallel_loop3A_1780 = arith.index_cast %parallel_loop3A_1767 : i32 to index
        %parallel_loop3A_1781 = arith.constant 32 : index
        %parallel_loop3A_1782 = tpu.vector_load %arg8[%parallel_loop3A_1779, %parallel_loop3A_1780, %parallel_loop3A_1781] {strides = array<i32>} : memref<2x400x64xf32, #tpu.memory_space<vmem>>, vector<16xf32>,
        %parallel_loop3A_1783 = arith.mulf %parallel_loop3A_260, %parallel_loop3A_1782 : vector<16xf32>
        %parallel_loop3A_1784 = arith.addf %parallel_loop3A_1778, %parallel_loop3A_1783 : vector<16xf32>
        %parallel_loop3A_1785 = arith.index_cast %rem3A_116 : i32 to index
        %parallel_loop3A_1786 = arith.index_cast %parallel_loop3A_1767 : i32 to index
        %parallel_loop3A_1787 = arith.constant 48 : index
        %parallel_loop3A_1788 = tpu.vector_load %arg8[%parallel_loop3A_1785, %parallel_loop3A_1786, %parallel_loop3A_1787] {strides = array<i32>} : memref<2x400x64xf32, #tpu.memory_space<vmem>>, vector<16xf32>,
        %parallel_loop3A_1789 = arith.mulf %parallel_loop3A_264, %parallel_loop3A_1788 : vector<16xf32>
        %parallel_loop3A_1790 = arith.addf %parallel_loop3A_1784, %parallel_loop3A_1789 : vector<16xf32>
        %parallel_loop3A_1791 = arith.constant 9 : i32
        %parallel_loop3A_1792 = vector.broadcast %parallel_loop3A_1791 : i32 to vector<16xi32>
        %parallel_loop3A_1793 = arith.cmpi eq, %iota3A, %parallel_loop3A_1792 : vector<16xi32>
        %parallel_loop3A_1794 = arith.constant true
        %parallel_loop3A_1795 = vector.broadcast %parallel_loop3A_1794 : i1 to vector<16xi1>
        %parallel_loop3A_1796 = tpu.scan <sum>, %parallel_loop3A_1790 masked %parallel_loop3A_1795 : vector<16xf32>, vector<16xi1> -> vector<16xf32>
        %parallel_loop3A_1797 = vector.extract %parallel_loop3A_1796[15] : f32 from vector<16xf32>
        %parallel_loop3A_1798 = vector.broadcast %parallel_loop3A_1797 : f32 to vector<16xf32>
        %parallel_loop3A_1799 = arith.select %parallel_loop3A_1793, %parallel_loop3A_1798, %parallel_loop3A_1763 : vector<16xi1>, vector<16xf32>
        %parallel_loop3A_1800 = arith.constant 32 : i32
        %parallel_loop3A_1801 = arith.addi %parallel_loop3A_266, %parallel_loop3A_1800 : i32
        %parallel_loop3A_1802 = arith.constant 10 : i32
        %parallel_loop3A_1803 = arith.addi %parallel_loop3A_1801, %parallel_loop3A_1802 : i32
        %parallel_loop3A_1804 = arith.index_cast %rem3A_116 : i32 to index
        %parallel_loop3A_1805 = arith.index_cast %parallel_loop3A_1803 : i32 to index
        %parallel_loop3A_1806 = arith.constant 0 : index
        %parallel_loop3A_1807 = tpu.vector_load %arg8[%parallel_loop3A_1804, %parallel_loop3A_1805, %parallel_loop3A_1806] {strides = array<i32>} : memref<2x400x64xf32, #tpu.memory_space<vmem>>, vector<16xf32>,
        %parallel_loop3A_1808 = arith.mulf %parallel_loop3A_252, %parallel_loop3A_1807 : vector<16xf32>
        %parallel_loop3A_1809 = arith.index_cast %rem3A_116 : i32 to index
        %parallel_loop3A_1810 = arith.index_cast %parallel_loop3A_1803 : i32 to index
        %parallel_loop3A_1811 = arith.constant 16 : index
        %parallel_loop3A_1812 = tpu.vector_load %arg8[%parallel_loop3A_1809, %parallel_loop3A_1810, %parallel_loop3A_1811] {strides = array<i32>} : memref<2x400x64xf32, #tpu.memory_space<vmem>>, vector<16xf32>,
        %parallel_loop3A_1813 = arith.mulf %parallel_loop3A_256, %parallel_loop3A_1812 : vector<16xf32>
        %parallel_loop3A_1814 = arith.addf %parallel_loop3A_1808, %parallel_loop3A_1813 : vector<16xf32>
        %parallel_loop3A_1815 = arith.index_cast %rem3A_116 : i32 to index
        %parallel_loop3A_1816 = arith.index_cast %parallel_loop3A_1803 : i32 to index
        %parallel_loop3A_1817 = arith.constant 32 : index
        %parallel_loop3A_1818 = tpu.vector_load %arg8[%parallel_loop3A_1815, %parallel_loop3A_1816, %parallel_loop3A_1817] {strides = array<i32>} : memref<2x400x64xf32, #tpu.memory_space<vmem>>, vector<16xf32>,
        %parallel_loop3A_1819 = arith.mulf %parallel_loop3A_260, %parallel_loop3A_1818 : vector<16xf32>
        %parallel_loop3A_1820 = arith.addf %parallel_loop3A_1814, %parallel_loop3A_1819 : vector<16xf32>
        %parallel_loop3A_1821 = arith.index_cast %rem3A_116 : i32 to index
        %parallel_loop3A_1822 = arith.index_cast %parallel_loop3A_1803 : i32 to index
        %parallel_loop3A_1823 = arith.constant 48 : index
        %parallel_loop3A_1824 = tpu.vector_load %arg8[%parallel_loop3A_1821, %parallel_loop3A_1822, %parallel_loop3A_1823] {strides = array<i32>} : memref<2x400x64xf32, #tpu.memory_space<vmem>>, vector<16xf32>,
        %parallel_loop3A_1825 = arith.mulf %parallel_loop3A_264, %parallel_loop3A_1824 : vector<16xf32>
        %parallel_loop3A_1826 = arith.addf %parallel_loop3A_1820, %parallel_loop3A_1825 : vector<16xf32>
        %parallel_loop3A_1827 = arith.constant 10 : i32
        %parallel_loop3A_1828 = vector.broadcast %parallel_loop3A_1827 : i32 to vector<16xi32>
        %parallel_loop3A_1829 = arith.cmpi eq, %iota3A, %parallel_loop3A_1828 : vector<16xi32>
        %parallel_loop3A_1830 = arith.constant true
        %parallel_loop3A_1831 = vector.broadcast %parallel_loop3A_1830 : i1 to vector<16xi1>
        %parallel_loop3A_1832 = tpu.scan <sum>, %parallel_loop3A_1826 masked %parallel_loop3A_1831 : vector<16xf32>, vector<16xi1> -> vector<16xf32>
        %parallel_loop3A_1833 = vector.extract %parallel_loop3A_1832[15] : f32 from vector<16xf32>
        %parallel_loop3A_1834 = vector.broadcast %parallel_loop3A_1833 : f32 to vector<16xf32>
        %parallel_loop3A_1835 = arith.select %parallel_loop3A_1829, %parallel_loop3A_1834, %parallel_loop3A_1799 : vector<16xi1>, vector<16xf32>
        %parallel_loop3A_1836 = arith.constant 32 : i32
        %parallel_loop3A_1837 = arith.addi %parallel_loop3A_266, %parallel_loop3A_1836 : i32
        %parallel_loop3A_1838 = arith.constant 11 : i32
        %parallel_loop3A_1839 = arith.addi %parallel_loop3A_1837, %parallel_loop3A_1838 : i32
        %parallel_loop3A_1840 = arith.index_cast %rem3A_116 : i32 to index
        %parallel_loop3A_1841 = arith.index_cast %parallel_loop3A_1839 : i32 to index
        %parallel_loop3A_1842 = arith.constant 0 : index
        %parallel_loop3A_1843 = tpu.vector_load %arg8[%parallel_loop3A_1840, %parallel_loop3A_1841, %parallel_loop3A_1842] {strides = array<i32>} : memref<2x400x64xf32, #tpu.memory_space<vmem>>, vector<16xf32>,
        %parallel_loop3A_1844 = arith.mulf %parallel_loop3A_252, %parallel_loop3A_1843 : vector<16xf32>
        %parallel_loop3A_1845 = arith.index_cast %rem3A_116 : i32 to index
        %parallel_loop3A_1846 = arith.index_cast %parallel_loop3A_1839 : i32 to index
        %parallel_loop3A_1847 = arith.constant 16 : index
        %parallel_loop3A_1848 = tpu.vector_load %arg8[%parallel_loop3A_1845, %parallel_loop3A_1846, %parallel_loop3A_1847] {strides = array<i32>} : memref<2x400x64xf32, #tpu.memory_space<vmem>>, vector<16xf32>,
        %parallel_loop3A_1849 = arith.mulf %parallel_loop3A_256, %parallel_loop3A_1848 : vector<16xf32>
        %parallel_loop3A_1850 = arith.addf %parallel_loop3A_1844, %parallel_loop3A_1849 : vector<16xf32>
        %parallel_loop3A_1851 = arith.index_cast %rem3A_116 : i32 to index
        %parallel_loop3A_1852 = arith.index_cast %parallel_loop3A_1839 : i32 to index
        %parallel_loop3A_1853 = arith.constant 32 : index
        %parallel_loop3A_1854 = tpu.vector_load %arg8[%parallel_loop3A_1851, %parallel_loop3A_1852, %parallel_loop3A_1853] {strides = array<i32>} : memref<2x400x64xf32, #tpu.memory_space<vmem>>, vector<16xf32>,
        %parallel_loop3A_1855 = arith.mulf %parallel_loop3A_260, %parallel_loop3A_1854 : vector<16xf32>
        %parallel_loop3A_1856 = arith.addf %parallel_loop3A_1850, %parallel_loop3A_1855 : vector<16xf32>
        %parallel_loop3A_1857 = arith.index_cast %rem3A_116 : i32 to index
        %parallel_loop3A_1858 = arith.index_cast %parallel_loop3A_1839 : i32 to index
        %parallel_loop3A_1859 = arith.constant 48 : index
        %parallel_loop3A_1860 = tpu.vector_load %arg8[%parallel_loop3A_1857, %parallel_loop3A_1858, %parallel_loop3A_1859] {strides = array<i32>} : memref<2x400x64xf32, #tpu.memory_space<vmem>>, vector<16xf32>,
        %parallel_loop3A_1861 = arith.mulf %parallel_loop3A_264, %parallel_loop3A_1860 : vector<16xf32>
        %parallel_loop3A_1862 = arith.addf %parallel_loop3A_1856, %parallel_loop3A_1861 : vector<16xf32>
        %parallel_loop3A_1863 = arith.constant 11 : i32
        %parallel_loop3A_1864 = vector.broadcast %parallel_loop3A_1863 : i32 to vector<16xi32>
        %parallel_loop3A_1865 = arith.cmpi eq, %iota3A, %parallel_loop3A_1864 : vector<16xi32>
        %parallel_loop3A_1866 = arith.constant true
        %parallel_loop3A_1867 = vector.broadcast %parallel_loop3A_1866 : i1 to vector<16xi1>
        %parallel_loop3A_1868 = tpu.scan <sum>, %parallel_loop3A_1862 masked %parallel_loop3A_1867 : vector<16xf32>, vector<16xi1> -> vector<16xf32>
        %parallel_loop3A_1869 = vector.extract %parallel_loop3A_1868[15] : f32 from vector<16xf32>
        %parallel_loop3A_1870 = vector.broadcast %parallel_loop3A_1869 : f32 to vector<16xf32>
        %parallel_loop3A_1871 = arith.select %parallel_loop3A_1865, %parallel_loop3A_1870, %parallel_loop3A_1835 : vector<16xi1>, vector<16xf32>
        %parallel_loop3A_1872 = arith.constant 32 : i32
        %parallel_loop3A_1873 = arith.addi %parallel_loop3A_266, %parallel_loop3A_1872 : i32
        %parallel_loop3A_1874 = arith.constant 12 : i32
        %parallel_loop3A_1875 = arith.addi %parallel_loop3A_1873, %parallel_loop3A_1874 : i32
        %parallel_loop3A_1876 = arith.index_cast %rem3A_116 : i32 to index
        %parallel_loop3A_1877 = arith.index_cast %parallel_loop3A_1875 : i32 to index
        %parallel_loop3A_1878 = arith.constant 0 : index
        %parallel_loop3A_1879 = tpu.vector_load %arg8[%parallel_loop3A_1876, %parallel_loop3A_1877, %parallel_loop3A_1878] {strides = array<i32>} : memref<2x400x64xf32, #tpu.memory_space<vmem>>, vector<16xf32>,
        %parallel_loop3A_1880 = arith.mulf %parallel_loop3A_252, %parallel_loop3A_1879 : vector<16xf32>
        %parallel_loop3A_1881 = arith.index_cast %rem3A_116 : i32 to index
        %parallel_loop3A_1882 = arith.index_cast %parallel_loop3A_1875 : i32 to index
        %parallel_loop3A_1883 = arith.constant 16 : index
        %parallel_loop3A_1884 = tpu.vector_load %arg8[%parallel_loop3A_1881, %parallel_loop3A_1882, %parallel_loop3A_1883] {strides = array<i32>} : memref<2x400x64xf32, #tpu.memory_space<vmem>>, vector<16xf32>,
        %parallel_loop3A_1885 = arith.mulf %parallel_loop3A_256, %parallel_loop3A_1884 : vector<16xf32>
        %parallel_loop3A_1886 = arith.addf %parallel_loop3A_1880, %parallel_loop3A_1885 : vector<16xf32>
        %parallel_loop3A_1887 = arith.index_cast %rem3A_116 : i32 to index
        %parallel_loop3A_1888 = arith.index_cast %parallel_loop3A_1875 : i32 to index
        %parallel_loop3A_1889 = arith.constant 32 : index
        %parallel_loop3A_1890 = tpu.vector_load %arg8[%parallel_loop3A_1887, %parallel_loop3A_1888, %parallel_loop3A_1889] {strides = array<i32>} : memref<2x400x64xf32, #tpu.memory_space<vmem>>, vector<16xf32>,
        %parallel_loop3A_1891 = arith.mulf %parallel_loop3A_260, %parallel_loop3A_1890 : vector<16xf32>
        %parallel_loop3A_1892 = arith.addf %parallel_loop3A_1886, %parallel_loop3A_1891 : vector<16xf32>
        %parallel_loop3A_1893 = arith.index_cast %rem3A_116 : i32 to index
        %parallel_loop3A_1894 = arith.index_cast %parallel_loop3A_1875 : i32 to index
        %parallel_loop3A_1895 = arith.constant 48 : index
        %parallel_loop3A_1896 = tpu.vector_load %arg8[%parallel_loop3A_1893, %parallel_loop3A_1894, %parallel_loop3A_1895] {strides = array<i32>} : memref<2x400x64xf32, #tpu.memory_space<vmem>>, vector<16xf32>,
        %parallel_loop3A_1897 = arith.mulf %parallel_loop3A_264, %parallel_loop3A_1896 : vector<16xf32>
        %parallel_loop3A_1898 = arith.addf %parallel_loop3A_1892, %parallel_loop3A_1897 : vector<16xf32>
        %parallel_loop3A_1899 = arith.constant 12 : i32
        %parallel_loop3A_1900 = vector.broadcast %parallel_loop3A_1899 : i32 to vector<16xi32>
        %parallel_loop3A_1901 = arith.cmpi eq, %iota3A, %parallel_loop3A_1900 : vector<16xi32>
        %parallel_loop3A_1902 = arith.constant true
        %parallel_loop3A_1903 = vector.broadcast %parallel_loop3A_1902 : i1 to vector<16xi1>
        %parallel_loop3A_1904 = tpu.scan <sum>, %parallel_loop3A_1898 masked %parallel_loop3A_1903 : vector<16xf32>, vector<16xi1> -> vector<16xf32>
        %parallel_loop3A_1905 = vector.extract %parallel_loop3A_1904[15] : f32 from vector<16xf32>
        %parallel_loop3A_1906 = vector.broadcast %parallel_loop3A_1905 : f32 to vector<16xf32>
        %parallel_loop3A_1907 = arith.select %parallel_loop3A_1901, %parallel_loop3A_1906, %parallel_loop3A_1871 : vector<16xi1>, vector<16xf32>
        %parallel_loop3A_1908 = arith.constant 32 : i32
        %parallel_loop3A_1909 = arith.addi %parallel_loop3A_266, %parallel_loop3A_1908 : i32
        %parallel_loop3A_1910 = arith.constant 13 : i32
        %parallel_loop3A_1911 = arith.addi %parallel_loop3A_1909, %parallel_loop3A_1910 : i32
        %parallel_loop3A_1912 = arith.index_cast %rem3A_116 : i32 to index
        %parallel_loop3A_1913 = arith.index_cast %parallel_loop3A_1911 : i32 to index
        %parallel_loop3A_1914 = arith.constant 0 : index
        %parallel_loop3A_1915 = tpu.vector_load %arg8[%parallel_loop3A_1912, %parallel_loop3A_1913, %parallel_loop3A_1914] {strides = array<i32>} : memref<2x400x64xf32, #tpu.memory_space<vmem>>, vector<16xf32>,
        %parallel_loop3A_1916 = arith.mulf %parallel_loop3A_252, %parallel_loop3A_1915 : vector<16xf32>
        %parallel_loop3A_1917 = arith.index_cast %rem3A_116 : i32 to index
        %parallel_loop3A_1918 = arith.index_cast %parallel_loop3A_1911 : i32 to index
        %parallel_loop3A_1919 = arith.constant 16 : index
        %parallel_loop3A_1920 = tpu.vector_load %arg8[%parallel_loop3A_1917, %parallel_loop3A_1918, %parallel_loop3A_1919] {strides = array<i32>} : memref<2x400x64xf32, #tpu.memory_space<vmem>>, vector<16xf32>,
        %parallel_loop3A_1921 = arith.mulf %parallel_loop3A_256, %parallel_loop3A_1920 : vector<16xf32>
        %parallel_loop3A_1922 = arith.addf %parallel_loop3A_1916, %parallel_loop3A_1921 : vector<16xf32>
        %parallel_loop3A_1923 = arith.index_cast %rem3A_116 : i32 to index
        %parallel_loop3A_1924 = arith.index_cast %parallel_loop3A_1911 : i32 to index
        %parallel_loop3A_1925 = arith.constant 32 : index
        %parallel_loop3A_1926 = tpu.vector_load %arg8[%parallel_loop3A_1923, %parallel_loop3A_1924, %parallel_loop3A_1925] {strides = array<i32>} : memref<2x400x64xf32, #tpu.memory_space<vmem>>, vector<16xf32>,
        %parallel_loop3A_1927 = arith.mulf %parallel_loop3A_260, %parallel_loop3A_1926 : vector<16xf32>
        %parallel_loop3A_1928 = arith.addf %parallel_loop3A_1922, %parallel_loop3A_1927 : vector<16xf32>
        %parallel_loop3A_1929 = arith.index_cast %rem3A_116 : i32 to index
        %parallel_loop3A_1930 = arith.index_cast %parallel_loop3A_1911 : i32 to index
        %parallel_loop3A_1931 = arith.constant 48 : index
        %parallel_loop3A_1932 = tpu.vector_load %arg8[%parallel_loop3A_1929, %parallel_loop3A_1930, %parallel_loop3A_1931] {strides = array<i32>} : memref<2x400x64xf32, #tpu.memory_space<vmem>>, vector<16xf32>,
        %parallel_loop3A_1933 = arith.mulf %parallel_loop3A_264, %parallel_loop3A_1932 : vector<16xf32>
        %parallel_loop3A_1934 = arith.addf %parallel_loop3A_1928, %parallel_loop3A_1933 : vector<16xf32>
        %parallel_loop3A_1935 = arith.constant 13 : i32
        %parallel_loop3A_1936 = vector.broadcast %parallel_loop3A_1935 : i32 to vector<16xi32>
        %parallel_loop3A_1937 = arith.cmpi eq, %iota3A, %parallel_loop3A_1936 : vector<16xi32>
        %parallel_loop3A_1938 = arith.constant true
        %parallel_loop3A_1939 = vector.broadcast %parallel_loop3A_1938 : i1 to vector<16xi1>
        %parallel_loop3A_1940 = tpu.scan <sum>, %parallel_loop3A_1934 masked %parallel_loop3A_1939 : vector<16xf32>, vector<16xi1> -> vector<16xf32>
        %parallel_loop3A_1941 = vector.extract %parallel_loop3A_1940[15] : f32 from vector<16xf32>
        %parallel_loop3A_1942 = vector.broadcast %parallel_loop3A_1941 : f32 to vector<16xf32>
        %parallel_loop3A_1943 = arith.select %parallel_loop3A_1937, %parallel_loop3A_1942, %parallel_loop3A_1907 : vector<16xi1>, vector<16xf32>
        %parallel_loop3A_1944 = arith.constant 32 : i32
        %parallel_loop3A_1945 = arith.addi %parallel_loop3A_266, %parallel_loop3A_1944 : i32
        %parallel_loop3A_1946 = arith.constant 14 : i32
        %parallel_loop3A_1947 = arith.addi %parallel_loop3A_1945, %parallel_loop3A_1946 : i32
        %parallel_loop3A_1948 = arith.index_cast %rem3A_116 : i32 to index
        %parallel_loop3A_1949 = arith.index_cast %parallel_loop3A_1947 : i32 to index
        %parallel_loop3A_1950 = arith.constant 0 : index
        %parallel_loop3A_1951 = tpu.vector_load %arg8[%parallel_loop3A_1948, %parallel_loop3A_1949, %parallel_loop3A_1950] {strides = array<i32>} : memref<2x400x64xf32, #tpu.memory_space<vmem>>, vector<16xf32>,
        %parallel_loop3A_1952 = arith.mulf %parallel_loop3A_252, %parallel_loop3A_1951 : vector<16xf32>
        %parallel_loop3A_1953 = arith.index_cast %rem3A_116 : i32 to index
        %parallel_loop3A_1954 = arith.index_cast %parallel_loop3A_1947 : i32 to index
        %parallel_loop3A_1955 = arith.constant 16 : index
        %parallel_loop3A_1956 = tpu.vector_load %arg8[%parallel_loop3A_1953, %parallel_loop3A_1954, %parallel_loop3A_1955] {strides = array<i32>} : memref<2x400x64xf32, #tpu.memory_space<vmem>>, vector<16xf32>,
        %parallel_loop3A_1957 = arith.mulf %parallel_loop3A_256, %parallel_loop3A_1956 : vector<16xf32>
        %parallel_loop3A_1958 = arith.addf %parallel_loop3A_1952, %parallel_loop3A_1957 : vector<16xf32>
        %parallel_loop3A_1959 = arith.index_cast %rem3A_116 : i32 to index
        %parallel_loop3A_1960 = arith.index_cast %parallel_loop3A_1947 : i32 to index
        %parallel_loop3A_1961 = arith.constant 32 : index
        %parallel_loop3A_1962 = tpu.vector_load %arg8[%parallel_loop3A_1959, %parallel_loop3A_1960, %parallel_loop3A_1961] {strides = array<i32>} : memref<2x400x64xf32, #tpu.memory_space<vmem>>, vector<16xf32>,
        %parallel_loop3A_1963 = arith.mulf %parallel_loop3A_260, %parallel_loop3A_1962 : vector<16xf32>
        %parallel_loop3A_1964 = arith.addf %parallel_loop3A_1958, %parallel_loop3A_1963 : vector<16xf32>
        %parallel_loop3A_1965 = arith.index_cast %rem3A_116 : i32 to index
        %parallel_loop3A_1966 = arith.index_cast %parallel_loop3A_1947 : i32 to index
        %parallel_loop3A_1967 = arith.constant 48 : index
        %parallel_loop3A_1968 = tpu.vector_load %arg8[%parallel_loop3A_1965, %parallel_loop3A_1966, %parallel_loop3A_1967] {strides = array<i32>} : memref<2x400x64xf32, #tpu.memory_space<vmem>>, vector<16xf32>,
        %parallel_loop3A_1969 = arith.mulf %parallel_loop3A_264, %parallel_loop3A_1968 : vector<16xf32>
        %parallel_loop3A_1970 = arith.addf %parallel_loop3A_1964, %parallel_loop3A_1969 : vector<16xf32>
        %parallel_loop3A_1971 = arith.constant 14 : i32
        %parallel_loop3A_1972 = vector.broadcast %parallel_loop3A_1971 : i32 to vector<16xi32>
        %parallel_loop3A_1973 = arith.cmpi eq, %iota3A, %parallel_loop3A_1972 : vector<16xi32>
        %parallel_loop3A_1974 = arith.constant true
        %parallel_loop3A_1975 = vector.broadcast %parallel_loop3A_1974 : i1 to vector<16xi1>
        %parallel_loop3A_1976 = tpu.scan <sum>, %parallel_loop3A_1970 masked %parallel_loop3A_1975 : vector<16xf32>, vector<16xi1> -> vector<16xf32>
        %parallel_loop3A_1977 = vector.extract %parallel_loop3A_1976[15] : f32 from vector<16xf32>
        %parallel_loop3A_1978 = vector.broadcast %parallel_loop3A_1977 : f32 to vector<16xf32>
        %parallel_loop3A_1979 = arith.select %parallel_loop3A_1973, %parallel_loop3A_1978, %parallel_loop3A_1943 : vector<16xi1>, vector<16xf32>
        %parallel_loop3A_1980 = arith.constant 32 : i32
        %parallel_loop3A_1981 = arith.addi %parallel_loop3A_266, %parallel_loop3A_1980 : i32
        %parallel_loop3A_1982 = arith.constant 15 : i32
        %parallel_loop3A_1983 = arith.addi %parallel_loop3A_1981, %parallel_loop3A_1982 : i32
        %parallel_loop3A_1984 = arith.index_cast %rem3A_116 : i32 to index
        %parallel_loop3A_1985 = arith.index_cast %parallel_loop3A_1983 : i32 to index
        %parallel_loop3A_1986 = arith.constant 0 : index
        %parallel_loop3A_1987 = tpu.vector_load %arg8[%parallel_loop3A_1984, %parallel_loop3A_1985, %parallel_loop3A_1986] {strides = array<i32>} : memref<2x400x64xf32, #tpu.memory_space<vmem>>, vector<16xf32>,
        %parallel_loop3A_1988 = arith.mulf %parallel_loop3A_252, %parallel_loop3A_1987 : vector<16xf32>
        %parallel_loop3A_1989 = arith.index_cast %rem3A_116 : i32 to index
        %parallel_loop3A_1990 = arith.index_cast %parallel_loop3A_1983 : i32 to index
        %parallel_loop3A_1991 = arith.constant 16 : index
        %parallel_loop3A_1992 = tpu.vector_load %arg8[%parallel_loop3A_1989, %parallel_loop3A_1990, %parallel_loop3A_1991] {strides = array<i32>} : memref<2x400x64xf32, #tpu.memory_space<vmem>>, vector<16xf32>,
        %parallel_loop3A_1993 = arith.mulf %parallel_loop3A_256, %parallel_loop3A_1992 : vector<16xf32>
        %parallel_loop3A_1994 = arith.addf %parallel_loop3A_1988, %parallel_loop3A_1993 : vector<16xf32>
        %parallel_loop3A_1995 = arith.index_cast %rem3A_116 : i32 to index
        %parallel_loop3A_1996 = arith.index_cast %parallel_loop3A_1983 : i32 to index
        %parallel_loop3A_1997 = arith.constant 32 : index
        %parallel_loop3A_1998 = tpu.vector_load %arg8[%parallel_loop3A_1995, %parallel_loop3A_1996, %parallel_loop3A_1997] {strides = array<i32>} : memref<2x400x64xf32, #tpu.memory_space<vmem>>, vector<16xf32>,
        %parallel_loop3A_1999 = arith.mulf %parallel_loop3A_260, %parallel_loop3A_1998 : vector<16xf32>
        %parallel_loop3A_2000 = arith.addf %parallel_loop3A_1994, %parallel_loop3A_1999 : vector<16xf32>
        %parallel_loop3A_2001 = arith.index_cast %rem3A_116 : i32 to index
        %parallel_loop3A_2002 = arith.index_cast %parallel_loop3A_1983 : i32 to index
        %parallel_loop3A_2003 = arith.constant 48 : index
        %parallel_loop3A_2004 = tpu.vector_load %arg8[%parallel_loop3A_2001, %parallel_loop3A_2002, %parallel_loop3A_2003] {strides = array<i32>} : memref<2x400x64xf32, #tpu.memory_space<vmem>>, vector<16xf32>,
        %parallel_loop3A_2005 = arith.mulf %parallel_loop3A_264, %parallel_loop3A_2004 : vector<16xf32>
        %parallel_loop3A_2006 = arith.addf %parallel_loop3A_2000, %parallel_loop3A_2005 : vector<16xf32>
        %parallel_loop3A_2007 = arith.constant 15 : i32
        %parallel_loop3A_2008 = vector.broadcast %parallel_loop3A_2007 : i32 to vector<16xi32>
        %parallel_loop3A_2009 = arith.cmpi eq, %iota3A, %parallel_loop3A_2008 : vector<16xi32>
        %parallel_loop3A_2010 = arith.constant true
        %parallel_loop3A_2011 = vector.broadcast %parallel_loop3A_2010 : i1 to vector<16xi1>
        %parallel_loop3A_2012 = tpu.scan <sum>, %parallel_loop3A_2006 masked %parallel_loop3A_2011 : vector<16xf32>, vector<16xi1> -> vector<16xf32>
        %parallel_loop3A_2013 = vector.extract %parallel_loop3A_2012[15] : f32 from vector<16xf32>
        %parallel_loop3A_2014 = vector.broadcast %parallel_loop3A_2013 : f32 to vector<16xf32>
        %parallel_loop3A_2015 = arith.select %parallel_loop3A_2009, %parallel_loop3A_2014, %parallel_loop3A_1979 : vector<16xi1>, vector<16xf32>
        %parallel_loop3A_2016 = arith.constant 64 : i32
        %parallel_loop3A_2017 = arith.muli %parallel_loop3A_269, %parallel_loop3A_2016 : i32
        %parallel_loop3A_2018 = arith.constant 32 : i32
        %parallel_loop3A_2019 = arith.addi %parallel_loop3A_2017, %parallel_loop3A_2018 : i32
        %parallel_loop3A_2020 = arith.index_cast %parallel_loop3A_2019 : i32 to index
        %parallel_loop3A_2021 = tpu.vector_load %arg10[%parallel_loop3A_2020] {strides = array<i32>} : memref<32768xf32, #tpu.memory_space<vmem>>, vector<16xf32>,
        tpu.vector_store %arg10[%parallel_loop3A_2020], %parallel_loop3A_2015 {strides = array<i32>} : memref<32768xf32, #tpu.memory_space<vmem>>, vector<16xf32>,
        %parallel_loop3A_2022 = arith.constant 0.000000e+00 : f32
        %parallel_loop3A_2023 = vector.broadcast %parallel_loop3A_2022 : f32 to vector<16xf32>
        %parallel_loop3A_2024 = arith.constant 48 : i32
        %parallel_loop3A_2025 = arith.addi %parallel_loop3A_266, %parallel_loop3A_2024 : i32
        %parallel_loop3A_2026 = arith.constant 0 : i32
        %parallel_loop3A_2027 = arith.addi %parallel_loop3A_2025, %parallel_loop3A_2026 : i32
        %parallel_loop3A_2028 = arith.index_cast %rem3A_116 : i32 to index
        %parallel_loop3A_2029 = arith.index_cast %parallel_loop3A_2027 : i32 to index
        %parallel_loop3A_2030 = arith.constant 0 : index
        %parallel_loop3A_2031 = tpu.vector_load %arg8[%parallel_loop3A_2028, %parallel_loop3A_2029, %parallel_loop3A_2030] {strides = array<i32>} : memref<2x400x64xf32, #tpu.memory_space<vmem>>, vector<16xf32>,
        %parallel_loop3A_2032 = arith.mulf %parallel_loop3A_252, %parallel_loop3A_2031 : vector<16xf32>
        %parallel_loop3A_2033 = arith.index_cast %rem3A_116 : i32 to index
        %parallel_loop3A_2034 = arith.index_cast %parallel_loop3A_2027 : i32 to index
        %parallel_loop3A_2035 = arith.constant 16 : index
        %parallel_loop3A_2036 = tpu.vector_load %arg8[%parallel_loop3A_2033, %parallel_loop3A_2034, %parallel_loop3A_2035] {strides = array<i32>} : memref<2x400x64xf32, #tpu.memory_space<vmem>>, vector<16xf32>,
        %parallel_loop3A_2037 = arith.mulf %parallel_loop3A_256, %parallel_loop3A_2036 : vector<16xf32>
        %parallel_loop3A_2038 = arith.addf %parallel_loop3A_2032, %parallel_loop3A_2037 : vector<16xf32>
        %parallel_loop3A_2039 = arith.index_cast %rem3A_116 : i32 to index
        %parallel_loop3A_2040 = arith.index_cast %parallel_loop3A_2027 : i32 to index
        %parallel_loop3A_2041 = arith.constant 32 : index
        %parallel_loop3A_2042 = tpu.vector_load %arg8[%parallel_loop3A_2039, %parallel_loop3A_2040, %parallel_loop3A_2041] {strides = array<i32>} : memref<2x400x64xf32, #tpu.memory_space<vmem>>, vector<16xf32>,
        %parallel_loop3A_2043 = arith.mulf %parallel_loop3A_260, %parallel_loop3A_2042 : vector<16xf32>
        %parallel_loop3A_2044 = arith.addf %parallel_loop3A_2038, %parallel_loop3A_2043 : vector<16xf32>
        %parallel_loop3A_2045 = arith.index_cast %rem3A_116 : i32 to index
        %parallel_loop3A_2046 = arith.index_cast %parallel_loop3A_2027 : i32 to index
        %parallel_loop3A_2047 = arith.constant 48 : index
        %parallel_loop3A_2048 = tpu.vector_load %arg8[%parallel_loop3A_2045, %parallel_loop3A_2046, %parallel_loop3A_2047] {strides = array<i32>} : memref<2x400x64xf32, #tpu.memory_space<vmem>>, vector<16xf32>,
        %parallel_loop3A_2049 = arith.mulf %parallel_loop3A_264, %parallel_loop3A_2048 : vector<16xf32>
        %parallel_loop3A_2050 = arith.addf %parallel_loop3A_2044, %parallel_loop3A_2049 : vector<16xf32>
        %parallel_loop3A_2051 = arith.constant 0 : i32
        %parallel_loop3A_2052 = vector.broadcast %parallel_loop3A_2051 : i32 to vector<16xi32>
        %parallel_loop3A_2053 = arith.cmpi eq, %iota3A, %parallel_loop3A_2052 : vector<16xi32>
        %parallel_loop3A_2054 = arith.constant true
        %parallel_loop3A_2055 = vector.broadcast %parallel_loop3A_2054 : i1 to vector<16xi1>
        %parallel_loop3A_2056 = tpu.scan <sum>, %parallel_loop3A_2050 masked %parallel_loop3A_2055 : vector<16xf32>, vector<16xi1> -> vector<16xf32>
        %parallel_loop3A_2057 = vector.extract %parallel_loop3A_2056[15] : f32 from vector<16xf32>
        %parallel_loop3A_2058 = vector.broadcast %parallel_loop3A_2057 : f32 to vector<16xf32>
        %parallel_loop3A_2059 = arith.select %parallel_loop3A_2053, %parallel_loop3A_2058, %parallel_loop3A_2023 : vector<16xi1>, vector<16xf32>
        %parallel_loop3A_2060 = arith.constant 48 : i32
        %parallel_loop3A_2061 = arith.addi %parallel_loop3A_266, %parallel_loop3A_2060 : i32
        %parallel_loop3A_2062 = arith.constant 1 : i32
        %parallel_loop3A_2063 = arith.addi %parallel_loop3A_2061, %parallel_loop3A_2062 : i32
        %parallel_loop3A_2064 = arith.index_cast %rem3A_116 : i32 to index
        %parallel_loop3A_2065 = arith.index_cast %parallel_loop3A_2063 : i32 to index
        %parallel_loop3A_2066 = arith.constant 0 : index
        %parallel_loop3A_2067 = tpu.vector_load %arg8[%parallel_loop3A_2064, %parallel_loop3A_2065, %parallel_loop3A_2066] {strides = array<i32>} : memref<2x400x64xf32, #tpu.memory_space<vmem>>, vector<16xf32>,
        %parallel_loop3A_2068 = arith.mulf %parallel_loop3A_252, %parallel_loop3A_2067 : vector<16xf32>
        %parallel_loop3A_2069 = arith.index_cast %rem3A_116 : i32 to index
        %parallel_loop3A_2070 = arith.index_cast %parallel_loop3A_2063 : i32 to index
        %parallel_loop3A_2071 = arith.constant 16 : index
        %parallel_loop3A_2072 = tpu.vector_load %arg8[%parallel_loop3A_2069, %parallel_loop3A_2070, %parallel_loop3A_2071] {strides = array<i32>} : memref<2x400x64xf32, #tpu.memory_space<vmem>>, vector<16xf32>,
        %parallel_loop3A_2073 = arith.mulf %parallel_loop3A_256, %parallel_loop3A_2072 : vector<16xf32>
        %parallel_loop3A_2074 = arith.addf %parallel_loop3A_2068, %parallel_loop3A_2073 : vector<16xf32>
        %parallel_loop3A_2075 = arith.index_cast %rem3A_116 : i32 to index
        %parallel_loop3A_2076 = arith.index_cast %parallel_loop3A_2063 : i32 to index
        %parallel_loop3A_2077 = arith.constant 32 : index
        %parallel_loop3A_2078 = tpu.vector_load %arg8[%parallel_loop3A_2075, %parallel_loop3A_2076, %parallel_loop3A_2077] {strides = array<i32>} : memref<2x400x64xf32, #tpu.memory_space<vmem>>, vector<16xf32>,
        %parallel_loop3A_2079 = arith.mulf %parallel_loop3A_260, %parallel_loop3A_2078 : vector<16xf32>
        %parallel_loop3A_2080 = arith.addf %parallel_loop3A_2074, %parallel_loop3A_2079 : vector<16xf32>
        %parallel_loop3A_2081 = arith.index_cast %rem3A_116 : i32 to index
        %parallel_loop3A_2082 = arith.index_cast %parallel_loop3A_2063 : i32 to index
        %parallel_loop3A_2083 = arith.constant 48 : index
        %parallel_loop3A_2084 = tpu.vector_load %arg8[%parallel_loop3A_2081, %parallel_loop3A_2082, %parallel_loop3A_2083] {strides = array<i32>} : memref<2x400x64xf32, #tpu.memory_space<vmem>>, vector<16xf32>,
        %parallel_loop3A_2085 = arith.mulf %parallel_loop3A_264, %parallel_loop3A_2084 : vector<16xf32>
        %parallel_loop3A_2086 = arith.addf %parallel_loop3A_2080, %parallel_loop3A_2085 : vector<16xf32>
        %parallel_loop3A_2087 = arith.constant 1 : i32
        %parallel_loop3A_2088 = vector.broadcast %parallel_loop3A_2087 : i32 to vector<16xi32>
        %parallel_loop3A_2089 = arith.cmpi eq, %iota3A, %parallel_loop3A_2088 : vector<16xi32>
        %parallel_loop3A_2090 = arith.constant true
        %parallel_loop3A_2091 = vector.broadcast %parallel_loop3A_2090 : i1 to vector<16xi1>
        %parallel_loop3A_2092 = tpu.scan <sum>, %parallel_loop3A_2086 masked %parallel_loop3A_2091 : vector<16xf32>, vector<16xi1> -> vector<16xf32>
        %parallel_loop3A_2093 = vector.extract %parallel_loop3A_2092[15] : f32 from vector<16xf32>
        %parallel_loop3A_2094 = vector.broadcast %parallel_loop3A_2093 : f32 to vector<16xf32>
        %parallel_loop3A_2095 = arith.select %parallel_loop3A_2089, %parallel_loop3A_2094, %parallel_loop3A_2059 : vector<16xi1>, vector<16xf32>
        %parallel_loop3A_2096 = arith.constant 64 : i32
        %parallel_loop3A_2097 = arith.muli %parallel_loop3A_269, %parallel_loop3A_2096 : i32
        %parallel_loop3A_2098 = arith.constant 48 : i32
        %parallel_loop3A_2099 = arith.addi %parallel_loop3A_2097, %parallel_loop3A_2098 : i32
        %parallel_loop3A_2100 = arith.index_cast %parallel_loop3A_2099 : i32 to index
        %parallel_loop3A_2101 = tpu.vector_load %arg10[%parallel_loop3A_2100] {strides = array<i32>} : memref<32768xf32, #tpu.memory_space<vmem>>, vector<16xf32>,
        tpu.vector_store %arg10[%parallel_loop3A_2100], %parallel_loop3A_2095 {strides = array<i32>} : memref<32768xf32, #tpu.memory_space<vmem>>, vector<16xf32>,
      } {sc.loop_unroll_factor = 1 : i64, sc.parallel_access}
    }
    %scan3A_112 = arith.constant 64 : i32
    %mul3A_113 = arith.constant 64 : i32
    %mul3A_114 = arith.muli %mul3A_2, %mul3A_113 : i32
    "tpu.region"() ({
      %run_scoped3A = tpu.sem_alloc : memref<!tpu.dma_semaphore, #tpu.memory_space<semaphore_mem>>
      %dma_start3A_115 = tpu.memref_slice %arg5[%mul3A_114] : memref<1048576xf32, #tpu.memory_space<hbm>> -> memref<32768xf32, #tpu.memory_space<hbm>>
      %dma_start3A_116 = tpu.memref_slice %arg5[%mul3A_114] : memref<1048576xf32, #tpu.memory_space<hbm>> -> memref<32768xf32, #tpu.memory_space<hbm>>
      tpu.enqueue_dma source(%arg10 : memref<32768xf32, #tpu.memory_space<vmem>>) target(%dma_start3A_116 : memref<32768xf32, #tpu.memory_space<hbm>>) target_semaphore(%run_scoped3A : memref<!tpu.dma_semaphore, #tpu.memory_space<semaphore_mem>>)
      %dma_wait3A = tpu.memref_slice %arg5[%mul3A_114] : memref<1048576xf32, #tpu.memory_space<hbm>> -> memref<32768xf32, #tpu.memory_space<hbm>>
      %dma_wait3A_117 = tpu.memref_slice %arg5[%mul3A_114] : memref<1048576xf32, #tpu.memory_space<hbm>> -> memref<32768xf32, #tpu.memory_space<hbm>>
      tpu.wait_dma2 semaphore(%run_scoped3A : memref<!tpu.dma_semaphore, #tpu.memory_space<semaphore_mem>>) src(%arg10 : memref<32768xf32, #tpu.memory_space<vmem>>) dst(%dma_wait3A_117 : memref<32768xf32, #tpu.memory_space<hbm>>)
      tpu.yield
    }) : () -> ()
    return
  }
}

</mosaic_0001>

<sc_bundles>
// kernel: _scores_padded.3.cloned.1.call-start
scs
__scs_entry_jumppad:
0x0: {  	(pc) =	sbr.rel $0x88, $3  }
0x1: {  	(tag) =	ssettag $0x0;
	lr =	simm.s32 $0x1  }
0x2: {  	[smem:$0x3F9E] =	sst lr;
	_ =	strace $0xD0000000  }
0x3: {  	_ = 	snop  }
0x4: {  	_ = 	snop  }
0x5: {  	_ = 	snop  }
0x6: {  	_ = 	snop  }
0x7: {  	_ = 	snop  }
__scs_overlays_trampoline_lowered:
0x8: {  	[smem:$0x3FAD] =	sst s0  }
0x9: {  	[smem:$0x3FAE] =	sst s1  }
0xa: {  	[smem:$0x3FAF] =	sst s2  }
0xb: {  	[smem:$0x3FB0] =	sst s3  }
0xc: {  	[smem:$0x3FB1] =	sst s4  }
0xd: {  	[smem:$0x3FB2] =	sst s5  }
0xe: {  	[smem:$0x3FB3] =	sst s6  }
0xf: {  	[smem:$0x3FB4] =	sst s7  }
0x10: {  	[smem:$0x3FB5] =	sst s8  }
0x11: {  	[smem:$0x3FB6] =	sst s9;
	s0 =	simm.s32 @!p0 $0x0  }
0x12: {  	s1 =	sld [smem:$0x3F9C];
	s0 =	simm.s32 @p0 $0x1  }
0x13: {  	[smem:$0x3FB7] =	sst s0;
	s0 =	simm.s32 @!p1 $0x0  }
0x14: {  	s2 =	sld [smem:$0x3F9B];
	s0 =	simm.s32 @p1 $0x1  }
0x15: {  	[smem:$0x3FB8] =	sst s0;
	s0 =	simm.s32 @!p2 $0x0  }
0x16: {  	s3 =	sld [smem:$0x3FDB];
	s0 =	simm.s32 @p2 $0x1  }
0x17: {  	s4 =	simm.s32 $0x1BF5;
	[smem:$0x3FBA] =	sst s0  }
0x18: {  	s0 =	sld [smem:$0x3F9D];
	_ =	swait.ge [sflag:s4], $0x0  }
0x19: {  	s7 =	sld [smem:$0x3F9E]  }
0x1a: {  	s8 =	sadd.s32 $0xFFFFE003, lr  }
0x1b: {  	s9 =	sadd.s32 $0xFFFFFEF7, lr;
	s5 =	simm.s32 $0xFFFFFFFF;
	p2 =	slt.u32 s8, $0xFFFFF086  }
0x1c: {  	p1 =	slt.u32 s9, $0xF7A;
	s5 =	simm.s32 @!p2 $0x0  }
0x1d: {  	s5 =	simm.s32 @p1 $0x1;
	p0 =	seq.s32 s7, s2  }
0x1e: {  	s7 =	smul.u32 @!p0 $0xF7A, s2;
	p2 =	seq.s32 @!p0 s5, $0x0  }
0x1f: {  	s9 =	smul.u32 $0xF7A, s1;
	s8 =	simm.s32 @!p0 $0x1BF5;
	p2 =	por !p2, p0  }
0x20: {  	[sflag:s8] =	ssyncset.s32 @!p0 $0xFFFFF086;
	s6 =	sadd.s32 @!p0 s3, s7;
	s7 =	simm.s32 @!p0 $0x108  }
0x21: {  	s3 =	sadd.s32 s3, s9;
	s6 =	sadd.s32 @!p0 $0x88, s6;
	s7 =	simm.s32 @p2 $0x1082  }
0x22: {  	[simem:s7], [sflag:s8] =	dma.local @!p0 [hbm:s6], $0xF7A  }
0x23: {  	s9 =	sor.u32 $0xD0000000, s2;
	s6 =	simm.s32 $0x108;
	_ =	swait.ge @!p0 [sflag:s8], $0x0  }
0x24: {  	s3 =	sadd.s32 $0x88, s3;
	s6 =	simm.s32 @!p1 $0x1082;
	[sflag:s4] =	ssyncset.s32 $0xFFFFF086  }
0x25: {  	[simem:s6], [sflag:s4] =	dma.local [hbm:s3], $0xF7A  }
0x26: {  	[smem:$0x3F9E] =	sst s1;
	(tag) =	ssettag s2;
	_ =	strace s9  }
0x27: {  	s1 =	sld [smem:$0x3FAE]  }
0x28: {  	s2 =	sld [smem:$0x3FAF]  }
0x29: {  	s4 =	sld [smem:$0x3FB1]  }
0x2a: {  	p0 =	seq.s32 s5, $0x0;
	s5 =	sld [smem:$0x3FB2]  }
0x2b: {  	s6 =	sld [smem:$0x3FB3]  }
0x2c: {  	s7 =	sld [smem:$0x3FB4]  }
0x2d: {  	s3 =	simm.s32 $0x108;
	s8 =	sld [smem:$0x3FB5]  }
0x2e: {  	s3 =	simm.s32 @!p0 $0x1082;
	s9 =	sld [smem:$0x3FB6]  }
0x2f: {  	lr =	sadd.s32 s0, s3;
	s0 =	sld [smem:$0x3FAD]  }
0x30: {  	s3 =	sld [smem:$0x3FB0]  }
0x31: {  	[smem:$0x3FB9] =	sst s10  }
0x32: {  	s10 =	sld [smem:$0x3FB7];
	_ =	sdelay $0x3  }
0x33: {  	p0 =	seq.s32 s10, $0x1;
	s10 =	sld [smem:$0x3FB9];
	_ =	sdelay $0x3  }
0x34: {  	[smem:$0x3FB9] =	sst s10  }
0x35: {  	s10 =	sld [smem:$0x3FB8];
	_ =	sdelay $0x3  }
0x36: {  	p1 =	seq.s32 s10, $0x1;
	s10 =	sld [smem:$0x3FB9];
	_ =	sdelay $0x3  }
0x37: {  	[smem:$0x3FB9] =	sst s10  }
0x38: {  	s10 =	sld [smem:$0x3FBA]  }
0x39: {  	_ = 	snop;
	(pc) =	sbr.ind lr, $3  }
0x3a: {  	_ = 	snop  }
0x3b: {  	_ = 	snop  }
0x3c: {  	p2 =	seq.s32 s10, $0x1;
	s10 =	sld [smem:$0x3FB9]  }
0x3d: {  	_ =	shalt  }
0x3e: {  	_ =	shalt  }
0x3f: {  	_ =	shalt  }
0x40: {  	_ =	shalt  }
0x41: {  	_ =	shalt  }
0x42: {  	_ =	shalt  }
0x43: {  	_ =	shalt  }
0x44: {  	_ =	shalt  }
0x45: {  	_ =	shalt  }
0x46: {  	_ =	shalt  }
0x47: {  	_ =	shalt  }
0x48: {  	_ =	shalt  }
0x49: {  	_ =	shalt  }
0x4a: {  	_ =	shalt  }
0x4b: {  	_ =	shalt  }
0x4c: {  	_ =	shalt  }
0x4d: {  	_ =	shalt  }
0x4e: {  	_ =	shalt  }
0x4f: {  	_ =	shalt  }
0x50: {  	_ =	shalt  }
0x51: {  	_ =	shalt  }
0x52: {  	_ =	shalt  }
0x53: {  	_ =	shalt  }
0x54: {  	_ =	shalt  }
0x55: {  	_ =	shalt  }
0x56: {  	_ =	shalt  }
0x57: {  	_ =	shalt  }
0x58: {  	_ =	shalt  }
0x59: {  	_ =	shalt  }
0x5a: {  	_ =	shalt  }
0x5b: {  	_ =	shalt  }
0x5c: {  	_ =	shalt  }
0x5d: {  	_ =	shalt  }
0x5e: {  	_ =	shalt  }
0x5f: {  	_ =	shalt  }
0x60: {  	_ =	shalt  }
0x61: {  	_ =	shalt  }
0x62: {  	_ =	shalt  }
0x63: {  	_ =	shalt  }
0x64: {  	_ =	shalt  }
0x65: {  	_ =	shalt  }
0x66: {  	_ =	shalt  }
0x67: {  	_ =	shalt  }
0x68: {  	_ =	shalt  }
0x69: {  	_ =	shalt  }
0x6a: {  	_ =	shalt  }
0x6b: {  	_ =	shalt  }
0x6c: {  	_ =	shalt  }
0x6d: {  	_ =	shalt  }
0x6e: {  	_ =	shalt  }
0x6f: {  	_ =	shalt  }
0x70: {  	_ =	shalt  }
0x71: {  	_ =	shalt  }
0x72: {  	_ =	shalt  }
0x73: {  	_ =	shalt  }
0x74: {  	_ =	shalt  }
0x75: {  	_ =	shalt  }
0x76: {  	_ =	shalt  }
0x77: {  	_ =	shalt  }
0x78: {  	_ =	shalt  }
0x79: {  	_ =	shalt  }
0x7a: {  	_ =	shalt  }
0x7b: {  	_ =	shalt  }
0x7c: {  	_ =	shalt  }
0x7d: {  	_ =	shalt  }
0x7e: {  	_ =	shalt  }
0x7f: {  	_ =	shalt  }
0x80: {  	_ =	shalt  }
0x81: {  	_ =	shalt  }
0x82: {  	_ =	shalt  }
0x83: {  	_ =	shalt  }
0x84: {  	_ =	shalt  }
0x85: {  	_ =	shalt  }
0x86: {  	_ =	shalt  }
0x87: {  	_ =	shalt  }
.Lfunc_end0:
.L_simem_size_0:
called_computation_lowered:
.L_overlay_start_0:
0x88: {  	s2 =	sld [smem:$0x3FD9]  }
0x89: {  	s3 =	sld [smem:$0x3FFE];
	_ =	sdelay $0x1  }
0x8a: {  	s1 =	srdreg.scid  }
0x8b: {  	s0 =	sand.u32 $0x1, s1  }
0x8c: {  	s17 =	sshll.u32 s0, $0xA;
	s2 =	sadd.s32 s3, s2  }
0x8d: {  	s2 =	sadd.s32 s2, s17  }
0x8e: {  	[smem:$0x3FC5] =	sst s2  }
0x8f: {  	_ = 	snop  }
0x90: {  	s2 =	sld [smem:$0x3FC8]  }
0x91: {  	s18 =	sld [smem:$0x3FD0];
	(tm) =	ssettm $0x1  }
0x92: {  	s4 =	sld [smem:$0x3FFB];
	_ =	sdelay $0x3  }
0x93: {  	_ =	strace s4  }
0x94: {  	s4 =	sld [smem:$0x3FFC];
	_ =	sdelay $0x3  }
0x95: {  	_ =	strace s4  }
0x96: {  	s4 =	sld [smem:$0x3FFD];
	_ =	sdelay $0x3  }
0x97: {  	_ =	strace s4  }
0x98: {  	_ =	strace $0x8FFFFFFF  }
0x99: {  	s19 =	sld [smem:$0x3FDB];
	_ =	sdelay $0x1  }
0x9a: {  	s5 =	simm.s32 $_scs_section_size  }
0x9b: {  	s6 =	simm.s32 $_size__tile_overlayer_lowered;
	s7 =	simm.s32 $_tile_overlayer_lowered  }
0x9c: {  	s22 =	simm.s32 $0x1BFF;
	s21 =	sshll.u32 s7, $0x1;
	s4 =	sadd.s32 s5, s19  }
0x9d: {  	s8 =	simm.s32 $0x0;
	s20 =	sshll.u32 s6, $0x1;
	s6 =	sadd.s32 s21, s4  }
0x9e: {  	[timem:s8], [sflag:s22] =	dma.local [hbm:s6], s20  }
0x9f: {  	_ =	swait.ge [sflag:s22], s20  }
0xa0: {  	s5 =	ssub.s32 $0x0, s20;
	[sflag:s22] =	ssyncset.done $0x0  }
0xa1: {  	[sflag:s22] =	ssyncadd.s32 s5;
	_ =	sdelay $0x1  }
0xa2: {  	s23 =	simm.s32 $0x1B8B  }
0xa3: {  	_ =	swait.ge [sflag:s23], $0x1  }
0xa4: {  	[sflag:s23] =	ssyncset.done $0x0  }
0xa5: {  	s25 =	simm.s32 $0x1B8E;
	s24 =	sld [smem:$0x3FFE];
	[sflag:s23] =	ssyncadd.s32 $0xFFFFFFFF  }
0xa6: {  	s26 =	simm.s32 $execute0_lowered;
	[smem:$0x3FD2] =	sst s25  }
0xa7: {  	s6 =	sshll.u32 s26, $0x1;
	_ =	strace $0x80000046;
	[dreg:$0x1] =	wrdreg $0xFFFFFFFF  }
0xa8: {  	s28 =	simm.s32 $_size_execute0_lowered;
	s4 =	sadd.s32 s4, s6;
	[dreg:$0x0] =	wrdreg $0x0  }
0xa9: {  	s6 =	sshll.u32 s28, $0x1;
	[dreg:$0x2] =	wrdreg s4  }
0xaa: {  	[dreg:$0x3] =	wrdreg s6  }
0xab: {  	[dreg:$0x4] =	wrdreg $0xC0  }
0xac: {  	_ =	task [dreg:s8], $0x5FFFF  }
0xad: {  	[dreg:$0x1] =	wrdreg $0xFFFFFFFF  }
0xae: {  	[dreg:$0x0] =	wrdreg $0x60  }
0xaf: {  	[dreg:$0x2] =	wrdreg s24  }
0xb0: {  	[dreg:$0x3] =	wrdreg s2  }
0xb1: {  	[dreg:$0x4] =	wrdreg s18  }
0xb2: {  	[dreg:$0x5] =	wrdreg $0x9  }
0xb3: {  	_ =	task.clear_ibuf [dreg:s8], $0x6FFFF;
	_ =	strace $0x90000046  }
0xb4: {  	s29 =	simm.s32 $0x9;
	_ =	strace $0x80000048  }
0xb5: {  	_ =	swait.ge [sflag:s29], $0x1  }
0xb6: {  	[sflag:s29] =	ssyncadd.s32 $0xFFFFFFFF  }
0xb7: {  	_ =	strace $0x90000048  }
0xb8: {  	_ =	sfence  }
0xb9: {  	s30 =	sld [smem:$0x0];
	_ =	sdelay $0x2  }
0xba: {  	s31 =	sshll.u32 s1, $0xD;
	s1 =	sshrl.u32 s1, $0x2  }
0xbb: {  	s3 =	sand.u32 $0x4000, s31;
	s1 =	sadd.s32 s1, s30  }
0xbc: {  	s0 =	sor.u32 s3, s0;
	s1 =	sshll.u32 s1, $0x11  }
0xbd: {  	s0 =	sor.u32 s1, s0  }
0xbe: {  	s0 =	sadd.s32 $0x8F2B, s0  }
0xbf: {  	[sflag:s0] =	ssyncadd.remote.s32 $0x1  }
0xc0: {  	_ =	sfence.sel $0xFFFF  }
0xc1: {  	[dreg:$0x0] =	wrdreg $0xFFFFFFFF;
	(pc) =	sbr.abs _section_cstart, $3  }
0xc2: {  	[dreg:$0x1] =	wrdreg $0xFFFFFFFF  }
0xc3: {  	_ =	task.clear_ibuf [dreg:s8], $0x2FFFF;
	_ =	strace $0x9FFFFFFF  }
0xc4: {  	(tm) =	ssettm $0x7FFFFFFF  }
0xc5: {  	_ =	shalt  }
tec
execute0_lowered:
.L_overlay_start_1:
0x0: {  	(tag) =	ssettag $0x1  }
0x1: {  	s0 =	rddreg [dreg:$0x0]  }
0x2: {  	s1 =	rddreg [dreg:$0x1];
	s2 =	srdreg.scid  }
0x3: {  	s4 =	stileid.u32;
	s6 =	rddreg [dreg:$0x2];
	s9 =	simm.s32 $0x7000  }
0x4: {  	s10 =	simm.s32 $0x32;
	s18 =	simm.s32 $0xE0;
	s19 =	simm.s32 $0xA400  }
0x5: {  	s20 =	simm.s32 $0x118;
	s21 =	simm.s32 $0xB080;
	s22 =	simm.s32 $0x150  }
0x6: {  	s23 =	simm.s32 $0xBD00;
	s24 =	simm.s32 $0x188;
	s28 =	simm.s32 $0x13A00  }
0x7: {  	s29 =	simm.s32 $0x1;
	s3 =	sand.u32 $0x1, s2;
	s4 =	sshll.u32 s4, $0x1  }
0x8: {  	s30 =	simm.s32 $0x13E00;
	s2 =	simm.s32 $0x0;
	s4 =	sor.u32 s3, s4  }
0x9: {  	vm0 =	vmmov $0x1;
	[smem:$0x7FF] =	sst s2;
	s7 =	ssub.s32 $0x2, s3;
	s3 =	sadd.s32 $0xF42A00, s0  }
0xa: {  	vm1 =	vmmov $0x3;
	vm2 =	vmmov $0x7;
	vm3 =	vmmov $0xf;
	s31 =	simm.s32 $0x0;
	s5 =	smul.u32 $0xE00, s4;
	_ =	strace $0x80000047  }
0xb: {  	vm4 =	vmmov $0x1f;
	vm5 =	vmmov $0x3f;
	vm6 =	vmmov $0x7f;
	s25 =	sshrl.u32 s7, $0x1;
	s26 =	sshll.u32 s4, $0x6;
	s8 =	sshll.u32 s4, $0xC  }
0xc: {  	vm7 =	vmmov $0xff;
	vm8 =	vmmov $0x1ff;
	vm9 =	vmmov $0x3ff;
	s7 =	ssub.s32 s7, s25;
	s6 =	sadd.s32 s6, s8;
	s8 =	simm.s32 $0x2  }
0xd: {  	vm10 =	vmmov $0x7ff;
	vm11 =	vmmov $0xfff;
	vm12 =	vmmov $0x1fff;
	s25 =	simm.s32 $0xC980;
	s0 =	sadd.s32 s5, s0;
	s5 =	sadd.s32 s1, s26  }
0xe: {  	vm13 =	vmmov $0x3fff;
	vm14 =	vmmov $0x7fff;
	vm15 =	vcmask $0x308;
	s7 =	smax.u32 s7, $0x1;
	s26 =	simm.s32 $0x8;
	s4 =	sadd.s32 $0x600, s0  }
.LBB2_1:
0xf: {  	[tilespmem:s2], [sflag:$0x2] =	stream.linear.gather [hbm4b:s4+s2], $0x7000, $0x38;
	[tilespmem:$0x1BE00] =	vst v63  }
0x10: {  	_ =	swait.ge [sflag:s8], $0x7000  }
0x11: {  	[sflag:s8] =	ssyncset.done $0x0  }
0x12: {  	[sflag:s8] =	ssyncadd.s32 $0xFFFF9000  }
0x13: {  	[tilespmem:s9], [sflag:$0x2] =	stream.linear.gather [hbm4b:s5+s2], $0x200, $0x38;
	[tilespmem:$0x1BE00] =	vst v63  }
0x14: {  	_ =	swait.ge [sflag:s8], $0x200  }
0x15: {  	[sflag:s8] =	ssyncset.done $0x0  }
0x16: {  	s0 =	simm.s32 $0x7200;
	[sflag:s8] =	ssyncadd.s32 $0xFFFFFE00  }
0x17: {  	[tilespmem:s0], [sflag:$0x1] =	stream.indirect.gather [hbm4b:s3+s10], $0x40, s2, s10, $0xb8;
	[tilespmem:$0x1BE00] =	vst v63  }
0x18: {  	s13 =	simm.s32 $0x38;
	s1 =	simm.s32 $0x7E80  }
0x19: {  	[tilespmem:s1], [sflag:$0x1] =	stream.indirect.gather [hbm4b:s3+s10], $0x40, s13, s10, $0xb8;
	[tilespmem:$0x1BE00] =	vst v63  }
0x1a: {  	s14 =	simm.s32 $0x70;
	s15 =	simm.s32 $0x8B00  }
0x1b: {  	[tilespmem:s15], [sflag:$0x1] =	stream.indirect.gather [hbm4b:s3+s10], $0x40, s14, s10, $0xb8;
	[tilespmem:$0x1BE00] =	vst v63  }
0x1c: {  	s16 =	simm.s32 $0xA8;
	s17 =	simm.s32 $0x9780  }
0x1d: {  	[tilespmem:s17], [sflag:$0x1] =	stream.indirect.gather [hbm4b:s3+s10], $0x40, s16, s10, $0xb8;
	[tilespmem:$0x1BE00] =	vst v63  }
0x1e: {  	_ = 	snop  }
0x1f: {  	[tilespmem:s19], [sflag:$0x1] =	stream.indirect.gather [hbm4b:s3+s10], $0x40, s18, s10, $0xb8;
	[tilespmem:$0x1BE00] =	vst v63  }
0x20: {  	_ = 	snop  }
0x21: {  	[tilespmem:s21], [sflag:$0x1] =	stream.indirect.gather [hbm4b:s3+s10], $0x40, s20, s10, $0xb8;
	[tilespmem:$0x1BE00] =	vst v63  }
0x22: {  	_ = 	snop  }
0x23: {  	[tilespmem:s23], [sflag:$0x1] =	stream.indirect.gather [hbm4b:s3+s10], $0x40, s22, s10, $0xb8;
	[tilespmem:$0x1BE00] =	vst v63  }
0x24: {  	_ = 	snop  }
0x25: {  	[tilespmem:s25], [sflag:$0x1] =	stream.indirect.gather [hbm4b:s3+s10], $0x40, s24, s10, $0xb8;
	[tilespmem:$0x1BE00] =	vst v63  }
0x26: {  	s1 =	simm.s32 $0x0  }
0x27: {  	[tilespmem:s28], [sflag:$0x1] =	stream.indirect.gather [hbm4b:s3+s26], $0x40, s9, s26, $0xb8;
	[tilespmem:$0x1BE00] =	vst v63  }
.LBB2_3:
0x28: {  	_ =	swait.ge [sflag:s29], $0xC80  }
0x29: {  	[sflag:s29] =	ssyncset.done $0x0  }
0x2a: {  	[sflag:s29] =	ssyncadd.s32 $0xFFFFF380  }
0x2b: {  	_ =	swait.ge [sflag:s29], $0xC80  }
0x2c: {  	[sflag:s29] =	ssyncset.done $0x0  }
0x2d: {  	[sflag:s29] =	ssyncadd.s32 $0xFFFFF380  }
0x2e: {  	_ =	swait.ge [sflag:s29], $0xC80  }
0x2f: {  	[sflag:s29] =	ssyncset.done $0x0  }
0x30: {  	[sflag:s29] =	ssyncadd.s32 $0xFFFFF380  }
0x31: {  	_ =	swait.ge [sflag:s29], $0xC80  }
0x32: {  	[sflag:s29] =	ssyncset.done $0x0  }
0x33: {  	[sflag:s29] =	ssyncadd.s32 $0xFFFFF380  }
0x34: {  	_ =	swait.ge [sflag:s29], $0xC80  }
0x35: {  	[sflag:s29] =	ssyncset.done $0x0  }
0x36: {  	[sflag:s29] =	ssyncadd.s32 $0xFFFFF380  }
0x37: {  	_ =	swait.ge [sflag:s29], $0xC80  }
0x38: {  	[sflag:s29] =	ssyncset.done $0x0  }
0x39: {  	[sflag:s29] =	ssyncadd.s32 $0xFFFFF380  }
0x3a: {  	_ =	swait.ge [sflag:s29], $0xC80  }
0x3b: {  	[sflag:s29] =	ssyncset.done $0x0  }
0x3c: {  	[sflag:s29] =	ssyncadd.s32 $0xFFFFF380  }
0x3d: {  	s0 =	sand.u32 $0x1, s1;
	p0 =	seq.s32 s1, $0x3F;
	_ =	swait.ge [sflag:s29], $0xC80  }
0x3e: {  	s12 =	smov.u32 s1;
	s11 =	sxor.u32 @!p0 $0x1, s0;
	[sflag:s29] =	ssyncset.done $0x0  }
0x3f: {  	s1 =	sadd.s32 $0x1, s1;
	s13 =	smul.u32 @!p0 $0x19000, s11;
	[sflag:s29] =	ssyncadd.s32 $0xFFFFF380  }
0x40: {  	s14 =	smul.u32 @!p0 $0x700, s1;
	_ =	swait.ge [sflag:s29], $0x200  }
0x41: {  	s16 =	simm.s32 @!p0 $0x32;
	s13 =	sshrl.u32 @!p0 s13, $0x2;
	[sflag:s29] =	ssyncset.done $0x0  }
0x42: {  	s14 =	sshra.s32 @!p0 s14, $0x2;
	s15 =	sadd.s32 @!p0 $0x7200, s13;
	[sflag:s29] =	ssyncadd.s32 $0xFFFFFE00  }
0x43: {  	[tilespmem:s15], [sflag:$0x1] =	stream.indirect.gather @!p0 [hbm4b:s3+s16], $0x40, s14, s16, $0xb8;
	[tilespmem:$0x1BE00] =	vst v63  }
0x44: {  	s17 =	sor.u32 @!p0 $0x38, s14;
	s15 =	sadd.s32 @!p0 $0x7E80, s13  }
0x45: {  	[tilespmem:s15], [sflag:$0x1] =	stream.indirect.gather @!p0 [hbm4b:s3+s16], $0x40, s17, s16, $0xb8;
	[tilespmem:$0x1BE00] =	vst v63  }
0x46: {  	s15 =	sadd.s32 @!p0 $0x8B00, s13;
	s17 =	sadd.s32 @!p0 $0x70, s14  }
0x47: {  	[tilespmem:s15], [sflag:$0x1] =	stream.indirect.gather @!p0 [hbm4b:s3+s16], $0x40, s17, s16, $0xb8;
	[tilespmem:$0x1BE00] =	vst v63  }
0x48: {  	s15 =	sadd.s32 @!p0 $0x9780, s13;
	s17 =	sadd.s32 @!p0 $0xA8, s14  }
0x49: {  	[tilespmem:s15], [sflag:$0x1] =	stream.indirect.gather @!p0 [hbm4b:s3+s16], $0x40, s17, s16, $0xb8;
	[tilespmem:$0x1BE00] =	vst v63  }
0x4a: {  	s15 =	sadd.s32 @!p0 $0xA400, s13;
	s17 =	sadd.s32 @!p0 $0xE0, s14  }
0x4b: {  	[tilespmem:s15], [sflag:$0x1] =	stream.indirect.gather @!p0 [hbm4b:s3+s16], $0x40, s17, s16, $0xb8;
	[tilespmem:$0x1BE00] =	vst v63  }
0x4c: {  	s15 =	sadd.s32 @!p0 $0xB080, s13;
	s17 =	sadd.s32 @!p0 $0x118, s14  }
0x4d: {  	[tilespmem:s15], [sflag:$0x1] =	stream.indirect.gather @!p0 [hbm4b:s3+s16], $0x40, s17, s16, $0xb8;
	[tilespmem:$0x1BE00] =	vst v63  }
0x4e: {  	s15 =	sadd.s32 @!p0 $0xBD00, s13;
	s17 =	sadd.s32 @!p0 $0x150, s14  }
0x4f: {  	[tilespmem:s15], [sflag:$0x1] =	stream.indirect.gather @!p0 [hbm4b:s3+s16], $0x40, s17, s16, $0xb8;
	[tilespmem:$0x1BE00] =	vst v63  }
0x50: {  	s13 =	sadd.s32 @!p0 $0xC980, s13;
	s14 =	sadd.s32 @!p0 $0x188, s14  }
0x51: {  	[tilespmem:s13], [sflag:$0x1] =	stream.indirect.gather @!p0 [hbm4b:s3+s16], $0x40, s14, s16, $0xb8;
	[tilespmem:$0x1BE00] =	vst v63  }
0x52: {  	s11 =	sshll.u32 @!p0 s11, $0x9;
	s16 =	sshll.u32 s0, $0x9  }
0x53: {  	s13 =	sshll.u32 @!p0 s1, $0x3;
	s0 =	smul.u32 $0x19000, s0;
	s14 =	sadd.s32 $0x13A00, s16  }
0x54: {  	s11 =	sadd.s32 @!p0 $0x13A00, s11;
	s13 =	sand.u32 @!p0 $0x3FFFFFF8, s13;
	v6 =	vmov s14  }
0x55: {  	s15 =	simm.s32 @!p0 $0x8;
	s13 =	sadd.s32 @!p0 $0x7000, s13;
	s0 =	sshrl.u32 s0, $0x2  }
0x56: {  	[tilespmem:s11], [sflag:$0x1] =	stream.indirect.gather @!p0 [hbm4b:s3+s15], $0x40, s13, s15, $0xb8;
	[tilespmem:$0x1BE00] =	vst v63  }
0x57: {  	s0 =	sadd.s32 $0x7200, s0  }
0x58: {  	v2 =	vmov s0;
	s0 =	simm.s32 $0x0  }
0x59: {  	s17 =	simm.s32 $0x0;
	v0 =	vld.idx.msk [tilespmem:v6+s0+$0x30 ss:$0x1], $0xffff  }
0x5a: {  	s11 =	smul.u32 $0x3200, s17;
	v1 =	vld.idx.msk [tilespmem:v6+s0+$0x20 ss:$0x1], $0xffff  }
0x5b: {  	v3 =	vld.idx.msk [tilespmem:v6+s0+$0x0 ss:$0x1], $0xffff  }
0x5c: {  	s11 =	sshra.s32 s11, $0x2;
	v4 =	vld.idx.msk [tilespmem:v6+s0+$0x10 ss:$0x1], $0xffff  }
0x5d: {  	v9 =	vld.idx.msk [tilespmem:v2+s11+$0x3B0 ss:$0x1], $0xffff  }
0x5e: {  	v10 =	vld.idx.msk [tilespmem:v2+s11+$0x330 ss:$0x1], $0xffff  }
0x5f: {  	v11 =	vld.idx.msk [tilespmem:v2+s11+$0x3A0 ss:$0x1], $0xffff  }
0x60: {  	v12 =	vld.idx.msk [tilespmem:v2+s11+$0x2F0 ss:$0x1], $0xffff  }
0x61: {  	v13 =	vld.idx.msk [tilespmem:v2+s11+$0x320 ss:$0x1], $0xffff  }
0x62: {  	v14 =	vld.idx.msk [tilespmem:v2+s11+$0x380 ss:$0x1], $0xffff  }
0x63: {  	v15 =	vld.idx.msk [tilespmem:v2+s11+$0x390 ss:$0x1], $0xffff  }
0x64: {  	v16 =	vld.idx.msk [tilespmem:v2+s11+$0x270 ss:$0x1], $0xffff  }
0x65: {  	v17 =	vld.idx.msk [tilespmem:v2+s11+$0x2E0 ss:$0x1], $0xffff  }
0x66: {  	v18 =	vld.idx.msk [tilespmem:v2+s11+$0x300 ss:$0x1], $0xffff  }
0x67: {  	v19 =	vld.idx.msk [tilespmem:v2+s11+$0x310 ss:$0x1], $0xffff  }
0x68: {  	v20 =	vld.idx.msk [tilespmem:v2+s11+$0x260 ss:$0x1], $0xffff  }
0x69: {  	v21 =	vld.idx.msk [tilespmem:v2+s11+$0x2C0 ss:$0x1], $0xffff  }
0x6a: {  	v22 =	vld.idx.msk [tilespmem:v2+s11+$0x2D0 ss:$0x1], $0xffff  }
0x6b: {  	v23 =	vld.idx.msk [tilespmem:v2+s11+$0x240 ss:$0x1], $0xffff  }
0x6c: {  	v24 =	vld.idx.msk [tilespmem:v2+s11+$0x250 ss:$0x1], $0xffff  }
0x6d: {  	v25 =	vld.idx.msk [tilespmem:v2+s11+$0x200 ss:$0x1], $0xffff  }
0x6e: {  	v7 =	vld.idx.msk [tilespmem:v2+s11+$0x340 ss:$0x1], $0xffff  }
0x6f: {  	v26 =	vld.idx.msk [tilespmem:v2+s11+$0x230 ss:$0x1], $0xffff  }
0x70: {  	v27 =	vld.idx.msk [tilespmem:v2+s11+$0x1B0 ss:$0x1], $0xffff  }
0x71: {  	v28 =	vld.idx.msk [tilespmem:v2+s11+$0x210 ss:$0x1], $0xffff  }
0x72: {  	v29 =	vld.idx.msk [tilespmem:v2+s11+$0x220 ss:$0x1], $0xffff  }
0x73: {  	v8 =	vld.idx.msk [tilespmem:v2+s11+$0x280 ss:$0x1], $0xffff  }
0x74: {  	v30 =	vld.idx.msk [tilespmem:v2+s11+$0x170 ss:$0x1], $0xffff  }
0x75: {  	v31 =	vld.idx.msk [tilespmem:v2+s11+$0x1A0 ss:$0x1], $0xffff  }
0x76: {  	v32 =	vld.idx.msk [tilespmem:v2+s11+$0xF0 ss:$0x1], $0xffff;
	v9 =	vmul.f32 v9, v0;
	v10 =	vmul.f32 v10, v0  }
0x77: {  	v33 =	vld.idx.msk [tilespmem:v2+s11+$0x160 ss:$0x1], $0xffff;
	v14 =	vmul.f32 v14, v3;
	v15 =	vmul.f32 v15, v4  }
0x78: {  	v34 =	vld.idx.msk [tilespmem:v2+s11+$0x1C0 ss:$0x1], $0xffff;
	v18 =	vmul.f32 v18, v3;
	v19 =	vmul.f32 v19, v4  }
0x79: {  	v35 =	vld.idx.msk [tilespmem:v2+s11+$0xB0 ss:$0x1], $0xffff;
	v11 =	vmul.f32 v11, v1;
	v12 =	vmul.f32 v12, v0  }
0x7a: {  	v13 =	vmul.f32 v13, v1;
	v14 =	vadd.f32 v15, v14;
	v15 =	vadd.f32 v19, v18;
	v18 =	vld.idx.msk [tilespmem:v2+s11+$0x180 ss:$0x1], $0xffff  }
0x7b: {  	v19 =	vmul.f32 v21, v3;
	v21 =	vmul.f32 v22, v4;
	v22 =	vld.idx.msk [tilespmem:v2+s11+$0x190 ss:$0x1], $0xffff  }
0x7c: {  	v17 =	vmul.f32 v17, v1;
	v11 =	vadd.f32 v11, v14;
	v13 =	vadd.f32 v13, v15;
	v14 =	vld.idx.msk [tilespmem:v2+s11+$0x30 ss:$0x1], $0xffff  }
0x7d: {  	v15 =	vmul.f32 v23, v3;
	v23 =	vmul.f32 v24, v4;
	v19 =	vadd.f32 v21, v19;
	v21 =	vld.idx.msk [tilespmem:v2+s11+$0xE0 ss:$0x1], $0xffff  }
0x7e: {  	v16 =	vmul.f32 v16, v0;
	v9 =	vadd.f32 v9, v11;
	v10 =	vadd.f32 v10, v13;
	v11 =	vld.idx.msk [tilespmem:v2+s11+$0x140 ss:$0x1], $0xffff  }
0x7f: {  	v13 =	vmul.f32 v20, v1;
	v17 =	vadd.f32 v17, v19;
	v19 =	vld.idx.msk [tilespmem:v2+s11+$0x150 ss:$0x1], $0xffff;
	v15 =	vadd.f32 v23, v15  }
0x80: {  	v20 =	vmul.f32 v25, v3;
	v23 =	vmul.f32 v28, v4;
	(xrf2) =	vadd.scan.msk.f32 $0xffff, v9;
	v9 =	vld.idx.msk [tilespmem:v2+s11+$0xA0 ss:$0x1], $0xffff  }
0x81: {  	v13 =	vadd.f32 v13, v15;
	(xrf2) =	vadd.scan.msk.f32 $0xffff, v10;
	v10 =	vadd.f32 v12, v17;
	v12 =	vld.idx.msk [tilespmem:v2+s11+$0xC0 ss:$0x1], $0xffff  }
0x82: {  	v15 =	vmul.f32 v29, v1;
	v17 =	vmul.f32 v18, v3;
	v18 =	vadd.f32 v23, v20;
	v20 =	vld.idx.msk [tilespmem:v2+s11+$0xD0 ss:$0x1], $0xffff  }
0x83: {  	v13 =	vadd.f32 v16, v13;
	v16 =	vmul.f32 v26, v0;
	(xrf2) =	vadd.scan.msk.f32 $0xffff, v10;
	v10 =	vmul.f32 v22, v4  }
0x84: {  	v22 =	vld.idx.msk [tilespmem:v2+s11+$0x80 ss:$0x1], $0xffff;
	v15 =	vadd.f32 v15, v18;
	v11 =	vmul.f32 v11, v3;
	v18 =	vmul.f32 v19, v4  }
0x85: {  	(xrf2) =	vadd.scan.msk.f32 $0xffff, v13;
	v13 =	vld.idx.msk [tilespmem:v2+s11+$0x90 ss:$0x1], $0xffff;
	v10 =	vadd.f32 v10, v17;
	v17 =	vmul.f32 v31, v1  }
0x86: {  	v19 =	vld.idx.msk [tilespmem:v2+s11+$0x10 ss:$0x1], $0xffff;
	v15 =	vadd.f32 v16, v15;
	v11 =	vadd.f32 v18, v11;
	v16 =	vmul.f32 v33, v1  }
0x87: {  	v18 =	vld.idx.msk [tilespmem:v2+s11+$0x0 ss:$0x1], $0xffff;
	v12 =	vmul.f32 v12, v3;
	v10 =	vadd.f32 v17, v10;
	v17 =	vmul.f32 v20, v4  }
0x88: {  	v20 =	vmul.f32 v27, v0;
	(xrf2) =	vadd.scan.msk.f32 $0xffff, v15;
	v11 =	vadd.f32 v16, v11;
	v15 =	vld.idx.msk [tilespmem:v2+s11+$0x20 ss:$0x1], $0xffff  }
0x89: {  	v16 =	vmul.f32 v30, v0;
	v12 =	vadd.f32 v17, v12;
	v17 =	vmul.f32 v21, v1;
	v21 =	vld.idx.msk [tilespmem:v2+s11+$0x40 ss:$0x1], $0xffff  }
0x8a: {  	v22 =	vmul.f32 v22, v3;
	v10 =	vadd.f32 v20, v10;
	v20 =	vld.idx.msk [tilespmem:v2+s11+$0x50 ss:$0x1], $0xffff;
	v13 =	vmul.f32 v13, v4  }
0x8b: {  	v11 =	vadd.f32 v16, v11;
	v16 =	vmul.f32 v32, v0;
	v12 =	vadd.f32 v17, v12;
	v17 =	vld.idx.msk [tilespmem:v2+s11+$0x100 ss:$0x1], $0xffff  }
0x8c: {  	v9 =	vmul.f32 v9, v1;
	(xrf2) =	vadd.scan.msk.f32 $0xffff, v10;
	v10 =	vld.idx.msk [tilespmem:v2+s11+$0x60 ss:$0x1], $0xffff;
	v13 =	vadd.f32 v13, v22  }
0x8d: {  	(xrf2) =	vadd.scan.msk.f32 $0xffff, v11;
	v11 =	vadd.f32 v16, v12;
	v12 =	vmul.f32 v18, v3;
	v16 =	vld.idx.msk [tilespmem:v2+s11+$0x110 ss:$0x1], $0xffff  }
0x8e: {  	v18 =	vmul.f32 v19, v4;
	v19 =	vld.idx.msk [tilespmem:v2+s11+$0x70 ss:$0x1], $0xffff;
	v9 =	vadd.f32 v9, v13;
	v13 =	vmul.f32 v35, v0  }
0x8f: {  	v21 =	vmul.f32 v21, v3;
	v20 =	vmul.f32 v20, v4;
	(xrf2) =	vadd.scan.msk.f32 $0xffff, v11;
	v11 =	vld.idx.msk [tilespmem:v2+s11+$0x120 ss:$0x1], $0xffff  }
0x90: {  	v15 =	vmul.f32 v15, v1;
	v12 =	vadd.f32 v18, v12;
	v9 =	vadd.f32 v13, v9;
	v13 =	vld.idx.msk [tilespmem:v2+s11+$0x1D0 ss:$0x1], $0xffff  }
0x91: {  	v14 =	vmul.f32 v14, v0;
	v18 =	vld.idx.msk [tilespmem:v2+s11+$0x130 ss:$0x1], $0xffff;
	v20 =	vadd.f32 v20, v21;
	v10 =	vmul.f32 v10, v1  }
0x92: {  	v17 =	vmul.f32 v17, v3;
	v12 =	vadd.f32 v15, v12;
	v15 =	vld.idx.msk [tilespmem:v2+s11+$0x1E0 ss:$0x1], $0xffff;
	v16 =	vmul.f32 v16, v4  }
0x93: {  	(xrf2) =	vadd.scan.msk.f32 $0xffff, v9;
	v9 =	vld.idx.msk [tilespmem:v2+s11+$0x290 ss:$0x1], $0xffff;
	v10 =	vadd.f32 v10, v20;
	v19 =	vmul.f32 v19, v0  }
0x94: {  	v12 =	vadd.f32 v14, v12;
	v14 =	vld.idx.msk [tilespmem:v2+s11+$0x1F0 ss:$0x1], $0xffff;
	v16 =	vadd.f32 v16, v17;
	v11 =	vmul.f32 v11, v1  }
0x95: {  	v17 =	vld.idx.msk [tilespmem:v2+s11+$0x2A0 ss:$0x1], $0xffff;
	v10 =	vadd.f32 v19, v10;
	v19 =	vmul.f32 v34, v3;
	v13 =	vmul.f32 v13, v4  }
0x96: {  	(xrf2) =	vadd.scan.msk.f32 $0xffff, v12;
	v12 =	vld.idx.msk [tilespmem:v2+s11+$0x350 ss:$0x1], $0xffff;
	v11 =	vadd.f32 v11, v16  }
0x97: {  	v20 =	vld.idx.msk [tilespmem:v2+s11+$0x2B0 ss:$0x1], $0xffff;
	v16 =	vmul.f32 v18, v0;
	v13 =	vadd.f32 v13, v19;
	v15 =	vmul.f32 v15, v1  }
0x98: {  	v8 =	vmul.f32 v8, v3;
	v19 =	vld.idx.msk [tilespmem:v2+s11+$0x360 ss:$0x1], $0xffff;
	v9 =	vmul.f32 v9, v4  }
0x99: {  	v18, _, _ =	vpop (xrf2);
	(xrf2) =	vadd.scan.msk.f32 $0xffff, v10;
	v11 =	vadd.f32 v16, v11;
	v13 =	vadd.f32 v15, v13  }
0x9a: {  	v21 =	vld.idx.msk [tilespmem:v2+s11+$0x3C0 ss:$0x1], $0xffff;
	v10, _, _ =	vpop (xrf2);
	v14 =	vmul.f32 v14, v0;
	v8 =	vadd.f32 v9, v8;
	v9 =	vmul.f32 v17, v1  }
0x9b: {  	v5 =	vld.idx.msk [tilespmem:v2+s11+$0x370 ss:$0x1], $0xffff;
	v7 =	vmul.f32 v7, v3;
	v16, _, _ =	vpop (xrf2);
	v12 =	vmul.f32 v12, v4  }
0x9c: {  	v22 =	vld.idx.msk [tilespmem:v2+s11+$0x3D0 ss:$0x1], $0xffff;
	(xrf2) =	vadd.scan.msk.f32 $0xffff, v11;
	v13 =	vadd.f32 v14, v13;
	v15, _, _ =	vpop (xrf2);
	v8 =	vadd.f32 v9, v8  }
0x9d: {  	v9 =	vmul.f32 v20, v0;
	v11, _, _ =	vpop (xrf2);
	v7 =	vadd.f32 v12, v7;
	v12 =	vmul.f32 v19, v1  }
0x9e: {  	v17 =	vld.idx.msk [tilespmem:v2+s11+$0x3E0 ss:$0x1], $0xffff;
	v14, _, _ =	vpop (xrf2)  }
0x9f: {  	v20, _, _ =	vpop (xrf2);
	v7 =	vadd.f32 v12, v7;
	v12 =	vmul.f32 v21, v3  }
0xa0: {  	(xrf2) =	vadd.scan.msk.f32 $0xffff, v13;
	v13, _, _ =	vpop (xrf2)  }
0xa1: {  	v5 =	vmul.f32 v5, v0;
	v19 =	vld.idx.msk [tilespmem:v2+s11+$0x3F0 ss:$0x1], $0xffff;
	v8 =	vadd.f32 v9, v8;
	v21 =	vmul.f32 v22, v4;
	v9, _, _ =	vpop (xrf2)  }
0xa2: {  	v22, _, _ =	vpop (xrf2)  }
0xa3: {  	(xrf2) =	vadd.scan.msk.f32 $0xffff, v8;
	v8 =	vmul.f32 v17, v1;
	v5 =	vadd.f32 v5, v7;
	v7 =	vadd.f32 v21, v12;
	v12, _, _ =	vpop (xrf2)  }
0xa4: {  	v17 =	vbroadcast v22, $0xF;
	v12 =	vbroadcast v12, $0xF  }
0xa5: {  	v9 =	vbroadcast v9, $0xF;
	v7 =	vadd.f32 v8, v7  }
0xa6: {  	v8 =	vmul.f32 v19, v0;
	(xrf2) =	vadd.scan.msk.f32 $0xffff, v5;
	v5 =	vsel vm0, v17, v12;
	v12 =	vbroadcast v13, $0xF;
	v13, _, _ =	vpop (xrf2)  }
0xa7: {  	v5 =	vsel vm1, v5, v9;
	v9 =	vbroadcast v13, $0xF  }
0xa8: {  	v7 =	vadd.f32 v8, v7;
	v5 =	vsel vm2, v5, v12  }
0xa9: {  	v8 =	vbroadcast v20, $0xF;
	v5 =	vsel vm3, v5, v9;
	v9 =	vbroadcast v14, $0xF  }
0xaa: {  	v12, _, _ =	vpop (xrf2)  }
0xab: {  	(xrf2) =	vadd.scan.msk.f32 $0xffff, v7;
	v5 =	vsel vm4, v5, v8;
	v7 =	vbroadcast v12, $0xF  }
0xac: {  	v8 =	vbroadcast v11, $0xF;
	v5 =	vsel vm5, v5, v9  }
0xad: {  	v5 =	vsel vm6, v5, v7;
	v7 =	vbroadcast v15, $0xF;
	v9, _, _ =	vpop (xrf2)  }
0xae: {  	v5 =	vsel vm7, v5, v8;
	v8 =	vbroadcast v9, $0xF  }
0xaf: {  	s12 =	sshll.u32 s12, $0x9;
	v5 =	vsel vm8, v5, v7;
	v7 =	vbroadcast v16, $0xF  }
0xb0: {  	s12 =	sand.u32 $0x3FFFFE00, s12;
	v9 =	vbroadcast v10, $0xF;
	v10, _, _ =	vpop (xrf2);
	v8 =	vsel vm9, v5, v8  }
0xb1: {  	s12 =	sadd.s32 $0x13E00, s12;
	v7 =	vsel vm10, v8, v7;
	v8 =	vbroadcast v10, $0xF  }
0xb2: {  	v5 =	vmov s12  }
0xb3: {  	v7 =	vsel vm11, v7, v9;
	v9 =	vbroadcast v18, $0xF  }
0xb4: {  	v7 =	vsel vm12, v7, v8  }
0xb5: {  	v7 =	vsel vm13, v7, v9;
	v8, _, _ =	vpop (xrf2)  }
0xb6: {  	v7 =	vsel vm14, v7, v8  }
0xb7: {  	[tilespmem:v5+s0+$0x0 ss:$0x1] =	vst.idx.msk $0xffff, v7  }
0xb8: {  	v10 =	vld.idx.msk [tilespmem:v2+s11+$0x7B0 ss:$0x1], $0xffff  }
0xb9: {  	v7 =	vld.idx.msk [tilespmem:v2+s11+$0x770 ss:$0x1], $0xffff  }
0xba: {  	v11 =	vld.idx.msk [tilespmem:v2+s11+$0x730 ss:$0x1], $0xffff  }
0xbb: {  	v12 =	vld.idx.msk [tilespmem:v2+s11+$0x7A0 ss:$0x1], $0xffff  }
0xbc: {  	v13 =	vld.idx.msk [tilespmem:v2+s11+$0x6F0 ss:$0x1], $0xffff  }
0xbd: {  	v14 =	vld.idx.msk [tilespmem:v2+s11+$0x720 ss:$0x1], $0xffff  }
0xbe: {  	v15 =	vld.idx.msk [tilespmem:v2+s11+$0x780 ss:$0x1], $0xffff  }
0xbf: {  	v16 =	vld.idx.msk [tilespmem:v2+s11+$0x790 ss:$0x1], $0xffff  }
0xc0: {  	v17 =	vld.idx.msk [tilespmem:v2+s11+$0x670 ss:$0x1], $0xffff  }
0xc1: {  	v18 =	vld.idx.msk [tilespmem:v2+s11+$0x6E0 ss:$0x1], $0xffff  }
0xc2: {  	v8 =	vld.idx.msk [tilespmem:v2+s11+$0x740 ss:$0x1], $0xffff  }
0xc3: {  	v19 =	vld.idx.msk [tilespmem:v2+s11+$0x630 ss:$0x1], $0xffff  }
0xc4: {  	v20 =	vld.idx.msk [tilespmem:v2+s11+$0x700 ss:$0x1], $0xffff  }
0xc5: {  	v21 =	vld.idx.msk [tilespmem:v2+s11+$0x710 ss:$0x1], $0xffff  }
0xc6: {  	v22 =	vld.idx.msk [tilespmem:v2+s11+$0x660 ss:$0x1], $0xffff  }
0xc7: {  	v23 =	vld.idx.msk [tilespmem:v2+s11+$0x6C0 ss:$0x1], $0xffff  }
0xc8: {  	v24 =	vld.idx.msk [tilespmem:v2+s11+$0x6D0 ss:$0x1], $0xffff  }
0xc9: {  	v25 =	vld.idx.msk [tilespmem:v2+s11+$0x5B0 ss:$0x1], $0xffff  }
0xca: {  	v26 =	vld.idx.msk [tilespmem:v2+s11+$0x620 ss:$0x1], $0xffff  }
0xcb: {  	v9 =	vld.idx.msk [tilespmem:v2+s11+$0x680 ss:$0x1], $0xffff  }
0xcc: {  	v27 =	vld.idx.msk [tilespmem:v2+s11+$0x570 ss:$0x1], $0xffff  }
0xcd: {  	v28 =	vld.idx.msk [tilespmem:v2+s11+$0x640 ss:$0x1], $0xffff  }
0xce: {  	v29 =	vld.idx.msk [tilespmem:v2+s11+$0x650 ss:$0x1], $0xffff  }
0xcf: {  	v58 =	vld.idx.msk [tilespmem:v2+s11+$0x5A0 ss:$0x1], $0xffff  }
0xd0: {  	v59 =	vld.idx.msk [tilespmem:v2+s11+$0x600 ss:$0x1], $0xffff  }
0xd1: {  	v60 =	vld.idx.msk [tilespmem:v2+s11+$0x4F0 ss:$0x1], $0xffff;
	v15 =	vmul.f32 v15, v3  }
0xd2: {  	v61 =	vld.idx.msk [tilespmem:v2+s11+$0x560 ss:$0x1], $0xffff;
	v16 =	vmul.f32 v16, v4;
	v12 =	vmul.f32 v12, v1  }
0xd3: {  	v62 =	vld.idx.msk [tilespmem:v2+s11+$0x410 ss:$0x1], $0xffff;
	v20 =	vmul.f32 v20, v3;
	v21 =	vmul.f32 v21, v4  }
0xd4: {  	v14 =	vmul.f32 v14, v1;
	v28 =	vmul.f32 v28, v3;
	v15 =	vadd.f32 v16, v15;
	v16 =	vld.idx.msk [tilespmem:v2+s11+$0x610 ss:$0x1], $0xffff  }
0xd5: {  	v20 =	vadd.f32 v21, v20;
	v21 =	vmul.f32 v23, v3;
	v23 =	vmul.f32 v24, v4;
	v24 =	vld.idx.msk [tilespmem:v2+s11+$0x580 ss:$0x1], $0xffff  }
0xd6: {  	v29 =	vmul.f32 v29, v4;
	v12 =	vadd.f32 v12, v15;
	v15 =	vmul.f32 v10, v0;
	v10 =	vld.idx.msk [tilespmem:v2+s11+$0x5C0 ss:$0x1], $0xffff  }
0xd7: {  	v18 =	vmul.f32 v18, v1;
	v14 =	vadd.f32 v14, v20;
	v20 =	vld.idx.msk [tilespmem:v2+s11+$0x590 ss:$0x1], $0xffff  }
0xd8: {  	v22 =	vmul.f32 v22, v1;
	v21 =	vadd.f32 v23, v21;
	v23 =	vadd.f32 v29, v28;
	v29 =	vld.idx.msk [tilespmem:v2+s11+$0x400 ss:$0x1], $0xffff  }
0xd9: {  	v13 =	vmul.f32 v13, v0;
	v12 =	vadd.f32 v15, v12;
	v15 =	vmul.f32 v11, v0;
	v11 =	vld.idx.msk [tilespmem:v2+s11+$0x4B0 ss:$0x1], $0xffff  }
0xda: {  	v17 =	vmul.f32 v17, v0;
	v28 =	vmul.f32 v59, v3;
	v18 =	vadd.f32 v18, v21;
	v21 =	vld.idx.msk [tilespmem:v2+s11+$0x550 ss:$0x1], $0xffff  }
0xdb: {  	v22 =	vadd.f32 v22, v23;
	v16 =	vmul.f32 v16, v4;
	v14 =	vadd.f32 v15, v14;
	v15 =	vld.idx.msk [tilespmem:v2+s11+$0x540 ss:$0x1], $0xffff  }
0xdc: {  	v23 =	vld.idx.msk [tilespmem:v2+s11+$0x4D0 ss:$0x1], $0xffff;
	(xrf2) =	vadd.scan.msk.f32 $0xffff, v12;
	v13 =	vadd.f32 v13, v18  }
0xdd: {  	v18 =	vmul.f32 v26, v1;
	v17 =	vadd.f32 v17, v22;
	v16 =	vadd.f32 v16, v28;
	(xrf2) =	vadd.scan.msk.f32 $0xffff, v14  }
0xde: {  	v20 =	vmul.f32 v20, v4;
	v14 =	vld.idx.msk [tilespmem:v2+s11+$0x4C0 ss:$0x1], $0xffff;
	(xrf2) =	vadd.scan.msk.f32 $0xffff, v13;
	v13 =	vmul.f32 v24, v3  }
0xdf: {  	v22 =	vld.idx.msk [tilespmem:v2+s11+$0x4E0 ss:$0x1], $0xffff;
	v16 =	vadd.f32 v18, v16;
	v18 =	vmul.f32 v19, v0;
	v19 =	vmul.f32 v58, v1  }
0xe0: {  	(xrf2) =	vadd.scan.msk.f32 $0xffff, v17;
	v17 =	vmul.f32 v21, v4;
	v15 =	vmul.f32 v15, v3;
	v13 =	vadd.f32 v20, v13  }
0xe1: {  	v26 =	vld.idx.msk [tilespmem:v2+s11+$0x490 ss:$0x1], $0xffff;
	v16 =	vadd.f32 v18, v16;
	v18 =	vmul.f32 v25, v0  }
0xe2: {  	v24 =	vld.idx.msk [tilespmem:v2+s11+$0x480 ss:$0x1], $0xffff;
	v20 =	vmul.f32 v61, v1;
	v15 =	vadd.f32 v17, v15;
	v13 =	vadd.f32 v19, v13  }
0xe3: {  	v12 =	vld.idx.msk [tilespmem:v2+s11+$0x430 ss:$0x1], $0xffff;
	v21 =	vmul.f32 v23, v4;
	v14 =	vmul.f32 v14, v3;
	(xrf2) =	vadd.scan.msk.f32 $0xffff, v16  }
0xe4: {  	v28 =	vld.idx.msk [tilespmem:v2+s11+$0x4A0 ss:$0x1], $0xffff;
	v16 =	vmul.f32 v27, v0;
	v15 =	vadd.f32 v20, v15;
	v18 =	vadd.f32 v18, v13  }
0xe5: {  	v22 =	vmul.f32 v22, v1;
	v17 =	vld.idx.msk [tilespmem:v2+s11+$0x420 ss:$0x1], $0xffff  }
0xe6: {  	v19 =	vld.idx.msk [tilespmem:v2+s11+$0x440 ss:$0x1], $0xffff;
	v21 =	vadd.f32 v21, v14;
	v13, _, _ =	vpop (xrf2);
	v16 =	vadd.f32 v16, v15;
	(xrf2) =	vadd.scan.msk.f32 $0xffff, v18  }
0xe7: {  	v23 =	vmul.f32 v24, v3;
	v24 =	vmul.f32 v26, v4;
	v20 =	vld.idx.msk [tilespmem:v2+s11+$0x450 ss:$0x1], $0xffff  }
0xe8: {  	v63 =	vmul.f32 v60, v0;
	v22 =	vadd.f32 v22, v21;
	v18 =	vld.idx.msk [tilespmem:v2+s11+$0x500 ss:$0x1], $0xffff;
	v14, _, _ =	vpop (xrf2)  }
0xe9: {  	v25 =	vmul.f32 v28, v1;
	v24 =	vadd.f32 v24, v23;
	v21 =	vld.idx.msk [tilespmem:v2+s11+$0x460 ss:$0x1], $0xffff;
	v15, _, _ =	vpop (xrf2);
	(xrf2) =	vadd.scan.msk.f32 $0xffff, v16  }
0xea: {  	s12 =	simm.s32 $0x1;
	v27 =	vmul.f32 v62, v4;
	v26 =	vmul.f32 v29, v3;
	v23 =	vadd.f32 v63, v22;
	v22 =	vld.idx.msk [tilespmem:v2+s11+$0x510 ss:$0x1], $0xffff;
	v16, _, _ =	vpop (xrf2)  }
.LBB2_4:
0xeb: {  	p0 =	seq.s32 s12, $0x7;
	v28 =	vld.idx.msk [tilespmem:v2+s11+$0x470 ss:$0x1], $0xffff;
	v29 =	vadd.f32 v25, v24;
	v11 =	vmul.f32 v11, v0  }
0xec: {  	v17 =	vmul.f32 v17, v1;
	v25 =	vadd.f32 v27, v26;
	v26 =	vld.idx.msk [tilespmem:v2+s11+$0x520 ss:$0x1], $0xffff;
	(xrf2) =	vadd.scan.msk.f32 $0xffff, v23  }
0xed: {  	v19 =	vmul.f32 v19, v3;
	v20 =	vmul.f32 v20, v4;
	v11 =	vadd.f32 v11, v29;
	v23 =	vld.idx.msk [tilespmem:v2+s11+$0x5D0 ss:$0x1], $0xffff;
	v24, _, _ =	vpop (xrf2)  }
0xee: {  	v12 =	vmul.f32 v12, v0;
	v17 =	vadd.f32 v17, v25;
	v25 =	vld.idx.msk [tilespmem:v2+s11+$0x530 ss:$0x1], $0xffff  }
0xef: {  	v19 =	vadd.f32 v20, v19;
	v20 =	vmul.f32 v21, v1;
	v21 =	vld.idx.msk [tilespmem:v2+s11+$0x5E0 ss:$0x1], $0xffff;
	(xrf2) =	vadd.scan.msk.f32 $0xffff, v11  }
0xf0: {  	v11 =	vadd.f32 v12, v17;
	v12 =	vmul.f32 v18, v3;
	v17 =	vmul.f32 v22, v4;
	v18 =	vld.idx.msk [tilespmem:v2+s11+$0x690 ss:$0x1], $0xffff;
	v22, _, _ =	vpop (xrf2)  }
0xf1: {  	v19 =	vadd.f32 v20, v19;
	v20 =	vmul.f32 v28, v0;
	v27 =	vld.idx.msk [tilespmem:v2+s11+$0x5F0 ss:$0x1], $0xffff  }
0xf2: {  	v12 =	vadd.f32 v17, v12;
	v17 =	vmul.f32 v26, v1;
	v26 =	vld.idx.msk [tilespmem:v2+s11+$0x6A0 ss:$0x1], $0xffff;
	(xrf2) =	vadd.scan.msk.f32 $0xffff, v11  }
0xf3: {  	v10 =	vmul.f32 v10, v3;
	v11 =	vadd.f32 v20, v19;
	v19 =	vmul.f32 v23, v4;
	v20 =	vld.idx.msk [tilespmem:v2+s11+$0x750 ss:$0x1], $0xffff;
	v28, _, _ =	vpop (xrf2)  }
0xf4: {  	v12 =	vadd.f32 v17, v12;
	v17 =	vmul.f32 v25, v0;
	v23 =	vld.idx.msk [tilespmem:v2+s11+$0x6B0 ss:$0x1], $0xffff  }
0xf5: {  	v10 =	vadd.f32 v19, v10;
	v19 =	vmul.f32 v21, v1;
	v21 =	vld.idx.msk [tilespmem:v2+s11+$0x760 ss:$0x1], $0xffff;
	(xrf2) =	vadd.scan.msk.f32 $0xffff, v11  }
0xf6: {  	v9 =	vmul.f32 v9, v3;
	v11 =	vadd.f32 v17, v12;
	v12 =	vmul.f32 v18, v4;
	v17 =	vld.idx.msk [tilespmem:v2+s11+$0x7C0 ss:$0x1], $0xffff;
	v18, _, _ =	vpop (xrf2)  }
0xf7: {  	v10 =	vadd.f32 v19, v10;
	v19 =	vmul.f32 v27, v0;
	v25 =	vld.idx.msk [tilespmem:v2+s11+$0x7D0 ss:$0x1], $0xffff  }
0xf8: {  	v26 =	vmul.f32 v26, v1;
	v12 =	vadd.f32 v12, v9;
	(xrf2) =	vadd.scan.msk.f32 $0xffff, v11  }
0xf9: {  	s13 =	sshll.u32 s12, $0x6;
	v8 =	vmul.f32 v8, v3;
	v10 =	vadd.f32 v19, v10;
	v11 =	vmul.f32 v20, v4;
	v19 =	vld.idx.msk [tilespmem:v2+s11+$0x7E0 ss:$0x1], $0xffff;
	v27, _, _ =	vpop (xrf2)  }
0xfa: {  	v20 =	vmul.f32 v23, v0;
	v9 =	vld.idx.msk [tilespmem:v6+s13+$0x30 ss:$0x1], $0xffff;
	v12 =	vadd.f32 v26, v12  }
0xfb: {  	v8 =	vadd.f32 v11, v8;
	v21 =	vmul.f32 v21, v1;
	v23 =	vld.idx.msk [tilespmem:v2+s11+$0x7F0 ss:$0x1], $0xffff;
	(xrf2) =	vadd.scan.msk.f32 $0xffff, v10  }
0xfc: {  	s14 =	smul.u32 $0x3200, s12;
	v7 =	vmul.f32 v7, v0;
	v10 =	vld.idx.msk [tilespmem:v6+s13+$0x20 ss:$0x1], $0xffff;
	v29 =	vadd.f32 v20, v12;
	v26, _, _ =	vpop (xrf2)  }
0xfd: {  	v17 =	vmul.f32 v17, v3;
	v8 =	vadd.f32 v21, v8;
	v25 =	vmul.f32 v25, v4;
	v11 =	vld.idx.msk [tilespmem:v6+s13+$0x0 ss:$0x1], $0xffff  }
0xfe: {  	s14 =	sshra.s32 s14, $0x2;
	v12 =	vld.idx.msk [tilespmem:v6+s13+$0x10 ss:$0x1], $0xffff;
	(xrf2) =	vadd.scan.msk.f32 $0xffff, v29  }
0xff: {  	v8 =	vadd.f32 v7, v8;
	v17 =	vadd.f32 v25, v17;
	v19 =	vmul.f32 v19, v1;
	v21 =	vld.idx.msk [tilespmem:v2+s14+$0x3B0 ss:$0x1], $0xffff;
	v20, _, _ =	vpop (xrf2)  }
0x100: {  	v30 =	vbroadcast v26, $0xF;
	v7 =	vld.idx.msk [tilespmem:v2+s14+$0x370 ss:$0x1], $0xffff;
	v29 =	vbroadcast v20, $0xF  }
0x101: {  	v27 =	vbroadcast v27, $0xF;
	v17 =	vadd.f32 v19, v17;
	v19 =	vmul.f32 v23, v0;
	v20 =	vld.idx.msk [tilespmem:v2+s14+$0x330 ss:$0x1], $0xffff;
	(xrf2) =	vadd.scan.msk.f32 $0xffff, v8  }
0x102: {  	v18 =	vbroadcast v18, $0xF;
	v25 =	vld.idx.msk [tilespmem:v2+s14+$0x3A0 ss:$0x1], $0xffff;
	v8 =	vsel vm0, v30, v29;
	v26, _, _ =	vpop (xrf2)  }
0x103: {  	v17 =	vadd.f32 v19, v17;
	v23 =	vld.idx.msk [tilespmem:v2+s14+$0x2F0 ss:$0x1], $0xffff;
	v27 =	vsel vm1, v8, v27;
	v29 =	vbroadcast v26, $0xF  }
0x104: {  	v19 =	vbroadcast v28, $0xF;
	v8 =	vld.idx.msk [tilespmem:v2+s14+$0x360 ss:$0x1], $0xffff;
	v18 =	vsel vm2, v27, v18  }
0x105: {  	v22 =	vbroadcast v22, $0xF;
	v30 =	vld.idx.msk [tilespmem:v2+s14+$0x320 ss:$0x1], $0xffff;
	v18 =	vsel vm3, v18, v29;
	v26, _, _ =	vpop (xrf2);
	(xrf2) =	vadd.scan.msk.f32 $0xffff, v17  }
0x106: {  	v34 =	vld.idx.msk [tilespmem:v2+s14+$0x380 ss:$0x1], $0xffff;
	v17 =	vsel vm4, v18, v19;
	v26 =	vbroadcast v26, $0xF  }
0x107: {  	v19 =	vbroadcast v24, $0xF;
	v31 =	vld.idx.msk [tilespmem:v2+s14+$0x390 ss:$0x1], $0xffff;
	v17 =	vsel vm5, v17, v22  }
0x108: {  	v16 =	vbroadcast v16, $0xF;
	v29 =	vld.idx.msk [tilespmem:v2+s14+$0x270 ss:$0x1], $0xffff;
	v17 =	vsel vm6, v17, v26;
	v18, _, _ =	vpop (xrf2)  }
0x109: {  	v27 =	vld.idx.msk [tilespmem:v2+s14+$0x2E0 ss:$0x1], $0xffff;
	v19 =	vsel vm7, v17, v19;
	v18 =	vbroadcast v18, $0xF  }
0x10a: {  	v15 =	vbroadcast v15, $0xF;
	v24 =	vld.idx.msk [tilespmem:v2+s14+$0x300 ss:$0x1], $0xffff;
	v16 =	vsel vm8, v19, v16  }
0x10b: {  	v14 =	vbroadcast v14, $0xF;
	v22 =	vld.idx.msk [tilespmem:v2+s14+$0x310 ss:$0x1], $0xffff;
	v16 =	vsel vm9, v16, v18;
	v17, _, _ =	vpop (xrf2)  }
0x10c: {  	v19 =	vld.idx.msk [tilespmem:v2+s14+$0x260 ss:$0x1], $0xffff;
	v15 =	vsel vm10, v16, v15;
	v26 =	vbroadcast v17, $0xF  }
0x10d: {  	v13 =	vbroadcast v13, $0xF;
	v18 =	vld.idx.msk [tilespmem:v2+s14+$0x2C0 ss:$0x1], $0xffff;
	v14 =	vsel vm11, v15, v14  }
0x10e: {  	v16 =	vld.idx.msk [tilespmem:v2+s14+$0x2D0 ss:$0x1], $0xffff;
	v14 =	vsel vm12, v14, v26  }
0x10f: {  	v15 =	vld.idx.msk [tilespmem:v2+s14+$0x240 ss:$0x1], $0xffff;
	v14 =	vsel vm13, v14, v13;
	v17, _, _ =	vpop (xrf2)  }
0x110: {  	v13 =	vld.idx.msk [tilespmem:v2+s14+$0x250 ss:$0x1], $0xffff;
	v17 =	vsel vm14, v14, v17  }
0x111: {  	v14 =	vld.idx.msk [tilespmem:v2+s14+$0x200 ss:$0x1], $0xffff;
	[tilespmem:v5+s0+$0x10 ss:$0x1] =	vst.idx.msk $0xffff, v17  }
0x112: {  	v28 =	vld.idx.msk [tilespmem:v2+s11+$0xBB0 ss:$0x1], $0xffff  }
0x113: {  	v17 =	vld.idx.msk [tilespmem:v2+s11+$0xB70 ss:$0x1], $0xffff  }
0x114: {  	v32 =	vld.idx.msk [tilespmem:v2+s11+$0xB30 ss:$0x1], $0xffff  }
0x115: {  	v35 =	vld.idx.msk [tilespmem:v2+s11+$0xBA0 ss:$0x1], $0xffff  }
0x116: {  	v37 =	vld.idx.msk [tilespmem:v2+s11+$0xAF0 ss:$0x1], $0xffff  }
0x117: {  	v36 =	vld.idx.msk [tilespmem:v2+s11+$0xB20 ss:$0x1], $0xffff  }
0x118: {  	v38 =	vld.idx.msk [tilespmem:v2+s11+$0xB80 ss:$0x1], $0xffff  }
0x119: {  	v39 =	vld.idx.msk [tilespmem:v2+s11+$0xB90 ss:$0x1], $0xffff  }
0x11a: {  	v40 =	vld.idx.msk [tilespmem:v2+s11+$0xA70 ss:$0x1], $0xffff  }
0x11b: {  	v41 =	vld.idx.msk [tilespmem:v2+s11+$0xAE0 ss:$0x1], $0xffff  }
0x11c: {  	v26 =	vld.idx.msk [tilespmem:v2+s11+$0xB40 ss:$0x1], $0xffff  }
0x11d: {  	v42 =	vld.idx.msk [tilespmem:v2+s11+$0xA30 ss:$0x1], $0xffff  }
0x11e: {  	v43 =	vld.idx.msk [tilespmem:v2+s11+$0xB00 ss:$0x1], $0xffff  }
0x11f: {  	v44 =	vld.idx.msk [tilespmem:v2+s11+$0xB10 ss:$0x1], $0xffff  }
0x120: {  	v45 =	vld.idx.msk [tilespmem:v2+s11+$0xA60 ss:$0x1], $0xffff  }
0x121: {  	v46 =	vld.idx.msk [tilespmem:v2+s11+$0xAC0 ss:$0x1], $0xffff  }
0x122: {  	v47 =	vld.idx.msk [tilespmem:v2+s11+$0xAD0 ss:$0x1], $0xffff  }
0x123: {  	v48 =	vld.idx.msk [tilespmem:v2+s11+$0x9B0 ss:$0x1], $0xffff  }
0x124: {  	v49 =	vld.idx.msk [tilespmem:v2+s11+$0xA20 ss:$0x1], $0xffff  }
0x125: {  	v33 =	vld.idx.msk [tilespmem:v2+s11+$0xA80 ss:$0x1], $0xffff  }
0x126: {  	v50 =	vld.idx.msk [tilespmem:v2+s11+$0x970 ss:$0x1], $0xffff  }
0x127: {  	v38 =	vmul.f32 v38, v3;
	v39 =	vmul.f32 v39, v4;
	v51 =	vld.idx.msk [tilespmem:v2+s11+$0xA40 ss:$0x1], $0xffff  }
0x128: {  	v52 =	vld.idx.msk [tilespmem:v2+s11+$0xA50 ss:$0x1], $0xffff  }
0x129: {  	v35 =	vmul.f32 v35, v1;
	v38 =	vadd.f32 v39, v38;
	v53 =	vld.idx.msk [tilespmem:v2+s11+$0x9A0 ss:$0x1], $0xffff  }
0x12a: {  	v43 =	vmul.f32 v43, v3;
	v44 =	vmul.f32 v44, v4;
	v39 =	vld.idx.msk [tilespmem:v2+s11+$0xA00 ss:$0x1], $0xffff  }
0x12b: {  	v28 =	vmul.f32 v28, v0;
	v35 =	vadd.f32 v35, v38;
	v54 =	vld.idx.msk [tilespmem:v2+s11+$0xA10 ss:$0x1], $0xffff  }
0x12c: {  	v43 =	vadd.f32 v44, v43;
	v44 =	vmul.f32 v36, v1;
	v38 =	vld.idx.msk [tilespmem:v2+s11+$0x8F0 ss:$0x1], $0xffff  }
0x12d: {  	v28 =	vadd.f32 v28, v35;
	v46 =	vmul.f32 v46, v3;
	v47 =	vmul.f32 v47, v4;
	v55 =	vld.idx.msk [tilespmem:v2+s11+$0x960 ss:$0x1], $0xffff  }
0x12e: {  	v21 =	vmul.f32 v21, v9;
	v32 =	vmul.f32 v32, v0;
	v35 =	vadd.f32 v44, v43;
	v36 =	vld.idx.msk [tilespmem:v2+s11+$0x9C0 ss:$0x1], $0xffff  }
0x12f: {  	v41 =	vmul.f32 v41, v1;
	v44 =	vadd.f32 v47, v46;
	v43 =	vld.idx.msk [tilespmem:v2+s11+$0x980 ss:$0x1], $0xffff;
	(xrf2) =	vadd.scan.msk.f32 $0xffff, v28  }
0x130: {  	v32 =	vadd.f32 v32, v35;
	v47 =	vmul.f32 v52, v4;
	v28 =	vmul.f32 v51, v3;
	v46 =	vld.idx.msk [tilespmem:v2+s11+$0x990 ss:$0x1], $0xffff  }
0x131: {  	v20 =	vmul.f32 v20, v9;
	v37 =	vmul.f32 v37, v0;
	v35 =	vadd.f32 v41, v44;
	v51 =	vld.idx.msk [tilespmem:v2+s11+$0x8B0 ss:$0x1], $0xffff  }
0x132: {  	v45 =	vmul.f32 v45, v1;
	v44 =	vadd.f32 v47, v28;
	v41 =	vld.idx.msk [tilespmem:v2+s11+$0x940 ss:$0x1], $0xffff;
	(xrf2) =	vadd.scan.msk.f32 $0xffff, v32  }
0x133: {  	v35 =	vadd.f32 v37, v35;
	v39 =	vmul.f32 v39, v3;
	v47 =	vmul.f32 v54, v4;
	v32 =	vld.idx.msk [tilespmem:v2+s11+$0x950 ss:$0x1], $0xffff  }
0x134: {  	v37 =	vmul.f32 v40, v0;
	v28 =	vmul.f32 v25, v10;
	v25 =	vadd.f32 v45, v44;
	v52 =	vld.idx.msk [tilespmem:v2+s11+$0x830 ss:$0x1], $0xffff  }
0x135: {  	v39 =	vadd.f32 v47, v39;
	v44 =	vmul.f32 v49, v1;
	v40 =	vld.idx.msk [tilespmem:v2+s11+$0x8C0 ss:$0x1], $0xffff;
	(xrf2) =	vadd.scan.msk.f32 $0xffff, v35  }
0x136: {  	v43 =	vmul.f32 v43, v3;
	v45 =	vmul.f32 v46, v4;
	v49 =	vadd.f32 v37, v25;
	v35 =	vld.idx.msk [tilespmem:v2+s11+$0x8D0 ss:$0x1], $0xffff  }
0x137: {  	v23 =	vmul.f32 v23, v9;
	v42 =	vmul.f32 v42, v0;
	v39 =	vadd.f32 v44, v39;
	v37 =	vld.idx.msk [tilespmem:v2+s11+$0x8E0 ss:$0x1], $0xffff  }
0x138: {  	v43 =	vadd.f32 v45, v43;
	v45 =	vmul.f32 v53, v1;
	v44 =	vld.idx.msk [tilespmem:v2+s11+$0x880 ss:$0x1], $0xffff;
	(xrf2) =	vadd.scan.msk.f32 $0xffff, v49  }
0x139: {  	v41 =	vmul.f32 v41, v3;
	v39 =	vadd.f32 v42, v39;
	v47 =	vmul.f32 v32, v4;
	v46 =	vld.idx.msk [tilespmem:v2+s11+$0x890 ss:$0x1], $0xffff;
	v25, _, _ =	vpop (xrf2)  }
0x13a: {  	v32 =	vmul.f32 v30, v10;
	v49 =	vadd.f32 v45, v43;
	v43 =	vmul.f32 v48, v0;
	v42 =	vld.idx.msk [tilespmem:v2+s11+$0x8A0 ss:$0x1], $0xffff  }
0x13b: {  	v41 =	vadd.f32 v47, v41;
	v47 =	vmul.f32 v55, v1;
	v45 =	vld.idx.msk [tilespmem:v2+s11+$0x800 ss:$0x1], $0xffff;
	(xrf2) =	vadd.scan.msk.f32 $0xffff, v39  }
0x13c: {  	v40 =	vmul.f32 v40, v3;
	v48 =	vmul.f32 v35, v4;
	v43 =	vadd.f32 v43, v49;
	v39 =	vld.idx.msk [tilespmem:v2+s11+$0x810 ss:$0x1], $0xffff;
	v30, _, _ =	vpop (xrf2)  }
0x13d: {  	v35 =	vmul.f32 v34, v11;
	v53 =	vadd.f32 v47, v41;
	v41 =	vmul.f32 v50, v0;
	v49 =	vld.idx.msk [tilespmem:v2+s11+$0x820 ss:$0x1], $0xffff  }
0x13e: {  	v40 =	vadd.f32 v48, v40;
	v48 =	vmul.f32 v37, v1;
	v47 =	vld.idx.msk [tilespmem:v2+s11+$0x840 ss:$0x1], $0xffff;
	(xrf2) =	vadd.scan.msk.f32 $0xffff, v43  }
0x13f: {  	v44 =	vmul.f32 v44, v3;
	v46 =	vmul.f32 v46, v4;
	v41 =	vadd.f32 v41, v53;
	v43 =	vld.idx.msk [tilespmem:v2+s11+$0x850 ss:$0x1], $0xffff;
	v34, _, _ =	vpop (xrf2)  }
0x140: {  	v38 =	vmul.f32 v38, v0;
	v37 =	vmul.f32 v31, v12;
	v50 =	vadd.f32 v48, v40;
	v40 =	vld.idx.msk [tilespmem:v2+s11+$0x900 ss:$0x1], $0xffff  }
0x141: {  	v42 =	vmul.f32 v42, v1;
	v44 =	vadd.f32 v46, v44;
	v48 =	vld.idx.msk [tilespmem:v2+s11+$0x860 ss:$0x1], $0xffff;
	(xrf2) =	vadd.scan.msk.f32 $0xffff, v41  }
0x142: {  	v41 =	vmul.f32 v45, v3;
	v39 =	vmul.f32 v39, v4;
	v50 =	vadd.f32 v38, v50;
	v45 =	vld.idx.msk [tilespmem:v2+s11+$0x910 ss:$0x1], $0xffff;
	v31, _, _ =	vpop (xrf2)  }
0x143: {  	v29 =	vmul.f32 v29, v9;
	v42 =	vadd.f32 v42, v44;
	v44 =	vmul.f32 v51, v0;
	v46 =	vld.idx.msk [tilespmem:v2+s11+$0x870 ss:$0x1], $0xffff  }
0x144: {  	v39 =	vadd.f32 v39, v41;
	v41 =	vmul.f32 v49, v1;
	v49 =	vld.idx.msk [tilespmem:v2+s11+$0x920 ss:$0x1], $0xffff;
	(xrf2) =	vadd.scan.msk.f32 $0xffff, v50  }
0x145: {  	v47 =	vmul.f32 v47, v3;
	v43 =	vmul.f32 v43, v4;
	v42 =	vadd.f32 v44, v42;
	v44 =	vld.idx.msk [tilespmem:v2+s11+$0x9D0 ss:$0x1], $0xffff;
	v38, _, _ =	vpop (xrf2)  }
0x146: {  	v27 =	vmul.f32 v27, v10;
	v39 =	vadd.f32 v41, v39;
	v41 =	vmul.f32 v52, v0;
	v50 =	vld.idx.msk [tilespmem:v2+s11+$0x930 ss:$0x1], $0xffff  }
0x147: {  	v43 =	vadd.f32 v43, v47;
	v47 =	vmul.f32 v48, v1;
	v48 =	vld.idx.msk [tilespmem:v2+s11+$0x9E0 ss:$0x1], $0xffff;
	(xrf2) =	vadd.scan.msk.f32 $0xffff, v42  }
0x148: {  	v40 =	vmul.f32 v40, v3;
	v39 =	vadd.f32 v41, v39;
	v41 =	vmul.f32 v45, v4;
	v42 =	vld.idx.msk [tilespmem:v2+s11+$0xA90 ss:$0x1], $0xffff;
	v45, _, _ =	vpop (xrf2)  }
0x149: {  	v24 =	vmul.f32 v24, v11;
	v43 =	vadd.f32 v47, v43;
	v51 =	vmul.f32 v46, v0;
	v47 =	vld.idx.msk [tilespmem:v2+s11+$0x9F0 ss:$0x1], $0xffff  }
0x14a: {  	v40 =	vadd.f32 v41, v40;
	v41 =	vmul.f32 v49, v1;
	v49 =	vld.idx.msk [tilespmem:v2+s11+$0xAA0 ss:$0x1], $0xffff;
	(xrf2) =	vadd.scan.msk.f32 $0xffff, v39  }
0x14b: {  	v36 =	vmul.f32 v36, v3;
	v39 =	vadd.f32 v51, v43;
	v43 =	vmul.f32 v44, v4;
	v44 =	vld.idx.msk [tilespmem:v2+s11+$0xB50 ss:$0x1], $0xffff;
	v46, _, _ =	vpop (xrf2)  }
0x14c: {  	v51 =	vmul.f32 v22, v12;
	v22 =	vadd.f32 v41, v40;
	v40 =	vmul.f32 v50, v0;
	v41 =	vld.idx.msk [tilespmem:v2+s11+$0xAB0 ss:$0x1], $0xffff  }
0x14d: {  	v36 =	vadd.f32 v43, v36;
	v43 =	vmul.f32 v48, v1;
	v48 =	vld.idx.msk [tilespmem:v2+s11+$0xB60 ss:$0x1], $0xffff;
	(xrf2) =	vadd.scan.msk.f32 $0xffff, v39  }
0x14e: {  	v33 =	vmul.f32 v33, v3;
	v22 =	vadd.f32 v40, v22;
	v39 =	vmul.f32 v42, v4;
	v40 =	vld.idx.msk [tilespmem:v2+s11+$0xBC0 ss:$0x1], $0xffff;
	v42, _, _ =	vpop (xrf2)  }
0x14f: {  	v19 =	vmul.f32 v19, v10;
	v36 =	vadd.f32 v43, v36;
	v43 =	vmul.f32 v47, v0;
	v47 =	vld.idx.msk [tilespmem:v2+s11+$0xBD0 ss:$0x1], $0xffff  }
0x150: {  	v18 =	vmul.f32 v18, v11;
	v33 =	vadd.f32 v39, v33;
	v39 =	vmul.f32 v49, v1;
	(xrf2) =	vadd.scan.msk.f32 $0xffff, v22  }
0x151: {  	v26 =	vmul.f32 v26, v3;
	v22 =	vadd.f32 v43, v36;
	v36 =	vmul.f32 v44, v4;
	v43 =	vld.idx.msk [tilespmem:v2+s11+$0xBE0 ss:$0x1], $0xffff;
	v44, _, _ =	vpop (xrf2)  }
0x152: {  	v49 =	vmul.f32 v16, v12;
	v50 =	vadd.f32 v39, v33;
	v39 =	vmul.f32 v41, v0;
	v16 =	vld.idx.msk [tilespmem:v2+s14+$0x340 ss:$0x1], $0xffff  }
0x153: {  	v26 =	vadd.f32 v36, v26;
	v36 =	vmul.f32 v48, v1;
	v41 =	vld.idx.msk [tilespmem:v2+s11+$0xBF0 ss:$0x1], $0xffff;
	(xrf2) =	vadd.scan.msk.f32 $0xffff, v22  }
0x154: {  	v15 =	vmul.f32 v15, v11;
	v17 =	vmul.f32 v17, v0;
	v22 =	vadd.f32 v39, v50;
	v48 =	vld.idx.msk [tilespmem:v2+s14+$0x230 ss:$0x1], $0xffff;
	v33, _, _ =	vpop (xrf2)  }
0x155: {  	v53 =	vmul.f32 v40, v3;
	v26 =	vadd.f32 v36, v26;
	v40 =	vmul.f32 v47, v4;
	v39 =	vld.idx.msk [tilespmem:v2+s14+$0x1B0 ss:$0x1], $0xffff  }
0x156: {  	v14 =	vmul.f32 v14, v11;
	v50 =	vmul.f32 v13, v12;
	v47 =	vld.idx.msk [tilespmem:v2+s14+$0x210 ss:$0x1], $0xffff;
	(xrf2) =	vadd.scan.msk.f32 $0xffff, v22  }
0x157: {  	v17 =	vadd.f32 v17, v26;
	v22 =	vadd.f32 v40, v53;
	v26 =	vmul.f32 v43, v1;
	v52 =	vld.idx.msk [tilespmem:v2+s14+$0x220 ss:$0x1], $0xffff;
	v36, _, _ =	vpop (xrf2)  }
0x158: {  	v33 =	vbroadcast v33, $0xF;
	v13 =	vld.idx.msk [tilespmem:v2+s14+$0x280 ss:$0x1], $0xffff;
	v53 =	vbroadcast v36, $0xF  }
0x159: {  	v43 =	vbroadcast v44, $0xF;
	v22 =	vadd.f32 v26, v22;
	v26 =	vmul.f32 v41, v0;
	v40 =	vld.idx.msk [tilespmem:v2+s14+$0x170 ss:$0x1], $0xffff;
	(xrf2) =	vadd.scan.msk.f32 $0xffff, v17  }
0x15a: {  	v35 =	vadd.f32 v37, v35;
	v41 =	vld.idx.msk [tilespmem:v2+s14+$0x1A0 ss:$0x1], $0xffff;
	v17 =	vsel vm0, v33, v53;
	v33 =	vbroadcast v42, $0xF;
	v36, _, _ =	vpop (xrf2)  }
0x15b: {  	v22 =	vadd.f32 v26, v22;
	v37 =	vld.idx.msk [tilespmem:v2+s14+$0xF0 ss:$0x1], $0xffff;
	v17 =	vsel vm1, v17, v43;
	v44 =	vbroadcast v36, $0xF  }
0x15c: {  	v42 =	vmul.f32 v47, v12;
	v43 =	vbroadcast v46, $0xF;
	v26 =	vld.idx.msk [tilespmem:v2+s14+$0x160 ss:$0x1], $0xffff;
	v33 =	vsel vm2, v17, v33  }
0x15d: {  	v28 =	vadd.f32 v28, v35;
	v35 =	vbroadcast v45, $0xF;
	v17 =	vld.idx.msk [tilespmem:v2+s14+$0x1C0 ss:$0x1], $0xffff;
	v33 =	vsel vm3, v33, v44;
	v36, _, _ =	vpop (xrf2);
	(xrf2) =	vadd.scan.msk.f32 $0xffff, v22  }
0x15e: {  	v24 =	vadd.f32 v51, v24;
	v22 =	vld.idx.msk [tilespmem:v2+s14+$0xB0 ss:$0x1], $0xffff;
	v33 =	vsel vm4, v33, v43;
	v44 =	vbroadcast v36, $0xF  }
0x15f: {  	v28 =	vadd.f32 v21, v28;
	v43 =	vld.idx.msk [tilespmem:v2+s14+$0x180 ss:$0x1], $0xffff;
	v21 =	vsel vm5, v33, v35;
	v33 =	vbroadcast v38, $0xF  }
0x160: {  	v31 =	vbroadcast v31, $0xF;
	v24 =	vadd.f32 v32, v24;
	v35 =	vld.idx.msk [tilespmem:v2+s14+$0x190 ss:$0x1], $0xffff;
	v32 =	vsel vm6, v21, v44;
	v36, _, _ =	vpop (xrf2)  }
0x161: {  	v18 =	vadd.f32 v49, v18;
	v21 =	vld.idx.msk [tilespmem:v2+s14+$0x30 ss:$0x1], $0xffff;
	(xrf2) =	vadd.scan.msk.f32 $0xffff, v28;
	v28 =	vsel vm7, v32, v33;
	v32 =	vbroadcast v36, $0xF  }
0x162: {  	v20 =	vadd.f32 v20, v24;
	v33 =	vld.idx.msk [tilespmem:v2+s14+$0xE0 ss:$0x1], $0xffff;
	v24 =	vsel vm8, v28, v31;
	v28 =	vbroadcast v34, $0xF  }
0x163: {  	v18 =	vadd.f32 v27, v18;
	v27 =	vbroadcast v30, $0xF;
	v31 =	vld.idx.msk [tilespmem:v2+s14+$0x140 ss:$0x1], $0xffff;
	v24 =	vsel vm9, v24, v32;
	v30, _, _ =	vpop (xrf2)  }
0x164: {  	v15 =	vadd.f32 v50, v15;
	v32 =	vld.idx.msk [tilespmem:v2+s14+$0x150 ss:$0x1], $0xffff;
	(xrf2) =	vadd.scan.msk.f32 $0xffff, v20;
	v20 =	vsel vm10, v24, v28;
	v24 =	vbroadcast v30, $0xF  }
0x165: {  	v18 =	vadd.f32 v23, v18;
	v23 =	vbroadcast v25, $0xF;
	v28 =	vld.idx.msk [tilespmem:v2+s14+$0xA0 ss:$0x1], $0xffff;
	v20 =	vsel vm11, v20, v27  }
0x166: {  	v15 =	vadd.f32 v19, v15;
	v27 =	vmul.f32 v52, v10;
	v25 =	vld.idx.msk [tilespmem:v2+s14+$0xC0 ss:$0x1], $0xffff;
	v24 =	vsel vm12, v20, v24  }
0x167: {  	v14 =	vadd.f32 v42, v14;
	v20 =	vmul.f32 v43, v11;
	(xrf2) =	vadd.scan.msk.f32 $0xffff, v18;
	v18 =	vsel vm13, v24, v23;
	v19, _, _ =	vpop (xrf2)  }
0x168: {  	v15 =	vadd.f32 v29, v15;
	v24 =	vmul.f32 v35, v12;
	v23 =	vld.idx.msk [tilespmem:v2+s14+$0xD0 ss:$0x1], $0xffff;
	v18 =	vsel vm14, v18, v19  }
0x169: {  	v30 =	vadd.f32 v27, v14;
	v19 =	vmul.f32 v48, v9;
	v29 =	vld.idx.msk [tilespmem:v2+s14+$0x80 ss:$0x1], $0xffff;
	[tilespmem:v5+s0+$0x20 ss:$0x1] =	vst.idx.msk $0xffff, v18  }
0x16a: {  	v18 =	vadd.f32 v24, v20;
	v20 =	vmul.f32 v41, v10;
	(xrf2) =	vadd.scan.msk.f32 $0xffff, v15;
	v24 =	vld.idx.msk [tilespmem:v2+s11+$0xC40 ss:$0x1], $0xffff  }
0x16b: {  	v34 =	vmul.f32 v31, v11;
	v27 =	vmul.f32 v32, v12;
	v19 =	vadd.f32 v19, v30;
	v14, _, _ =	vpop (xrf2);
	v30 =	vld.idx.msk [tilespmem:v2+s11+$0xC50 ss:$0x1], $0xffff  }
0x16c: {  	v18 =	vadd.f32 v20, v18;
	v20 =	vmul.f32 v39, v9;
	v31 =	vld.idx.msk [tilespmem:v2+s11+$0xC60 ss:$0x1], $0xffff  }
0x16d: {  	v26 =	vmul.f32 v26, v10;
	v27 =	vadd.f32 v27, v34;
	(xrf2) =	vadd.scan.msk.f32 $0xffff, v19;
	v32 =	vld.idx.msk [tilespmem:v2+s11+$0xC00 ss:$0x1], $0xffff  }
0x16e: {  	v19 =	vmul.f32 v25, v11;
	v23 =	vmul.f32 v23, v12;
	v35 =	vadd.f32 v20, v18;
	v15, _, _ =	vpop (xrf2);
	v20 =	vld.idx.msk [tilespmem:v2+s11+$0xC10 ss:$0x1], $0xffff  }
0x16f: {  	v25 =	vadd.f32 v26, v27;
	v26 =	vmul.f32 v40, v9;
	v27 =	vld.idx.msk [tilespmem:v2+s11+$0xC70 ss:$0x1], $0xffff  }
0x170: {  	v19 =	vadd.f32 v23, v19;
	v23 =	vmul.f32 v33, v10;
	(xrf2) =	vadd.scan.msk.f32 $0xffff, v35;
	v33 =	vld.idx.msk [tilespmem:v2+s11+$0xC20 ss:$0x1], $0xffff  }
0x171: {  	v25 =	vadd.f32 v26, v25;
	v24 =	vmul.f32 v24, v3;
	v26 =	vmul.f32 v30, v4;
	v34 =	vld.idx.msk [tilespmem:v2+s14+$0x90 ss:$0x1], $0xffff;
	v18, _, _ =	vpop (xrf2)  }
0x172: {  	v36 =	vadd.f32 v23, v19;
	v23 =	vmul.f32 v37, v9;
	v30 =	vld.idx.msk [tilespmem:v2+s11+$0xC30 ss:$0x1], $0xffff;
	s11 =	smov.u32 s14  }
0x173: {  	v24 =	vadd.f32 v26, v24;
	v35 =	vld.idx.msk [tilespmem:v2+s11+$0x0 ss:$0x1], $0xffff;
	(xrf2) =	vadd.scan.msk.f32 $0xffff, v25;
	v25 =	vmul.f32 v31, v1  }
0x174: {  	v23 =	vadd.f32 v23, v36;
	v31 =	vmul.f32 v32, v3;
	v20 =	vmul.f32 v20, v4;
	v26 =	vld.idx.msk [tilespmem:v2+s11+$0x10 ss:$0x1], $0xffff;
	v19, _, _ =	vpop (xrf2)  }
0x175: {  	v3 =	vmovc v11;
	v4 =	vmov v12;
	v32 =	vld.idx.msk [tilespmem:v2+s11+$0x20 ss:$0x1], $0xffff;
	v24 =	vadd.f32 v25, v24;
	v25 =	vmul.f32 v27, v0  }
0x176: {  	v12 =	vadd.f32 v20, v31;
	v20 =	vmul.f32 v33, v1;
	v1 =	vmovc v10;
	v11 =	vld.idx.msk [tilespmem:v2+s11+$0x40 ss:$0x1], $0xffff;
	(xrf2) =	vadd.scan.msk.f32 $0xffff, v23  }
0x177: {  	v27 =	vmul.f32 v29, v3;
	v29 =	vmul.f32 v34, v4;
	v23 =	vld.idx.msk [tilespmem:v2+s11+$0x50 ss:$0x1], $0xffff;
	v10, _, _ =	vpop (xrf2);
	v24 =	vadd.f32 v25, v24  }
0x178: {  	v12 =	vadd.f32 v20, v12;
	v20 =	vmul.f32 v30, v0;
	v0 =	vmov v9;
	v25 =	vld.idx.msk [tilespmem:v2+s11+$0x100 ss:$0x1], $0xffff  }
0x179: {  	v28 =	vmul.f32 v28, v1;
	v27 =	vadd.f32 v29, v27;
	v9 =	vld.idx.msk [tilespmem:v2+s11+$0x60 ss:$0x1], $0xffff;
	(xrf2) =	vadd.scan.msk.f32 $0xffff, v24  }
0x17a: {  	v24 =	vmul.f32 v35, v3;
	v26 =	vmul.f32 v26, v4;
	v12 =	vadd.f32 v20, v12;
	v29 =	vld.idx.msk [tilespmem:v2+s11+$0x110 ss:$0x1], $0xffff;
	v30, _, _ =	vpop (xrf2)  }
0x17b: {  	v22 =	vmul.f32 v22, v0;
	v31 =	vadd.f32 v28, v27;
	v20 =	vld.idx.msk [tilespmem:v2+s11+$0x70 ss:$0x1], $0xffff  }
0x17c: {  	v24 =	vadd.f32 v26, v24;
	v26 =	vmul.f32 v32, v1;
	v28 =	vld.idx.msk [tilespmem:v2+s11+$0x120 ss:$0x1], $0xffff;
	(xrf2) =	vadd.scan.msk.f32 $0xffff, v12  }
0x17d: {  	v11 =	vmul.f32 v11, v3;
	v12 =	vmul.f32 v23, v4;
	v22 =	vadd.f32 v22, v31;
	v23 =	vld.idx.msk [tilespmem:v2+s11+$0x1D0 ss:$0x1], $0xffff;
	v27, _, _ =	vpop (xrf2)  }
0x17e: {  	v21 =	vmul.f32 v21, v0;
	v24 =	vadd.f32 v26, v24;
	v26 =	vld.idx.msk [tilespmem:v2+s11+$0x130 ss:$0x1], $0xffff  }
0x17f: {  	v11 =	vadd.f32 v12, v11;
	v9 =	vmul.f32 v9, v1;
	v12 =	vld.idx.msk [tilespmem:v2+s11+$0x1E0 ss:$0x1], $0xffff;
	(xrf2) =	vadd.scan.msk.f32 $0xffff, v22  }
0x180: {  	v21 =	vadd.f32 v21, v24;
	v22 =	vmul.f32 v25, v3;
	v24 =	vmul.f32 v29, v4;
	v25 =	vld.idx.msk [tilespmem:v2+s11+$0x290 ss:$0x1], $0xffff;
	v29, _, _ =	vpop (xrf2)  }
0x181: {  	v9 =	vadd.f32 v9, v11;
	v11 =	vmul.f32 v20, v0;
	v20 =	vld.idx.msk [tilespmem:v2+s11+$0x1F0 ss:$0x1], $0xffff  }
0x182: {  	v22 =	vadd.f32 v24, v22;
	v24 =	vmul.f32 v28, v1;
	v28 =	vld.idx.msk [tilespmem:v2+s11+$0x2A0 ss:$0x1], $0xffff;
	(xrf2) =	vadd.scan.msk.f32 $0xffff, v21  }
0x183: {  	v9 =	vadd.f32 v11, v9;
	v11 =	vmul.f32 v17, v3;
	v17 =	vmul.f32 v23, v4;
	v21 =	vld.idx.msk [tilespmem:v2+s11+$0x350 ss:$0x1], $0xffff;
	v23, _, _ =	vpop (xrf2)  }
0x184: {  	v22 =	vadd.f32 v24, v22;
	v31 =	vmul.f32 v26, v0;
	v26 =	vld.idx.msk [tilespmem:v2+s11+$0x2B0 ss:$0x1], $0xffff  }
0x185: {  	v16 =	vmul.f32 v16, v3;
	v11 =	vadd.f32 v17, v11;
	v12 =	vmul.f32 v12, v1;
	(xrf2) =	vadd.scan.msk.f32 $0xffff, v9  }
0x186: {  	v13 =	vmul.f32 v13, v3;
	v9 =	vadd.f32 v31, v22;
	v17 =	vmul.f32 v25, v4;
	v22 =	vld.idx.msk [tilespmem:v2+s11+$0x3C0 ss:$0x1], $0xffff;
	v24, _, _ =	vpop (xrf2)  }
0x187: {  	v11 =	vadd.f32 v12, v11;
	v12 =	vmul.f32 v20, v0;
	v20 =	vld.idx.msk [tilespmem:v2+s11+$0x3D0 ss:$0x1], $0xffff;
	v24 =	vbroadcast v24, $0xF  }
0x188: {  	v13 =	vadd.f32 v17, v13;
	v17 =	vmul.f32 v28, v1;
	(xrf2) =	vadd.scan.msk.f32 $0xffff, v9;
	v9 =	vbroadcast v23, $0xF  }
0x189: {  	v28 =	vadd.f32 v12, v11;
	v12 =	vmul.f32 v21, v4;
	v21 =	vld.idx.msk [tilespmem:v2+s11+$0x3E0 ss:$0x1], $0xffff;
	v23, _, _ =	vpop (xrf2);
	v24 =	vnsel vm0, $0x0, v24  }
0x18a: {  	v13 =	vadd.f32 v17, v13;
	v17 =	vmul.f32 v26, v0;
	v25 =	vld.idx.msk [tilespmem:v2+s11+$0x3F0 ss:$0x1], $0xffff;
	v9 =	vsel vm15, v24, v9  }
0x18b: {  	v8 =	vmul.f32 v8, v1;
	v12 =	vadd.f32 v12, v16;
	(xrf2) =	vadd.scan.msk.f32 $0xffff, v28;
	[tilespmem:v5+s0+$0x30 ss:$0x1] =	vst.idx.msk $0xffff, v9;
	s0 =	smov.u32 s13  }
0x18c: {  	v7 =	vmul.f32 v7, v0;
	v9 =	vadd.f32 v17, v13;
	v11, _, _ =	vpop (xrf2)  }
0x18d: {  	v16 =	vmul.f32 v22, v3;
	v8 =	vadd.f32 v8, v12;
	v13 =	vmul.f32 v20, v4  }
0x18e: {  	(xrf2) =	vadd.scan.msk.f32 $0xffff, v9  }
0x18f: {  	v7 =	vadd.f32 v7, v8;
	v8 =	vadd.f32 v13, v16;
	v9 =	vmul.f32 v21, v1;
	v12, _, _ =	vpop (xrf2)  }
0x190: {  	v11 =	vbroadcast v11, $0xF;
	v16 =	vbroadcast v12, $0xF  }
0x191: {  	v13 =	vbroadcast v23, $0xF;
	v8 =	vadd.f32 v9, v8;
	v9 =	vmul.f32 v25, v0;
	(xrf2) =	vadd.scan.msk.f32 $0xffff, v7  }
0x192: {  	v7 =	vsel vm0, v11, v16;
	v11 =	vbroadcast v29, $0xF;
	v12, _, _ =	vpop (xrf2)  }
0x193: {  	v8 =	vadd.f32 v9, v8;
	v7 =	vsel vm1, v7, v13;
	v13 =	vbroadcast v12, $0xF  }
0x194: {  	v9 =	vbroadcast v27, $0xF;
	v7 =	vsel vm2, v7, v11  }
0x195: {  	v11 =	vbroadcast v30, $0xF;
	v7 =	vsel vm3, v7, v13;
	v12, _, _ =	vpop (xrf2);
	(xrf2) =	vadd.scan.msk.f32 $0xffff, v8  }
0x196: {  	v7 =	vsel vm4, v7, v9;
	v8 =	vbroadcast v12, $0xF  }
0x197: {  	v9 =	vbroadcast v10, $0xF;
	v7 =	vsel vm5, v7, v11  }
0x198: {  	v7 =	vsel vm6, v7, v8;
	v8 =	vbroadcast v19, $0xF;
	v10, _, _ =	vpop (xrf2)  }
0x199: {  	v7 =	vsel vm7, v7, v9;
	v9 =	vbroadcast v10, $0xF  }
0x19a: {  	v7 =	vsel vm8, v7, v8;
	v8 =	vbroadcast v18, $0xF  }
0x19b: {  	v7 =	vsel vm9, v7, v9;
	v9 =	vbroadcast v15, $0xF;
	v10, _, _ =	vpop (xrf2)  }
0x19c: {  	v7 =	vsel vm10, v7, v8;
	v10 =	vbroadcast v10, $0xF  }
0x19d: {  	v7 =	vsel vm11, v7, v9;
	v9 =	vbroadcast v14, $0xF  }
0x19e: {  	v7 =	vsel vm12, v7, v10  }
0x19f: {  	v7 =	vsel vm13, v7, v9;
	v8, _, _ =	vpop (xrf2)  }
0x1a0: {  	v7 =	vsel vm14, v7, v8  }
0x1a1: {  	[tilespmem:v5+s0+$0x0 ss:$0x1] =	vst.idx.msk $0xffff, v7  }
0x1a2: {  	v10 =	vld.idx.msk [tilespmem:v2+s11+$0x7B0 ss:$0x1], $0xffff  }
0x1a3: {  	v7 =	vld.idx.msk [tilespmem:v2+s11+$0x770 ss:$0x1], $0xffff  }
0x1a4: {  	v11 =	vld.idx.msk [tilespmem:v2+s11+$0x730 ss:$0x1], $0xffff  }
0x1a5: {  	v12 =	vld.idx.msk [tilespmem:v2+s11+$0x7A0 ss:$0x1], $0xffff  }
0x1a6: {  	v13 =	vld.idx.msk [tilespmem:v2+s11+$0x6F0 ss:$0x1], $0xffff  }
0x1a7: {  	v14 =	vld.idx.msk [tilespmem:v2+s11+$0x720 ss:$0x1], $0xffff  }
0x1a8: {  	v15 =	vld.idx.msk [tilespmem:v2+s11+$0x780 ss:$0x1], $0xffff  }
0x1a9: {  	v16 =	vld.idx.msk [tilespmem:v2+s11+$0x790 ss:$0x1], $0xffff  }
0x1aa: {  	v17 =	vld.idx.msk [tilespmem:v2+s11+$0x670 ss:$0x1], $0xffff  }
0x1ab: {  	v18 =	vld.idx.msk [tilespmem:v2+s11+$0x6E0 ss:$0x1], $0xffff  }
0x1ac: {  	v8 =	vld.idx.msk [tilespmem:v2+s11+$0x740 ss:$0x1], $0xffff  }
0x1ad: {  	v19 =	vld.idx.msk [tilespmem:v2+s11+$0x630 ss:$0x1], $0xffff  }
0x1ae: {  	v20 =	vld.idx.msk [tilespmem:v2+s11+$0x700 ss:$0x1], $0xffff  }
0x1af: {  	v21 =	vld.idx.msk [tilespmem:v2+s11+$0x710 ss:$0x1], $0xffff  }
0x1b0: {  	v22 =	vld.idx.msk [tilespmem:v2+s11+$0x660 ss:$0x1], $0xffff  }
0x1b1: {  	v23 =	vld.idx.msk [tilespmem:v2+s11+$0x6C0 ss:$0x1], $0xffff  }
0x1b2: {  	v24 =	vld.idx.msk [tilespmem:v2+s11+$0x6D0 ss:$0x1], $0xffff  }
0x1b3: {  	v25 =	vld.idx.msk [tilespmem:v2+s11+$0x5B0 ss:$0x1], $0xffff  }
0x1b4: {  	v26 =	vld.idx.msk [tilespmem:v2+s11+$0x620 ss:$0x1], $0xffff  }
0x1b5: {  	v9 =	vld.idx.msk [tilespmem:v2+s11+$0x680 ss:$0x1], $0xffff  }
0x1b6: {  	v27 =	vld.idx.msk [tilespmem:v2+s11+$0x570 ss:$0x1], $0xffff  }
0x1b7: {  	v15 =	vmul.f32 v15, v3;
	v16 =	vmul.f32 v16, v4;
	v28 =	vld.idx.msk [tilespmem:v2+s11+$0x640 ss:$0x1], $0xffff  }
0x1b8: {  	v29 =	vld.idx.msk [tilespmem:v2+s11+$0x650 ss:$0x1], $0xffff  }
0x1b9: {  	v12 =	vmul.f32 v12, v1;
	v15 =	vadd.f32 v16, v15;
	v30 =	vld.idx.msk [tilespmem:v2+s11+$0x5A0 ss:$0x1], $0xffff  }
0x1ba: {  	v20 =	vmul.f32 v20, v3;
	v21 =	vmul.f32 v21, v4;
	v16 =	vld.idx.msk [tilespmem:v2+s11+$0x600 ss:$0x1], $0xffff  }
0x1bb: {  	v10 =	vmul.f32 v10, v0;
	v12 =	vadd.f32 v12, v15;
	v31 =	vld.idx.msk [tilespmem:v2+s11+$0x610 ss:$0x1], $0xffff  }
0x1bc: {  	v14 =	vmul.f32 v14, v1;
	v15 =	vadd.f32 v21, v20;
	v32 =	vld.idx.msk [tilespmem:v2+s11+$0x4F0 ss:$0x1], $0xffff  }
0x1bd: {  	v12 =	vadd.f32 v10, v12;
	v21 =	vmul.f32 v23, v3;
	v23 =	vmul.f32 v24, v4;
	v20 =	vld.idx.msk [tilespmem:v2+s11+$0x560 ss:$0x1], $0xffff  }
0x1be: {  	v11 =	vmul.f32 v11, v0;
	v14 =	vadd.f32 v14, v15;
	v10 =	vld.idx.msk [tilespmem:v2+s11+$0x5C0 ss:$0x1], $0xffff  }
0x1bf: {  	v18 =	vmul.f32 v18, v1;
	v21 =	vadd.f32 v23, v21;
	v15 =	vld.idx.msk [tilespmem:v2+s11+$0x580 ss:$0x1], $0xffff;
	(xrf2) =	vadd.scan.msk.f32 $0xffff, v12  }
0x1c0: {  	v14 =	vadd.f32 v11, v14;
	v24 =	vmul.f32 v29, v4;
	v12 =	vmul.f32 v28, v3;
	v23 =	vld.idx.msk [tilespmem:v2+s11+$0x590 ss:$0x1], $0xffff  }
0x1c1: {  	v13 =	vmul.f32 v13, v0;
	v18 =	vadd.f32 v18, v21;
	v11 =	vld.idx.msk [tilespmem:v2+s11+$0x4B0 ss:$0x1], $0xffff  }
0x1c2: {  	v22 =	vmul.f32 v22, v1;
	v24 =	vadd.f32 v24, v12;
	v21 =	vld.idx.msk [tilespmem:v2+s11+$0x540 ss:$0x1], $0xffff;
	(xrf2) =	vadd.scan.msk.f32 $0xffff, v14  }
0x1c3: {  	v13 =	vadd.f32 v13, v18;
	v16 =	vmul.f32 v16, v3;
	v28 =	vmul.f32 v31, v4;
	v14 =	vld.idx.msk [tilespmem:v2+s11+$0x550 ss:$0x1], $0xffff  }
0x1c4: {  	v17 =	vmul.f32 v17, v0;
	v18 =	vadd.f32 v22, v24;
	v12 =	vld.idx.msk [tilespmem:v2+s11+$0x430 ss:$0x1], $0xffff  }
0x1c5: {  	v16 =	vadd.f32 v28, v16;
	v24 =	vmul.f32 v26, v1;
	v22 =	vld.idx.msk [tilespmem:v2+s11+$0x4C0 ss:$0x1], $0xffff;
	(xrf2) =	vadd.scan.msk.f32 $0xffff, v13  }
0x1c6: {  	v29 =	vmul.f32 v15, v3;
	v15 =	vmul.f32 v23, v4;
	v17 =	vadd.f32 v17, v18;
	v26 =	vld.idx.msk [tilespmem:v2+s11+$0x4D0 ss:$0x1], $0xffff  }
0x1c7: {  	v19 =	vmul.f32 v19, v0;
	v16 =	vadd.f32 v24, v16;
	v18 =	vld.idx.msk [tilespmem:v2+s11+$0x4E0 ss:$0x1], $0xffff  }
0x1c8: {  	v24 =	vmul.f32 v30, v1;
	v15 =	vadd.f32 v15, v29;
	v23 =	vld.idx.msk [tilespmem:v2+s11+$0x480 ss:$0x1], $0xffff;
	(xrf2) =	vadd.scan.msk.f32 $0xffff, v17  }
0x1c9: {  	v16 =	vadd.f32 v19, v16;
	v17 =	vmul.f32 v21, v3;
	v31 =	vmul.f32 v14, v4;
	v28 =	vld.idx.msk [tilespmem:v2+s11+$0x490 ss:$0x1], $0xffff;
	v13, _, _ =	vpop (xrf2)  }
0x1ca: {  	v19 =	vmul.f32 v25, v0;
	v15 =	vadd.f32 v24, v15;
	v29 =	vld.idx.msk [tilespmem:v2+s11+$0x4A0 ss:$0x1], $0xffff  }
0x1cb: {  	v20 =	vmul.f32 v20, v1;
	v21 =	vadd.f32 v31, v17;
	v30 =	vld.idx.msk [tilespmem:v2+s11+$0x400 ss:$0x1], $0xffff;
	(xrf2) =	vadd.scan.msk.f32 $0xffff, v16  }
0x1cc: {  	v22 =	vmul.f32 v22, v3;
	v24 =	vmul.f32 v26, v4;
	v31 =	vadd.f32 v19, v15;
	v16 =	vld.idx.msk [tilespmem:v2+s11+$0x410 ss:$0x1], $0xffff;
	v14, _, _ =	vpop (xrf2)  }
0x1cd: {  	v25 =	vmul.f32 v27, v0;
	v21 =	vadd.f32 v20, v21;
	v17 =	vld.idx.msk [tilespmem:v2+s11+$0x420 ss:$0x1], $0xffff  }
.Ltmp0:
0x1ce: {  	v18 =	vmul.f32 v18, v1;
	v22 =	vadd.f32 v24, v22;
	v19 =	vld.idx.msk [tilespmem:v2+s11+$0x440 ss:$0x1], $0xffff;
	(xrf2) =	vadd.scan.msk.f32 $0xffff, v31;
	(pc) =	sbr.rel @!p0 .LBB2_4-.Ltmp0, $4  }
0x1cf: {  	v23 =	vmul.f32 v23, v3;
	v24 =	vmul.f32 v28, v4;
	v26 =	vadd.f32 v25, v21;
	v20 =	vld.idx.msk [tilespmem:v2+s11+$0x450 ss:$0x1], $0xffff;
	v15, _, _ =	vpop (xrf2)  }
0x1d0: {  	v28 =	vmul.f32 v32, v0;
	v22 =	vadd.f32 v18, v22;
	v18 =	vld.idx.msk [tilespmem:v2+s11+$0x500 ss:$0x1], $0xffff  }
0x1d1: {  	v25 =	vmul.f32 v29, v1;
	v24 =	vadd.f32 v24, v23;
	v21 =	vld.idx.msk [tilespmem:v2+s11+$0x460 ss:$0x1], $0xffff;
	(xrf2) =	vadd.scan.msk.f32 $0xffff, v26  }
0x1d2: {  	s12 =	sadd.s32 $0x1, s12;
	v26 =	vmul.f32 v30, v3;
	v27 =	vmul.f32 v16, v4;
	v23 =	vadd.f32 v28, v22;
	v22 =	vld.idx.msk [tilespmem:v2+s11+$0x510 ss:$0x1], $0xffff;
	v16, _, _ =	vpop (xrf2)  }
0x1d3: {  	_ =	sdelay $0x3  }
0x1d4: {  	v6 =	vld.idx.msk [tilespmem:v2+s11+$0x470 ss:$0x1], $0xffff  }
0x1d5: {  	v32 =	vld.idx.msk [tilespmem:v2+s11+$0x520 ss:$0x1], $0xffff  }
0x1d6: {  	v33 =	vld.idx.msk [tilespmem:v2+s11+$0x5D0 ss:$0x1], $0xffff  }
0x1d7: {  	v24 =	vadd.f32 v25, v24;
	v19 =	vmul.f32 v19, v3;
	v34 =	vld.idx.msk [tilespmem:v2+s11+$0x530 ss:$0x1], $0xffff;
	v20 =	vmul.f32 v20, v4  }
0x1d8: {  	v11 =	vmul.f32 v11, v0;
	v17 =	vmul.f32 v17, v1;
	v36 =	vld.idx.msk [tilespmem:v2+s11+$0x5E0 ss:$0x1], $0xffff;
	v31 =	vadd.f32 v27, v26  }
0x1d9: {  	v12 =	vmul.f32 v12, v0;
	v37 =	vld.idx.msk [tilespmem:v2+s11+$0x690 ss:$0x1], $0xffff;
	v19 =	vadd.f32 v20, v19;
	v35 =	vmul.f32 v21, v1  }
0x1da: {  	v38 =	vld.idx.msk [tilespmem:v2+s11+$0x5F0 ss:$0x1], $0xffff;
	v18 =	vmul.f32 v18, v3;
	v17 =	vadd.f32 v17, v31;
	v22 =	vmul.f32 v22, v4  }
0x1db: {  	v40 =	vld.idx.msk [tilespmem:v2+s11+$0x6A0 ss:$0x1], $0xffff;
	v11 =	vadd.f32 v11, v24;
	v19 =	vadd.f32 v35, v19;
	v6 =	vmul.f32 v6, v0  }
0x1dc: {  	(xrf2) =	vadd.scan.msk.f32 $0xffff, v23;
	v12 =	vadd.f32 v12, v17;
	v39 =	vmul.f32 v32, v1;
	v18 =	vadd.f32 v22, v18  }
0x1dd: {  	v10 =	vmul.f32 v10, v3;
	(xrf2) =	vadd.scan.msk.f32 $0xffff, v11;
	v41 =	vmul.f32 v33, v4;
	v6 =	vadd.f32 v6, v19  }
0x1de: {  	v42 =	vld.idx.msk [tilespmem:v2+s11+$0x750 ss:$0x1], $0xffff;
	v43 =	vmul.f32 v34, v0;
	(xrf2) =	vadd.scan.msk.f32 $0xffff, v12;
	v18 =	vadd.f32 v39, v18  }
0x1df: {  	v44 =	vld.idx.msk [tilespmem:v2+s11+$0x6B0 ss:$0x1], $0xffff;
	v45 =	vmul.f32 v36, v1;
	v10 =	vadd.f32 v41, v10;
	(xrf2) =	vadd.scan.msk.f32 $0xffff, v6  }
0x1e0: {  	v46 =	vld.idx.msk [tilespmem:v2+s11+$0x760 ss:$0x1], $0xffff;
	v9 =	vmul.f32 v9, v3;
	v11 =	vmul.f32 v37, v4;
	v18 =	vadd.f32 v43, v18  }
0x1e1: {  	v47 =	vld.idx.msk [tilespmem:v2+s11+$0x7C0 ss:$0x1], $0xffff;
	v17 =	vmul.f32 v38, v0;
	v10 =	vadd.f32 v45, v10  }
0x1e2: {  	v48 =	vld.idx.msk [tilespmem:v2+s11+$0x7D0 ss:$0x1], $0xffff;
	v49 =	vmul.f32 v40, v1;
	v9 =	vadd.f32 v11, v9;
	(xrf2) =	vadd.scan.msk.f32 $0xffff, v18  }
0x1e3: {  	v8 =	vmul.f32 v8, v3;
	v50, _, _ =	vpop (xrf2);
	v12 =	vmul.f32 v42, v4;
	v10 =	vadd.f32 v17, v10  }
0x1e4: {  	v52 =	vld.idx.msk [tilespmem:v2+s11+$0x7E0 ss:$0x1], $0xffff;
	v51, _, _ =	vpop (xrf2);
	v53 =	vmul.f32 v44, v0;
	v9 =	vadd.f32 v49, v9  }
0x1e5: {  	v54, _, _ =	vpop (xrf2);
	v8 =	vadd.f32 v12, v8;
	v6 =	vmul.f32 v46, v1;
	(xrf2) =	vadd.scan.msk.f32 $0xffff, v10  }
0x1e6: {  	v56 =	vld.idx.msk [tilespmem:v2+s11+$0x7F0 ss:$0x1], $0xffff;
	v7 =	vmul.f32 v7, v0;
	v55, _, _ =	vpop (xrf2);
	v9 =	vadd.f32 v53, v9  }
0x1e7: {  	v58 =	vmul.f32 v47, v3;
	v19 =	vmul.f32 v48, v4;
	v6 =	vadd.f32 v6, v8;
	v57, _, _ =	vpop (xrf2)  }
0x1e8: {  	v59, _, _ =	vpop (xrf2);
	(xrf2) =	vadd.scan.msk.f32 $0xffff, v9  }
0x1e9: {  	v61 =	vmul.f32 v52, v1;
	v60 =	vadd.f32 v19, v58;
	v6 =	vadd.f32 v7, v6;
	v62, _, _ =	vpop (xrf2)  }
0x1ea: {  	v63 =	vbroadcast v59, $0xF;
	v9 =	vbroadcast v62, $0xF  }
0x1eb: {  	v21 =	vmul.f32 v56, v0;
	v7 =	vadd.f32 v61, v60;
	v11 =	vbroadcast v57, $0xF;
	(xrf2) =	vadd.scan.msk.f32 $0xffff, v6  }
0x1ec: {  	v24 =	vbroadcast v55, $0xF;
	v23 =	vsel vm0, v63, v9;
	v25, _, _ =	vpop (xrf2)  }
0x1ed: {  	v7 =	vadd.f32 v21, v7;
	v6 =	vsel vm1, v23, v11;
	v10 =	vbroadcast v25, $0xF  }
0x1ee: {  	v26 =	vbroadcast v54, $0xF;
	v6 =	vsel vm2, v6, v24  }
0x1ef: {  	v27 =	vbroadcast v51, $0xF;
	(xrf2) =	vadd.scan.msk.f32 $0xffff, v7;
	v28, _, _ =	vpop (xrf2);
	v6 =	vsel vm3, v6, v10  }
0x1f0: {  	v29 =	vbroadcast v28, $0xF;
	v6 =	vsel vm4, v6, v26  }
0x1f1: {  	v30 =	vbroadcast v50, $0xF;
	v6 =	vsel vm5, v6, v27  }
0x1f2: {  	v31 =	vbroadcast v16, $0xF;
	v32, _, _ =	vpop (xrf2);
	v6 =	vsel vm6, v6, v29  }
0x1f3: {  	v33 =	vbroadcast v32, $0xF;
	v6 =	vsel vm7, v6, v30  }
0x1f4: {  	v34 =	vbroadcast v15, $0xF;
	v6 =	vsel vm8, v6, v31  }
0x1f5: {  	v35 =	vbroadcast v14, $0xF;
	v36, _, _ =	vpop (xrf2);
	v6 =	vsel vm9, v6, v33  }
0x1f6: {  	v37 =	vbroadcast v36, $0xF;
	v6 =	vsel vm10, v6, v34  }
0x1f7: {  	v38 =	vbroadcast v13, $0xF;
	v6 =	vsel vm11, v6, v35  }
0x1f8: {  	v6 =	vsel vm12, v6, v37  }
0x1f9: {  	v39, _, _ =	vpop (xrf2);
	v6 =	vsel vm13, v6, v38  }
0x1fa: {  	v6 =	vsel vm14, v6, v39  }
0x1fb: {  	[tilespmem:v5+s0+$0x10 ss:$0x1] =	vst.idx.msk $0xffff, v6  }
0x1fc: {  	v40 =	vld.idx.msk [tilespmem:v2+s11+$0xBB0 ss:$0x1], $0xffff  }
0x1fd: {  	v6 =	vld.idx.msk [tilespmem:v2+s11+$0xB70 ss:$0x1], $0xffff  }
0x1fe: {  	v41 =	vld.idx.msk [tilespmem:v2+s11+$0xB30 ss:$0x1], $0xffff  }
0x1ff: {  	v42 =	vld.idx.msk [tilespmem:v2+s11+$0xBA0 ss:$0x1], $0xffff  }
0x200: {  	v43 =	vld.idx.msk [tilespmem:v2+s11+$0xAF0 ss:$0x1], $0xffff  }
0x201: {  	v44 =	vld.idx.msk [tilespmem:v2+s11+$0xB20 ss:$0x1], $0xffff  }
0x202: {  	v45 =	vld.idx.msk [tilespmem:v2+s11+$0xB80 ss:$0x1], $0xffff  }
0x203: {  	v46 =	vld.idx.msk [tilespmem:v2+s11+$0xB90 ss:$0x1], $0xffff  }
0x204: {  	v47 =	vld.idx.msk [tilespmem:v2+s11+$0xA70 ss:$0x1], $0xffff  }
0x205: {  	v48 =	vld.idx.msk [tilespmem:v2+s11+$0xAE0 ss:$0x1], $0xffff  }
0x206: {  	v7 =	vld.idx.msk [tilespmem:v2+s11+$0xB40 ss:$0x1], $0xffff  }
0x207: {  	v18 =	vld.idx.msk [tilespmem:v2+s11+$0xA30 ss:$0x1], $0xffff  }
0x208: {  	v49 =	vld.idx.msk [tilespmem:v2+s11+$0xB00 ss:$0x1], $0xffff  }
0x209: {  	v50 =	vld.idx.msk [tilespmem:v2+s11+$0xB10 ss:$0x1], $0xffff  }
0x20a: {  	v51 =	vld.idx.msk [tilespmem:v2+s11+$0xA60 ss:$0x1], $0xffff  }
0x20b: {  	v52 =	vld.idx.msk [tilespmem:v2+s11+$0xAC0 ss:$0x1], $0xffff  }
0x20c: {  	v53 =	vld.idx.msk [tilespmem:v2+s11+$0xAD0 ss:$0x1], $0xffff  }
0x20d: {  	v54 =	vld.idx.msk [tilespmem:v2+s11+$0x9B0 ss:$0x1], $0xffff  }
0x20e: {  	v55 =	vld.idx.msk [tilespmem:v2+s11+$0xA20 ss:$0x1], $0xffff  }
0x20f: {  	v8 =	vld.idx.msk [tilespmem:v2+s11+$0xA80 ss:$0x1], $0xffff  }
0x210: {  	v26 =	vld.idx.msk [tilespmem:v2+s11+$0x970 ss:$0x1], $0xffff  }
0x211: {  	v56 =	vld.idx.msk [tilespmem:v2+s11+$0xA40 ss:$0x1], $0xffff  }
0x212: {  	v28 =	vld.idx.msk [tilespmem:v2+s11+$0xA50 ss:$0x1], $0xffff  }
0x213: {  	v29 =	vld.idx.msk [tilespmem:v2+s11+$0x9A0 ss:$0x1], $0xffff  }
0x214: {  	v30 =	vld.idx.msk [tilespmem:v2+s11+$0xA00 ss:$0x1], $0xffff  }
0x215: {  	v31 =	vld.idx.msk [tilespmem:v2+s11+$0xA10 ss:$0x1], $0xffff  }
0x216: {  	v32 =	vld.idx.msk [tilespmem:v2+s11+$0x8F0 ss:$0x1], $0xffff  }
0x217: {  	v57 =	vld.idx.msk [tilespmem:v2+s11+$0x960 ss:$0x1], $0xffff  }
0x218: {  	v60 =	vld.idx.msk [tilespmem:v2+s11+$0x980 ss:$0x1], $0xffff  }
0x219: {  	v61 =	vld.idx.msk [tilespmem:v2+s11+$0x990 ss:$0x1], $0xffff  }
0x21a: {  	v17 =	vld.idx.msk [tilespmem:v2+s11+$0x8B0 ss:$0x1], $0xffff  }
0x21b: {  	v35 =	vld.idx.msk [tilespmem:v2+s11+$0x940 ss:$0x1], $0xffff  }
0x21c: {  	v38 =	vld.idx.msk [tilespmem:v2+s11+$0x950 ss:$0x1], $0xffff  }
0x21d: {  	v14 =	vmul.f32 v45, v3;
	v9 =	vmul.f32 v40, v0;
	v40 =	vld.idx.msk [tilespmem:v2+s11+$0x830 ss:$0x1], $0xffff  }
0x21e: {  	v15 =	vmul.f32 v46, v4;
	v37 =	vmul.f32 v43, v0;
	v43 =	vld.idx.msk [tilespmem:v2+s11+$0x8C0 ss:$0x1], $0xffff  }
0x21f: {  	v19 =	vmul.f32 v49, v3;
	v13 =	vmul.f32 v44, v1;
	v44 =	vld.idx.msk [tilespmem:v2+s11+$0x8D0 ss:$0x1], $0xffff  }
0x220: {  	v20 =	vmul.f32 v50, v4;
	v11 =	vmul.f32 v42, v1;
	v45 =	vld.idx.msk [tilespmem:v2+s11+$0x8E0 ss:$0x1], $0xffff  }
0x221: {  	v58 =	vmul.f32 v52, v3;
	v59 =	vmul.f32 v53, v4;
	v46 =	vld.idx.msk [tilespmem:v2+s11+$0x880 ss:$0x1], $0xffff  }
0x222: {  	v10 =	vmul.f32 v41, v0;
	v63 =	vmul.f32 v48, v1;
	v48 =	vld.idx.msk [tilespmem:v2+s11+$0x890 ss:$0x1], $0xffff  }
0x223: {  	v33 =	vmul.f32 v56, v3;
	v34 =	vmul.f32 v28, v4;
	v49 =	vld.idx.msk [tilespmem:v2+s11+$0x8A0 ss:$0x1], $0xffff  }
0x224: {  	v21 =	vmul.f32 v51, v1;
	v41 =	vmul.f32 v30, v3;
	v51 =	vld.idx.msk [tilespmem:v2+s11+$0x800 ss:$0x1], $0xffff  }
0x225: {  	v42 =	vmul.f32 v31, v4;
	v50 =	vmul.f32 v54, v0;
	v54 =	vld.idx.msk [tilespmem:v2+s11+$0x810 ss:$0x1], $0xffff  }
0x226: {  	v23 =	vmul.f32 v60, v3;
	v16 =	vmul.f32 v47, v0;
	v56 =	vld.idx.msk [tilespmem:v2+s11+$0x820 ss:$0x1], $0xffff  }
0x227: {  	v25 =	vmul.f32 v55, v1;
	v47 =	vmul.f32 v29, v1;
	v60 =	vld.idx.msk [tilespmem:v2+s11+$0x850 ss:$0x1], $0xffff  }
0x228: {  	v12 =	vmul.f32 v38, v4;
	v18 =	vmul.f32 v18, v0;
	v28 =	vld.idx.msk [tilespmem:v2+s11+$0x910 ss:$0x1], $0xffff  }
0x229: {  	v52 =	vmul.f32 v57, v1;
	v29 =	vld.idx.msk [tilespmem:v2+s11+$0x870 ss:$0x1], $0xffff;
	v14 =	vadd.f32 v15, v14;
	v19 =	vadd.f32 v20, v19  }
0x22a: {  	v57 =	vmul.f32 v26, v0;
	v31 =	vld.idx.msk [tilespmem:v2+s11+$0x920 ss:$0x1], $0xffff;
	v62 =	vadd.f32 v59, v58;
	v39 =	vadd.f32 v34, v33  }
0x22b: {  	v30 =	vmul.f32 v17, v0;
	v38 =	vld.idx.msk [tilespmem:v2+s11+$0xA90 ss:$0x1], $0xffff;
	v22 =	vadd.f32 v42, v41;
	v11 =	vadd.f32 v11, v14  }
0x22c: {  	v20 =	vld.idx.msk [tilespmem:v2+s11+$0x9C0 ss:$0x1], $0xffff;
	v13 =	vadd.f32 v13, v19;
	v36 =	vadd.f32 v63, v62;
	v19 =	vmul.f32 v61, v4  }
0x22d: {  	v58 =	vld.idx.msk [tilespmem:v2+s11+$0x840 ss:$0x1], $0xffff;
	v14 =	vadd.f32 v21, v39;
	v62 =	vmul.f32 v32, v0;
	v21 =	vmul.f32 v44, v4  }
0x22e: {  	v33 =	vld.idx.msk [tilespmem:v2+s11+$0x9D0 ss:$0x1], $0xffff;
	v22 =	vadd.f32 v25, v22;
	v59 =	vmul.f32 v45, v1;
	v26 =	vmul.f32 v49, v1  }
0x22f: {  	v61 =	vld.idx.msk [tilespmem:v2+s11+$0x900 ss:$0x1], $0xffff;
	v9 =	vadd.f32 v9, v11;
	v10 =	vadd.f32 v10, v13;
	v13 =	vmul.f32 v35, v3  }
0x230: {  	v63 =	vld.idx.msk [tilespmem:v2+s11+$0x860 ss:$0x1], $0xffff;
	v27 =	vmul.f32 v51, v3;
	v19 =	vadd.f32 v19, v23;
	v14 =	vadd.f32 v16, v14  }
0x231: {  	v15 =	vmul.f32 v60, v4;
	(xrf2) =	vadd.scan.msk.f32 $0xffff, v9;
	v9 =	vadd.f32 v37, v36;
	v12 =	vadd.f32 v12, v13  }
0x232: {  	v17 =	vmul.f32 v31, v1;
	v53 =	vadd.f32 v18, v22;
	v19 =	vadd.f32 v47, v19;
	(xrf2) =	vadd.scan.msk.f32 $0xffff, v10  }
0x233: {  	v11 =	vmul.f32 v43, v3;
	v16 =	vmul.f32 v48, v4;
	(xrf2) =	vadd.scan.msk.f32 $0xffff, v9;
	v12 =	vadd.f32 v52, v12  }
0x234: {  	v18 =	vmul.f32 v54, v4;
	v55 =	vadd.f32 v50, v19;
	v9 =	vmul.f32 v46, v3;
	(xrf2) =	vadd.scan.msk.f32 $0xffff, v14  }
0x235: {  	v32 =	vmul.f32 v58, v3;
	v11 =	vadd.f32 v21, v11;
	(xrf2) =	vadd.scan.msk.f32 $0xffff, v53;
	v12 =	vadd.f32 v57, v12  }
0x236: {  	v37 =	vmul.f32 v28, v4;
	v10 =	vmul.f32 v40, v0;
	v9 =	vadd.f32 v16, v9;
	(xrf2) =	vadd.scan.msk.f32 $0xffff, v55  }
0x237: {  	v11 =	vadd.f32 v59, v11;
	v19 =	vmul.f32 v56, v1;
	(xrf2) =	vadd.scan.msk.f32 $0xffff, v12;
	v12 =	vadd.f32 v18, v27  }
0x238: {  	v34 =	vld.idx.msk [tilespmem:v2+s11+$0x930 ss:$0x1], $0xffff;
	v15 =	vadd.f32 v15, v32;
	v35 =	vmul.f32 v63, v1;
	v9 =	vadd.f32 v26, v9  }
0x239: {  	v36 =	vld.idx.msk [tilespmem:v2+s11+$0x9E0 ss:$0x1], $0xffff;
	v13 =	vmul.f32 v61, v3;
	v11 =	vadd.f32 v62, v11;
	v12 =	vadd.f32 v19, v12  }
0x23a: {  	v39 =	vld.idx.msk [tilespmem:v2+s11+$0x9F0 ss:$0x1], $0xffff;
	v15 =	vadd.f32 v35, v15;
	v14 =	vmul.f32 v29, v0;
	v9 =	vadd.f32 v30, v9  }
0x23b: {  	v41 =	vmul.f32 v20, v3;
	v13 =	vadd.f32 v37, v13;
	(xrf2) =	vadd.scan.msk.f32 $0xffff, v11;
	v10 =	vadd.f32 v10, v12  }
0x23c: {  	v40 =	vld.idx.msk [tilespmem:v2+s11+$0xAA0 ss:$0x1], $0xffff;
	v14 =	vadd.f32 v14, v15;
	v11 =	vmul.f32 v33, v4;
	(xrf2) =	vadd.scan.msk.f32 $0xffff, v9  }
0x23d: {  	v42 =	vld.idx.msk [tilespmem:v2+s11+$0xB50 ss:$0x1], $0xffff;
	v16 =	vmul.f32 v34, v0;
	v13 =	vadd.f32 v17, v13;
	(xrf2) =	vadd.scan.msk.f32 $0xffff, v10  }
0x23e: {  	v43 =	vld.idx.msk [tilespmem:v2+s11+$0xAB0 ss:$0x1], $0xffff;
	v44 =	vmul.f32 v36, v1;
	v11 =	vadd.f32 v11, v41;
	v17, _, _ =	vpop (xrf2);
	(xrf2) =	vadd.scan.msk.f32 $0xffff, v14  }
0x23f: {  	v8 =	vmul.f32 v8, v3;
	v46 =	vld.idx.msk [tilespmem:v2+s11+$0xB60 ss:$0x1], $0xffff;
	v13 =	vadd.f32 v16, v13;
	v9 =	vmul.f32 v38, v4;
	v45, _, _ =	vpop (xrf2)  }
0x240: {  	v48 =	vld.idx.msk [tilespmem:v2+s11+$0xBC0 ss:$0x1], $0xffff;
	v12 =	vmul.f32 v39, v0;
	v11 =	vadd.f32 v44, v11;
	v47, _, _ =	vpop (xrf2)  }
0x241: {  	v50 =	vld.idx.msk [tilespmem:v2+s11+$0xBD0 ss:$0x1], $0xffff;
	v51 =	vmul.f32 v40, v1;
	v8 =	vadd.f32 v9, v8;
	v49, _, _ =	vpop (xrf2);
	(xrf2) =	vadd.scan.msk.f32 $0xffff, v13  }
0x242: {  	v7 =	vmul.f32 v7, v3;
	v10 =	vmul.f32 v42, v4;
	v11 =	vadd.f32 v12, v11;
	v52, _, _ =	vpop (xrf2)  }
0x243: {  	v54 =	vld.idx.msk [tilespmem:v2+s11+$0xBE0 ss:$0x1], $0xffff;
	v55 =	vmul.f32 v43, v0;
	v8 =	vadd.f32 v51, v8;
	v53, _, _ =	vpop (xrf2)  }
0x244: {  	v57 =	vmul.f32 v46, v1;
	v7 =	vadd.f32 v10, v7;
	(xrf2) =	vadd.scan.msk.f32 $0xffff, v11;
	v56, _, _ =	vpop (xrf2)  }
0x245: {  	v6 =	vmul.f32 v6, v0;
	v59 =	vld.idx.msk [tilespmem:v2+s11+$0xBF0 ss:$0x1], $0xffff;
	v8 =	vadd.f32 v55, v8;
	v58, _, _ =	vpop (xrf2)  }
0x246: {  	v61 =	vmul.f32 v48, v3;
	v62 =	vmul.f32 v50, v4;
	v7 =	vadd.f32 v57, v7;
	v60, _, _ =	vpop (xrf2)  }
0x247: {  	(xrf2) =	vadd.scan.msk.f32 $0xffff, v8;
	v63, _, _ =	vpop (xrf2)  }
0x248: {  	v25 =	vmul.f32 v54, v1;
	v24 =	vadd.f32 v62, v61;
	v6 =	vadd.f32 v6, v7;
	v26, _, _ =	vpop (xrf2)  }
0x249: {  	v27 =	vbroadcast v63, $0xF;
	v10 =	vbroadcast v26, $0xF  }
0x24a: {  	v28 =	vmul.f32 v59, v0;
	v7 =	vadd.f32 v25, v24;
	v9 =	vbroadcast v60, $0xF;
	(xrf2) =	vadd.scan.msk.f32 $0xffff, v6  }
0x24b: {  	v30 =	vbroadcast v58, $0xF;
	v31, _, _ =	vpop (xrf2);
	v29 =	vsel vm0, v27, v10  }
0x24c: {  	v7 =	vadd.f32 v28, v7;
	v32 =	vbroadcast v31, $0xF;
	v6 =	vsel vm1, v29, v9  }
0x24d: {  	v33 =	vbroadcast v56, $0xF;
	v6 =	vsel vm2, v6, v30  }
0x24e: {  	v34 =	vbroadcast v53, $0xF;
	(xrf2) =	vadd.scan.msk.f32 $0xffff, v7;
	v35, _, _ =	vpop (xrf2);
	v6 =	vsel vm3, v6, v32  }
0x24f: {  	v36 =	vbroadcast v35, $0xF;
	v6 =	vsel vm4, v6, v33  }
0x250: {  	v37 =	vbroadcast v52, $0xF;
	v6 =	vsel vm5, v6, v34  }
0x251: {  	v38 =	vbroadcast v49, $0xF;
	v39, _, _ =	vpop (xrf2);
	v6 =	vsel vm6, v6, v36  }
0x252: {  	v40 =	vbroadcast v39, $0xF;
	v6 =	vsel vm7, v6, v37  }
0x253: {  	v41 =	vbroadcast v47, $0xF;
	v6 =	vsel vm8, v6, v38  }
0x254: {  	v42 =	vbroadcast v45, $0xF;
	v43, _, _ =	vpop (xrf2);
	v6 =	vsel vm9, v6, v40  }
0x255: {  	v44 =	vbroadcast v43, $0xF;
	v6 =	vsel vm10, v6, v41  }
0x256: {  	v45 =	vbroadcast v17, $0xF;
	v6 =	vsel vm11, v6, v42  }
0x257: {  	v6 =	vsel vm12, v6, v44  }
0x258: {  	v46, _, _ =	vpop (xrf2);
	v6 =	vsel vm13, v6, v45  }
0x259: {  	v6 =	vsel vm14, v6, v46  }
0x25a: {  	[tilespmem:v5+s0+$0x20 ss:$0x1] =	vst.idx.msk $0xffff, v6  }
0x25b: {  	v6 =	vld.idx.msk [tilespmem:v2+s11+$0xC40 ss:$0x1], $0xffff  }
0x25c: {  	v47 =	vld.idx.msk [tilespmem:v2+s11+$0xC50 ss:$0x1], $0xffff  }
0x25d: {  	v48 =	vld.idx.msk [tilespmem:v2+s11+$0xC00 ss:$0x1], $0xffff  }
0x25e: {  	v49 =	vld.idx.msk [tilespmem:v2+s11+$0xC10 ss:$0x1], $0xffff  }
0x25f: {  	v50 =	vld.idx.msk [tilespmem:v2+s11+$0xC60 ss:$0x1], $0xffff  }
0x260: {  	v51 =	vld.idx.msk [tilespmem:v2+s11+$0xC20 ss:$0x1], $0xffff  }
0x261: {  	v52 =	vld.idx.msk [tilespmem:v2+s11+$0xC70 ss:$0x1], $0xffff  }
0x262: {  	v53 =	vld.idx.msk [tilespmem:v2+s11+$0xC30 ss:$0x1], $0xffff;
	v6 =	vmul.f32 v6, v3;
	v7 =	vmul.f32 v47, v4  }
0x263: {  	v54 =	vmul.f32 v48, v3;
	v55 =	vmul.f32 v49, v4  }
0x264: {  	v56 =	vmul.f32 v50, v1;
	v6 =	vadd.f32 v7, v6  }
0x265: {  	v57 =	vmul.f32 v51, v1;
	v3 =	vadd.f32 v55, v54  }
0x266: {  	v59 =	vmul.f32 v52, v0;
	v58 =	vadd.f32 v56, v6  }
0x267: {  	v60 =	vmul.f32 v53, v0;
	v1 =	vadd.f32 v57, v3  }
0x268: {  	v61 =	vadd.f32 v59, v58  }
0x269: {  	v0 =	vadd.f32 v60, v1  }
0x26a: {  	(xrf2) =	vadd.scan.msk.f32 $0xffff, v61  }
0x26b: {  	(xrf2) =	vadd.scan.msk.f32 $0xffff, v0;
	_ =	sdelay $0x8  }
0x26c: {  	v62, _, _ =	vpop (xrf2)  }
0x26d: {  	v63, _, _ =	vpop (xrf2)  }
0x26e: {  	v1 =	vbroadcast v63, $0xF  }
0x26f: {  	v0 =	vbroadcast v62, $0xF  }
0x270: {  	v1 =	vnsel vm0, $0x0, v1  }
0x271: {  	v0 =	vsel vm15, v1, v0  }
0x272: {  	[tilespmem:v5+s0+$0x30 ss:$0x1] =	vst.idx.msk $0xffff, v0  }
0x273: {  	p0 =	seq.s32 s1, $0x40  }
.Ltmp1:
0x274: {  	_ = 	snop;
	(pc) =	sbr.rel @!p0 .LBB2_3-.Ltmp1, $1  }
0x275: {  	_ =	sdelay $0x3  }
0x276: {  	s31 =	sadd.s32 $0x1, s31  }
0x277: {  	p0 =	sne.s32 s31, s7  }
.Ltmp2:
0x278: {  	_ = 	snop;
	(pc) =	sbr.rel @p0 .LBB2_1-.Ltmp2, $4  }
0x279: {  	[hbm4b:s6+s2] =	stream.linear.scatter [tilespmem:s30], [sflag:$0x2], $0x8000, $0x38;
	[tilespmem:$0x1BE00] =	vst v63  }
0x27a: {  	_ =	swait.ge [sflag:s8], $0x8000  }
0x27b: {  	[sflag:s8] =	ssyncset.done $0x0  }
0x27c: {  	[sflag:s8] =	ssyncadd.s32 $0xFFFF8000  }
0x27d: {  	_ =	sfence.sel $0x180000  }
0x27e: {  	[bflag:$0x0] =	sbarrier.arrive $0xFFFF  }
0x27f: {  	_ =	strace $0x90000047  }
0x280: {  	s0 =	stileid.u32;
	[bflag:$0x2] =	sbarrier.arrive $0xFFFF  }
0x281: {  	p0 =	sne.s32 s0, $0x0;
	s0 =	rddreg [dreg:$0x3]  }
0x282: {  	s0 =	sadd.s32 @!p0 $0x100000, s0  }
0x283: {  	[sflag:s0] =	ssyncadd.tile.s32 @!p0 $0x1;
	_ =	shalt  }
.Lfunc_end2:
_tile_overlayer_lowered:
.L_overlay_start_2:
0x284: {  	(tag) =	ssettag $0x2  }
0x285: {  	s0 =	rddreg [dreg:$0x0];
	s2 =	stileid.u32  }
0x286: {  	s1 =	rddreg [dreg:$0x1];
	p0 =	sne.s32 s2, $0x0  }
0x287: {  	s3 =	rddreg [dreg:$0x2];
	[bflag:$0x3] =	sbarrier.arrive $0xFFFF;
	s2 =	simm.s32 @!p0 $0x1C02  }
0x288: {  	[timem:s3], [sflag:s2] =	dma.local @!p0 [hbm:s0], s1  }
0x289: {  	s0 =	simm.s32 @!p0 $0x2  }
0x28a: {  	_ =	swait.ge @!p0 [sflag:s0], s1  }
0x28b: {  	s1 =	ssub.s32 @!p0 $0x0, s1;
	[sflag:s0] =	ssyncset.done @!p0 $0x0  }
0x28c: {  	[sflag:s0] =	ssyncadd.s32 @!p0 s1  }
0x28d: {  	[bflag:$0x3] =	sbarrier.arrive $0xFFFF  }
0x28e: {  	_ =	shalt  }

</sc_bundles>
